<compile_context>
chip_gen: v7x
topology: tpu7x:2x2x1
jax: 0.10.2.dev20260603
libtpu: 0.0.44.dev20260713+nightly
codegen_flags: <defaults>
</compile_context>

<pallas_src>
import jax
import jax.numpy as jnp
from jax import lax
from jax.experimental import pallas as pl
from jax.experimental.pallas import tpu as pltpu
from jax.experimental.pallas import tpu_sc as plsc

SEP = 3
T = 8192
DIM = 1024
NSEG = 64
NC = 2
NS = 16
L = 16
NW = NC * NS
TPW = T // NW
NV = TPW // L
CHUNK = 8
NCHUNK = TPW // CHUNK
NVD = DIM // L
NCU = 16
NBUF = 4


def _bc(x):
    return lax.broadcast_in_dim(jnp.asarray(x, jnp.int32), (L,), ())


def _body(tok_tab, seg_tab, tokens, cu, out,
          tok_v, seg_tab_v, shared_seg, cnt_v, pref_v, seg_v,
          cu_v, excl_v, bufs, gsems, osems, sem_tab):
    wid = lax.axis_index("s") * NC + lax.axis_index("c")
    base = wid * TPW

    @pl.when(lax.axis_index("s") == 0)
    def _():
        pltpu.sync_copy(seg_tab, shared_seg)

    plsc.subcore_barrier()
    tab_copy = pltpu.async_copy(shared_seg, seg_tab_v.at[pl.ds(0, NSEG)],
                                sem_tab)
    pltpu.sync_copy(tokens, tok_v)
    pltpu.sync_copy(cu, cu_v)
    ncu_real = cu.shape[0]

    def gather_desc(c, b):
        idx = tok_v.at[pl.ds(base + c * CHUNK, CHUNK)]
        return pltpu.make_async_copy(tok_tab.at[idx], bufs[b], gsems[b])

    def out_desc(c, b):
        return pltpu.make_async_copy(
            bufs[b], out.at[pl.ds(base + c * CHUNK, CHUNK)], osems[b])

    for c in range(NBUF - 1):
        gather_desc(c, c).start()

    lane = lax.iota(jnp.int32, L)
    m15 = lane == _bc(L - 1)
    sep_c = _bc(SEP)
    one_c = _bc(1)
    zero_c = _bc(0)

    def ph_a(bk, _):
        acc = zero_c
        for u in range(L):
            v = tok_v[pl.ds(bk * TPW + u * L, L)]
            cnt = plsc.all_reduce_population_count(v == sep_c)
            acc = jnp.where(lane == _bc(u), cnt, acc)
        cnt_v[pl.ds(bk * L, L)] = acc
        return 0

    lax.fori_loop(0, wid + 1, ph_a, 0)

    def ph_b(m, carry):
        cv = cnt_v[pl.ds(m * L, L)]
        inc = plsc.cumsum(cv) + _bc(carry)
        pref_v[pl.ds(m * L, L)] = inc - cv
        return jnp.max(inc)

    lax.fori_loop(0, wid + 1, ph_b, jnp.int32(0))

    last = _bc(ncu_real - 1)
    cuv = jnp.where(lane <= last,
                    plsc.load_gather(cu_v, [jnp.minimum(lane, last)]),
                    _bc(T))

    for k in range(NCU):
        s = cuv[k]
        sm1 = jnp.maximum(s - 1, 0)
        q = sm1 // L
        r = sm1 % L
        tv = plsc.load_gather(tok_v, [_bc(q * L) + lane])
        head = plsc.all_reduce_population_count(
            (tv == sep_c) & (lane <= _bc(r)))
        pref_q = plsc.load_gather(pref_v, [_bc(q)])
        excl_k = jnp.where(_bc(s) == zero_c, zero_c, pref_q + head)
        plsc.store_scatter(excl_v, [_bc(k)], excl_k, mask=m15)

    cu_s = [_bc(cuv[k]) for k in range(NCU)]

    def ph_c(i, _):
        j = wid * NV + i
        v = tok_v[pl.ds(j * L, L)]
        cs_g = (plsc.cumsum(jnp.where(v == sep_c, one_c, zero_c))
                + plsc.load_gather(pref_v, [_bc(j)]))
        t = lane + _bc(base + i * L)
        rid = zero_c
        for k in range(NCU):
            rid = rid + jnp.where(t >= cu_s[k], one_c, zero_c)
        rid = rid - one_c
        seg = cs_g - plsc.load_gather(excl_v, [rid])
        seg_v[pl.ds(i * L, L)] = jnp.minimum(seg, _bc(NSEG))
        return 0

    lax.fori_loop(0, NV, ph_c, 0)

    nan_c = lax.broadcast_in_dim(jnp.float32(jnp.nan), (L,), ())

    def ph_nan(v, _):
        seg_tab_v[NSEG, pl.ds(v * L, L)] = nan_c
        return 0

    lax.fori_loop(0, NVD, ph_nan, 0)
    tab_copy.wait()

    def group_body(g, _):
        rows_per_group = NBUF * CHUNK
        sgv = [seg_v[pl.ds(g * rows_per_group + h * L, L)]
               for h in range(rows_per_group // L)]
        sg_scalars = [sgv[rr // L][rr % L] for rr in range(rows_per_group)]
        for b in range(NBUF):
            c = g * NBUF + b
            gather_desc(c, b).wait()
            buf = bufs[b]

            for r in range(CHUNK):
                rr = b * CHUNK + r
                sg_r = sg_scalars[rr]

                @plsc.parallel_loop(0, DIM, step=L, unroll=8)
                def _(col, r=r, sg_r=sg_r):
                    plsc.addupdate(buf.at[r, pl.ds(col, L)],
                                   seg_tab_v[sg_r, pl.ds(col, L)])
            out_desc(c, b).start()

            @pl.when(c + NBUF - 1 < NCHUNK)
            def _(c=c, b=b):
                @pl.when(c >= 1)
                def _():
                    out_desc(c - 1, (b + NBUF - 1) % NBUF).wait()
                gather_desc(c + NBUF - 1, (b + NBUF - 1) % NBUF).start()
        return 0

    lax.fori_loop(0, NCHUNK // NBUF, group_body, 0)
    for c in range(NCHUNK - NBUF, NCHUNK):
        out_desc(c, c % NBUF).wait()


@jax.jit
def kernel(tokens, cu_seqlens, tok_table, seg_table):
    mesh = plsc.VectorSubcoreMesh(core_axis_name="c", subcore_axis_name="s",
                                  num_cores=NC, num_subcores=NS)
    run = pl.kernel(
        _body,
        out_type=jax.ShapeDtypeStruct((T, DIM), jnp.float32),
        mesh=mesh,
        compiler_params=pltpu.CompilerParams(needs_layout_passes=False),
        scratch_types=[
            pltpu.VMEM((T,), jnp.int32),
            pltpu.VMEM((NSEG + 1, DIM), jnp.float32),
            pltpu.VMEM_SHARED((NSEG, DIM), jnp.float32),
            pltpu.VMEM((T // L,), jnp.int32),
            pltpu.VMEM((T // L,), jnp.int32),
            pltpu.VMEM((TPW,), jnp.int32),
            pltpu.VMEM((cu_seqlens.shape[0],), jnp.int32),
            pltpu.VMEM((NCU,), jnp.int32),
            [pltpu.VMEM((CHUNK, DIM), jnp.float32) for _ in range(NBUF)],
            [pltpu.SemaphoreType.DMA for _ in range(NBUF)],
            [pltpu.SemaphoreType.DMA for _ in range(NBUF)],
            pltpu.SemaphoreType.DMA,
        ],
    )
    return run(tok_table, seg_table, tokens, cu_seqlens)

# --- scband reference (transcript-rebuilt; emitter-appended) ---
"""Pipeline reference for scband-token-segment-embedding-55834574848294 (READ-ONLY COPY).

The authoritative reference and input builder live on the scoring server;
editing this copy changes nothing except your own understanding.
"""

import jax, jax.numpy as jnp
import numpy as np

SEP_I = 3  # Vocab.special2index('<sep>') modeled as a fixed special-token id

T = 8192
B = 8
DIM = 1024
NUM_TOKS = 50000
NUM_SEGS = 64


def setup_inputs(seed: int = 0) -> dict:
    key = jax.random.key(seed)
    k1, k2, k3, k4 = jax.random.split(key, 4)
    # flat ragged token stream (concatenation of B variable-length sequences)
    tokens = jax.random.randint(k1, (T,), 0, NUM_TOKS, dtype=jnp.int32)
    # cumulative sequence boundaries: [0, b1, ..., b_{B-1}, T], sorted
    inner = jnp.sort(jax.random.randint(k2, (B - 1,), 0, T + 1, dtype=jnp.int32))
    cu_seqlens = jnp.concatenate([jnp.zeros((1,), jnp.int32), inner, jnp.full((1,), T, jnp.int32)])
    # learned parameters (nn.Embedding weights)
    tok_table = jax.random.normal(k3, (NUM_TOKS, DIM), dtype=jnp.float32) * 0.02
    seg_table = jax.random.normal(k4, (NUM_SEGS, DIM), dtype=jnp.float32) * 0.02
    return {"tokens": tokens, "cu_seqlens": cu_seqlens, "tok_table": tok_table, "seg_table": seg_table}


def reference(tokens, cu_seqlens, tok_table, seg_table):
    # Faithful ragged translation of TokenSegmentEmbedding.forward:
    # for each sequence, seg_id = inclusive cumsum(token == SEP_I) within the sequence;
    # output = tok_emb(token) + seg_emb(seg_id), kept as a flat packed token stream.
    is_sep = (tokens == SEP_I).astype(jnp.int32)
    cs = jnp.cumsum(is_sep)                 # global inclusive cumsum of sep indicators
    excl = cs - is_sep                      # global exclusive cumsum
    t_idx = jnp.arange(tokens.shape[0], dtype=jnp.int32)
    # sequence id of each token: cu_seqlens[i] <= t < cu_seqlens[i+1]
    row_id = jnp.searchsorted(cu_seqlens, t_idx, side='right') - 1
    starts = cu_seqlens[row_id]
    # per-sequence inclusive cumsum = global inclusive cumsum - #seps strictly before seq start
    seg = cs - excl[starts]
    out = jnp.take(tok_table, tokens, axis=0) + jnp.take(seg_table, seg, axis=0)
    return out

if __name__ == "__main__":
    import jax
    _d = setup_inputs()
    print(jax.jit(kernel)(*tuple(_d.values())))

</pallas_src>

<mosaic_0001>
#map = affine_map<(d0, d1) -> (0, 0)>
#map1 = affine_map<(d0, d1) -> (0)>
module attributes {stable_mosaic.version = 14 : i64} {
  func.func @_body(%arg0: i32, %arg1: i32, %arg2: memref<50000x1024xf32, #tpu.memory_space<hbm>>, %arg3: memref<64x1024xf32, #tpu.memory_space<hbm>>, %arg4: memref<8192xi32, #tpu.memory_space<hbm>>, %arg5: memref<9xi32, #tpu.memory_space<hbm>>, %arg6: memref<8192x1024xf32, #tpu.memory_space<hbm>>, %arg7: memref<8192xi32, #tpu.memory_space<vmem>>, %arg8: memref<65x1024xf32, #tpu.memory_space<vmem>>, %arg9: memref<64x1024xf32, #tpu.memory_space<vmem_shared>>, %arg10: memref<512xi32, #tpu.memory_space<vmem>>, %arg11: memref<512xi32, #tpu.memory_space<vmem>>, %arg12: memref<256xi32, #tpu.memory_space<vmem>>, %arg13: memref<9xi32, #tpu.memory_space<vmem>>, %arg14: memref<16xi32, #tpu.memory_space<vmem>>, %arg15: memref<8x1024xf32, #tpu.memory_space<vmem>>, %arg16: memref<8x1024xf32, #tpu.memory_space<vmem>>, %arg17: memref<8x1024xf32, #tpu.memory_space<vmem>>, %arg18: memref<8x1024xf32, #tpu.memory_space<vmem>>, %arg19: memref<!tpu.dma_semaphore, #tpu.memory_space<semaphore_mem>>, %arg20: memref<!tpu.dma_semaphore, #tpu.memory_space<semaphore_mem>>, %arg21: memref<!tpu.dma_semaphore, #tpu.memory_space<semaphore_mem>>, %arg22: memref<!tpu.dma_semaphore, #tpu.memory_space<semaphore_mem>>, %arg23: memref<!tpu.dma_semaphore, #tpu.memory_space<semaphore_mem>>, %arg24: memref<!tpu.dma_semaphore, #tpu.memory_space<semaphore_mem>>, %arg25: memref<!tpu.dma_semaphore, #tpu.memory_space<semaphore_mem>>, %arg26: memref<!tpu.dma_semaphore, #tpu.memory_space<semaphore_mem>>, %arg27: memref<!tpu.dma_semaphore, #tpu.memory_space<semaphore_mem>>) attributes {dimension_semantics = [#tpu.dimension_semantics<core_parallel>, #tpu.dimension_semantics<subcore_parallel>], iteration_bounds = array<i64: 2, 16>, scalar_prefetch = 0 : i64, scratch_operands = 21 : i64, tpu.core_type = #tpu.core_type<sc_vector_subcore>, window_params = [{transform_indices = #map}, {transform_indices = #map}, {transform_indices = #map1}, {transform_indices = #map1}, {transform_indices = #map}]} {
    %mul3A = arith.constant 2 : i32
    %mul3A_0 = arith.muli %arg1, %mul3A : i32
    %add3A = arith.addi %mul3A_0, %arg0 : i32
    %mul3A_1 = arith.constant 256 : i32
    %mul3A_2 = arith.muli %add3A, %mul3A_1 : i32
    %eq3A = arith.constant 0 : i32
    %eq3A_3 = arith.cmpi eq, %arg1, %eq3A : i32
    %convert_element_type3A = arith.extui %eq3A_3 : i1 to i32
    %cond3A = arith.constant 0 : i32
    %cond3A_4 = arith.cmpi ne, %convert_element_type3A, %cond3A : i32
    scf.if %cond3A_4 {
      "tpu.region"() ({
        %run_scoped3A = tpu.sem_alloc : memref<!tpu.dma_semaphore, #tpu.memory_space<semaphore_mem>>
        tpu.enqueue_dma source(%arg3 : memref<64x1024xf32, #tpu.memory_space<hbm>>) target(%arg9 : memref<64x1024xf32, #tpu.memory_space<vmem_shared>>) target_semaphore(%run_scoped3A : memref<!tpu.dma_semaphore, #tpu.memory_space<semaphore_mem>>)
        tpu.wait_dma2 semaphore(%run_scoped3A : memref<!tpu.dma_semaphore, #tpu.memory_space<semaphore_mem>>) src(%arg3 : memref<64x1024xf32, #tpu.memory_space<hbm>>) dst(%arg9 : memref<64x1024xf32, #tpu.memory_space<vmem_shared>>)
        tpu.yield
      }) : () -> ()
    } else {
    }
    %barrier3A = arith.constant 0 : index
    tpu.barrier barrier_id(%barrier3A)
    %dma_start3A = arith.constant 0 : i32
    %dma_start3A_5 = arith.constant 0 : i32
    %dma_start3A_6 = tpu.memref_slice %arg8[%dma_start3A, %dma_start3A_5] : memref<65x1024xf32, #tpu.memory_space<vmem>> -> memref<64x1024xf32, #tpu.memory_space<vmem>>
    %dma_start3A_7 = arith.constant 0 : i32
    %dma_start3A_8 = arith.constant 0 : i32
    %dma_start3A_9 = tpu.memref_slice %arg8[%dma_start3A_7, %dma_start3A_8] : memref<65x1024xf32, #tpu.memory_space<vmem>> -> memref<64x1024xf32, #tpu.memory_space<vmem>>
    tpu.enqueue_dma source(%arg9 : memref<64x1024xf32, #tpu.memory_space<vmem_shared>>) target(%dma_start3A_9 : memref<64x1024xf32, #tpu.memory_space<vmem>>) target_semaphore(%arg27 : memref<!tpu.dma_semaphore, #tpu.memory_space<semaphore_mem>>)
    "tpu.region"() ({
      %run_scoped3A = tpu.sem_alloc : memref<!tpu.dma_semaphore, #tpu.memory_space<semaphore_mem>>
      tpu.enqueue_dma source(%arg4 : memref<8192xi32, #tpu.memory_space<hbm>>) target(%arg7 : memref<8192xi32, #tpu.memory_space<vmem>>) target_semaphore(%run_scoped3A : memref<!tpu.dma_semaphore, #tpu.memory_space<semaphore_mem>>)
      tpu.wait_dma2 semaphore(%run_scoped3A : memref<!tpu.dma_semaphore, #tpu.memory_space<semaphore_mem>>) src(%arg4 : memref<8192xi32, #tpu.memory_space<hbm>>) dst(%arg7 : memref<8192xi32, #tpu.memory_space<vmem>>)
      tpu.yield
    }) : () -> ()
    "tpu.region"() ({
      %run_scoped3A = tpu.sem_alloc : memref<!tpu.dma_semaphore, #tpu.memory_space<semaphore_mem>>
      tpu.enqueue_dma source(%arg5 : memref<9xi32, #tpu.memory_space<hbm>>) target(%arg13 : memref<9xi32, #tpu.memory_space<vmem>>) target_semaphore(%run_scoped3A : memref<!tpu.dma_semaphore, #tpu.memory_space<semaphore_mem>>)
      tpu.wait_dma2 semaphore(%run_scoped3A : memref<!tpu.dma_semaphore, #tpu.memory_space<semaphore_mem>>) src(%arg5 : memref<9xi32, #tpu.memory_space<hbm>>) dst(%arg13 : memref<9xi32, #tpu.memory_space<vmem>>)
      tpu.yield
    }) : () -> ()
    %add3A_10 = arith.constant 0 : i32
    %add3A_11 = arith.addi %mul3A_2, %add3A_10 : i32
    %dma_start3A_12 = tpu.memref_slice %arg7[%add3A_11] : memref<8192xi32, #tpu.memory_space<vmem>> -> memref<8xi32, #tpu.memory_space<vmem>>
    %dma_start3A_13 = arith.constant 0 : i32
    %dma_start3A_14 = arith.constant 0 : i32
    %dma_start3A_15 = tpu.memref_slice %arg2[%dma_start3A_13, %dma_start3A_14] : memref<50000x1024xf32, #tpu.memory_space<hbm>> -> memref<50000x1024xf32, #tpu.memory_space<hbm>>
    tpu.enqueue_indirect_dma source(%dma_start3A_15 : memref<50000x1024xf32, #tpu.memory_space<hbm>>) target(%arg15 : memref<8x1024xf32, #tpu.memory_space<vmem>>) offsets(%dma_start3A_12 : memref<8xi32, #tpu.memory_space<vmem>>) semaphore(%arg19 : memref<!tpu.dma_semaphore, #tpu.memory_space<semaphore_mem>>)
    %add3A_16 = arith.constant 8 : i32
    %add3A_17 = arith.addi %mul3A_2, %add3A_16 : i32
    %dma_start3A_18 = tpu.memref_slice %arg7[%add3A_17] : memref<8192xi32, #tpu.memory_space<vmem>> -> memref<8xi32, #tpu.memory_space<vmem>>
    %dma_start3A_19 = arith.constant 0 : i32
    %dma_start3A_20 = arith.constant 0 : i32
    %dma_start3A_21 = tpu.memref_slice %arg2[%dma_start3A_19, %dma_start3A_20] : memref<50000x1024xf32, #tpu.memory_space<hbm>> -> memref<50000x1024xf32, #tpu.memory_space<hbm>>
    tpu.enqueue_indirect_dma source(%dma_start3A_21 : memref<50000x1024xf32, #tpu.memory_space<hbm>>) target(%arg16 : memref<8x1024xf32, #tpu.memory_space<vmem>>) offsets(%dma_start3A_18 : memref<8xi32, #tpu.memory_space<vmem>>) semaphore(%arg20 : memref<!tpu.dma_semaphore, #tpu.memory_space<semaphore_mem>>)
    %add3A_22 = arith.constant 16 : i32
    %add3A_23 = arith.addi %mul3A_2, %add3A_22 : i32
    %dma_start3A_24 = tpu.memref_slice %arg7[%add3A_23] : memref<8192xi32, #tpu.memory_space<vmem>> -> memref<8xi32, #tpu.memory_space<vmem>>
    %dma_start3A_25 = arith.constant 0 : i32
    %dma_start3A_26 = arith.constant 0 : i32
    %dma_start3A_27 = tpu.memref_slice %arg2[%dma_start3A_25, %dma_start3A_26] : memref<50000x1024xf32, #tpu.memory_space<hbm>> -> memref<50000x1024xf32, #tpu.memory_space<hbm>>
    tpu.enqueue_indirect_dma source(%dma_start3A_27 : memref<50000x1024xf32, #tpu.memory_space<hbm>>) target(%arg17 : memref<8x1024xf32, #tpu.memory_space<vmem>>) offsets(%dma_start3A_24 : memref<8xi32, #tpu.memory_space<vmem>>) semaphore(%arg21 : memref<!tpu.dma_semaphore, #tpu.memory_space<semaphore_mem>>)
    %iota3A = tpu.iota {dimensions = array<i32: 0>} : vector<16xi32>
    %broadcast_in_dim3A = arith.constant 15 : i32
    %broadcast_in_dim3A_28 = vector.broadcast %broadcast_in_dim3A : i32 to vector<16xi32>
    %eq3A_29 = arith.cmpi eq, %iota3A, %broadcast_in_dim3A_28 : vector<16xi32>
    %broadcast_in_dim3A_30 = arith.constant 3 : i32
    %broadcast_in_dim3A_31 = vector.broadcast %broadcast_in_dim3A_30 : i32 to vector<16xi32>
    %broadcast_in_dim3A_32 = arith.constant 1 : i32
    %broadcast_in_dim3A_33 = vector.broadcast %broadcast_in_dim3A_32 : i32 to vector<16xi32>
    %broadcast_in_dim3A_34 = arith.constant 0 : i32
    %broadcast_in_dim3A_35 = vector.broadcast %broadcast_in_dim3A_34 : i32 to vector<16xi32>
    %add3A_36 = arith.constant 1 : i32
    %add3A_37 = arith.addi %add3A, %add3A_36 : i32
    %while3A = arith.constant 0 : i32
    %while3A_38 = arith.constant 0 : i32
    %while3A_39 = arith.subi %add3A_37, %while3A : i32
    %while3A_40 = arith.addi %while3A, %while3A_39 : i32
    %while3A_41 = arith.constant 1 : i32
    %while3A_42 = arith.divsi %while3A_39, %while3A_41 : i32
    %while3A_43 = arith.muli %while3A_42, %while3A_41 : i32
    %while3A_44 = arith.addi %while3A, %while3A_43 : i32
    %while3A_45 = arith.constant 1 : i32
    %while3A_46 = scf.for %while3A_1178 = %while3A to %while3A_44 step %while3A_45 iter_args(%while3A_1179 = %while3A_38) -> (i32)  : i32 {
      %mul3A_1180 = arith.constant 256 : i32
      %mul3A_1181 = arith.muli %while3A_1178, %mul3A_1180 : i32
      %add3A_1182 = arith.constant 0 : i32
      %add3A_1183 = arith.addi %mul3A_1181, %add3A_1182 : i32
      %get3A = arith.index_cast %add3A_1183 : i32 to index
      %get3A_1184 = tpu.vector_load %arg7[%get3A] {strides = array<i32>} : memref<8192xi32, #tpu.memory_space<vmem>>, vector<16xi32>,
      %eq3A_1185 = arith.cmpi eq, %get3A_1184, %broadcast_in_dim3A_31 : vector<16xi32>
      %all_reduce_population_count3A_1186 = tpu.all_reduce %eq3A_1185 {dim = 0 : i64, kind = #tpu.reduction_kind<sum>} : vector<16xi1> -> vector<16xi32>
      %broadcast_in_dim3A_1187 = arith.constant 0 : i32
      %broadcast_in_dim3A_1188 = vector.broadcast %broadcast_in_dim3A_1187 : i32 to vector<16xi32>
      %eq3A_1189 = arith.cmpi eq, %iota3A, %broadcast_in_dim3A_1188 : vector<16xi32>
      %select_n3A_1190 = arith.select %eq3A_1189, %all_reduce_population_count3A_1186, %broadcast_in_dim3A_35 : vector<16xi1>, vector<16xi32>
      %mul3A_1191 = arith.constant 256 : i32
      %mul3A_1192 = arith.muli %while3A_1178, %mul3A_1191 : i32
      %add3A_1193 = arith.constant 16 : i32
      %add3A_1194 = arith.addi %mul3A_1192, %add3A_1193 : i32
      %get3A_1195 = arith.index_cast %add3A_1194 : i32 to index
      %get3A_1196 = tpu.vector_load %arg7[%get3A_1195] {strides = array<i32>} : memref<8192xi32, #tpu.memory_space<vmem>>, vector<16xi32>,
      %eq3A_1197 = arith.cmpi eq, %get3A_1196, %broadcast_in_dim3A_31 : vector<16xi32>
      %all_reduce_population_count3A_1198 = tpu.all_reduce %eq3A_1197 {dim = 0 : i64, kind = #tpu.reduction_kind<sum>} : vector<16xi1> -> vector<16xi32>
      %broadcast_in_dim3A_1199 = arith.constant 1 : i32
      %broadcast_in_dim3A_1200 = vector.broadcast %broadcast_in_dim3A_1199 : i32 to vector<16xi32>
      %eq3A_1201 = arith.cmpi eq, %iota3A, %broadcast_in_dim3A_1200 : vector<16xi32>
      %select_n3A_1202 = arith.select %eq3A_1201, %all_reduce_population_count3A_1198, %select_n3A_1190 : vector<16xi1>, vector<16xi32>
      %mul3A_1203 = arith.constant 256 : i32
      %mul3A_1204 = arith.muli %while3A_1178, %mul3A_1203 : i32
      %add3A_1205 = arith.constant 32 : i32
      %add3A_1206 = arith.addi %mul3A_1204, %add3A_1205 : i32
      %get3A_1207 = arith.index_cast %add3A_1206 : i32 to index
      %get3A_1208 = tpu.vector_load %arg7[%get3A_1207] {strides = array<i32>} : memref<8192xi32, #tpu.memory_space<vmem>>, vector<16xi32>,
      %eq3A_1209 = arith.cmpi eq, %get3A_1208, %broadcast_in_dim3A_31 : vector<16xi32>
      %all_reduce_population_count3A_1210 = tpu.all_reduce %eq3A_1209 {dim = 0 : i64, kind = #tpu.reduction_kind<sum>} : vector<16xi1> -> vector<16xi32>
      %broadcast_in_dim3A_1211 = arith.constant 2 : i32
      %broadcast_in_dim3A_1212 = vector.broadcast %broadcast_in_dim3A_1211 : i32 to vector<16xi32>
      %eq3A_1213 = arith.cmpi eq, %iota3A, %broadcast_in_dim3A_1212 : vector<16xi32>
      %select_n3A_1214 = arith.select %eq3A_1213, %all_reduce_population_count3A_1210, %select_n3A_1202 : vector<16xi1>, vector<16xi32>
      %mul3A_1215 = arith.constant 256 : i32
      %mul3A_1216 = arith.muli %while3A_1178, %mul3A_1215 : i32
      %add3A_1217 = arith.constant 48 : i32
      %add3A_1218 = arith.addi %mul3A_1216, %add3A_1217 : i32
      %get3A_1219 = arith.index_cast %add3A_1218 : i32 to index
      %get3A_1220 = tpu.vector_load %arg7[%get3A_1219] {strides = array<i32>} : memref<8192xi32, #tpu.memory_space<vmem>>, vector<16xi32>,
      %eq3A_1221 = arith.cmpi eq, %get3A_1220, %broadcast_in_dim3A_31 : vector<16xi32>
      %all_reduce_population_count3A_1222 = tpu.all_reduce %eq3A_1221 {dim = 0 : i64, kind = #tpu.reduction_kind<sum>} : vector<16xi1> -> vector<16xi32>
      %broadcast_in_dim3A_1223 = arith.constant 3 : i32
      %broadcast_in_dim3A_1224 = vector.broadcast %broadcast_in_dim3A_1223 : i32 to vector<16xi32>
      %eq3A_1225 = arith.cmpi eq, %iota3A, %broadcast_in_dim3A_1224 : vector<16xi32>
      %select_n3A_1226 = arith.select %eq3A_1225, %all_reduce_population_count3A_1222, %select_n3A_1214 : vector<16xi1>, vector<16xi32>
      %mul3A_1227 = arith.constant 256 : i32
      %mul3A_1228 = arith.muli %while3A_1178, %mul3A_1227 : i32
      %add3A_1229 = arith.constant 64 : i32
      %add3A_1230 = arith.addi %mul3A_1228, %add3A_1229 : i32
      %get3A_1231 = arith.index_cast %add3A_1230 : i32 to index
      %get3A_1232 = tpu.vector_load %arg7[%get3A_1231] {strides = array<i32>} : memref<8192xi32, #tpu.memory_space<vmem>>, vector<16xi32>,
      %eq3A_1233 = arith.cmpi eq, %get3A_1232, %broadcast_in_dim3A_31 : vector<16xi32>
      %all_reduce_population_count3A_1234 = tpu.all_reduce %eq3A_1233 {dim = 0 : i64, kind = #tpu.reduction_kind<sum>} : vector<16xi1> -> vector<16xi32>
      %broadcast_in_dim3A_1235 = arith.constant 4 : i32
      %broadcast_in_dim3A_1236 = vector.broadcast %broadcast_in_dim3A_1235 : i32 to vector<16xi32>
      %eq3A_1237 = arith.cmpi eq, %iota3A, %broadcast_in_dim3A_1236 : vector<16xi32>
      %select_n3A_1238 = arith.select %eq3A_1237, %all_reduce_population_count3A_1234, %select_n3A_1226 : vector<16xi1>, vector<16xi32>
      %mul3A_1239 = arith.constant 256 : i32
      %mul3A_1240 = arith.muli %while3A_1178, %mul3A_1239 : i32
      %add3A_1241 = arith.constant 80 : i32
      %add3A_1242 = arith.addi %mul3A_1240, %add3A_1241 : i32
      %get3A_1243 = arith.index_cast %add3A_1242 : i32 to index
      %get3A_1244 = tpu.vector_load %arg7[%get3A_1243] {strides = array<i32>} : memref<8192xi32, #tpu.memory_space<vmem>>, vector<16xi32>,
      %eq3A_1245 = arith.cmpi eq, %get3A_1244, %broadcast_in_dim3A_31 : vector<16xi32>
      %all_reduce_population_count3A_1246 = tpu.all_reduce %eq3A_1245 {dim = 0 : i64, kind = #tpu.reduction_kind<sum>} : vector<16xi1> -> vector<16xi32>
      %broadcast_in_dim3A_1247 = arith.constant 5 : i32
      %broadcast_in_dim3A_1248 = vector.broadcast %broadcast_in_dim3A_1247 : i32 to vector<16xi32>
      %eq3A_1249 = arith.cmpi eq, %iota3A, %broadcast_in_dim3A_1248 : vector<16xi32>
      %select_n3A_1250 = arith.select %eq3A_1249, %all_reduce_population_count3A_1246, %select_n3A_1238 : vector<16xi1>, vector<16xi32>
      %mul3A_1251 = arith.constant 256 : i32
      %mul3A_1252 = arith.muli %while3A_1178, %mul3A_1251 : i32
      %add3A_1253 = arith.constant 96 : i32
      %add3A_1254 = arith.addi %mul3A_1252, %add3A_1253 : i32
      %get3A_1255 = arith.index_cast %add3A_1254 : i32 to index
      %get3A_1256 = tpu.vector_load %arg7[%get3A_1255] {strides = array<i32>} : memref<8192xi32, #tpu.memory_space<vmem>>, vector<16xi32>,
      %eq3A_1257 = arith.cmpi eq, %get3A_1256, %broadcast_in_dim3A_31 : vector<16xi32>
      %all_reduce_population_count3A_1258 = tpu.all_reduce %eq3A_1257 {dim = 0 : i64, kind = #tpu.reduction_kind<sum>} : vector<16xi1> -> vector<16xi32>
      %broadcast_in_dim3A_1259 = arith.constant 6 : i32
      %broadcast_in_dim3A_1260 = vector.broadcast %broadcast_in_dim3A_1259 : i32 to vector<16xi32>
      %eq3A_1261 = arith.cmpi eq, %iota3A, %broadcast_in_dim3A_1260 : vector<16xi32>
      %select_n3A_1262 = arith.select %eq3A_1261, %all_reduce_population_count3A_1258, %select_n3A_1250 : vector<16xi1>, vector<16xi32>
      %mul3A_1263 = arith.constant 256 : i32
      %mul3A_1264 = arith.muli %while3A_1178, %mul3A_1263 : i32
      %add3A_1265 = arith.constant 112 : i32
      %add3A_1266 = arith.addi %mul3A_1264, %add3A_1265 : i32
      %get3A_1267 = arith.index_cast %add3A_1266 : i32 to index
      %get3A_1268 = tpu.vector_load %arg7[%get3A_1267] {strides = array<i32>} : memref<8192xi32, #tpu.memory_space<vmem>>, vector<16xi32>,
      %eq3A_1269 = arith.cmpi eq, %get3A_1268, %broadcast_in_dim3A_31 : vector<16xi32>
      %all_reduce_population_count3A_1270 = tpu.all_reduce %eq3A_1269 {dim = 0 : i64, kind = #tpu.reduction_kind<sum>} : vector<16xi1> -> vector<16xi32>
      %broadcast_in_dim3A_1271 = arith.constant 7 : i32
      %broadcast_in_dim3A_1272 = vector.broadcast %broadcast_in_dim3A_1271 : i32 to vector<16xi32>
      %eq3A_1273 = arith.cmpi eq, %iota3A, %broadcast_in_dim3A_1272 : vector<16xi32>
      %select_n3A_1274 = arith.select %eq3A_1273, %all_reduce_population_count3A_1270, %select_n3A_1262 : vector<16xi1>, vector<16xi32>
      %mul3A_1275 = arith.constant 256 : i32
      %mul3A_1276 = arith.muli %while3A_1178, %mul3A_1275 : i32
      %add3A_1277 = arith.constant 128 : i32
      %add3A_1278 = arith.addi %mul3A_1276, %add3A_1277 : i32
      %get3A_1279 = arith.index_cast %add3A_1278 : i32 to index
      %get3A_1280 = tpu.vector_load %arg7[%get3A_1279] {strides = array<i32>} : memref<8192xi32, #tpu.memory_space<vmem>>, vector<16xi32>,
      %eq3A_1281 = arith.cmpi eq, %get3A_1280, %broadcast_in_dim3A_31 : vector<16xi32>
      %all_reduce_population_count3A_1282 = tpu.all_reduce %eq3A_1281 {dim = 0 : i64, kind = #tpu.reduction_kind<sum>} : vector<16xi1> -> vector<16xi32>
      %broadcast_in_dim3A_1283 = arith.constant 8 : i32
      %broadcast_in_dim3A_1284 = vector.broadcast %broadcast_in_dim3A_1283 : i32 to vector<16xi32>
      %eq3A_1285 = arith.cmpi eq, %iota3A, %broadcast_in_dim3A_1284 : vector<16xi32>
      %select_n3A_1286 = arith.select %eq3A_1285, %all_reduce_population_count3A_1282, %select_n3A_1274 : vector<16xi1>, vector<16xi32>
      %mul3A_1287 = arith.constant 256 : i32
      %mul3A_1288 = arith.muli %while3A_1178, %mul3A_1287 : i32
      %add3A_1289 = arith.constant 144 : i32
      %add3A_1290 = arith.addi %mul3A_1288, %add3A_1289 : i32
      %get3A_1291 = arith.index_cast %add3A_1290 : i32 to index
      %get3A_1292 = tpu.vector_load %arg7[%get3A_1291] {strides = array<i32>} : memref<8192xi32, #tpu.memory_space<vmem>>, vector<16xi32>,
      %eq3A_1293 = arith.cmpi eq, %get3A_1292, %broadcast_in_dim3A_31 : vector<16xi32>
      %all_reduce_population_count3A_1294 = tpu.all_reduce %eq3A_1293 {dim = 0 : i64, kind = #tpu.reduction_kind<sum>} : vector<16xi1> -> vector<16xi32>
      %broadcast_in_dim3A_1295 = arith.constant 9 : i32
      %broadcast_in_dim3A_1296 = vector.broadcast %broadcast_in_dim3A_1295 : i32 to vector<16xi32>
      %eq3A_1297 = arith.cmpi eq, %iota3A, %broadcast_in_dim3A_1296 : vector<16xi32>
      %select_n3A_1298 = arith.select %eq3A_1297, %all_reduce_population_count3A_1294, %select_n3A_1286 : vector<16xi1>, vector<16xi32>
      %mul3A_1299 = arith.constant 256 : i32
      %mul3A_1300 = arith.muli %while3A_1178, %mul3A_1299 : i32
      %add3A_1301 = arith.constant 160 : i32
      %add3A_1302 = arith.addi %mul3A_1300, %add3A_1301 : i32
      %get3A_1303 = arith.index_cast %add3A_1302 : i32 to index
      %get3A_1304 = tpu.vector_load %arg7[%get3A_1303] {strides = array<i32>} : memref<8192xi32, #tpu.memory_space<vmem>>, vector<16xi32>,
      %eq3A_1305 = arith.cmpi eq, %get3A_1304, %broadcast_in_dim3A_31 : vector<16xi32>
      %all_reduce_population_count3A_1306 = tpu.all_reduce %eq3A_1305 {dim = 0 : i64, kind = #tpu.reduction_kind<sum>} : vector<16xi1> -> vector<16xi32>
      %broadcast_in_dim3A_1307 = arith.constant 10 : i32
      %broadcast_in_dim3A_1308 = vector.broadcast %broadcast_in_dim3A_1307 : i32 to vector<16xi32>
      %eq3A_1309 = arith.cmpi eq, %iota3A, %broadcast_in_dim3A_1308 : vector<16xi32>
      %select_n3A_1310 = arith.select %eq3A_1309, %all_reduce_population_count3A_1306, %select_n3A_1298 : vector<16xi1>, vector<16xi32>
      %mul3A_1311 = arith.constant 256 : i32
      %mul3A_1312 = arith.muli %while3A_1178, %mul3A_1311 : i32
      %add3A_1313 = arith.constant 176 : i32
      %add3A_1314 = arith.addi %mul3A_1312, %add3A_1313 : i32
      %get3A_1315 = arith.index_cast %add3A_1314 : i32 to index
      %get3A_1316 = tpu.vector_load %arg7[%get3A_1315] {strides = array<i32>} : memref<8192xi32, #tpu.memory_space<vmem>>, vector<16xi32>,
      %eq3A_1317 = arith.cmpi eq, %get3A_1316, %broadcast_in_dim3A_31 : vector<16xi32>
      %all_reduce_population_count3A_1318 = tpu.all_reduce %eq3A_1317 {dim = 0 : i64, kind = #tpu.reduction_kind<sum>} : vector<16xi1> -> vector<16xi32>
      %broadcast_in_dim3A_1319 = arith.constant 11 : i32
      %broadcast_in_dim3A_1320 = vector.broadcast %broadcast_in_dim3A_1319 : i32 to vector<16xi32>
      %eq3A_1321 = arith.cmpi eq, %iota3A, %broadcast_in_dim3A_1320 : vector<16xi32>
      %select_n3A_1322 = arith.select %eq3A_1321, %all_reduce_population_count3A_1318, %select_n3A_1310 : vector<16xi1>, vector<16xi32>
      %mul3A_1323 = arith.constant 256 : i32
      %mul3A_1324 = arith.muli %while3A_1178, %mul3A_1323 : i32
      %add3A_1325 = arith.constant 192 : i32
      %add3A_1326 = arith.addi %mul3A_1324, %add3A_1325 : i32
      %get3A_1327 = arith.index_cast %add3A_1326 : i32 to index
      %get3A_1328 = tpu.vector_load %arg7[%get3A_1327] {strides = array<i32>} : memref<8192xi32, #tpu.memory_space<vmem>>, vector<16xi32>,
      %eq3A_1329 = arith.cmpi eq, %get3A_1328, %broadcast_in_dim3A_31 : vector<16xi32>
      %all_reduce_population_count3A_1330 = tpu.all_reduce %eq3A_1329 {dim = 0 : i64, kind = #tpu.reduction_kind<sum>} : vector<16xi1> -> vector<16xi32>
      %broadcast_in_dim3A_1331 = arith.constant 12 : i32
      %broadcast_in_dim3A_1332 = vector.broadcast %broadcast_in_dim3A_1331 : i32 to vector<16xi32>
      %eq3A_1333 = arith.cmpi eq, %iota3A, %broadcast_in_dim3A_1332 : vector<16xi32>
      %select_n3A_1334 = arith.select %eq3A_1333, %all_reduce_population_count3A_1330, %select_n3A_1322 : vector<16xi1>, vector<16xi32>
      %mul3A_1335 = arith.constant 256 : i32
      %mul3A_1336 = arith.muli %while3A_1178, %mul3A_1335 : i32
      %add3A_1337 = arith.constant 208 : i32
      %add3A_1338 = arith.addi %mul3A_1336, %add3A_1337 : i32
      %get3A_1339 = arith.index_cast %add3A_1338 : i32 to index
      %get3A_1340 = tpu.vector_load %arg7[%get3A_1339] {strides = array<i32>} : memref<8192xi32, #tpu.memory_space<vmem>>, vector<16xi32>,
      %eq3A_1341 = arith.cmpi eq, %get3A_1340, %broadcast_in_dim3A_31 : vector<16xi32>
      %all_reduce_population_count3A_1342 = tpu.all_reduce %eq3A_1341 {dim = 0 : i64, kind = #tpu.reduction_kind<sum>} : vector<16xi1> -> vector<16xi32>
      %broadcast_in_dim3A_1343 = arith.constant 13 : i32
      %broadcast_in_dim3A_1344 = vector.broadcast %broadcast_in_dim3A_1343 : i32 to vector<16xi32>
      %eq3A_1345 = arith.cmpi eq, %iota3A, %broadcast_in_dim3A_1344 : vector<16xi32>
      %select_n3A_1346 = arith.select %eq3A_1345, %all_reduce_population_count3A_1342, %select_n3A_1334 : vector<16xi1>, vector<16xi32>
      %mul3A_1347 = arith.constant 256 : i32
      %mul3A_1348 = arith.muli %while3A_1178, %mul3A_1347 : i32
      %add3A_1349 = arith.constant 224 : i32
      %add3A_1350 = arith.addi %mul3A_1348, %add3A_1349 : i32
      %get3A_1351 = arith.index_cast %add3A_1350 : i32 to index
      %get3A_1352 = tpu.vector_load %arg7[%get3A_1351] {strides = array<i32>} : memref<8192xi32, #tpu.memory_space<vmem>>, vector<16xi32>,
      %eq3A_1353 = arith.cmpi eq, %get3A_1352, %broadcast_in_dim3A_31 : vector<16xi32>
      %all_reduce_population_count3A_1354 = tpu.all_reduce %eq3A_1353 {dim = 0 : i64, kind = #tpu.reduction_kind<sum>} : vector<16xi1> -> vector<16xi32>
      %broadcast_in_dim3A_1355 = arith.constant 14 : i32
      %broadcast_in_dim3A_1356 = vector.broadcast %broadcast_in_dim3A_1355 : i32 to vector<16xi32>
      %eq3A_1357 = arith.cmpi eq, %iota3A, %broadcast_in_dim3A_1356 : vector<16xi32>
      %select_n3A_1358 = arith.select %eq3A_1357, %all_reduce_population_count3A_1354, %select_n3A_1346 : vector<16xi1>, vector<16xi32>
      %mul3A_1359 = arith.constant 256 : i32
      %mul3A_1360 = arith.muli %while3A_1178, %mul3A_1359 : i32
      %add3A_1361 = arith.constant 240 : i32
      %add3A_1362 = arith.addi %mul3A_1360, %add3A_1361 : i32
      %get3A_1363 = arith.index_cast %add3A_1362 : i32 to index
      %get3A_1364 = tpu.vector_load %arg7[%get3A_1363] {strides = array<i32>} : memref<8192xi32, #tpu.memory_space<vmem>>, vector<16xi32>,
      %eq3A_1365 = arith.cmpi eq, %get3A_1364, %broadcast_in_dim3A_31 : vector<16xi32>
      %all_reduce_population_count3A_1366 = tpu.all_reduce %eq3A_1365 {dim = 0 : i64, kind = #tpu.reduction_kind<sum>} : vector<16xi1> -> vector<16xi32>
      %broadcast_in_dim3A_1367 = arith.constant 15 : i32
      %broadcast_in_dim3A_1368 = vector.broadcast %broadcast_in_dim3A_1367 : i32 to vector<16xi32>
      %eq3A_1369 = arith.cmpi eq, %iota3A, %broadcast_in_dim3A_1368 : vector<16xi32>
      %select_n3A_1370 = arith.select %eq3A_1369, %all_reduce_population_count3A_1366, %select_n3A_1358 : vector<16xi1>, vector<16xi32>
      %mul3A_1371 = arith.constant 16 : i32
      %mul3A_1372 = arith.muli %while3A_1178, %mul3A_1371 : i32
      %swap3A = arith.index_cast %mul3A_1372 : i32 to index
      %swap3A_1373 = tpu.vector_load %arg10[%swap3A] {strides = array<i32>} : memref<512xi32, #tpu.memory_space<vmem>>, vector<16xi32>,
      tpu.vector_store %arg10[%swap3A], %select_n3A_1370 {strides = array<i32>} : memref<512xi32, #tpu.memory_space<vmem>>, vector<16xi32>,
      %while3A_1374 = arith.constant 0 : i32
      scf.yield %while3A_1374 : i32
    }
    %while3A_47 = arith.constant 1 : i32
    %while3A_48 = scf.for %while3A_1178 = %while3A_44 to %while3A_40 step %while3A_47 iter_args(%while3A_1179 = %while3A_46) -> (i32)  : i32 {
      %mul3A_1180 = arith.constant 256 : i32
      %mul3A_1181 = arith.muli %while3A_1178, %mul3A_1180 : i32
      %add3A_1182 = arith.constant 0 : i32
      %add3A_1183 = arith.addi %mul3A_1181, %add3A_1182 : i32
      %get3A = arith.index_cast %add3A_1183 : i32 to index
      %get3A_1184 = tpu.vector_load %arg7[%get3A] {strides = array<i32>} : memref<8192xi32, #tpu.memory_space<vmem>>, vector<16xi32>,
      %eq3A_1185 = arith.cmpi eq, %get3A_1184, %broadcast_in_dim3A_31 : vector<16xi32>
      %all_reduce_population_count3A_1186 = tpu.all_reduce %eq3A_1185 {dim = 0 : i64, kind = #tpu.reduction_kind<sum>} : vector<16xi1> -> vector<16xi32>
      %broadcast_in_dim3A_1187 = arith.constant 0 : i32
      %broadcast_in_dim3A_1188 = vector.broadcast %broadcast_in_dim3A_1187 : i32 to vector<16xi32>
      %eq3A_1189 = arith.cmpi eq, %iota3A, %broadcast_in_dim3A_1188 : vector<16xi32>
      %select_n3A_1190 = arith.select %eq3A_1189, %all_reduce_population_count3A_1186, %broadcast_in_dim3A_35 : vector<16xi1>, vector<16xi32>
      %mul3A_1191 = arith.constant 256 : i32
      %mul3A_1192 = arith.muli %while3A_1178, %mul3A_1191 : i32
      %add3A_1193 = arith.constant 16 : i32
      %add3A_1194 = arith.addi %mul3A_1192, %add3A_1193 : i32
      %get3A_1195 = arith.index_cast %add3A_1194 : i32 to index
      %get3A_1196 = tpu.vector_load %arg7[%get3A_1195] {strides = array<i32>} : memref<8192xi32, #tpu.memory_space<vmem>>, vector<16xi32>,
      %eq3A_1197 = arith.cmpi eq, %get3A_1196, %broadcast_in_dim3A_31 : vector<16xi32>
      %all_reduce_population_count3A_1198 = tpu.all_reduce %eq3A_1197 {dim = 0 : i64, kind = #tpu.reduction_kind<sum>} : vector<16xi1> -> vector<16xi32>
      %broadcast_in_dim3A_1199 = arith.constant 1 : i32
      %broadcast_in_dim3A_1200 = vector.broadcast %broadcast_in_dim3A_1199 : i32 to vector<16xi32>
      %eq3A_1201 = arith.cmpi eq, %iota3A, %broadcast_in_dim3A_1200 : vector<16xi32>
      %select_n3A_1202 = arith.select %eq3A_1201, %all_reduce_population_count3A_1198, %select_n3A_1190 : vector<16xi1>, vector<16xi32>
      %mul3A_1203 = arith.constant 256 : i32
      %mul3A_1204 = arith.muli %while3A_1178, %mul3A_1203 : i32
      %add3A_1205 = arith.constant 32 : i32
      %add3A_1206 = arith.addi %mul3A_1204, %add3A_1205 : i32
      %get3A_1207 = arith.index_cast %add3A_1206 : i32 to index
      %get3A_1208 = tpu.vector_load %arg7[%get3A_1207] {strides = array<i32>} : memref<8192xi32, #tpu.memory_space<vmem>>, vector<16xi32>,
      %eq3A_1209 = arith.cmpi eq, %get3A_1208, %broadcast_in_dim3A_31 : vector<16xi32>
      %all_reduce_population_count3A_1210 = tpu.all_reduce %eq3A_1209 {dim = 0 : i64, kind = #tpu.reduction_kind<sum>} : vector<16xi1> -> vector<16xi32>
      %broadcast_in_dim3A_1211 = arith.constant 2 : i32
      %broadcast_in_dim3A_1212 = vector.broadcast %broadcast_in_dim3A_1211 : i32 to vector<16xi32>
      %eq3A_1213 = arith.cmpi eq, %iota3A, %broadcast_in_dim3A_1212 : vector<16xi32>
      %select_n3A_1214 = arith.select %eq3A_1213, %all_reduce_population_count3A_1210, %select_n3A_1202 : vector<16xi1>, vector<16xi32>
      %mul3A_1215 = arith.constant 256 : i32
      %mul3A_1216 = arith.muli %while3A_1178, %mul3A_1215 : i32
      %add3A_1217 = arith.constant 48 : i32
      %add3A_1218 = arith.addi %mul3A_1216, %add3A_1217 : i32
      %get3A_1219 = arith.index_cast %add3A_1218 : i32 to index
      %get3A_1220 = tpu.vector_load %arg7[%get3A_1219] {strides = array<i32>} : memref<8192xi32, #tpu.memory_space<vmem>>, vector<16xi32>,
      %eq3A_1221 = arith.cmpi eq, %get3A_1220, %broadcast_in_dim3A_31 : vector<16xi32>
      %all_reduce_population_count3A_1222 = tpu.all_reduce %eq3A_1221 {dim = 0 : i64, kind = #tpu.reduction_kind<sum>} : vector<16xi1> -> vector<16xi32>
      %broadcast_in_dim3A_1223 = arith.constant 3 : i32
      %broadcast_in_dim3A_1224 = vector.broadcast %broadcast_in_dim3A_1223 : i32 to vector<16xi32>
      %eq3A_1225 = arith.cmpi eq, %iota3A, %broadcast_in_dim3A_1224 : vector<16xi32>
      %select_n3A_1226 = arith.select %eq3A_1225, %all_reduce_population_count3A_1222, %select_n3A_1214 : vector<16xi1>, vector<16xi32>
      %mul3A_1227 = arith.constant 256 : i32
      %mul3A_1228 = arith.muli %while3A_1178, %mul3A_1227 : i32
      %add3A_1229 = arith.constant 64 : i32
      %add3A_1230 = arith.addi %mul3A_1228, %add3A_1229 : i32
      %get3A_1231 = arith.index_cast %add3A_1230 : i32 to index
      %get3A_1232 = tpu.vector_load %arg7[%get3A_1231] {strides = array<i32>} : memref<8192xi32, #tpu.memory_space<vmem>>, vector<16xi32>,
      %eq3A_1233 = arith.cmpi eq, %get3A_1232, %broadcast_in_dim3A_31 : vector<16xi32>
      %all_reduce_population_count3A_1234 = tpu.all_reduce %eq3A_1233 {dim = 0 : i64, kind = #tpu.reduction_kind<sum>} : vector<16xi1> -> vector<16xi32>
      %broadcast_in_dim3A_1235 = arith.constant 4 : i32
      %broadcast_in_dim3A_1236 = vector.broadcast %broadcast_in_dim3A_1235 : i32 to vector<16xi32>
      %eq3A_1237 = arith.cmpi eq, %iota3A, %broadcast_in_dim3A_1236 : vector<16xi32>
      %select_n3A_1238 = arith.select %eq3A_1237, %all_reduce_population_count3A_1234, %select_n3A_1226 : vector<16xi1>, vector<16xi32>
      %mul3A_1239 = arith.constant 256 : i32
      %mul3A_1240 = arith.muli %while3A_1178, %mul3A_1239 : i32
      %add3A_1241 = arith.constant 80 : i32
      %add3A_1242 = arith.addi %mul3A_1240, %add3A_1241 : i32
      %get3A_1243 = arith.index_cast %add3A_1242 : i32 to index
      %get3A_1244 = tpu.vector_load %arg7[%get3A_1243] {strides = array<i32>} : memref<8192xi32, #tpu.memory_space<vmem>>, vector<16xi32>,
      %eq3A_1245 = arith.cmpi eq, %get3A_1244, %broadcast_in_dim3A_31 : vector<16xi32>
      %all_reduce_population_count3A_1246 = tpu.all_reduce %eq3A_1245 {dim = 0 : i64, kind = #tpu.reduction_kind<sum>} : vector<16xi1> -> vector<16xi32>
      %broadcast_in_dim3A_1247 = arith.constant 5 : i32
      %broadcast_in_dim3A_1248 = vector.broadcast %broadcast_in_dim3A_1247 : i32 to vector<16xi32>
      %eq3A_1249 = arith.cmpi eq, %iota3A, %broadcast_in_dim3A_1248 : vector<16xi32>
      %select_n3A_1250 = arith.select %eq3A_1249, %all_reduce_population_count3A_1246, %select_n3A_1238 : vector<16xi1>, vector<16xi32>
      %mul3A_1251 = arith.constant 256 : i32
      %mul3A_1252 = arith.muli %while3A_1178, %mul3A_1251 : i32
      %add3A_1253 = arith.constant 96 : i32
      %add3A_1254 = arith.addi %mul3A_1252, %add3A_1253 : i32
      %get3A_1255 = arith.index_cast %add3A_1254 : i32 to index
      %get3A_1256 = tpu.vector_load %arg7[%get3A_1255] {strides = array<i32>} : memref<8192xi32, #tpu.memory_space<vmem>>, vector<16xi32>,
      %eq3A_1257 = arith.cmpi eq, %get3A_1256, %broadcast_in_dim3A_31 : vector<16xi32>
      %all_reduce_population_count3A_1258 = tpu.all_reduce %eq3A_1257 {dim = 0 : i64, kind = #tpu.reduction_kind<sum>} : vector<16xi1> -> vector<16xi32>
      %broadcast_in_dim3A_1259 = arith.constant 6 : i32
      %broadcast_in_dim3A_1260 = vector.broadcast %broadcast_in_dim3A_1259 : i32 to vector<16xi32>
      %eq3A_1261 = arith.cmpi eq, %iota3A, %broadcast_in_dim3A_1260 : vector<16xi32>
      %select_n3A_1262 = arith.select %eq3A_1261, %all_reduce_population_count3A_1258, %select_n3A_1250 : vector<16xi1>, vector<16xi32>
      %mul3A_1263 = arith.constant 256 : i32
      %mul3A_1264 = arith.muli %while3A_1178, %mul3A_1263 : i32
      %add3A_1265 = arith.constant 112 : i32
      %add3A_1266 = arith.addi %mul3A_1264, %add3A_1265 : i32
      %get3A_1267 = arith.index_cast %add3A_1266 : i32 to index
      %get3A_1268 = tpu.vector_load %arg7[%get3A_1267] {strides = array<i32>} : memref<8192xi32, #tpu.memory_space<vmem>>, vector<16xi32>,
      %eq3A_1269 = arith.cmpi eq, %get3A_1268, %broadcast_in_dim3A_31 : vector<16xi32>
      %all_reduce_population_count3A_1270 = tpu.all_reduce %eq3A_1269 {dim = 0 : i64, kind = #tpu.reduction_kind<sum>} : vector<16xi1> -> vector<16xi32>
      %broadcast_in_dim3A_1271 = arith.constant 7 : i32
      %broadcast_in_dim3A_1272 = vector.broadcast %broadcast_in_dim3A_1271 : i32 to vector<16xi32>
      %eq3A_1273 = arith.cmpi eq, %iota3A, %broadcast_in_dim3A_1272 : vector<16xi32>
      %select_n3A_1274 = arith.select %eq3A_1273, %all_reduce_population_count3A_1270, %select_n3A_1262 : vector<16xi1>, vector<16xi32>
      %mul3A_1275 = arith.constant 256 : i32
      %mul3A_1276 = arith.muli %while3A_1178, %mul3A_1275 : i32
      %add3A_1277 = arith.constant 128 : i32
      %add3A_1278 = arith.addi %mul3A_1276, %add3A_1277 : i32
      %get3A_1279 = arith.index_cast %add3A_1278 : i32 to index
      %get3A_1280 = tpu.vector_load %arg7[%get3A_1279] {strides = array<i32>} : memref<8192xi32, #tpu.memory_space<vmem>>, vector<16xi32>,
      %eq3A_1281 = arith.cmpi eq, %get3A_1280, %broadcast_in_dim3A_31 : vector<16xi32>
      %all_reduce_population_count3A_1282 = tpu.all_reduce %eq3A_1281 {dim = 0 : i64, kind = #tpu.reduction_kind<sum>} : vector<16xi1> -> vector<16xi32>
      %broadcast_in_dim3A_1283 = arith.constant 8 : i32
      %broadcast_in_dim3A_1284 = vector.broadcast %broadcast_in_dim3A_1283 : i32 to vector<16xi32>
      %eq3A_1285 = arith.cmpi eq, %iota3A, %broadcast_in_dim3A_1284 : vector<16xi32>
      %select_n3A_1286 = arith.select %eq3A_1285, %all_reduce_population_count3A_1282, %select_n3A_1274 : vector<16xi1>, vector<16xi32>
      %mul3A_1287 = arith.constant 256 : i32
      %mul3A_1288 = arith.muli %while3A_1178, %mul3A_1287 : i32
      %add3A_1289 = arith.constant 144 : i32
      %add3A_1290 = arith.addi %mul3A_1288, %add3A_1289 : i32
      %get3A_1291 = arith.index_cast %add3A_1290 : i32 to index
      %get3A_1292 = tpu.vector_load %arg7[%get3A_1291] {strides = array<i32>} : memref<8192xi32, #tpu.memory_space<vmem>>, vector<16xi32>,
      %eq3A_1293 = arith.cmpi eq, %get3A_1292, %broadcast_in_dim3A_31 : vector<16xi32>
      %all_reduce_population_count3A_1294 = tpu.all_reduce %eq3A_1293 {dim = 0 : i64, kind = #tpu.reduction_kind<sum>} : vector<16xi1> -> vector<16xi32>
      %broadcast_in_dim3A_1295 = arith.constant 9 : i32
      %broadcast_in_dim3A_1296 = vector.broadcast %broadcast_in_dim3A_1295 : i32 to vector<16xi32>
      %eq3A_1297 = arith.cmpi eq, %iota3A, %broadcast_in_dim3A_1296 : vector<16xi32>
      %select_n3A_1298 = arith.select %eq3A_1297, %all_reduce_population_count3A_1294, %select_n3A_1286 : vector<16xi1>, vector<16xi32>
      %mul3A_1299 = arith.constant 256 : i32
      %mul3A_1300 = arith.muli %while3A_1178, %mul3A_1299 : i32
      %add3A_1301 = arith.constant 160 : i32
      %add3A_1302 = arith.addi %mul3A_1300, %add3A_1301 : i32
      %get3A_1303 = arith.index_cast %add3A_1302 : i32 to index
      %get3A_1304 = tpu.vector_load %arg7[%get3A_1303] {strides = array<i32>} : memref<8192xi32, #tpu.memory_space<vmem>>, vector<16xi32>,
      %eq3A_1305 = arith.cmpi eq, %get3A_1304, %broadcast_in_dim3A_31 : vector<16xi32>
      %all_reduce_population_count3A_1306 = tpu.all_reduce %eq3A_1305 {dim = 0 : i64, kind = #tpu.reduction_kind<sum>} : vector<16xi1> -> vector<16xi32>
      %broadcast_in_dim3A_1307 = arith.constant 10 : i32
      %broadcast_in_dim3A_1308 = vector.broadcast %broadcast_in_dim3A_1307 : i32 to vector<16xi32>
      %eq3A_1309 = arith.cmpi eq, %iota3A, %broadcast_in_dim3A_1308 : vector<16xi32>
      %select_n3A_1310 = arith.select %eq3A_1309, %all_reduce_population_count3A_1306, %select_n3A_1298 : vector<16xi1>, vector<16xi32>
      %mul3A_1311 = arith.constant 256 : i32
      %mul3A_1312 = arith.muli %while3A_1178, %mul3A_1311 : i32
      %add3A_1313 = arith.constant 176 : i32
      %add3A_1314 = arith.addi %mul3A_1312, %add3A_1313 : i32
      %get3A_1315 = arith.index_cast %add3A_1314 : i32 to index
      %get3A_1316 = tpu.vector_load %arg7[%get3A_1315] {strides = array<i32>} : memref<8192xi32, #tpu.memory_space<vmem>>, vector<16xi32>,
      %eq3A_1317 = arith.cmpi eq, %get3A_1316, %broadcast_in_dim3A_31 : vector<16xi32>
      %all_reduce_population_count3A_1318 = tpu.all_reduce %eq3A_1317 {dim = 0 : i64, kind = #tpu.reduction_kind<sum>} : vector<16xi1> -> vector<16xi32>
      %broadcast_in_dim3A_1319 = arith.constant 11 : i32
      %broadcast_in_dim3A_1320 = vector.broadcast %broadcast_in_dim3A_1319 : i32 to vector<16xi32>
      %eq3A_1321 = arith.cmpi eq, %iota3A, %broadcast_in_dim3A_1320 : vector<16xi32>
      %select_n3A_1322 = arith.select %eq3A_1321, %all_reduce_population_count3A_1318, %select_n3A_1310 : vector<16xi1>, vector<16xi32>
      %mul3A_1323 = arith.constant 256 : i32
      %mul3A_1324 = arith.muli %while3A_1178, %mul3A_1323 : i32
      %add3A_1325 = arith.constant 192 : i32
      %add3A_1326 = arith.addi %mul3A_1324, %add3A_1325 : i32
      %get3A_1327 = arith.index_cast %add3A_1326 : i32 to index
      %get3A_1328 = tpu.vector_load %arg7[%get3A_1327] {strides = array<i32>} : memref<8192xi32, #tpu.memory_space<vmem>>, vector<16xi32>,
      %eq3A_1329 = arith.cmpi eq, %get3A_1328, %broadcast_in_dim3A_31 : vector<16xi32>
      %all_reduce_population_count3A_1330 = tpu.all_reduce %eq3A_1329 {dim = 0 : i64, kind = #tpu.reduction_kind<sum>} : vector<16xi1> -> vector<16xi32>
      %broadcast_in_dim3A_1331 = arith.constant 12 : i32
      %broadcast_in_dim3A_1332 = vector.broadcast %broadcast_in_dim3A_1331 : i32 to vector<16xi32>
      %eq3A_1333 = arith.cmpi eq, %iota3A, %broadcast_in_dim3A_1332 : vector<16xi32>
      %select_n3A_1334 = arith.select %eq3A_1333, %all_reduce_population_count3A_1330, %select_n3A_1322 : vector<16xi1>, vector<16xi32>
      %mul3A_1335 = arith.constant 256 : i32
      %mul3A_1336 = arith.muli %while3A_1178, %mul3A_1335 : i32
      %add3A_1337 = arith.constant 208 : i32
      %add3A_1338 = arith.addi %mul3A_1336, %add3A_1337 : i32
      %get3A_1339 = arith.index_cast %add3A_1338 : i32 to index
      %get3A_1340 = tpu.vector_load %arg7[%get3A_1339] {strides = array<i32>} : memref<8192xi32, #tpu.memory_space<vmem>>, vector<16xi32>,
      %eq3A_1341 = arith.cmpi eq, %get3A_1340, %broadcast_in_dim3A_31 : vector<16xi32>
      %all_reduce_population_count3A_1342 = tpu.all_reduce %eq3A_1341 {dim = 0 : i64, kind = #tpu.reduction_kind<sum>} : vector<16xi1> -> vector<16xi32>
      %broadcast_in_dim3A_1343 = arith.constant 13 : i32
      %broadcast_in_dim3A_1344 = vector.broadcast %broadcast_in_dim3A_1343 : i32 to vector<16xi32>
      %eq3A_1345 = arith.cmpi eq, %iota3A, %broadcast_in_dim3A_1344 : vector<16xi32>
      %select_n3A_1346 = arith.select %eq3A_1345, %all_reduce_population_count3A_1342, %select_n3A_1334 : vector<16xi1>, vector<16xi32>
      %mul3A_1347 = arith.constant 256 : i32
      %mul3A_1348 = arith.muli %while3A_1178, %mul3A_1347 : i32
      %add3A_1349 = arith.constant 224 : i32
      %add3A_1350 = arith.addi %mul3A_1348, %add3A_1349 : i32
      %get3A_1351 = arith.index_cast %add3A_1350 : i32 to index
      %get3A_1352 = tpu.vector_load %arg7[%get3A_1351] {strides = array<i32>} : memref<8192xi32, #tpu.memory_space<vmem>>, vector<16xi32>,
      %eq3A_1353 = arith.cmpi eq, %get3A_1352, %broadcast_in_dim3A_31 : vector<16xi32>
      %all_reduce_population_count3A_1354 = tpu.all_reduce %eq3A_1353 {dim = 0 : i64, kind = #tpu.reduction_kind<sum>} : vector<16xi1> -> vector<16xi32>
      %broadcast_in_dim3A_1355 = arith.constant 14 : i32
      %broadcast_in_dim3A_1356 = vector.broadcast %broadcast_in_dim3A_1355 : i32 to vector<16xi32>
      %eq3A_1357 = arith.cmpi eq, %iota3A, %broadcast_in_dim3A_1356 : vector<16xi32>
      %select_n3A_1358 = arith.select %eq3A_1357, %all_reduce_population_count3A_1354, %select_n3A_1346 : vector<16xi1>, vector<16xi32>
      %mul3A_1359 = arith.constant 256 : i32
      %mul3A_1360 = arith.muli %while3A_1178, %mul3A_1359 : i32
      %add3A_1361 = arith.constant 240 : i32
      %add3A_1362 = arith.addi %mul3A_1360, %add3A_1361 : i32
      %get3A_1363 = arith.index_cast %add3A_1362 : i32 to index
      %get3A_1364 = tpu.vector_load %arg7[%get3A_1363] {strides = array<i32>} : memref<8192xi32, #tpu.memory_space<vmem>>, vector<16xi32>,
      %eq3A_1365 = arith.cmpi eq, %get3A_1364, %broadcast_in_dim3A_31 : vector<16xi32>
      %all_reduce_population_count3A_1366 = tpu.all_reduce %eq3A_1365 {dim = 0 : i64, kind = #tpu.reduction_kind<sum>} : vector<16xi1> -> vector<16xi32>
      %broadcast_in_dim3A_1367 = arith.constant 15 : i32
      %broadcast_in_dim3A_1368 = vector.broadcast %broadcast_in_dim3A_1367 : i32 to vector<16xi32>
      %eq3A_1369 = arith.cmpi eq, %iota3A, %broadcast_in_dim3A_1368 : vector<16xi32>
      %select_n3A_1370 = arith.select %eq3A_1369, %all_reduce_population_count3A_1366, %select_n3A_1358 : vector<16xi1>, vector<16xi32>
      %mul3A_1371 = arith.constant 16 : i32
      %mul3A_1372 = arith.muli %while3A_1178, %mul3A_1371 : i32
      %swap3A = arith.index_cast %mul3A_1372 : i32 to index
      %swap3A_1373 = tpu.vector_load %arg10[%swap3A] {strides = array<i32>} : memref<512xi32, #tpu.memory_space<vmem>>, vector<16xi32>,
      tpu.vector_store %arg10[%swap3A], %select_n3A_1370 {strides = array<i32>} : memref<512xi32, #tpu.memory_space<vmem>>, vector<16xi32>,
      %while3A_1374 = arith.constant 0 : i32
      scf.yield %while3A_1374 : i32
    }
    %add3A_49 = arith.constant 1 : i32
    %add3A_50 = arith.addi %add3A, %add3A_49 : i32
    %while3A_51 = arith.constant 0 : i32
    %while3A_52 = arith.constant 0 : i32
    %while3A_53 = arith.subi %add3A_50, %while3A_51 : i32
    %while3A_54 = arith.addi %while3A_51, %while3A_53 : i32
    %while3A_55 = arith.constant 1 : i32
    %while3A_56 = arith.divsi %while3A_53, %while3A_55 : i32
    %while3A_57 = arith.muli %while3A_56, %while3A_55 : i32
    %while3A_58 = arith.addi %while3A_51, %while3A_57 : i32
    %while3A_59 = arith.constant 1 : i32
    %while3A_60 = scf.for %while3A_1178 = %while3A_51 to %while3A_58 step %while3A_59 iter_args(%while3A_1179 = %while3A_52) -> (i32)  : i32 {
      %mul3A_1180 = arith.constant 16 : i32
      %mul3A_1181 = arith.muli %while3A_1178, %mul3A_1180 : i32
      %get3A = arith.index_cast %mul3A_1181 : i32 to index
      %get3A_1182 = tpu.vector_load %arg10[%get3A] {strides = array<i32>} : memref<512xi32, #tpu.memory_space<vmem>>, vector<16xi32>,
      %broadcast_in_dim3A_1183 = arith.constant true
      %broadcast_in_dim3A_1184 = vector.broadcast %broadcast_in_dim3A_1183 : i1 to vector<16xi1>
      %masked_cumsum3A = tpu.scan <sum>, %get3A_1182 masked %broadcast_in_dim3A_1184 : vector<16xi32>, vector<16xi1> -> vector<16xi32>
      %broadcast_in_dim3A_1185 = vector.broadcast %while3A_1179 : i32 to vector<16xi32>
      %add3A_1186 = arith.addi %masked_cumsum3A, %broadcast_in_dim3A_1185 : vector<16xi32>
      %sub3A_1187 = arith.subi %add3A_1186, %get3A_1182 : vector<16xi32>
      %mul3A_1188 = arith.constant 16 : i32
      %mul3A_1189 = arith.muli %while3A_1178, %mul3A_1188 : i32
      %swap3A = arith.index_cast %mul3A_1189 : i32 to index
      %swap3A_1190 = tpu.vector_load %arg11[%swap3A] {strides = array<i32>} : memref<512xi32, #tpu.memory_space<vmem>>, vector<16xi32>,
      tpu.vector_store %arg11[%swap3A], %sub3A_1187 {strides = array<i32>} : memref<512xi32, #tpu.memory_space<vmem>>, vector<16xi32>,
      %reduce_max3A = arith.constant true
      %reduce_max3A_1191 = vector.broadcast %reduce_max3A : i1 to vector<16xi1>
      %reduce_max3A_1192 = arith.constant -2147483648 : i32
      %reduce_max3A_1193 = vector.broadcast %reduce_max3A_1192 : i32 to vector<16xi32>
      %reduce_max3A_1194 = arith.xori %add3A_1186, %reduce_max3A_1193 : vector<16xi32>
      %reduce_max3A_1195 = tpu.scan <max>, %reduce_max3A_1194 masked %reduce_max3A_1191 : vector<16xi32>, vector<16xi1> -> vector<16xi32>
      %reduce_max3A_1196 = arith.xori %reduce_max3A_1195, %reduce_max3A_1193 : vector<16xi32>
      %reduce_max3A_1197 = vector.extract %reduce_max3A_1196[15] : i32 from vector<16xi32>
      scf.yield %reduce_max3A_1197 : i32
    }
    %while3A_61 = arith.constant 1 : i32
    %while3A_62 = scf.for %while3A_1178 = %while3A_58 to %while3A_54 step %while3A_61 iter_args(%while3A_1179 = %while3A_60) -> (i32)  : i32 {
      %mul3A_1180 = arith.constant 16 : i32
      %mul3A_1181 = arith.muli %while3A_1178, %mul3A_1180 : i32
      %get3A = arith.index_cast %mul3A_1181 : i32 to index
      %get3A_1182 = tpu.vector_load %arg10[%get3A] {strides = array<i32>} : memref<512xi32, #tpu.memory_space<vmem>>, vector<16xi32>,
      %broadcast_in_dim3A_1183 = arith.constant true
      %broadcast_in_dim3A_1184 = vector.broadcast %broadcast_in_dim3A_1183 : i1 to vector<16xi1>
      %masked_cumsum3A = tpu.scan <sum>, %get3A_1182 masked %broadcast_in_dim3A_1184 : vector<16xi32>, vector<16xi1> -> vector<16xi32>
      %broadcast_in_dim3A_1185 = vector.broadcast %while3A_1179 : i32 to vector<16xi32>
      %add3A_1186 = arith.addi %masked_cumsum3A, %broadcast_in_dim3A_1185 : vector<16xi32>
      %sub3A_1187 = arith.subi %add3A_1186, %get3A_1182 : vector<16xi32>
      %mul3A_1188 = arith.constant 16 : i32
      %mul3A_1189 = arith.muli %while3A_1178, %mul3A_1188 : i32
      %swap3A = arith.index_cast %mul3A_1189 : i32 to index
      %swap3A_1190 = tpu.vector_load %arg11[%swap3A] {strides = array<i32>} : memref<512xi32, #tpu.memory_space<vmem>>, vector<16xi32>,
      tpu.vector_store %arg11[%swap3A], %sub3A_1187 {strides = array<i32>} : memref<512xi32, #tpu.memory_space<vmem>>, vector<16xi32>,
      %reduce_max3A = arith.constant true
      %reduce_max3A_1191 = vector.broadcast %reduce_max3A : i1 to vector<16xi1>
      %reduce_max3A_1192 = arith.constant -2147483648 : i32
      %reduce_max3A_1193 = vector.broadcast %reduce_max3A_1192 : i32 to vector<16xi32>
      %reduce_max3A_1194 = arith.xori %add3A_1186, %reduce_max3A_1193 : vector<16xi32>
      %reduce_max3A_1195 = tpu.scan <max>, %reduce_max3A_1194 masked %reduce_max3A_1191 : vector<16xi32>, vector<16xi1> -> vector<16xi32>
      %reduce_max3A_1196 = arith.xori %reduce_max3A_1195, %reduce_max3A_1193 : vector<16xi32>
      %reduce_max3A_1197 = vector.extract %reduce_max3A_1196[15] : i32 from vector<16xi32>
      scf.yield %reduce_max3A_1197 : i32
    }
    %broadcast_in_dim3A_63 = arith.constant 8 : i32
    %broadcast_in_dim3A_64 = vector.broadcast %broadcast_in_dim3A_63 : i32 to vector<16xi32>
    %le3A = arith.cmpi sle, %iota3A, %broadcast_in_dim3A_64 : vector<16xi32>
    %min3A = arith.minsi %iota3A, %broadcast_in_dim3A_64 : vector<16xi32>
    %gather3A = tpu.vector_load_idx %arg13[%min3A] : memref<9xi32, #tpu.memory_space<vmem>>[vector<16xi32>], vector<16xi32>,
    %broadcast_in_dim3A_65 = arith.constant 8192 : i32
    %broadcast_in_dim3A_66 = vector.broadcast %broadcast_in_dim3A_65 : i32 to vector<16xi32>
    %select_n3A = arith.select %le3A, %gather3A, %broadcast_in_dim3A_66 : vector<16xi1>, vector<16xi32>
    %slice3A = vector.extract_strided_slice %select_n3A {offsets = [0], sizes = [1], strides = [1]} : vector<16xi32> to vector<1xi32>
    %squeeze3A = vector.extract %slice3A[0] : i32 from vector<1xi32>
    %sub3A = arith.constant 1 : i32
    %sub3A_67 = arith.subi %squeeze3A, %sub3A : i32
    %max3A = arith.constant 0 : i32
    %max3A_68 = arith.maxsi %sub3A_67, %max3A : i32
    %jit3A = arith.constant 16 : i32
    %div3A = arith.divsi %max3A_68, %jit3A : i32
    %sign3A = arith.constant 0 : i32
    %sign3A_69 = arith.cmpi sgt, %max3A_68, %sign3A : i32
    %sign3A_70 = arith.extui %sign3A_69 : i1 to i32
    %sign3A_71 = arith.constant 0 : i32
    %sign3A_72 = arith.cmpi slt, %max3A_68, %sign3A_71 : i32
    %sign3A_73 = arith.extui %sign3A_72 : i1 to i32
    %sign3A_74 = arith.subi %sign3A_70, %sign3A_73 : i32
    %sign3A_75 = arith.constant 0 : i32
    %sign3A_76 = arith.cmpi sgt, %jit3A, %sign3A_75 : i32
    %sign3A_77 = arith.extui %sign3A_76 : i1 to i32
    %sign3A_78 = arith.constant 0 : i32
    %sign3A_79 = arith.cmpi slt, %jit3A, %sign3A_78 : i32
    %sign3A_80 = arith.extui %sign3A_79 : i1 to i32
    %sign3A_81 = arith.subi %sign3A_77, %sign3A_80 : i32
    %ne3A = arith.cmpi ne, %sign3A_74, %sign3A_81 : i32
    %rem3A = arith.remsi %max3A_68, %jit3A : i32
    %ne3A_82 = arith.constant 0 : i32
    %ne3A_83 = arith.cmpi ne, %rem3A, %ne3A_82 : i32
    %and3A = arith.andi %ne3A, %ne3A_83 : i1
    %sub3A_84 = arith.constant 1 : i32
    %sub3A_85 = arith.subi %div3A, %sub3A_84 : i32
    %select_n3A_86 = arith.select %and3A, %sub3A_85, %div3A : i32
    %jit3A_87 = arith.constant 16 : i32
    %eq3A_88 = arith.constant 0 : i32
    %eq3A_89 = arith.cmpi eq, %jit3A_87, %eq3A_88 : i32
    %jit3A_90 = arith.constant 1 : i32
    %select_n3A_91 = arith.select %eq3A_89, %jit3A_90, %jit3A_87 : i32
    %rem3A_92 = arith.remsi %max3A_68, %select_n3A_91 : i32
    %ne3A_93 = arith.constant 0 : i32
    %ne3A_94 = arith.cmpi ne, %rem3A_92, %ne3A_93 : i32
    %lt3A = arith.constant 0 : i32
    %lt3A_95 = arith.cmpi slt, %rem3A_92, %lt3A : i32
    %lt3A_96 = arith.constant 0 : i32
    %lt3A_97 = arith.cmpi slt, %select_n3A_91, %lt3A_96 : i32
    %ne3A_98 = arith.xori %lt3A_95, %lt3A_97 : i1
    %and3A_99 = arith.andi %ne3A_98, %ne3A_94 : i1
    %add3A_100 = arith.addi %rem3A_92, %select_n3A_91 : i32
    %select_n3A_101 = arith.select %and3A_99, %add3A_100, %rem3A_92 : i32
    %mul3A_102 = arith.constant 16 : i32
    %mul3A_103 = arith.muli %select_n3A_86, %mul3A_102 : i32
    %broadcast_in_dim3A_104 = vector.broadcast %mul3A_103 : i32 to vector<16xi32>
    %add3A_105 = arith.addi %broadcast_in_dim3A_104, %iota3A : vector<16xi32>
    %gather3A_106 = tpu.vector_load_idx %arg7[%add3A_105] : memref<8192xi32, #tpu.memory_space<vmem>>[vector<16xi32>], vector<16xi32>,
    %eq3A_107 = arith.cmpi eq, %gather3A_106, %broadcast_in_dim3A_31 : vector<16xi32>
    %broadcast_in_dim3A_108 = vector.broadcast %select_n3A_101 : i32 to vector<16xi32>
    %le3A_109 = arith.cmpi sle, %iota3A, %broadcast_in_dim3A_108 : vector<16xi32>
    %and3A_110 = arith.andi %eq3A_107, %le3A_109 : vector<16xi1>
    %all_reduce_population_count3A = tpu.all_reduce %and3A_110 {dim = 0 : i64, kind = #tpu.reduction_kind<sum>} : vector<16xi1> -> vector<16xi32>
    %broadcast_in_dim3A_111 = vector.broadcast %select_n3A_86 : i32 to vector<16xi32>
    %gather3A_112 = tpu.vector_load_idx %arg11[%broadcast_in_dim3A_111] : memref<512xi32, #tpu.memory_space<vmem>>[vector<16xi32>], vector<16xi32>,
    %broadcast_in_dim3A_113 = vector.broadcast %squeeze3A : i32 to vector<16xi32>
    %eq3A_114 = arith.cmpi eq, %broadcast_in_dim3A_113, %broadcast_in_dim3A_35 : vector<16xi32>
    %add3A_115 = arith.addi %gather3A_112, %all_reduce_population_count3A : vector<16xi32>
    %select_n3A_116 = arith.select %eq3A_114, %broadcast_in_dim3A_35, %add3A_115 : vector<16xi1>, vector<16xi32>
    %broadcast_in_dim3A_117 = arith.constant 0 : i32
    %broadcast_in_dim3A_118 = vector.broadcast %broadcast_in_dim3A_117 : i32 to vector<16xi32>
    tpu.vector_store_idx %arg14[%broadcast_in_dim3A_118], %select_n3A_116 masked %eq3A_29 : memref<16xi32, #tpu.memory_space<vmem>>[vector<16xi32>], vector<16xi32>, vector<16xi1>
    %slice3A_119 = vector.extract_strided_slice %select_n3A {offsets = [1], sizes = [1], strides = [1]} : vector<16xi32> to vector<1xi32>
    %squeeze3A_120 = vector.extract %slice3A_119[0] : i32 from vector<1xi32>
    %sub3A_121 = arith.constant 1 : i32
    %sub3A_122 = arith.subi %squeeze3A_120, %sub3A_121 : i32
    %max3A_123 = arith.constant 0 : i32
    %max3A_124 = arith.maxsi %sub3A_122, %max3A_123 : i32
    %jit3A_125 = arith.constant 16 : i32
    %div3A_126 = arith.divsi %max3A_124, %jit3A_125 : i32
    %sign3A_127 = arith.constant 0 : i32
    %sign3A_128 = arith.cmpi sgt, %max3A_124, %sign3A_127 : i32
    %sign3A_129 = arith.extui %sign3A_128 : i1 to i32
    %sign3A_130 = arith.constant 0 : i32
    %sign3A_131 = arith.cmpi slt, %max3A_124, %sign3A_130 : i32
    %sign3A_132 = arith.extui %sign3A_131 : i1 to i32
    %sign3A_133 = arith.subi %sign3A_129, %sign3A_132 : i32
    %sign3A_134 = arith.constant 0 : i32
    %sign3A_135 = arith.cmpi sgt, %jit3A_125, %sign3A_134 : i32
    %sign3A_136 = arith.extui %sign3A_135 : i1 to i32
    %sign3A_137 = arith.constant 0 : i32
    %sign3A_138 = arith.cmpi slt, %jit3A_125, %sign3A_137 : i32
    %sign3A_139 = arith.extui %sign3A_138 : i1 to i32
    %sign3A_140 = arith.subi %sign3A_136, %sign3A_139 : i32
    %ne3A_141 = arith.cmpi ne, %sign3A_133, %sign3A_140 : i32
    %rem3A_142 = arith.remsi %max3A_124, %jit3A_125 : i32
    %ne3A_143 = arith.constant 0 : i32
    %ne3A_144 = arith.cmpi ne, %rem3A_142, %ne3A_143 : i32
    %and3A_145 = arith.andi %ne3A_141, %ne3A_144 : i1
    %sub3A_146 = arith.constant 1 : i32
    %sub3A_147 = arith.subi %div3A_126, %sub3A_146 : i32
    %select_n3A_148 = arith.select %and3A_145, %sub3A_147, %div3A_126 : i32
    %jit3A_149 = arith.constant 16 : i32
    %eq3A_150 = arith.constant 0 : i32
    %eq3A_151 = arith.cmpi eq, %jit3A_149, %eq3A_150 : i32
    %jit3A_152 = arith.constant 1 : i32
    %select_n3A_153 = arith.select %eq3A_151, %jit3A_152, %jit3A_149 : i32
    %rem3A_154 = arith.remsi %max3A_124, %select_n3A_153 : i32
    %ne3A_155 = arith.constant 0 : i32
    %ne3A_156 = arith.cmpi ne, %rem3A_154, %ne3A_155 : i32
    %lt3A_157 = arith.constant 0 : i32
    %lt3A_158 = arith.cmpi slt, %rem3A_154, %lt3A_157 : i32
    %lt3A_159 = arith.constant 0 : i32
    %lt3A_160 = arith.cmpi slt, %select_n3A_153, %lt3A_159 : i32
    %ne3A_161 = arith.xori %lt3A_158, %lt3A_160 : i1
    %and3A_162 = arith.andi %ne3A_161, %ne3A_156 : i1
    %add3A_163 = arith.addi %rem3A_154, %select_n3A_153 : i32
    %select_n3A_164 = arith.select %and3A_162, %add3A_163, %rem3A_154 : i32
    %mul3A_165 = arith.constant 16 : i32
    %mul3A_166 = arith.muli %select_n3A_148, %mul3A_165 : i32
    %broadcast_in_dim3A_167 = vector.broadcast %mul3A_166 : i32 to vector<16xi32>
    %add3A_168 = arith.addi %broadcast_in_dim3A_167, %iota3A : vector<16xi32>
    %gather3A_169 = tpu.vector_load_idx %arg7[%add3A_168] : memref<8192xi32, #tpu.memory_space<vmem>>[vector<16xi32>], vector<16xi32>,
    %eq3A_170 = arith.cmpi eq, %gather3A_169, %broadcast_in_dim3A_31 : vector<16xi32>
    %broadcast_in_dim3A_171 = vector.broadcast %select_n3A_164 : i32 to vector<16xi32>
    %le3A_172 = arith.cmpi sle, %iota3A, %broadcast_in_dim3A_171 : vector<16xi32>
    %and3A_173 = arith.andi %eq3A_170, %le3A_172 : vector<16xi1>
    %all_reduce_population_count3A_174 = tpu.all_reduce %and3A_173 {dim = 0 : i64, kind = #tpu.reduction_kind<sum>} : vector<16xi1> -> vector<16xi32>
    %broadcast_in_dim3A_175 = vector.broadcast %select_n3A_148 : i32 to vector<16xi32>
    %gather3A_176 = tpu.vector_load_idx %arg11[%broadcast_in_dim3A_175] : memref<512xi32, #tpu.memory_space<vmem>>[vector<16xi32>], vector<16xi32>,
    %broadcast_in_dim3A_177 = vector.broadcast %squeeze3A_120 : i32 to vector<16xi32>
    %eq3A_178 = arith.cmpi eq, %broadcast_in_dim3A_177, %broadcast_in_dim3A_35 : vector<16xi32>
    %add3A_179 = arith.addi %gather3A_176, %all_reduce_population_count3A_174 : vector<16xi32>
    %select_n3A_180 = arith.select %eq3A_178, %broadcast_in_dim3A_35, %add3A_179 : vector<16xi1>, vector<16xi32>
    %broadcast_in_dim3A_181 = arith.constant 1 : i32
    %broadcast_in_dim3A_182 = vector.broadcast %broadcast_in_dim3A_181 : i32 to vector<16xi32>
    tpu.vector_store_idx %arg14[%broadcast_in_dim3A_182], %select_n3A_180 masked %eq3A_29 : memref<16xi32, #tpu.memory_space<vmem>>[vector<16xi32>], vector<16xi32>, vector<16xi1>
    %slice3A_183 = vector.extract_strided_slice %select_n3A {offsets = [2], sizes = [1], strides = [1]} : vector<16xi32> to vector<1xi32>
    %squeeze3A_184 = vector.extract %slice3A_183[0] : i32 from vector<1xi32>
    %sub3A_185 = arith.constant 1 : i32
    %sub3A_186 = arith.subi %squeeze3A_184, %sub3A_185 : i32
    %max3A_187 = arith.constant 0 : i32
    %max3A_188 = arith.maxsi %sub3A_186, %max3A_187 : i32
    %jit3A_189 = arith.constant 16 : i32
    %div3A_190 = arith.divsi %max3A_188, %jit3A_189 : i32
    %sign3A_191 = arith.constant 0 : i32
    %sign3A_192 = arith.cmpi sgt, %max3A_188, %sign3A_191 : i32
    %sign3A_193 = arith.extui %sign3A_192 : i1 to i32
    %sign3A_194 = arith.constant 0 : i32
    %sign3A_195 = arith.cmpi slt, %max3A_188, %sign3A_194 : i32
    %sign3A_196 = arith.extui %sign3A_195 : i1 to i32
    %sign3A_197 = arith.subi %sign3A_193, %sign3A_196 : i32
    %sign3A_198 = arith.constant 0 : i32
    %sign3A_199 = arith.cmpi sgt, %jit3A_189, %sign3A_198 : i32
    %sign3A_200 = arith.extui %sign3A_199 : i1 to i32
    %sign3A_201 = arith.constant 0 : i32
    %sign3A_202 = arith.cmpi slt, %jit3A_189, %sign3A_201 : i32
    %sign3A_203 = arith.extui %sign3A_202 : i1 to i32
    %sign3A_204 = arith.subi %sign3A_200, %sign3A_203 : i32
    %ne3A_205 = arith.cmpi ne, %sign3A_197, %sign3A_204 : i32
    %rem3A_206 = arith.remsi %max3A_188, %jit3A_189 : i32
    %ne3A_207 = arith.constant 0 : i32
    %ne3A_208 = arith.cmpi ne, %rem3A_206, %ne3A_207 : i32
    %and3A_209 = arith.andi %ne3A_205, %ne3A_208 : i1
    %sub3A_210 = arith.constant 1 : i32
    %sub3A_211 = arith.subi %div3A_190, %sub3A_210 : i32
    %select_n3A_212 = arith.select %and3A_209, %sub3A_211, %div3A_190 : i32
    %jit3A_213 = arith.constant 16 : i32
    %eq3A_214 = arith.constant 0 : i32
    %eq3A_215 = arith.cmpi eq, %jit3A_213, %eq3A_214 : i32
    %jit3A_216 = arith.constant 1 : i32
    %select_n3A_217 = arith.select %eq3A_215, %jit3A_216, %jit3A_213 : i32
    %rem3A_218 = arith.remsi %max3A_188, %select_n3A_217 : i32
    %ne3A_219 = arith.constant 0 : i32
    %ne3A_220 = arith.cmpi ne, %rem3A_218, %ne3A_219 : i32
    %lt3A_221 = arith.constant 0 : i32
    %lt3A_222 = arith.cmpi slt, %rem3A_218, %lt3A_221 : i32
    %lt3A_223 = arith.constant 0 : i32
    %lt3A_224 = arith.cmpi slt, %select_n3A_217, %lt3A_223 : i32
    %ne3A_225 = arith.xori %lt3A_222, %lt3A_224 : i1
    %and3A_226 = arith.andi %ne3A_225, %ne3A_220 : i1
    %add3A_227 = arith.addi %rem3A_218, %select_n3A_217 : i32
    %select_n3A_228 = arith.select %and3A_226, %add3A_227, %rem3A_218 : i32
    %mul3A_229 = arith.constant 16 : i32
    %mul3A_230 = arith.muli %select_n3A_212, %mul3A_229 : i32
    %broadcast_in_dim3A_231 = vector.broadcast %mul3A_230 : i32 to vector<16xi32>
    %add3A_232 = arith.addi %broadcast_in_dim3A_231, %iota3A : vector<16xi32>
    %gather3A_233 = tpu.vector_load_idx %arg7[%add3A_232] : memref<8192xi32, #tpu.memory_space<vmem>>[vector<16xi32>], vector<16xi32>,
    %eq3A_234 = arith.cmpi eq, %gather3A_233, %broadcast_in_dim3A_31 : vector<16xi32>
    %broadcast_in_dim3A_235 = vector.broadcast %select_n3A_228 : i32 to vector<16xi32>
    %le3A_236 = arith.cmpi sle, %iota3A, %broadcast_in_dim3A_235 : vector<16xi32>
    %and3A_237 = arith.andi %eq3A_234, %le3A_236 : vector<16xi1>
    %all_reduce_population_count3A_238 = tpu.all_reduce %and3A_237 {dim = 0 : i64, kind = #tpu.reduction_kind<sum>} : vector<16xi1> -> vector<16xi32>
    %broadcast_in_dim3A_239 = vector.broadcast %select_n3A_212 : i32 to vector<16xi32>
    %gather3A_240 = tpu.vector_load_idx %arg11[%broadcast_in_dim3A_239] : memref<512xi32, #tpu.memory_space<vmem>>[vector<16xi32>], vector<16xi32>,
    %broadcast_in_dim3A_241 = vector.broadcast %squeeze3A_184 : i32 to vector<16xi32>
    %eq3A_242 = arith.cmpi eq, %broadcast_in_dim3A_241, %broadcast_in_dim3A_35 : vector<16xi32>
    %add3A_243 = arith.addi %gather3A_240, %all_reduce_population_count3A_238 : vector<16xi32>
    %select_n3A_244 = arith.select %eq3A_242, %broadcast_in_dim3A_35, %add3A_243 : vector<16xi1>, vector<16xi32>
    %broadcast_in_dim3A_245 = arith.constant 2 : i32
    %broadcast_in_dim3A_246 = vector.broadcast %broadcast_in_dim3A_245 : i32 to vector<16xi32>
    tpu.vector_store_idx %arg14[%broadcast_in_dim3A_246], %select_n3A_244 masked %eq3A_29 : memref<16xi32, #tpu.memory_space<vmem>>[vector<16xi32>], vector<16xi32>, vector<16xi1>
    %slice3A_247 = vector.extract_strided_slice %select_n3A {offsets = [3], sizes = [1], strides = [1]} : vector<16xi32> to vector<1xi32>
    %squeeze3A_248 = vector.extract %slice3A_247[0] : i32 from vector<1xi32>
    %sub3A_249 = arith.constant 1 : i32
    %sub3A_250 = arith.subi %squeeze3A_248, %sub3A_249 : i32
    %max3A_251 = arith.constant 0 : i32
    %max3A_252 = arith.maxsi %sub3A_250, %max3A_251 : i32
    %jit3A_253 = arith.constant 16 : i32
    %div3A_254 = arith.divsi %max3A_252, %jit3A_253 : i32
    %sign3A_255 = arith.constant 0 : i32
    %sign3A_256 = arith.cmpi sgt, %max3A_252, %sign3A_255 : i32
    %sign3A_257 = arith.extui %sign3A_256 : i1 to i32
    %sign3A_258 = arith.constant 0 : i32
    %sign3A_259 = arith.cmpi slt, %max3A_252, %sign3A_258 : i32
    %sign3A_260 = arith.extui %sign3A_259 : i1 to i32
    %sign3A_261 = arith.subi %sign3A_257, %sign3A_260 : i32
    %sign3A_262 = arith.constant 0 : i32
    %sign3A_263 = arith.cmpi sgt, %jit3A_253, %sign3A_262 : i32
    %sign3A_264 = arith.extui %sign3A_263 : i1 to i32
    %sign3A_265 = arith.constant 0 : i32
    %sign3A_266 = arith.cmpi slt, %jit3A_253, %sign3A_265 : i32
    %sign3A_267 = arith.extui %sign3A_266 : i1 to i32
    %sign3A_268 = arith.subi %sign3A_264, %sign3A_267 : i32
    %ne3A_269 = arith.cmpi ne, %sign3A_261, %sign3A_268 : i32
    %rem3A_270 = arith.remsi %max3A_252, %jit3A_253 : i32
    %ne3A_271 = arith.constant 0 : i32
    %ne3A_272 = arith.cmpi ne, %rem3A_270, %ne3A_271 : i32
    %and3A_273 = arith.andi %ne3A_269, %ne3A_272 : i1
    %sub3A_274 = arith.constant 1 : i32
    %sub3A_275 = arith.subi %div3A_254, %sub3A_274 : i32
    %select_n3A_276 = arith.select %and3A_273, %sub3A_275, %div3A_254 : i32
    %jit3A_277 = arith.constant 16 : i32
    %eq3A_278 = arith.constant 0 : i32
    %eq3A_279 = arith.cmpi eq, %jit3A_277, %eq3A_278 : i32
    %jit3A_280 = arith.constant 1 : i32
    %select_n3A_281 = arith.select %eq3A_279, %jit3A_280, %jit3A_277 : i32
    %rem3A_282 = arith.remsi %max3A_252, %select_n3A_281 : i32
    %ne3A_283 = arith.constant 0 : i32
    %ne3A_284 = arith.cmpi ne, %rem3A_282, %ne3A_283 : i32
    %lt3A_285 = arith.constant 0 : i32
    %lt3A_286 = arith.cmpi slt, %rem3A_282, %lt3A_285 : i32
    %lt3A_287 = arith.constant 0 : i32
    %lt3A_288 = arith.cmpi slt, %select_n3A_281, %lt3A_287 : i32
    %ne3A_289 = arith.xori %lt3A_286, %lt3A_288 : i1
    %and3A_290 = arith.andi %ne3A_289, %ne3A_284 : i1
    %add3A_291 = arith.addi %rem3A_282, %select_n3A_281 : i32
    %select_n3A_292 = arith.select %and3A_290, %add3A_291, %rem3A_282 : i32
    %mul3A_293 = arith.constant 16 : i32
    %mul3A_294 = arith.muli %select_n3A_276, %mul3A_293 : i32
    %broadcast_in_dim3A_295 = vector.broadcast %mul3A_294 : i32 to vector<16xi32>
    %add3A_296 = arith.addi %broadcast_in_dim3A_295, %iota3A : vector<16xi32>
    %gather3A_297 = tpu.vector_load_idx %arg7[%add3A_296] : memref<8192xi32, #tpu.memory_space<vmem>>[vector<16xi32>], vector<16xi32>,
    %eq3A_298 = arith.cmpi eq, %gather3A_297, %broadcast_in_dim3A_31 : vector<16xi32>
    %broadcast_in_dim3A_299 = vector.broadcast %select_n3A_292 : i32 to vector<16xi32>
    %le3A_300 = arith.cmpi sle, %iota3A, %broadcast_in_dim3A_299 : vector<16xi32>
    %and3A_301 = arith.andi %eq3A_298, %le3A_300 : vector<16xi1>
    %all_reduce_population_count3A_302 = tpu.all_reduce %and3A_301 {dim = 0 : i64, kind = #tpu.reduction_kind<sum>} : vector<16xi1> -> vector<16xi32>
    %broadcast_in_dim3A_303 = vector.broadcast %select_n3A_276 : i32 to vector<16xi32>
    %gather3A_304 = tpu.vector_load_idx %arg11[%broadcast_in_dim3A_303] : memref<512xi32, #tpu.memory_space<vmem>>[vector<16xi32>], vector<16xi32>,
    %broadcast_in_dim3A_305 = vector.broadcast %squeeze3A_248 : i32 to vector<16xi32>
    %eq3A_306 = arith.cmpi eq, %broadcast_in_dim3A_305, %broadcast_in_dim3A_35 : vector<16xi32>
    %add3A_307 = arith.addi %gather3A_304, %all_reduce_population_count3A_302 : vector<16xi32>
    %select_n3A_308 = arith.select %eq3A_306, %broadcast_in_dim3A_35, %add3A_307 : vector<16xi1>, vector<16xi32>
    %broadcast_in_dim3A_309 = arith.constant 3 : i32
    %broadcast_in_dim3A_310 = vector.broadcast %broadcast_in_dim3A_309 : i32 to vector<16xi32>
    tpu.vector_store_idx %arg14[%broadcast_in_dim3A_310], %select_n3A_308 masked %eq3A_29 : memref<16xi32, #tpu.memory_space<vmem>>[vector<16xi32>], vector<16xi32>, vector<16xi1>
    %slice3A_311 = vector.extract_strided_slice %select_n3A {offsets = [4], sizes = [1], strides = [1]} : vector<16xi32> to vector<1xi32>
    %squeeze3A_312 = vector.extract %slice3A_311[0] : i32 from vector<1xi32>
    %sub3A_313 = arith.constant 1 : i32
    %sub3A_314 = arith.subi %squeeze3A_312, %sub3A_313 : i32
    %max3A_315 = arith.constant 0 : i32
    %max3A_316 = arith.maxsi %sub3A_314, %max3A_315 : i32
    %jit3A_317 = arith.constant 16 : i32
    %div3A_318 = arith.divsi %max3A_316, %jit3A_317 : i32
    %sign3A_319 = arith.constant 0 : i32
    %sign3A_320 = arith.cmpi sgt, %max3A_316, %sign3A_319 : i32
    %sign3A_321 = arith.extui %sign3A_320 : i1 to i32
    %sign3A_322 = arith.constant 0 : i32
    %sign3A_323 = arith.cmpi slt, %max3A_316, %sign3A_322 : i32
    %sign3A_324 = arith.extui %sign3A_323 : i1 to i32
    %sign3A_325 = arith.subi %sign3A_321, %sign3A_324 : i32
    %sign3A_326 = arith.constant 0 : i32
    %sign3A_327 = arith.cmpi sgt, %jit3A_317, %sign3A_326 : i32
    %sign3A_328 = arith.extui %sign3A_327 : i1 to i32
    %sign3A_329 = arith.constant 0 : i32
    %sign3A_330 = arith.cmpi slt, %jit3A_317, %sign3A_329 : i32
    %sign3A_331 = arith.extui %sign3A_330 : i1 to i32
    %sign3A_332 = arith.subi %sign3A_328, %sign3A_331 : i32
    %ne3A_333 = arith.cmpi ne, %sign3A_325, %sign3A_332 : i32
    %rem3A_334 = arith.remsi %max3A_316, %jit3A_317 : i32
    %ne3A_335 = arith.constant 0 : i32
    %ne3A_336 = arith.cmpi ne, %rem3A_334, %ne3A_335 : i32
    %and3A_337 = arith.andi %ne3A_333, %ne3A_336 : i1
    %sub3A_338 = arith.constant 1 : i32
    %sub3A_339 = arith.subi %div3A_318, %sub3A_338 : i32
    %select_n3A_340 = arith.select %and3A_337, %sub3A_339, %div3A_318 : i32
    %jit3A_341 = arith.constant 16 : i32
    %eq3A_342 = arith.constant 0 : i32
    %eq3A_343 = arith.cmpi eq, %jit3A_341, %eq3A_342 : i32
    %jit3A_344 = arith.constant 1 : i32
    %select_n3A_345 = arith.select %eq3A_343, %jit3A_344, %jit3A_341 : i32
    %rem3A_346 = arith.remsi %max3A_316, %select_n3A_345 : i32
    %ne3A_347 = arith.constant 0 : i32
    %ne3A_348 = arith.cmpi ne, %rem3A_346, %ne3A_347 : i32
    %lt3A_349 = arith.constant 0 : i32
    %lt3A_350 = arith.cmpi slt, %rem3A_346, %lt3A_349 : i32
    %lt3A_351 = arith.constant 0 : i32
    %lt3A_352 = arith.cmpi slt, %select_n3A_345, %lt3A_351 : i32
    %ne3A_353 = arith.xori %lt3A_350, %lt3A_352 : i1
    %and3A_354 = arith.andi %ne3A_353, %ne3A_348 : i1
    %add3A_355 = arith.addi %rem3A_346, %select_n3A_345 : i32
    %select_n3A_356 = arith.select %and3A_354, %add3A_355, %rem3A_346 : i32
    %mul3A_357 = arith.constant 16 : i32
    %mul3A_358 = arith.muli %select_n3A_340, %mul3A_357 : i32
    %broadcast_in_dim3A_359 = vector.broadcast %mul3A_358 : i32 to vector<16xi32>
    %add3A_360 = arith.addi %broadcast_in_dim3A_359, %iota3A : vector<16xi32>
    %gather3A_361 = tpu.vector_load_idx %arg7[%add3A_360] : memref<8192xi32, #tpu.memory_space<vmem>>[vector<16xi32>], vector<16xi32>,
    %eq3A_362 = arith.cmpi eq, %gather3A_361, %broadcast_in_dim3A_31 : vector<16xi32>
    %broadcast_in_dim3A_363 = vector.broadcast %select_n3A_356 : i32 to vector<16xi32>
    %le3A_364 = arith.cmpi sle, %iota3A, %broadcast_in_dim3A_363 : vector<16xi32>
    %and3A_365 = arith.andi %eq3A_362, %le3A_364 : vector<16xi1>
    %all_reduce_population_count3A_366 = tpu.all_reduce %and3A_365 {dim = 0 : i64, kind = #tpu.reduction_kind<sum>} : vector<16xi1> -> vector<16xi32>
    %broadcast_in_dim3A_367 = vector.broadcast %select_n3A_340 : i32 to vector<16xi32>
    %gather3A_368 = tpu.vector_load_idx %arg11[%broadcast_in_dim3A_367] : memref<512xi32, #tpu.memory_space<vmem>>[vector<16xi32>], vector<16xi32>,
    %broadcast_in_dim3A_369 = vector.broadcast %squeeze3A_312 : i32 to vector<16xi32>
    %eq3A_370 = arith.cmpi eq, %broadcast_in_dim3A_369, %broadcast_in_dim3A_35 : vector<16xi32>
    %add3A_371 = arith.addi %gather3A_368, %all_reduce_population_count3A_366 : vector<16xi32>
    %select_n3A_372 = arith.select %eq3A_370, %broadcast_in_dim3A_35, %add3A_371 : vector<16xi1>, vector<16xi32>
    %broadcast_in_dim3A_373 = arith.constant 4 : i32
    %broadcast_in_dim3A_374 = vector.broadcast %broadcast_in_dim3A_373 : i32 to vector<16xi32>
    tpu.vector_store_idx %arg14[%broadcast_in_dim3A_374], %select_n3A_372 masked %eq3A_29 : memref<16xi32, #tpu.memory_space<vmem>>[vector<16xi32>], vector<16xi32>, vector<16xi1>
    %slice3A_375 = vector.extract_strided_slice %select_n3A {offsets = [5], sizes = [1], strides = [1]} : vector<16xi32> to vector<1xi32>
    %squeeze3A_376 = vector.extract %slice3A_375[0] : i32 from vector<1xi32>
    %sub3A_377 = arith.constant 1 : i32
    %sub3A_378 = arith.subi %squeeze3A_376, %sub3A_377 : i32
    %max3A_379 = arith.constant 0 : i32
    %max3A_380 = arith.maxsi %sub3A_378, %max3A_379 : i32
    %jit3A_381 = arith.constant 16 : i32
    %div3A_382 = arith.divsi %max3A_380, %jit3A_381 : i32
    %sign3A_383 = arith.constant 0 : i32
    %sign3A_384 = arith.cmpi sgt, %max3A_380, %sign3A_383 : i32
    %sign3A_385 = arith.extui %sign3A_384 : i1 to i32
    %sign3A_386 = arith.constant 0 : i32
    %sign3A_387 = arith.cmpi slt, %max3A_380, %sign3A_386 : i32
    %sign3A_388 = arith.extui %sign3A_387 : i1 to i32
    %sign3A_389 = arith.subi %sign3A_385, %sign3A_388 : i32
    %sign3A_390 = arith.constant 0 : i32
    %sign3A_391 = arith.cmpi sgt, %jit3A_381, %sign3A_390 : i32
    %sign3A_392 = arith.extui %sign3A_391 : i1 to i32
    %sign3A_393 = arith.constant 0 : i32
    %sign3A_394 = arith.cmpi slt, %jit3A_381, %sign3A_393 : i32
    %sign3A_395 = arith.extui %sign3A_394 : i1 to i32
    %sign3A_396 = arith.subi %sign3A_392, %sign3A_395 : i32
    %ne3A_397 = arith.cmpi ne, %sign3A_389, %sign3A_396 : i32
    %rem3A_398 = arith.remsi %max3A_380, %jit3A_381 : i32
    %ne3A_399 = arith.constant 0 : i32
    %ne3A_400 = arith.cmpi ne, %rem3A_398, %ne3A_399 : i32
    %and3A_401 = arith.andi %ne3A_397, %ne3A_400 : i1
    %sub3A_402 = arith.constant 1 : i32
    %sub3A_403 = arith.subi %div3A_382, %sub3A_402 : i32
    %select_n3A_404 = arith.select %and3A_401, %sub3A_403, %div3A_382 : i32
    %jit3A_405 = arith.constant 16 : i32
    %eq3A_406 = arith.constant 0 : i32
    %eq3A_407 = arith.cmpi eq, %jit3A_405, %eq3A_406 : i32
    %jit3A_408 = arith.constant 1 : i32
    %select_n3A_409 = arith.select %eq3A_407, %jit3A_408, %jit3A_405 : i32
    %rem3A_410 = arith.remsi %max3A_380, %select_n3A_409 : i32
    %ne3A_411 = arith.constant 0 : i32
    %ne3A_412 = arith.cmpi ne, %rem3A_410, %ne3A_411 : i32
    %lt3A_413 = arith.constant 0 : i32
    %lt3A_414 = arith.cmpi slt, %rem3A_410, %lt3A_413 : i32
    %lt3A_415 = arith.constant 0 : i32
    %lt3A_416 = arith.cmpi slt, %select_n3A_409, %lt3A_415 : i32
    %ne3A_417 = arith.xori %lt3A_414, %lt3A_416 : i1
    %and3A_418 = arith.andi %ne3A_417, %ne3A_412 : i1
    %add3A_419 = arith.addi %rem3A_410, %select_n3A_409 : i32
    %select_n3A_420 = arith.select %and3A_418, %add3A_419, %rem3A_410 : i32
    %mul3A_421 = arith.constant 16 : i32
    %mul3A_422 = arith.muli %select_n3A_404, %mul3A_421 : i32
    %broadcast_in_dim3A_423 = vector.broadcast %mul3A_422 : i32 to vector<16xi32>
    %add3A_424 = arith.addi %broadcast_in_dim3A_423, %iota3A : vector<16xi32>
    %gather3A_425 = tpu.vector_load_idx %arg7[%add3A_424] : memref<8192xi32, #tpu.memory_space<vmem>>[vector<16xi32>], vector<16xi32>,
    %eq3A_426 = arith.cmpi eq, %gather3A_425, %broadcast_in_dim3A_31 : vector<16xi32>
    %broadcast_in_dim3A_427 = vector.broadcast %select_n3A_420 : i32 to vector<16xi32>
    %le3A_428 = arith.cmpi sle, %iota3A, %broadcast_in_dim3A_427 : vector<16xi32>
    %and3A_429 = arith.andi %eq3A_426, %le3A_428 : vector<16xi1>
    %all_reduce_population_count3A_430 = tpu.all_reduce %and3A_429 {dim = 0 : i64, kind = #tpu.reduction_kind<sum>} : vector<16xi1> -> vector<16xi32>
    %broadcast_in_dim3A_431 = vector.broadcast %select_n3A_404 : i32 to vector<16xi32>
    %gather3A_432 = tpu.vector_load_idx %arg11[%broadcast_in_dim3A_431] : memref<512xi32, #tpu.memory_space<vmem>>[vector<16xi32>], vector<16xi32>,
    %broadcast_in_dim3A_433 = vector.broadcast %squeeze3A_376 : i32 to vector<16xi32>
    %eq3A_434 = arith.cmpi eq, %broadcast_in_dim3A_433, %broadcast_in_dim3A_35 : vector<16xi32>
    %add3A_435 = arith.addi %gather3A_432, %all_reduce_population_count3A_430 : vector<16xi32>
    %select_n3A_436 = arith.select %eq3A_434, %broadcast_in_dim3A_35, %add3A_435 : vector<16xi1>, vector<16xi32>
    %broadcast_in_dim3A_437 = arith.constant 5 : i32
    %broadcast_in_dim3A_438 = vector.broadcast %broadcast_in_dim3A_437 : i32 to vector<16xi32>
    tpu.vector_store_idx %arg14[%broadcast_in_dim3A_438], %select_n3A_436 masked %eq3A_29 : memref<16xi32, #tpu.memory_space<vmem>>[vector<16xi32>], vector<16xi32>, vector<16xi1>
    %slice3A_439 = vector.extract_strided_slice %select_n3A {offsets = [6], sizes = [1], strides = [1]} : vector<16xi32> to vector<1xi32>
    %squeeze3A_440 = vector.extract %slice3A_439[0] : i32 from vector<1xi32>
    %sub3A_441 = arith.constant 1 : i32
    %sub3A_442 = arith.subi %squeeze3A_440, %sub3A_441 : i32
    %max3A_443 = arith.constant 0 : i32
    %max3A_444 = arith.maxsi %sub3A_442, %max3A_443 : i32
    %jit3A_445 = arith.constant 16 : i32
    %div3A_446 = arith.divsi %max3A_444, %jit3A_445 : i32
    %sign3A_447 = arith.constant 0 : i32
    %sign3A_448 = arith.cmpi sgt, %max3A_444, %sign3A_447 : i32
    %sign3A_449 = arith.extui %sign3A_448 : i1 to i32
    %sign3A_450 = arith.constant 0 : i32
    %sign3A_451 = arith.cmpi slt, %max3A_444, %sign3A_450 : i32
    %sign3A_452 = arith.extui %sign3A_451 : i1 to i32
    %sign3A_453 = arith.subi %sign3A_449, %sign3A_452 : i32
    %sign3A_454 = arith.constant 0 : i32
    %sign3A_455 = arith.cmpi sgt, %jit3A_445, %sign3A_454 : i32
    %sign3A_456 = arith.extui %sign3A_455 : i1 to i32
    %sign3A_457 = arith.constant 0 : i32
    %sign3A_458 = arith.cmpi slt, %jit3A_445, %sign3A_457 : i32
    %sign3A_459 = arith.extui %sign3A_458 : i1 to i32
    %sign3A_460 = arith.subi %sign3A_456, %sign3A_459 : i32
    %ne3A_461 = arith.cmpi ne, %sign3A_453, %sign3A_460 : i32
    %rem3A_462 = arith.remsi %max3A_444, %jit3A_445 : i32
    %ne3A_463 = arith.constant 0 : i32
    %ne3A_464 = arith.cmpi ne, %rem3A_462, %ne3A_463 : i32
    %and3A_465 = arith.andi %ne3A_461, %ne3A_464 : i1
    %sub3A_466 = arith.constant 1 : i32
    %sub3A_467 = arith.subi %div3A_446, %sub3A_466 : i32
    %select_n3A_468 = arith.select %and3A_465, %sub3A_467, %div3A_446 : i32
    %jit3A_469 = arith.constant 16 : i32
    %eq3A_470 = arith.constant 0 : i32
    %eq3A_471 = arith.cmpi eq, %jit3A_469, %eq3A_470 : i32
    %jit3A_472 = arith.constant 1 : i32
    %select_n3A_473 = arith.select %eq3A_471, %jit3A_472, %jit3A_469 : i32
    %rem3A_474 = arith.remsi %max3A_444, %select_n3A_473 : i32
    %ne3A_475 = arith.constant 0 : i32
    %ne3A_476 = arith.cmpi ne, %rem3A_474, %ne3A_475 : i32
    %lt3A_477 = arith.constant 0 : i32
    %lt3A_478 = arith.cmpi slt, %rem3A_474, %lt3A_477 : i32
    %lt3A_479 = arith.constant 0 : i32
    %lt3A_480 = arith.cmpi slt, %select_n3A_473, %lt3A_479 : i32
    %ne3A_481 = arith.xori %lt3A_478, %lt3A_480 : i1
    %and3A_482 = arith.andi %ne3A_481, %ne3A_476 : i1
    %add3A_483 = arith.addi %rem3A_474, %select_n3A_473 : i32
    %select_n3A_484 = arith.select %and3A_482, %add3A_483, %rem3A_474 : i32
    %mul3A_485 = arith.constant 16 : i32
    %mul3A_486 = arith.muli %select_n3A_468, %mul3A_485 : i32
    %broadcast_in_dim3A_487 = vector.broadcast %mul3A_486 : i32 to vector<16xi32>
    %add3A_488 = arith.addi %broadcast_in_dim3A_487, %iota3A : vector<16xi32>
    %gather3A_489 = tpu.vector_load_idx %arg7[%add3A_488] : memref<8192xi32, #tpu.memory_space<vmem>>[vector<16xi32>], vector<16xi32>,
    %eq3A_490 = arith.cmpi eq, %gather3A_489, %broadcast_in_dim3A_31 : vector<16xi32>
    %broadcast_in_dim3A_491 = vector.broadcast %select_n3A_484 : i32 to vector<16xi32>
    %le3A_492 = arith.cmpi sle, %iota3A, %broadcast_in_dim3A_491 : vector<16xi32>
    %and3A_493 = arith.andi %eq3A_490, %le3A_492 : vector<16xi1>
    %all_reduce_population_count3A_494 = tpu.all_reduce %and3A_493 {dim = 0 : i64, kind = #tpu.reduction_kind<sum>} : vector<16xi1> -> vector<16xi32>
    %broadcast_in_dim3A_495 = vector.broadcast %select_n3A_468 : i32 to vector<16xi32>
    %gather3A_496 = tpu.vector_load_idx %arg11[%broadcast_in_dim3A_495] : memref<512xi32, #tpu.memory_space<vmem>>[vector<16xi32>], vector<16xi32>,
    %broadcast_in_dim3A_497 = vector.broadcast %squeeze3A_440 : i32 to vector<16xi32>
    %eq3A_498 = arith.cmpi eq, %broadcast_in_dim3A_497, %broadcast_in_dim3A_35 : vector<16xi32>
    %add3A_499 = arith.addi %gather3A_496, %all_reduce_population_count3A_494 : vector<16xi32>
    %select_n3A_500 = arith.select %eq3A_498, %broadcast_in_dim3A_35, %add3A_499 : vector<16xi1>, vector<16xi32>
    %broadcast_in_dim3A_501 = arith.constant 6 : i32
    %broadcast_in_dim3A_502 = vector.broadcast %broadcast_in_dim3A_501 : i32 to vector<16xi32>
    tpu.vector_store_idx %arg14[%broadcast_in_dim3A_502], %select_n3A_500 masked %eq3A_29 : memref<16xi32, #tpu.memory_space<vmem>>[vector<16xi32>], vector<16xi32>, vector<16xi1>
    %slice3A_503 = vector.extract_strided_slice %select_n3A {offsets = [7], sizes = [1], strides = [1]} : vector<16xi32> to vector<1xi32>
    %squeeze3A_504 = vector.extract %slice3A_503[0] : i32 from vector<1xi32>
    %sub3A_505 = arith.constant 1 : i32
    %sub3A_506 = arith.subi %squeeze3A_504, %sub3A_505 : i32
    %max3A_507 = arith.constant 0 : i32
    %max3A_508 = arith.maxsi %sub3A_506, %max3A_507 : i32
    %jit3A_509 = arith.constant 16 : i32
    %div3A_510 = arith.divsi %max3A_508, %jit3A_509 : i32
    %sign3A_511 = arith.constant 0 : i32
    %sign3A_512 = arith.cmpi sgt, %max3A_508, %sign3A_511 : i32
    %sign3A_513 = arith.extui %sign3A_512 : i1 to i32
    %sign3A_514 = arith.constant 0 : i32
    %sign3A_515 = arith.cmpi slt, %max3A_508, %sign3A_514 : i32
    %sign3A_516 = arith.extui %sign3A_515 : i1 to i32
    %sign3A_517 = arith.subi %sign3A_513, %sign3A_516 : i32
    %sign3A_518 = arith.constant 0 : i32
    %sign3A_519 = arith.cmpi sgt, %jit3A_509, %sign3A_518 : i32
    %sign3A_520 = arith.extui %sign3A_519 : i1 to i32
    %sign3A_521 = arith.constant 0 : i32
    %sign3A_522 = arith.cmpi slt, %jit3A_509, %sign3A_521 : i32
    %sign3A_523 = arith.extui %sign3A_522 : i1 to i32
    %sign3A_524 = arith.subi %sign3A_520, %sign3A_523 : i32
    %ne3A_525 = arith.cmpi ne, %sign3A_517, %sign3A_524 : i32
    %rem3A_526 = arith.remsi %max3A_508, %jit3A_509 : i32
    %ne3A_527 = arith.constant 0 : i32
    %ne3A_528 = arith.cmpi ne, %rem3A_526, %ne3A_527 : i32
    %and3A_529 = arith.andi %ne3A_525, %ne3A_528 : i1
    %sub3A_530 = arith.constant 1 : i32
    %sub3A_531 = arith.subi %div3A_510, %sub3A_530 : i32
    %select_n3A_532 = arith.select %and3A_529, %sub3A_531, %div3A_510 : i32
    %jit3A_533 = arith.constant 16 : i32
    %eq3A_534 = arith.constant 0 : i32
    %eq3A_535 = arith.cmpi eq, %jit3A_533, %eq3A_534 : i32
    %jit3A_536 = arith.constant 1 : i32
    %select_n3A_537 = arith.select %eq3A_535, %jit3A_536, %jit3A_533 : i32
    %rem3A_538 = arith.remsi %max3A_508, %select_n3A_537 : i32
    %ne3A_539 = arith.constant 0 : i32
    %ne3A_540 = arith.cmpi ne, %rem3A_538, %ne3A_539 : i32
    %lt3A_541 = arith.constant 0 : i32
    %lt3A_542 = arith.cmpi slt, %rem3A_538, %lt3A_541 : i32
    %lt3A_543 = arith.constant 0 : i32
    %lt3A_544 = arith.cmpi slt, %select_n3A_537, %lt3A_543 : i32
    %ne3A_545 = arith.xori %lt3A_542, %lt3A_544 : i1
    %and3A_546 = arith.andi %ne3A_545, %ne3A_540 : i1
    %add3A_547 = arith.addi %rem3A_538, %select_n3A_537 : i32
    %select_n3A_548 = arith.select %and3A_546, %add3A_547, %rem3A_538 : i32
    %mul3A_549 = arith.constant 16 : i32
    %mul3A_550 = arith.muli %select_n3A_532, %mul3A_549 : i32
    %broadcast_in_dim3A_551 = vector.broadcast %mul3A_550 : i32 to vector<16xi32>
    %add3A_552 = arith.addi %broadcast_in_dim3A_551, %iota3A : vector<16xi32>
    %gather3A_553 = tpu.vector_load_idx %arg7[%add3A_552] : memref<8192xi32, #tpu.memory_space<vmem>>[vector<16xi32>], vector<16xi32>,
    %eq3A_554 = arith.cmpi eq, %gather3A_553, %broadcast_in_dim3A_31 : vector<16xi32>
    %broadcast_in_dim3A_555 = vector.broadcast %select_n3A_548 : i32 to vector<16xi32>
    %le3A_556 = arith.cmpi sle, %iota3A, %broadcast_in_dim3A_555 : vector<16xi32>
    %and3A_557 = arith.andi %eq3A_554, %le3A_556 : vector<16xi1>
    %all_reduce_population_count3A_558 = tpu.all_reduce %and3A_557 {dim = 0 : i64, kind = #tpu.reduction_kind<sum>} : vector<16xi1> -> vector<16xi32>
    %broadcast_in_dim3A_559 = vector.broadcast %select_n3A_532 : i32 to vector<16xi32>
    %gather3A_560 = tpu.vector_load_idx %arg11[%broadcast_in_dim3A_559] : memref<512xi32, #tpu.memory_space<vmem>>[vector<16xi32>], vector<16xi32>,
    %broadcast_in_dim3A_561 = vector.broadcast %squeeze3A_504 : i32 to vector<16xi32>
    %eq3A_562 = arith.cmpi eq, %broadcast_in_dim3A_561, %broadcast_in_dim3A_35 : vector<16xi32>
    %add3A_563 = arith.addi %gather3A_560, %all_reduce_population_count3A_558 : vector<16xi32>
    %select_n3A_564 = arith.select %eq3A_562, %broadcast_in_dim3A_35, %add3A_563 : vector<16xi1>, vector<16xi32>
    %broadcast_in_dim3A_565 = arith.constant 7 : i32
    %broadcast_in_dim3A_566 = vector.broadcast %broadcast_in_dim3A_565 : i32 to vector<16xi32>
    tpu.vector_store_idx %arg14[%broadcast_in_dim3A_566], %select_n3A_564 masked %eq3A_29 : memref<16xi32, #tpu.memory_space<vmem>>[vector<16xi32>], vector<16xi32>, vector<16xi1>
    %slice3A_567 = vector.extract_strided_slice %select_n3A {offsets = [8], sizes = [1], strides = [1]} : vector<16xi32> to vector<1xi32>
    %squeeze3A_568 = vector.extract %slice3A_567[0] : i32 from vector<1xi32>
    %sub3A_569 = arith.constant 1 : i32
    %sub3A_570 = arith.subi %squeeze3A_568, %sub3A_569 : i32
    %max3A_571 = arith.constant 0 : i32
    %max3A_572 = arith.maxsi %sub3A_570, %max3A_571 : i32
    %jit3A_573 = arith.constant 16 : i32
    %div3A_574 = arith.divsi %max3A_572, %jit3A_573 : i32
    %sign3A_575 = arith.constant 0 : i32
    %sign3A_576 = arith.cmpi sgt, %max3A_572, %sign3A_575 : i32
    %sign3A_577 = arith.extui %sign3A_576 : i1 to i32
    %sign3A_578 = arith.constant 0 : i32
    %sign3A_579 = arith.cmpi slt, %max3A_572, %sign3A_578 : i32
    %sign3A_580 = arith.extui %sign3A_579 : i1 to i32
    %sign3A_581 = arith.subi %sign3A_577, %sign3A_580 : i32
    %sign3A_582 = arith.constant 0 : i32
    %sign3A_583 = arith.cmpi sgt, %jit3A_573, %sign3A_582 : i32
    %sign3A_584 = arith.extui %sign3A_583 : i1 to i32
    %sign3A_585 = arith.constant 0 : i32
    %sign3A_586 = arith.cmpi slt, %jit3A_573, %sign3A_585 : i32
    %sign3A_587 = arith.extui %sign3A_586 : i1 to i32
    %sign3A_588 = arith.subi %sign3A_584, %sign3A_587 : i32
    %ne3A_589 = arith.cmpi ne, %sign3A_581, %sign3A_588 : i32
    %rem3A_590 = arith.remsi %max3A_572, %jit3A_573 : i32
    %ne3A_591 = arith.constant 0 : i32
    %ne3A_592 = arith.cmpi ne, %rem3A_590, %ne3A_591 : i32
    %and3A_593 = arith.andi %ne3A_589, %ne3A_592 : i1
    %sub3A_594 = arith.constant 1 : i32
    %sub3A_595 = arith.subi %div3A_574, %sub3A_594 : i32
    %select_n3A_596 = arith.select %and3A_593, %sub3A_595, %div3A_574 : i32
    %jit3A_597 = arith.constant 16 : i32
    %eq3A_598 = arith.constant 0 : i32
    %eq3A_599 = arith.cmpi eq, %jit3A_597, %eq3A_598 : i32
    %jit3A_600 = arith.constant 1 : i32
    %select_n3A_601 = arith.select %eq3A_599, %jit3A_600, %jit3A_597 : i32
    %rem3A_602 = arith.remsi %max3A_572, %select_n3A_601 : i32
    %ne3A_603 = arith.constant 0 : i32
    %ne3A_604 = arith.cmpi ne, %rem3A_602, %ne3A_603 : i32
    %lt3A_605 = arith.constant 0 : i32
    %lt3A_606 = arith.cmpi slt, %rem3A_602, %lt3A_605 : i32
    %lt3A_607 = arith.constant 0 : i32
    %lt3A_608 = arith.cmpi slt, %select_n3A_601, %lt3A_607 : i32
    %ne3A_609 = arith.xori %lt3A_606, %lt3A_608 : i1
    %and3A_610 = arith.andi %ne3A_609, %ne3A_604 : i1
    %add3A_611 = arith.addi %rem3A_602, %select_n3A_601 : i32
    %select_n3A_612 = arith.select %and3A_610, %add3A_611, %rem3A_602 : i32
    %mul3A_613 = arith.constant 16 : i32
    %mul3A_614 = arith.muli %select_n3A_596, %mul3A_613 : i32
    %broadcast_in_dim3A_615 = vector.broadcast %mul3A_614 : i32 to vector<16xi32>
    %add3A_616 = arith.addi %broadcast_in_dim3A_615, %iota3A : vector<16xi32>
    %gather3A_617 = tpu.vector_load_idx %arg7[%add3A_616] : memref<8192xi32, #tpu.memory_space<vmem>>[vector<16xi32>], vector<16xi32>,
    %eq3A_618 = arith.cmpi eq, %gather3A_617, %broadcast_in_dim3A_31 : vector<16xi32>
    %broadcast_in_dim3A_619 = vector.broadcast %select_n3A_612 : i32 to vector<16xi32>
    %le3A_620 = arith.cmpi sle, %iota3A, %broadcast_in_dim3A_619 : vector<16xi32>
    %and3A_621 = arith.andi %eq3A_618, %le3A_620 : vector<16xi1>
    %all_reduce_population_count3A_622 = tpu.all_reduce %and3A_621 {dim = 0 : i64, kind = #tpu.reduction_kind<sum>} : vector<16xi1> -> vector<16xi32>
    %broadcast_in_dim3A_623 = vector.broadcast %select_n3A_596 : i32 to vector<16xi32>
    %gather3A_624 = tpu.vector_load_idx %arg11[%broadcast_in_dim3A_623] : memref<512xi32, #tpu.memory_space<vmem>>[vector<16xi32>], vector<16xi32>,
    %broadcast_in_dim3A_625 = vector.broadcast %squeeze3A_568 : i32 to vector<16xi32>
    %eq3A_626 = arith.cmpi eq, %broadcast_in_dim3A_625, %broadcast_in_dim3A_35 : vector<16xi32>
    %add3A_627 = arith.addi %gather3A_624, %all_reduce_population_count3A_622 : vector<16xi32>
    %select_n3A_628 = arith.select %eq3A_626, %broadcast_in_dim3A_35, %add3A_627 : vector<16xi1>, vector<16xi32>
    %broadcast_in_dim3A_629 = arith.constant 8 : i32
    %broadcast_in_dim3A_630 = vector.broadcast %broadcast_in_dim3A_629 : i32 to vector<16xi32>
    tpu.vector_store_idx %arg14[%broadcast_in_dim3A_630], %select_n3A_628 masked %eq3A_29 : memref<16xi32, #tpu.memory_space<vmem>>[vector<16xi32>], vector<16xi32>, vector<16xi1>
    %slice3A_631 = vector.extract_strided_slice %select_n3A {offsets = [9], sizes = [1], strides = [1]} : vector<16xi32> to vector<1xi32>
    %squeeze3A_632 = vector.extract %slice3A_631[0] : i32 from vector<1xi32>
    %sub3A_633 = arith.constant 1 : i32
    %sub3A_634 = arith.subi %squeeze3A_632, %sub3A_633 : i32
    %max3A_635 = arith.constant 0 : i32
    %max3A_636 = arith.maxsi %sub3A_634, %max3A_635 : i32
    %jit3A_637 = arith.constant 16 : i32
    %div3A_638 = arith.divsi %max3A_636, %jit3A_637 : i32
    %sign3A_639 = arith.constant 0 : i32
    %sign3A_640 = arith.cmpi sgt, %max3A_636, %sign3A_639 : i32
    %sign3A_641 = arith.extui %sign3A_640 : i1 to i32
    %sign3A_642 = arith.constant 0 : i32
    %sign3A_643 = arith.cmpi slt, %max3A_636, %sign3A_642 : i32
    %sign3A_644 = arith.extui %sign3A_643 : i1 to i32
    %sign3A_645 = arith.subi %sign3A_641, %sign3A_644 : i32
    %sign3A_646 = arith.constant 0 : i32
    %sign3A_647 = arith.cmpi sgt, %jit3A_637, %sign3A_646 : i32
    %sign3A_648 = arith.extui %sign3A_647 : i1 to i32
    %sign3A_649 = arith.constant 0 : i32
    %sign3A_650 = arith.cmpi slt, %jit3A_637, %sign3A_649 : i32
    %sign3A_651 = arith.extui %sign3A_650 : i1 to i32
    %sign3A_652 = arith.subi %sign3A_648, %sign3A_651 : i32
    %ne3A_653 = arith.cmpi ne, %sign3A_645, %sign3A_652 : i32
    %rem3A_654 = arith.remsi %max3A_636, %jit3A_637 : i32
    %ne3A_655 = arith.constant 0 : i32
    %ne3A_656 = arith.cmpi ne, %rem3A_654, %ne3A_655 : i32
    %and3A_657 = arith.andi %ne3A_653, %ne3A_656 : i1
    %sub3A_658 = arith.constant 1 : i32
    %sub3A_659 = arith.subi %div3A_638, %sub3A_658 : i32
    %select_n3A_660 = arith.select %and3A_657, %sub3A_659, %div3A_638 : i32
    %jit3A_661 = arith.constant 16 : i32
    %eq3A_662 = arith.constant 0 : i32
    %eq3A_663 = arith.cmpi eq, %jit3A_661, %eq3A_662 : i32
    %jit3A_664 = arith.constant 1 : i32
    %select_n3A_665 = arith.select %eq3A_663, %jit3A_664, %jit3A_661 : i32
    %rem3A_666 = arith.remsi %max3A_636, %select_n3A_665 : i32
    %ne3A_667 = arith.constant 0 : i32
    %ne3A_668 = arith.cmpi ne, %rem3A_666, %ne3A_667 : i32
    %lt3A_669 = arith.constant 0 : i32
    %lt3A_670 = arith.cmpi slt, %rem3A_666, %lt3A_669 : i32
    %lt3A_671 = arith.constant 0 : i32
    %lt3A_672 = arith.cmpi slt, %select_n3A_665, %lt3A_671 : i32
    %ne3A_673 = arith.xori %lt3A_670, %lt3A_672 : i1
    %and3A_674 = arith.andi %ne3A_673, %ne3A_668 : i1
    %add3A_675 = arith.addi %rem3A_666, %select_n3A_665 : i32
    %select_n3A_676 = arith.select %and3A_674, %add3A_675, %rem3A_666 : i32
    %mul3A_677 = arith.constant 16 : i32
    %mul3A_678 = arith.muli %select_n3A_660, %mul3A_677 : i32
    %broadcast_in_dim3A_679 = vector.broadcast %mul3A_678 : i32 to vector<16xi32>
    %add3A_680 = arith.addi %broadcast_in_dim3A_679, %iota3A : vector<16xi32>
    %gather3A_681 = tpu.vector_load_idx %arg7[%add3A_680] : memref<8192xi32, #tpu.memory_space<vmem>>[vector<16xi32>], vector<16xi32>,
    %eq3A_682 = arith.cmpi eq, %gather3A_681, %broadcast_in_dim3A_31 : vector<16xi32>
    %broadcast_in_dim3A_683 = vector.broadcast %select_n3A_676 : i32 to vector<16xi32>
    %le3A_684 = arith.cmpi sle, %iota3A, %broadcast_in_dim3A_683 : vector<16xi32>
    %and3A_685 = arith.andi %eq3A_682, %le3A_684 : vector<16xi1>
    %all_reduce_population_count3A_686 = tpu.all_reduce %and3A_685 {dim = 0 : i64, kind = #tpu.reduction_kind<sum>} : vector<16xi1> -> vector<16xi32>
    %broadcast_in_dim3A_687 = vector.broadcast %select_n3A_660 : i32 to vector<16xi32>
    %gather3A_688 = tpu.vector_load_idx %arg11[%broadcast_in_dim3A_687] : memref<512xi32, #tpu.memory_space<vmem>>[vector<16xi32>], vector<16xi32>,
    %broadcast_in_dim3A_689 = vector.broadcast %squeeze3A_632 : i32 to vector<16xi32>
    %eq3A_690 = arith.cmpi eq, %broadcast_in_dim3A_689, %broadcast_in_dim3A_35 : vector<16xi32>
    %add3A_691 = arith.addi %gather3A_688, %all_reduce_population_count3A_686 : vector<16xi32>
    %select_n3A_692 = arith.select %eq3A_690, %broadcast_in_dim3A_35, %add3A_691 : vector<16xi1>, vector<16xi32>
    %broadcast_in_dim3A_693 = arith.constant 9 : i32
    %broadcast_in_dim3A_694 = vector.broadcast %broadcast_in_dim3A_693 : i32 to vector<16xi32>
    tpu.vector_store_idx %arg14[%broadcast_in_dim3A_694], %select_n3A_692 masked %eq3A_29 : memref<16xi32, #tpu.memory_space<vmem>>[vector<16xi32>], vector<16xi32>, vector<16xi1>
    %slice3A_695 = vector.extract_strided_slice %select_n3A {offsets = [10], sizes = [1], strides = [1]} : vector<16xi32> to vector<1xi32>
    %squeeze3A_696 = vector.extract %slice3A_695[0] : i32 from vector<1xi32>
    %sub3A_697 = arith.constant 1 : i32
    %sub3A_698 = arith.subi %squeeze3A_696, %sub3A_697 : i32
    %max3A_699 = arith.constant 0 : i32
    %max3A_700 = arith.maxsi %sub3A_698, %max3A_699 : i32
    %jit3A_701 = arith.constant 16 : i32
    %div3A_702 = arith.divsi %max3A_700, %jit3A_701 : i32
    %sign3A_703 = arith.constant 0 : i32
    %sign3A_704 = arith.cmpi sgt, %max3A_700, %sign3A_703 : i32
    %sign3A_705 = arith.extui %sign3A_704 : i1 to i32
    %sign3A_706 = arith.constant 0 : i32
    %sign3A_707 = arith.cmpi slt, %max3A_700, %sign3A_706 : i32
    %sign3A_708 = arith.extui %sign3A_707 : i1 to i32
    %sign3A_709 = arith.subi %sign3A_705, %sign3A_708 : i32
    %sign3A_710 = arith.constant 0 : i32
    %sign3A_711 = arith.cmpi sgt, %jit3A_701, %sign3A_710 : i32
    %sign3A_712 = arith.extui %sign3A_711 : i1 to i32
    %sign3A_713 = arith.constant 0 : i32
    %sign3A_714 = arith.cmpi slt, %jit3A_701, %sign3A_713 : i32
    %sign3A_715 = arith.extui %sign3A_714 : i1 to i32
    %sign3A_716 = arith.subi %sign3A_712, %sign3A_715 : i32
    %ne3A_717 = arith.cmpi ne, %sign3A_709, %sign3A_716 : i32
    %rem3A_718 = arith.remsi %max3A_700, %jit3A_701 : i32
    %ne3A_719 = arith.constant 0 : i32
    %ne3A_720 = arith.cmpi ne, %rem3A_718, %ne3A_719 : i32
    %and3A_721 = arith.andi %ne3A_717, %ne3A_720 : i1
    %sub3A_722 = arith.constant 1 : i32
    %sub3A_723 = arith.subi %div3A_702, %sub3A_722 : i32
    %select_n3A_724 = arith.select %and3A_721, %sub3A_723, %div3A_702 : i32
    %jit3A_725 = arith.constant 16 : i32
    %eq3A_726 = arith.constant 0 : i32
    %eq3A_727 = arith.cmpi eq, %jit3A_725, %eq3A_726 : i32
    %jit3A_728 = arith.constant 1 : i32
    %select_n3A_729 = arith.select %eq3A_727, %jit3A_728, %jit3A_725 : i32
    %rem3A_730 = arith.remsi %max3A_700, %select_n3A_729 : i32
    %ne3A_731 = arith.constant 0 : i32
    %ne3A_732 = arith.cmpi ne, %rem3A_730, %ne3A_731 : i32
    %lt3A_733 = arith.constant 0 : i32
    %lt3A_734 = arith.cmpi slt, %rem3A_730, %lt3A_733 : i32
    %lt3A_735 = arith.constant 0 : i32
    %lt3A_736 = arith.cmpi slt, %select_n3A_729, %lt3A_735 : i32
    %ne3A_737 = arith.xori %lt3A_734, %lt3A_736 : i1
    %and3A_738 = arith.andi %ne3A_737, %ne3A_732 : i1
    %add3A_739 = arith.addi %rem3A_730, %select_n3A_729 : i32
    %select_n3A_740 = arith.select %and3A_738, %add3A_739, %rem3A_730 : i32
    %mul3A_741 = arith.constant 16 : i32
    %mul3A_742 = arith.muli %select_n3A_724, %mul3A_741 : i32
    %broadcast_in_dim3A_743 = vector.broadcast %mul3A_742 : i32 to vector<16xi32>
    %add3A_744 = arith.addi %broadcast_in_dim3A_743, %iota3A : vector<16xi32>
    %gather3A_745 = tpu.vector_load_idx %arg7[%add3A_744] : memref<8192xi32, #tpu.memory_space<vmem>>[vector<16xi32>], vector<16xi32>,
    %eq3A_746 = arith.cmpi eq, %gather3A_745, %broadcast_in_dim3A_31 : vector<16xi32>
    %broadcast_in_dim3A_747 = vector.broadcast %select_n3A_740 : i32 to vector<16xi32>
    %le3A_748 = arith.cmpi sle, %iota3A, %broadcast_in_dim3A_747 : vector<16xi32>
    %and3A_749 = arith.andi %eq3A_746, %le3A_748 : vector<16xi1>
    %all_reduce_population_count3A_750 = tpu.all_reduce %and3A_749 {dim = 0 : i64, kind = #tpu.reduction_kind<sum>} : vector<16xi1> -> vector<16xi32>
    %broadcast_in_dim3A_751 = vector.broadcast %select_n3A_724 : i32 to vector<16xi32>
    %gather3A_752 = tpu.vector_load_idx %arg11[%broadcast_in_dim3A_751] : memref<512xi32, #tpu.memory_space<vmem>>[vector<16xi32>], vector<16xi32>,
    %broadcast_in_dim3A_753 = vector.broadcast %squeeze3A_696 : i32 to vector<16xi32>
    %eq3A_754 = arith.cmpi eq, %broadcast_in_dim3A_753, %broadcast_in_dim3A_35 : vector<16xi32>
    %add3A_755 = arith.addi %gather3A_752, %all_reduce_population_count3A_750 : vector<16xi32>
    %select_n3A_756 = arith.select %eq3A_754, %broadcast_in_dim3A_35, %add3A_755 : vector<16xi1>, vector<16xi32>
    %broadcast_in_dim3A_757 = arith.constant 10 : i32
    %broadcast_in_dim3A_758 = vector.broadcast %broadcast_in_dim3A_757 : i32 to vector<16xi32>
    tpu.vector_store_idx %arg14[%broadcast_in_dim3A_758], %select_n3A_756 masked %eq3A_29 : memref<16xi32, #tpu.memory_space<vmem>>[vector<16xi32>], vector<16xi32>, vector<16xi1>
    %slice3A_759 = vector.extract_strided_slice %select_n3A {offsets = [11], sizes = [1], strides = [1]} : vector<16xi32> to vector<1xi32>
    %squeeze3A_760 = vector.extract %slice3A_759[0] : i32 from vector<1xi32>
    %sub3A_761 = arith.constant 1 : i32
    %sub3A_762 = arith.subi %squeeze3A_760, %sub3A_761 : i32
    %max3A_763 = arith.constant 0 : i32
    %max3A_764 = arith.maxsi %sub3A_762, %max3A_763 : i32
    %jit3A_765 = arith.constant 16 : i32
    %div3A_766 = arith.divsi %max3A_764, %jit3A_765 : i32
    %sign3A_767 = arith.constant 0 : i32
    %sign3A_768 = arith.cmpi sgt, %max3A_764, %sign3A_767 : i32
    %sign3A_769 = arith.extui %sign3A_768 : i1 to i32
    %sign3A_770 = arith.constant 0 : i32
    %sign3A_771 = arith.cmpi slt, %max3A_764, %sign3A_770 : i32
    %sign3A_772 = arith.extui %sign3A_771 : i1 to i32
    %sign3A_773 = arith.subi %sign3A_769, %sign3A_772 : i32
    %sign3A_774 = arith.constant 0 : i32
    %sign3A_775 = arith.cmpi sgt, %jit3A_765, %sign3A_774 : i32
    %sign3A_776 = arith.extui %sign3A_775 : i1 to i32
    %sign3A_777 = arith.constant 0 : i32
    %sign3A_778 = arith.cmpi slt, %jit3A_765, %sign3A_777 : i32
    %sign3A_779 = arith.extui %sign3A_778 : i1 to i32
    %sign3A_780 = arith.subi %sign3A_776, %sign3A_779 : i32
    %ne3A_781 = arith.cmpi ne, %sign3A_773, %sign3A_780 : i32
    %rem3A_782 = arith.remsi %max3A_764, %jit3A_765 : i32
    %ne3A_783 = arith.constant 0 : i32
    %ne3A_784 = arith.cmpi ne, %rem3A_782, %ne3A_783 : i32
    %and3A_785 = arith.andi %ne3A_781, %ne3A_784 : i1
    %sub3A_786 = arith.constant 1 : i32
    %sub3A_787 = arith.subi %div3A_766, %sub3A_786 : i32
    %select_n3A_788 = arith.select %and3A_785, %sub3A_787, %div3A_766 : i32
    %jit3A_789 = arith.constant 16 : i32
    %eq3A_790 = arith.constant 0 : i32
    %eq3A_791 = arith.cmpi eq, %jit3A_789, %eq3A_790 : i32
    %jit3A_792 = arith.constant 1 : i32
    %select_n3A_793 = arith.select %eq3A_791, %jit3A_792, %jit3A_789 : i32
    %rem3A_794 = arith.remsi %max3A_764, %select_n3A_793 : i32
    %ne3A_795 = arith.constant 0 : i32
    %ne3A_796 = arith.cmpi ne, %rem3A_794, %ne3A_795 : i32
    %lt3A_797 = arith.constant 0 : i32
    %lt3A_798 = arith.cmpi slt, %rem3A_794, %lt3A_797 : i32
    %lt3A_799 = arith.constant 0 : i32
    %lt3A_800 = arith.cmpi slt, %select_n3A_793, %lt3A_799 : i32
    %ne3A_801 = arith.xori %lt3A_798, %lt3A_800 : i1
    %and3A_802 = arith.andi %ne3A_801, %ne3A_796 : i1
    %add3A_803 = arith.addi %rem3A_794, %select_n3A_793 : i32
    %select_n3A_804 = arith.select %and3A_802, %add3A_803, %rem3A_794 : i32
    %mul3A_805 = arith.constant 16 : i32
    %mul3A_806 = arith.muli %select_n3A_788, %mul3A_805 : i32
    %broadcast_in_dim3A_807 = vector.broadcast %mul3A_806 : i32 to vector<16xi32>
    %add3A_808 = arith.addi %broadcast_in_dim3A_807, %iota3A : vector<16xi32>
    %gather3A_809 = tpu.vector_load_idx %arg7[%add3A_808] : memref<8192xi32, #tpu.memory_space<vmem>>[vector<16xi32>], vector<16xi32>,
    %eq3A_810 = arith.cmpi eq, %gather3A_809, %broadcast_in_dim3A_31 : vector<16xi32>
    %broadcast_in_dim3A_811 = vector.broadcast %select_n3A_804 : i32 to vector<16xi32>
    %le3A_812 = arith.cmpi sle, %iota3A, %broadcast_in_dim3A_811 : vector<16xi32>
    %and3A_813 = arith.andi %eq3A_810, %le3A_812 : vector<16xi1>
    %all_reduce_population_count3A_814 = tpu.all_reduce %and3A_813 {dim = 0 : i64, kind = #tpu.reduction_kind<sum>} : vector<16xi1> -> vector<16xi32>
    %broadcast_in_dim3A_815 = vector.broadcast %select_n3A_788 : i32 to vector<16xi32>
    %gather3A_816 = tpu.vector_load_idx %arg11[%broadcast_in_dim3A_815] : memref<512xi32, #tpu.memory_space<vmem>>[vector<16xi32>], vector<16xi32>,
    %broadcast_in_dim3A_817 = vector.broadcast %squeeze3A_760 : i32 to vector<16xi32>
    %eq3A_818 = arith.cmpi eq, %broadcast_in_dim3A_817, %broadcast_in_dim3A_35 : vector<16xi32>
    %add3A_819 = arith.addi %gather3A_816, %all_reduce_population_count3A_814 : vector<16xi32>
    %select_n3A_820 = arith.select %eq3A_818, %broadcast_in_dim3A_35, %add3A_819 : vector<16xi1>, vector<16xi32>
    %broadcast_in_dim3A_821 = arith.constant 11 : i32
    %broadcast_in_dim3A_822 = vector.broadcast %broadcast_in_dim3A_821 : i32 to vector<16xi32>
    tpu.vector_store_idx %arg14[%broadcast_in_dim3A_822], %select_n3A_820 masked %eq3A_29 : memref<16xi32, #tpu.memory_space<vmem>>[vector<16xi32>], vector<16xi32>, vector<16xi1>
    %slice3A_823 = vector.extract_strided_slice %select_n3A {offsets = [12], sizes = [1], strides = [1]} : vector<16xi32> to vector<1xi32>
    %squeeze3A_824 = vector.extract %slice3A_823[0] : i32 from vector<1xi32>
    %sub3A_825 = arith.constant 1 : i32
    %sub3A_826 = arith.subi %squeeze3A_824, %sub3A_825 : i32
    %max3A_827 = arith.constant 0 : i32
    %max3A_828 = arith.maxsi %sub3A_826, %max3A_827 : i32
    %jit3A_829 = arith.constant 16 : i32
    %div3A_830 = arith.divsi %max3A_828, %jit3A_829 : i32
    %sign3A_831 = arith.constant 0 : i32
    %sign3A_832 = arith.cmpi sgt, %max3A_828, %sign3A_831 : i32
    %sign3A_833 = arith.extui %sign3A_832 : i1 to i32
    %sign3A_834 = arith.constant 0 : i32
    %sign3A_835 = arith.cmpi slt, %max3A_828, %sign3A_834 : i32
    %sign3A_836 = arith.extui %sign3A_835 : i1 to i32
    %sign3A_837 = arith.subi %sign3A_833, %sign3A_836 : i32
    %sign3A_838 = arith.constant 0 : i32
    %sign3A_839 = arith.cmpi sgt, %jit3A_829, %sign3A_838 : i32
    %sign3A_840 = arith.extui %sign3A_839 : i1 to i32
    %sign3A_841 = arith.constant 0 : i32
    %sign3A_842 = arith.cmpi slt, %jit3A_829, %sign3A_841 : i32
    %sign3A_843 = arith.extui %sign3A_842 : i1 to i32
    %sign3A_844 = arith.subi %sign3A_840, %sign3A_843 : i32
    %ne3A_845 = arith.cmpi ne, %sign3A_837, %sign3A_844 : i32
    %rem3A_846 = arith.remsi %max3A_828, %jit3A_829 : i32
    %ne3A_847 = arith.constant 0 : i32
    %ne3A_848 = arith.cmpi ne, %rem3A_846, %ne3A_847 : i32
    %and3A_849 = arith.andi %ne3A_845, %ne3A_848 : i1
    %sub3A_850 = arith.constant 1 : i32
    %sub3A_851 = arith.subi %div3A_830, %sub3A_850 : i32
    %select_n3A_852 = arith.select %and3A_849, %sub3A_851, %div3A_830 : i32
    %jit3A_853 = arith.constant 16 : i32
    %eq3A_854 = arith.constant 0 : i32
    %eq3A_855 = arith.cmpi eq, %jit3A_853, %eq3A_854 : i32
    %jit3A_856 = arith.constant 1 : i32
    %select_n3A_857 = arith.select %eq3A_855, %jit3A_856, %jit3A_853 : i32
    %rem3A_858 = arith.remsi %max3A_828, %select_n3A_857 : i32
    %ne3A_859 = arith.constant 0 : i32
    %ne3A_860 = arith.cmpi ne, %rem3A_858, %ne3A_859 : i32
    %lt3A_861 = arith.constant 0 : i32
    %lt3A_862 = arith.cmpi slt, %rem3A_858, %lt3A_861 : i32
    %lt3A_863 = arith.constant 0 : i32
    %lt3A_864 = arith.cmpi slt, %select_n3A_857, %lt3A_863 : i32
    %ne3A_865 = arith.xori %lt3A_862, %lt3A_864 : i1
    %and3A_866 = arith.andi %ne3A_865, %ne3A_860 : i1
    %add3A_867 = arith.addi %rem3A_858, %select_n3A_857 : i32
    %select_n3A_868 = arith.select %and3A_866, %add3A_867, %rem3A_858 : i32
    %mul3A_869 = arith.constant 16 : i32
    %mul3A_870 = arith.muli %select_n3A_852, %mul3A_869 : i32
    %broadcast_in_dim3A_871 = vector.broadcast %mul3A_870 : i32 to vector<16xi32>
    %add3A_872 = arith.addi %broadcast_in_dim3A_871, %iota3A : vector<16xi32>
    %gather3A_873 = tpu.vector_load_idx %arg7[%add3A_872] : memref<8192xi32, #tpu.memory_space<vmem>>[vector<16xi32>], vector<16xi32>,
    %eq3A_874 = arith.cmpi eq, %gather3A_873, %broadcast_in_dim3A_31 : vector<16xi32>
    %broadcast_in_dim3A_875 = vector.broadcast %select_n3A_868 : i32 to vector<16xi32>
    %le3A_876 = arith.cmpi sle, %iota3A, %broadcast_in_dim3A_875 : vector<16xi32>
    %and3A_877 = arith.andi %eq3A_874, %le3A_876 : vector<16xi1>
    %all_reduce_population_count3A_878 = tpu.all_reduce %and3A_877 {dim = 0 : i64, kind = #tpu.reduction_kind<sum>} : vector<16xi1> -> vector<16xi32>
    %broadcast_in_dim3A_879 = vector.broadcast %select_n3A_852 : i32 to vector<16xi32>
    %gather3A_880 = tpu.vector_load_idx %arg11[%broadcast_in_dim3A_879] : memref<512xi32, #tpu.memory_space<vmem>>[vector<16xi32>], vector<16xi32>,
    %broadcast_in_dim3A_881 = vector.broadcast %squeeze3A_824 : i32 to vector<16xi32>
    %eq3A_882 = arith.cmpi eq, %broadcast_in_dim3A_881, %broadcast_in_dim3A_35 : vector<16xi32>
    %add3A_883 = arith.addi %gather3A_880, %all_reduce_population_count3A_878 : vector<16xi32>
    %select_n3A_884 = arith.select %eq3A_882, %broadcast_in_dim3A_35, %add3A_883 : vector<16xi1>, vector<16xi32>
    %broadcast_in_dim3A_885 = arith.constant 12 : i32
    %broadcast_in_dim3A_886 = vector.broadcast %broadcast_in_dim3A_885 : i32 to vector<16xi32>
    tpu.vector_store_idx %arg14[%broadcast_in_dim3A_886], %select_n3A_884 masked %eq3A_29 : memref<16xi32, #tpu.memory_space<vmem>>[vector<16xi32>], vector<16xi32>, vector<16xi1>
    %slice3A_887 = vector.extract_strided_slice %select_n3A {offsets = [13], sizes = [1], strides = [1]} : vector<16xi32> to vector<1xi32>
    %squeeze3A_888 = vector.extract %slice3A_887[0] : i32 from vector<1xi32>
    %sub3A_889 = arith.constant 1 : i32
    %sub3A_890 = arith.subi %squeeze3A_888, %sub3A_889 : i32
    %max3A_891 = arith.constant 0 : i32
    %max3A_892 = arith.maxsi %sub3A_890, %max3A_891 : i32
    %jit3A_893 = arith.constant 16 : i32
    %div3A_894 = arith.divsi %max3A_892, %jit3A_893 : i32
    %sign3A_895 = arith.constant 0 : i32
    %sign3A_896 = arith.cmpi sgt, %max3A_892, %sign3A_895 : i32
    %sign3A_897 = arith.extui %sign3A_896 : i1 to i32
    %sign3A_898 = arith.constant 0 : i32
    %sign3A_899 = arith.cmpi slt, %max3A_892, %sign3A_898 : i32
    %sign3A_900 = arith.extui %sign3A_899 : i1 to i32
    %sign3A_901 = arith.subi %sign3A_897, %sign3A_900 : i32
    %sign3A_902 = arith.constant 0 : i32
    %sign3A_903 = arith.cmpi sgt, %jit3A_893, %sign3A_902 : i32
    %sign3A_904 = arith.extui %sign3A_903 : i1 to i32
    %sign3A_905 = arith.constant 0 : i32
    %sign3A_906 = arith.cmpi slt, %jit3A_893, %sign3A_905 : i32
    %sign3A_907 = arith.extui %sign3A_906 : i1 to i32
    %sign3A_908 = arith.subi %sign3A_904, %sign3A_907 : i32
    %ne3A_909 = arith.cmpi ne, %sign3A_901, %sign3A_908 : i32
    %rem3A_910 = arith.remsi %max3A_892, %jit3A_893 : i32
    %ne3A_911 = arith.constant 0 : i32
    %ne3A_912 = arith.cmpi ne, %rem3A_910, %ne3A_911 : i32
    %and3A_913 = arith.andi %ne3A_909, %ne3A_912 : i1
    %sub3A_914 = arith.constant 1 : i32
    %sub3A_915 = arith.subi %div3A_894, %sub3A_914 : i32
    %select_n3A_916 = arith.select %and3A_913, %sub3A_915, %div3A_894 : i32
    %jit3A_917 = arith.constant 16 : i32
    %eq3A_918 = arith.constant 0 : i32
    %eq3A_919 = arith.cmpi eq, %jit3A_917, %eq3A_918 : i32
    %jit3A_920 = arith.constant 1 : i32
    %select_n3A_921 = arith.select %eq3A_919, %jit3A_920, %jit3A_917 : i32
    %rem3A_922 = arith.remsi %max3A_892, %select_n3A_921 : i32
    %ne3A_923 = arith.constant 0 : i32
    %ne3A_924 = arith.cmpi ne, %rem3A_922, %ne3A_923 : i32
    %lt3A_925 = arith.constant 0 : i32
    %lt3A_926 = arith.cmpi slt, %rem3A_922, %lt3A_925 : i32
    %lt3A_927 = arith.constant 0 : i32
    %lt3A_928 = arith.cmpi slt, %select_n3A_921, %lt3A_927 : i32
    %ne3A_929 = arith.xori %lt3A_926, %lt3A_928 : i1
    %and3A_930 = arith.andi %ne3A_929, %ne3A_924 : i1
    %add3A_931 = arith.addi %rem3A_922, %select_n3A_921 : i32
    %select_n3A_932 = arith.select %and3A_930, %add3A_931, %rem3A_922 : i32
    %mul3A_933 = arith.constant 16 : i32
    %mul3A_934 = arith.muli %select_n3A_916, %mul3A_933 : i32
    %broadcast_in_dim3A_935 = vector.broadcast %mul3A_934 : i32 to vector<16xi32>
    %add3A_936 = arith.addi %broadcast_in_dim3A_935, %iota3A : vector<16xi32>
    %gather3A_937 = tpu.vector_load_idx %arg7[%add3A_936] : memref<8192xi32, #tpu.memory_space<vmem>>[vector<16xi32>], vector<16xi32>,
    %eq3A_938 = arith.cmpi eq, %gather3A_937, %broadcast_in_dim3A_31 : vector<16xi32>
    %broadcast_in_dim3A_939 = vector.broadcast %select_n3A_932 : i32 to vector<16xi32>
    %le3A_940 = arith.cmpi sle, %iota3A, %broadcast_in_dim3A_939 : vector<16xi32>
    %and3A_941 = arith.andi %eq3A_938, %le3A_940 : vector<16xi1>
    %all_reduce_population_count3A_942 = tpu.all_reduce %and3A_941 {dim = 0 : i64, kind = #tpu.reduction_kind<sum>} : vector<16xi1> -> vector<16xi32>
    %broadcast_in_dim3A_943 = vector.broadcast %select_n3A_916 : i32 to vector<16xi32>
    %gather3A_944 = tpu.vector_load_idx %arg11[%broadcast_in_dim3A_943] : memref<512xi32, #tpu.memory_space<vmem>>[vector<16xi32>], vector<16xi32>,
    %broadcast_in_dim3A_945 = vector.broadcast %squeeze3A_888 : i32 to vector<16xi32>
    %eq3A_946 = arith.cmpi eq, %broadcast_in_dim3A_945, %broadcast_in_dim3A_35 : vector<16xi32>
    %add3A_947 = arith.addi %gather3A_944, %all_reduce_population_count3A_942 : vector<16xi32>
    %select_n3A_948 = arith.select %eq3A_946, %broadcast_in_dim3A_35, %add3A_947 : vector<16xi1>, vector<16xi32>
    %broadcast_in_dim3A_949 = arith.constant 13 : i32
    %broadcast_in_dim3A_950 = vector.broadcast %broadcast_in_dim3A_949 : i32 to vector<16xi32>
    tpu.vector_store_idx %arg14[%broadcast_in_dim3A_950], %select_n3A_948 masked %eq3A_29 : memref<16xi32, #tpu.memory_space<vmem>>[vector<16xi32>], vector<16xi32>, vector<16xi1>
    %slice3A_951 = vector.extract_strided_slice %select_n3A {offsets = [14], sizes = [1], strides = [1]} : vector<16xi32> to vector<1xi32>
    %squeeze3A_952 = vector.extract %slice3A_951[0] : i32 from vector<1xi32>
    %sub3A_953 = arith.constant 1 : i32
    %sub3A_954 = arith.subi %squeeze3A_952, %sub3A_953 : i32
    %max3A_955 = arith.constant 0 : i32
    %max3A_956 = arith.maxsi %sub3A_954, %max3A_955 : i32
    %jit3A_957 = arith.constant 16 : i32
    %div3A_958 = arith.divsi %max3A_956, %jit3A_957 : i32
    %sign3A_959 = arith.constant 0 : i32
    %sign3A_960 = arith.cmpi sgt, %max3A_956, %sign3A_959 : i32
    %sign3A_961 = arith.extui %sign3A_960 : i1 to i32
    %sign3A_962 = arith.constant 0 : i32
    %sign3A_963 = arith.cmpi slt, %max3A_956, %sign3A_962 : i32
    %sign3A_964 = arith.extui %sign3A_963 : i1 to i32
    %sign3A_965 = arith.subi %sign3A_961, %sign3A_964 : i32
    %sign3A_966 = arith.constant 0 : i32
    %sign3A_967 = arith.cmpi sgt, %jit3A_957, %sign3A_966 : i32
    %sign3A_968 = arith.extui %sign3A_967 : i1 to i32
    %sign3A_969 = arith.constant 0 : i32
    %sign3A_970 = arith.cmpi slt, %jit3A_957, %sign3A_969 : i32
    %sign3A_971 = arith.extui %sign3A_970 : i1 to i32
    %sign3A_972 = arith.subi %sign3A_968, %sign3A_971 : i32
    %ne3A_973 = arith.cmpi ne, %sign3A_965, %sign3A_972 : i32
    %rem3A_974 = arith.remsi %max3A_956, %jit3A_957 : i32
    %ne3A_975 = arith.constant 0 : i32
    %ne3A_976 = arith.cmpi ne, %rem3A_974, %ne3A_975 : i32
    %and3A_977 = arith.andi %ne3A_973, %ne3A_976 : i1
    %sub3A_978 = arith.constant 1 : i32
    %sub3A_979 = arith.subi %div3A_958, %sub3A_978 : i32
    %select_n3A_980 = arith.select %and3A_977, %sub3A_979, %div3A_958 : i32
    %jit3A_981 = arith.constant 16 : i32
    %eq3A_982 = arith.constant 0 : i32
    %eq3A_983 = arith.cmpi eq, %jit3A_981, %eq3A_982 : i32
    %jit3A_984 = arith.constant 1 : i32
    %select_n3A_985 = arith.select %eq3A_983, %jit3A_984, %jit3A_981 : i32
    %rem3A_986 = arith.remsi %max3A_956, %select_n3A_985 : i32
    %ne3A_987 = arith.constant 0 : i32
    %ne3A_988 = arith.cmpi ne, %rem3A_986, %ne3A_987 : i32
    %lt3A_989 = arith.constant 0 : i32
    %lt3A_990 = arith.cmpi slt, %rem3A_986, %lt3A_989 : i32
    %lt3A_991 = arith.constant 0 : i32
    %lt3A_992 = arith.cmpi slt, %select_n3A_985, %lt3A_991 : i32
    %ne3A_993 = arith.xori %lt3A_990, %lt3A_992 : i1
    %and3A_994 = arith.andi %ne3A_993, %ne3A_988 : i1
    %add3A_995 = arith.addi %rem3A_986, %select_n3A_985 : i32
    %select_n3A_996 = arith.select %and3A_994, %add3A_995, %rem3A_986 : i32
    %mul3A_997 = arith.constant 16 : i32
    %mul3A_998 = arith.muli %select_n3A_980, %mul3A_997 : i32
    %broadcast_in_dim3A_999 = vector.broadcast %mul3A_998 : i32 to vector<16xi32>
    %add3A_1000 = arith.addi %broadcast_in_dim3A_999, %iota3A : vector<16xi32>
    %gather3A_1001 = tpu.vector_load_idx %arg7[%add3A_1000] : memref<8192xi32, #tpu.memory_space<vmem>>[vector<16xi32>], vector<16xi32>,
    %eq3A_1002 = arith.cmpi eq, %gather3A_1001, %broadcast_in_dim3A_31 : vector<16xi32>
    %broadcast_in_dim3A_1003 = vector.broadcast %select_n3A_996 : i32 to vector<16xi32>
    %le3A_1004 = arith.cmpi sle, %iota3A, %broadcast_in_dim3A_1003 : vector<16xi32>
    %and3A_1005 = arith.andi %eq3A_1002, %le3A_1004 : vector<16xi1>
    %all_reduce_population_count3A_1006 = tpu.all_reduce %and3A_1005 {dim = 0 : i64, kind = #tpu.reduction_kind<sum>} : vector<16xi1> -> vector<16xi32>
    %broadcast_in_dim3A_1007 = vector.broadcast %select_n3A_980 : i32 to vector<16xi32>
    %gather3A_1008 = tpu.vector_load_idx %arg11[%broadcast_in_dim3A_1007] : memref<512xi32, #tpu.memory_space<vmem>>[vector<16xi32>], vector<16xi32>,
    %broadcast_in_dim3A_1009 = vector.broadcast %squeeze3A_952 : i32 to vector<16xi32>
    %eq3A_1010 = arith.cmpi eq, %broadcast_in_dim3A_1009, %broadcast_in_dim3A_35 : vector<16xi32>
    %add3A_1011 = arith.addi %gather3A_1008, %all_reduce_population_count3A_1006 : vector<16xi32>
    %select_n3A_1012 = arith.select %eq3A_1010, %broadcast_in_dim3A_35, %add3A_1011 : vector<16xi1>, vector<16xi32>
    %broadcast_in_dim3A_1013 = arith.constant 14 : i32
    %broadcast_in_dim3A_1014 = vector.broadcast %broadcast_in_dim3A_1013 : i32 to vector<16xi32>
    tpu.vector_store_idx %arg14[%broadcast_in_dim3A_1014], %select_n3A_1012 masked %eq3A_29 : memref<16xi32, #tpu.memory_space<vmem>>[vector<16xi32>], vector<16xi32>, vector<16xi1>
    %slice3A_1015 = vector.extract_strided_slice %select_n3A {offsets = [15], sizes = [1], strides = [1]} : vector<16xi32> to vector<1xi32>
    %squeeze3A_1016 = vector.extract %slice3A_1015[0] : i32 from vector<1xi32>
    %sub3A_1017 = arith.constant 1 : i32
    %sub3A_1018 = arith.subi %squeeze3A_1016, %sub3A_1017 : i32
    %max3A_1019 = arith.constant 0 : i32
    %max3A_1020 = arith.maxsi %sub3A_1018, %max3A_1019 : i32
    %jit3A_1021 = arith.constant 16 : i32
    %div3A_1022 = arith.divsi %max3A_1020, %jit3A_1021 : i32
    %sign3A_1023 = arith.constant 0 : i32
    %sign3A_1024 = arith.cmpi sgt, %max3A_1020, %sign3A_1023 : i32
    %sign3A_1025 = arith.extui %sign3A_1024 : i1 to i32
    %sign3A_1026 = arith.constant 0 : i32
    %sign3A_1027 = arith.cmpi slt, %max3A_1020, %sign3A_1026 : i32
    %sign3A_1028 = arith.extui %sign3A_1027 : i1 to i32
    %sign3A_1029 = arith.subi %sign3A_1025, %sign3A_1028 : i32
    %sign3A_1030 = arith.constant 0 : i32
    %sign3A_1031 = arith.cmpi sgt, %jit3A_1021, %sign3A_1030 : i32
    %sign3A_1032 = arith.extui %sign3A_1031 : i1 to i32
    %sign3A_1033 = arith.constant 0 : i32
    %sign3A_1034 = arith.cmpi slt, %jit3A_1021, %sign3A_1033 : i32
    %sign3A_1035 = arith.extui %sign3A_1034 : i1 to i32
    %sign3A_1036 = arith.subi %sign3A_1032, %sign3A_1035 : i32
    %ne3A_1037 = arith.cmpi ne, %sign3A_1029, %sign3A_1036 : i32
    %rem3A_1038 = arith.remsi %max3A_1020, %jit3A_1021 : i32
    %ne3A_1039 = arith.constant 0 : i32
    %ne3A_1040 = arith.cmpi ne, %rem3A_1038, %ne3A_1039 : i32
    %and3A_1041 = arith.andi %ne3A_1037, %ne3A_1040 : i1
    %sub3A_1042 = arith.constant 1 : i32
    %sub3A_1043 = arith.subi %div3A_1022, %sub3A_1042 : i32
    %select_n3A_1044 = arith.select %and3A_1041, %sub3A_1043, %div3A_1022 : i32
    %jit3A_1045 = arith.constant 16 : i32
    %eq3A_1046 = arith.constant 0 : i32
    %eq3A_1047 = arith.cmpi eq, %jit3A_1045, %eq3A_1046 : i32
    %jit3A_1048 = arith.constant 1 : i32
    %select_n3A_1049 = arith.select %eq3A_1047, %jit3A_1048, %jit3A_1045 : i32
    %rem3A_1050 = arith.remsi %max3A_1020, %select_n3A_1049 : i32
    %ne3A_1051 = arith.constant 0 : i32
    %ne3A_1052 = arith.cmpi ne, %rem3A_1050, %ne3A_1051 : i32
    %lt3A_1053 = arith.constant 0 : i32
    %lt3A_1054 = arith.cmpi slt, %rem3A_1050, %lt3A_1053 : i32
    %lt3A_1055 = arith.constant 0 : i32
    %lt3A_1056 = arith.cmpi slt, %select_n3A_1049, %lt3A_1055 : i32
    %ne3A_1057 = arith.xori %lt3A_1054, %lt3A_1056 : i1
    %and3A_1058 = arith.andi %ne3A_1057, %ne3A_1052 : i1
    %add3A_1059 = arith.addi %rem3A_1050, %select_n3A_1049 : i32
    %select_n3A_1060 = arith.select %and3A_1058, %add3A_1059, %rem3A_1050 : i32
    %mul3A_1061 = arith.constant 16 : i32
    %mul3A_1062 = arith.muli %select_n3A_1044, %mul3A_1061 : i32
    %broadcast_in_dim3A_1063 = vector.broadcast %mul3A_1062 : i32 to vector<16xi32>
    %add3A_1064 = arith.addi %broadcast_in_dim3A_1063, %iota3A : vector<16xi32>
    %gather3A_1065 = tpu.vector_load_idx %arg7[%add3A_1064] : memref<8192xi32, #tpu.memory_space<vmem>>[vector<16xi32>], vector<16xi32>,
    %eq3A_1066 = arith.cmpi eq, %gather3A_1065, %broadcast_in_dim3A_31 : vector<16xi32>
    %broadcast_in_dim3A_1067 = vector.broadcast %select_n3A_1060 : i32 to vector<16xi32>
    %le3A_1068 = arith.cmpi sle, %iota3A, %broadcast_in_dim3A_1067 : vector<16xi32>
    %and3A_1069 = arith.andi %eq3A_1066, %le3A_1068 : vector<16xi1>
    %all_reduce_population_count3A_1070 = tpu.all_reduce %and3A_1069 {dim = 0 : i64, kind = #tpu.reduction_kind<sum>} : vector<16xi1> -> vector<16xi32>
    %broadcast_in_dim3A_1071 = vector.broadcast %select_n3A_1044 : i32 to vector<16xi32>
    %gather3A_1072 = tpu.vector_load_idx %arg11[%broadcast_in_dim3A_1071] : memref<512xi32, #tpu.memory_space<vmem>>[vector<16xi32>], vector<16xi32>,
    %broadcast_in_dim3A_1073 = vector.broadcast %squeeze3A_1016 : i32 to vector<16xi32>
    %eq3A_1074 = arith.cmpi eq, %broadcast_in_dim3A_1073, %broadcast_in_dim3A_35 : vector<16xi32>
    %add3A_1075 = arith.addi %gather3A_1072, %all_reduce_population_count3A_1070 : vector<16xi32>
    %select_n3A_1076 = arith.select %eq3A_1074, %broadcast_in_dim3A_35, %add3A_1075 : vector<16xi1>, vector<16xi32>
    %broadcast_in_dim3A_1077 = arith.constant 15 : i32
    %broadcast_in_dim3A_1078 = vector.broadcast %broadcast_in_dim3A_1077 : i32 to vector<16xi32>
    tpu.vector_store_idx %arg14[%broadcast_in_dim3A_1078], %select_n3A_1076 masked %eq3A_29 : memref<16xi32, #tpu.memory_space<vmem>>[vector<16xi32>], vector<16xi32>, vector<16xi1>
    %slice3A_1079 = vector.extract_strided_slice %select_n3A {offsets = [0], sizes = [1], strides = [1]} : vector<16xi32> to vector<1xi32>
    %squeeze3A_1080 = vector.extract %slice3A_1079[0] : i32 from vector<1xi32>
    %broadcast_in_dim3A_1081 = vector.broadcast %squeeze3A_1080 : i32 to vector<16xi32>
    %slice3A_1082 = vector.extract_strided_slice %select_n3A {offsets = [1], sizes = [1], strides = [1]} : vector<16xi32> to vector<1xi32>
    %squeeze3A_1083 = vector.extract %slice3A_1082[0] : i32 from vector<1xi32>
    %broadcast_in_dim3A_1084 = vector.broadcast %squeeze3A_1083 : i32 to vector<16xi32>
    %slice3A_1085 = vector.extract_strided_slice %select_n3A {offsets = [2], sizes = [1], strides = [1]} : vector<16xi32> to vector<1xi32>
    %squeeze3A_1086 = vector.extract %slice3A_1085[0] : i32 from vector<1xi32>
    %broadcast_in_dim3A_1087 = vector.broadcast %squeeze3A_1086 : i32 to vector<16xi32>
    %slice3A_1088 = vector.extract_strided_slice %select_n3A {offsets = [3], sizes = [1], strides = [1]} : vector<16xi32> to vector<1xi32>
    %squeeze3A_1089 = vector.extract %slice3A_1088[0] : i32 from vector<1xi32>
    %broadcast_in_dim3A_1090 = vector.broadcast %squeeze3A_1089 : i32 to vector<16xi32>
    %slice3A_1091 = vector.extract_strided_slice %select_n3A {offsets = [4], sizes = [1], strides = [1]} : vector<16xi32> to vector<1xi32>
    %squeeze3A_1092 = vector.extract %slice3A_1091[0] : i32 from vector<1xi32>
    %broadcast_in_dim3A_1093 = vector.broadcast %squeeze3A_1092 : i32 to vector<16xi32>
    %slice3A_1094 = vector.extract_strided_slice %select_n3A {offsets = [5], sizes = [1], strides = [1]} : vector<16xi32> to vector<1xi32>
    %squeeze3A_1095 = vector.extract %slice3A_1094[0] : i32 from vector<1xi32>
    %broadcast_in_dim3A_1096 = vector.broadcast %squeeze3A_1095 : i32 to vector<16xi32>
    %slice3A_1097 = vector.extract_strided_slice %select_n3A {offsets = [6], sizes = [1], strides = [1]} : vector<16xi32> to vector<1xi32>
    %squeeze3A_1098 = vector.extract %slice3A_1097[0] : i32 from vector<1xi32>
    %broadcast_in_dim3A_1099 = vector.broadcast %squeeze3A_1098 : i32 to vector<16xi32>
    %slice3A_1100 = vector.extract_strided_slice %select_n3A {offsets = [7], sizes = [1], strides = [1]} : vector<16xi32> to vector<1xi32>
    %squeeze3A_1101 = vector.extract %slice3A_1100[0] : i32 from vector<1xi32>
    %broadcast_in_dim3A_1102 = vector.broadcast %squeeze3A_1101 : i32 to vector<16xi32>
    %slice3A_1103 = vector.extract_strided_slice %select_n3A {offsets = [8], sizes = [1], strides = [1]} : vector<16xi32> to vector<1xi32>
    %squeeze3A_1104 = vector.extract %slice3A_1103[0] : i32 from vector<1xi32>
    %broadcast_in_dim3A_1105 = vector.broadcast %squeeze3A_1104 : i32 to vector<16xi32>
    %slice3A_1106 = vector.extract_strided_slice %select_n3A {offsets = [9], sizes = [1], strides = [1]} : vector<16xi32> to vector<1xi32>
    %squeeze3A_1107 = vector.extract %slice3A_1106[0] : i32 from vector<1xi32>
    %broadcast_in_dim3A_1108 = vector.broadcast %squeeze3A_1107 : i32 to vector<16xi32>
    %slice3A_1109 = vector.extract_strided_slice %select_n3A {offsets = [10], sizes = [1], strides = [1]} : vector<16xi32> to vector<1xi32>
    %squeeze3A_1110 = vector.extract %slice3A_1109[0] : i32 from vector<1xi32>
    %broadcast_in_dim3A_1111 = vector.broadcast %squeeze3A_1110 : i32 to vector<16xi32>
    %slice3A_1112 = vector.extract_strided_slice %select_n3A {offsets = [11], sizes = [1], strides = [1]} : vector<16xi32> to vector<1xi32>
    %squeeze3A_1113 = vector.extract %slice3A_1112[0] : i32 from vector<1xi32>
    %broadcast_in_dim3A_1114 = vector.broadcast %squeeze3A_1113 : i32 to vector<16xi32>
    %slice3A_1115 = vector.extract_strided_slice %select_n3A {offsets = [12], sizes = [1], strides = [1]} : vector<16xi32> to vector<1xi32>
    %squeeze3A_1116 = vector.extract %slice3A_1115[0] : i32 from vector<1xi32>
    %broadcast_in_dim3A_1117 = vector.broadcast %squeeze3A_1116 : i32 to vector<16xi32>
    %slice3A_1118 = vector.extract_strided_slice %select_n3A {offsets = [13], sizes = [1], strides = [1]} : vector<16xi32> to vector<1xi32>
    %squeeze3A_1119 = vector.extract %slice3A_1118[0] : i32 from vector<1xi32>
    %broadcast_in_dim3A_1120 = vector.broadcast %squeeze3A_1119 : i32 to vector<16xi32>
    %slice3A_1121 = vector.extract_strided_slice %select_n3A {offsets = [14], sizes = [1], strides = [1]} : vector<16xi32> to vector<1xi32>
    %squeeze3A_1122 = vector.extract %slice3A_1121[0] : i32 from vector<1xi32>
    %broadcast_in_dim3A_1123 = vector.broadcast %squeeze3A_1122 : i32 to vector<16xi32>
    %slice3A_1124 = vector.extract_strided_slice %select_n3A {offsets = [15], sizes = [1], strides = [1]} : vector<16xi32> to vector<1xi32>
    %squeeze3A_1125 = vector.extract %slice3A_1124[0] : i32 from vector<1xi32>
    %broadcast_in_dim3A_1126 = vector.broadcast %squeeze3A_1125 : i32 to vector<16xi32>
    %scan3A = arith.constant 0 : i32
    %scan3A_1127 = arith.constant 0 : i32
    %scan3A_1128 = arith.constant 16 : i32
    %scan3A_1129 = arith.addi %scan3A_1127, %scan3A_1128 : i32
    %scan3A_1130 = arith.constant 1 : i32
    %scan3A_1131 = scf.for %scan3A_1178 = %scan3A_1127 to %scan3A_1129 step %scan3A_1130 iter_args(%scan3A_1179 = %scan3A) -> (i32)  : i32 {
      %mul3A_1180 = arith.constant 16 : i32
      %mul3A_1181 = arith.muli %add3A, %mul3A_1180 : i32
      %add3A_1182 = arith.addi %mul3A_1181, %scan3A_1178 : i32
      %mul3A_1183 = arith.constant 16 : i32
      %mul3A_1184 = arith.muli %add3A_1182, %mul3A_1183 : i32
      %get3A = arith.index_cast %mul3A_1184 : i32 to index
      %get3A_1185 = tpu.vector_load %arg7[%get3A] {strides = array<i32>} : memref<8192xi32, #tpu.memory_space<vmem>>, vector<16xi32>,
      %eq3A_1186 = arith.cmpi eq, %get3A_1185, %broadcast_in_dim3A_31 : vector<16xi32>
      %select_n3A_1187 = arith.select %eq3A_1186, %broadcast_in_dim3A_33, %broadcast_in_dim3A_35 : vector<16xi1>, vector<16xi32>
      %broadcast_in_dim3A_1188 = arith.constant true
      %broadcast_in_dim3A_1189 = vector.broadcast %broadcast_in_dim3A_1188 : i1 to vector<16xi1>
      %masked_cumsum3A = tpu.scan <sum>, %select_n3A_1187 masked %broadcast_in_dim3A_1189 : vector<16xi32>, vector<16xi1> -> vector<16xi32>
      %broadcast_in_dim3A_1190 = vector.broadcast %add3A_1182 : i32 to vector<16xi32>
      %gather3A_1191 = tpu.vector_load_idx %arg11[%broadcast_in_dim3A_1190] : memref<512xi32, #tpu.memory_space<vmem>>[vector<16xi32>], vector<16xi32>,
      %add3A_1192 = arith.addi %masked_cumsum3A, %gather3A_1191 : vector<16xi32>
      %mul3A_1193 = arith.constant 16 : i32
      %mul3A_1194 = arith.muli %scan3A_1178, %mul3A_1193 : i32
      %add3A_1195 = arith.addi %mul3A_2, %mul3A_1194 : i32
      %broadcast_in_dim3A_1196 = vector.broadcast %add3A_1195 : i32 to vector<16xi32>
      %add3A_1197 = arith.addi %iota3A, %broadcast_in_dim3A_1196 : vector<16xi32>
      %ge3A = arith.cmpi sge, %add3A_1197, %broadcast_in_dim3A_1081 : vector<16xi32>
      %select_n3A_1198 = arith.select %ge3A, %broadcast_in_dim3A_33, %broadcast_in_dim3A_35 : vector<16xi1>, vector<16xi32>
      %add3A_1199 = arith.addi %broadcast_in_dim3A_35, %select_n3A_1198 : vector<16xi32>
      %ge3A_1200 = arith.cmpi sge, %add3A_1197, %broadcast_in_dim3A_1084 : vector<16xi32>
      %select_n3A_1201 = arith.select %ge3A_1200, %broadcast_in_dim3A_33, %broadcast_in_dim3A_35 : vector<16xi1>, vector<16xi32>
      %add3A_1202 = arith.addi %add3A_1199, %select_n3A_1201 : vector<16xi32>
      %ge3A_1203 = arith.cmpi sge, %add3A_1197, %broadcast_in_dim3A_1087 : vector<16xi32>
      %select_n3A_1204 = arith.select %ge3A_1203, %broadcast_in_dim3A_33, %broadcast_in_dim3A_35 : vector<16xi1>, vector<16xi32>
      %add3A_1205 = arith.addi %add3A_1202, %select_n3A_1204 : vector<16xi32>
      %ge3A_1206 = arith.cmpi sge, %add3A_1197, %broadcast_in_dim3A_1090 : vector<16xi32>
      %select_n3A_1207 = arith.select %ge3A_1206, %broadcast_in_dim3A_33, %broadcast_in_dim3A_35 : vector<16xi1>, vector<16xi32>
      %add3A_1208 = arith.addi %add3A_1205, %select_n3A_1207 : vector<16xi32>
      %ge3A_1209 = arith.cmpi sge, %add3A_1197, %broadcast_in_dim3A_1093 : vector<16xi32>
      %select_n3A_1210 = arith.select %ge3A_1209, %broadcast_in_dim3A_33, %broadcast_in_dim3A_35 : vector<16xi1>, vector<16xi32>
      %add3A_1211 = arith.addi %add3A_1208, %select_n3A_1210 : vector<16xi32>
      %ge3A_1212 = arith.cmpi sge, %add3A_1197, %broadcast_in_dim3A_1096 : vector<16xi32>
      %select_n3A_1213 = arith.select %ge3A_1212, %broadcast_in_dim3A_33, %broadcast_in_dim3A_35 : vector<16xi1>, vector<16xi32>
      %add3A_1214 = arith.addi %add3A_1211, %select_n3A_1213 : vector<16xi32>
      %ge3A_1215 = arith.cmpi sge, %add3A_1197, %broadcast_in_dim3A_1099 : vector<16xi32>
      %select_n3A_1216 = arith.select %ge3A_1215, %broadcast_in_dim3A_33, %broadcast_in_dim3A_35 : vector<16xi1>, vector<16xi32>
      %add3A_1217 = arith.addi %add3A_1214, %select_n3A_1216 : vector<16xi32>
      %ge3A_1218 = arith.cmpi sge, %add3A_1197, %broadcast_in_dim3A_1102 : vector<16xi32>
      %select_n3A_1219 = arith.select %ge3A_1218, %broadcast_in_dim3A_33, %broadcast_in_dim3A_35 : vector<16xi1>, vector<16xi32>
      %add3A_1220 = arith.addi %add3A_1217, %select_n3A_1219 : vector<16xi32>
      %ge3A_1221 = arith.cmpi sge, %add3A_1197, %broadcast_in_dim3A_1105 : vector<16xi32>
      %select_n3A_1222 = arith.select %ge3A_1221, %broadcast_in_dim3A_33, %broadcast_in_dim3A_35 : vector<16xi1>, vector<16xi32>
      %add3A_1223 = arith.addi %add3A_1220, %select_n3A_1222 : vector<16xi32>
      %ge3A_1224 = arith.cmpi sge, %add3A_1197, %broadcast_in_dim3A_1108 : vector<16xi32>
      %select_n3A_1225 = arith.select %ge3A_1224, %broadcast_in_dim3A_33, %broadcast_in_dim3A_35 : vector<16xi1>, vector<16xi32>
      %add3A_1226 = arith.addi %add3A_1223, %select_n3A_1225 : vector<16xi32>
      %ge3A_1227 = arith.cmpi sge, %add3A_1197, %broadcast_in_dim3A_1111 : vector<16xi32>
      %select_n3A_1228 = arith.select %ge3A_1227, %broadcast_in_dim3A_33, %broadcast_in_dim3A_35 : vector<16xi1>, vector<16xi32>
      %add3A_1229 = arith.addi %add3A_1226, %select_n3A_1228 : vector<16xi32>
      %ge3A_1230 = arith.cmpi sge, %add3A_1197, %broadcast_in_dim3A_1114 : vector<16xi32>
      %select_n3A_1231 = arith.select %ge3A_1230, %broadcast_in_dim3A_33, %broadcast_in_dim3A_35 : vector<16xi1>, vector<16xi32>
      %add3A_1232 = arith.addi %add3A_1229, %select_n3A_1231 : vector<16xi32>
      %ge3A_1233 = arith.cmpi sge, %add3A_1197, %broadcast_in_dim3A_1117 : vector<16xi32>
      %select_n3A_1234 = arith.select %ge3A_1233, %broadcast_in_dim3A_33, %broadcast_in_dim3A_35 : vector<16xi1>, vector<16xi32>
      %add3A_1235 = arith.addi %add3A_1232, %select_n3A_1234 : vector<16xi32>
      %ge3A_1236 = arith.cmpi sge, %add3A_1197, %broadcast_in_dim3A_1120 : vector<16xi32>
      %select_n3A_1237 = arith.select %ge3A_1236, %broadcast_in_dim3A_33, %broadcast_in_dim3A_35 : vector<16xi1>, vector<16xi32>
      %add3A_1238 = arith.addi %add3A_1235, %select_n3A_1237 : vector<16xi32>
      %ge3A_1239 = arith.cmpi sge, %add3A_1197, %broadcast_in_dim3A_1123 : vector<16xi32>
      %select_n3A_1240 = arith.select %ge3A_1239, %broadcast_in_dim3A_33, %broadcast_in_dim3A_35 : vector<16xi1>, vector<16xi32>
      %add3A_1241 = arith.addi %add3A_1238, %select_n3A_1240 : vector<16xi32>
      %ge3A_1242 = arith.cmpi sge, %add3A_1197, %broadcast_in_dim3A_1126 : vector<16xi32>
      %select_n3A_1243 = arith.select %ge3A_1242, %broadcast_in_dim3A_33, %broadcast_in_dim3A_35 : vector<16xi1>, vector<16xi32>
      %add3A_1244 = arith.addi %add3A_1241, %select_n3A_1243 : vector<16xi32>
      %sub3A_1245 = arith.subi %add3A_1244, %broadcast_in_dim3A_33 : vector<16xi32>
      %gather3A_1246 = tpu.vector_load_idx %arg14[%sub3A_1245] : memref<16xi32, #tpu.memory_space<vmem>>[vector<16xi32>], vector<16xi32>,
      %sub3A_1247 = arith.subi %add3A_1192, %gather3A_1246 : vector<16xi32>
      %broadcast_in_dim3A_1248 = arith.constant 64 : i32
      %broadcast_in_dim3A_1249 = vector.broadcast %broadcast_in_dim3A_1248 : i32 to vector<16xi32>
      %min3A_1250 = arith.minsi %sub3A_1247, %broadcast_in_dim3A_1249 : vector<16xi32>
      %mul3A_1251 = arith.constant 16 : i32
      %mul3A_1252 = arith.muli %scan3A_1178, %mul3A_1251 : i32
      %swap3A = arith.index_cast %mul3A_1252 : i32 to index
      %swap3A_1253 = tpu.vector_load %arg12[%swap3A] {strides = array<i32>} : memref<256xi32, #tpu.memory_space<vmem>>, vector<16xi32>,
      tpu.vector_store %arg12[%swap3A], %min3A_1250 {strides = array<i32>} : memref<256xi32, #tpu.memory_space<vmem>>, vector<16xi32>,
      %scan3A_1254 = arith.constant 0 : i32
      scf.yield %scan3A_1254 : i32
    }
    %scan3A_1132 = arith.constant 16 : i32
    %broadcast_in_dim3A_1133 = arith.constant 0x7FC00000 : f32
    %broadcast_in_dim3A_1134 = vector.broadcast %broadcast_in_dim3A_1133 : f32 to vector<16xf32>
    %scan3A_1135 = arith.constant 0 : i32
    %scan3A_1136 = arith.constant 0 : i32
    %scan3A_1137 = arith.constant 64 : i32
    %scan3A_1138 = arith.addi %scan3A_1136, %scan3A_1137 : i32
    %scan3A_1139 = arith.constant 1 : i32
    %scan3A_1140 = scf.for %scan3A_1178 = %scan3A_1136 to %scan3A_1138 step %scan3A_1139 iter_args(%scan3A_1179 = %scan3A_1135) -> (i32)  : i32 {
      %mul3A_1180 = arith.constant 16 : i32
      %mul3A_1181 = arith.muli %scan3A_1178, %mul3A_1180 : i32
      %swap3A = arith.constant 64 : i32
      %swap3A_1182 = arith.index_cast %swap3A : i32 to index
      %swap3A_1183 = arith.index_cast %mul3A_1181 : i32 to index
      %swap3A_1184 = tpu.vector_load %arg8[%swap3A_1182, %swap3A_1183] {strides = array<i32>} : memref<65x1024xf32, #tpu.memory_space<vmem>>, vector<16xf32>,
      tpu.vector_store %arg8[%swap3A_1182, %swap3A_1183], %broadcast_in_dim3A_1134 {strides = array<i32>} : memref<65x1024xf32, #tpu.memory_space<vmem>>, vector<16xf32>,
      %scan3A_1185 = arith.constant 0 : i32
      scf.yield %scan3A_1185 : i32
    }
    %scan3A_1141 = arith.constant 64 : i32
    %dma_wait3A = arith.constant 0 : i32
    %dma_wait3A_1142 = arith.constant 0 : i32
    %dma_wait3A_1143 = tpu.memref_slice %arg8[%dma_wait3A, %dma_wait3A_1142] : memref<65x1024xf32, #tpu.memory_space<vmem>> -> memref<64x1024xf32, #tpu.memory_space<vmem>>
    %dma_wait3A_1144 = arith.constant 0 : i32
    %dma_wait3A_1145 = arith.constant 0 : i32
    %dma_wait3A_1146 = tpu.memref_slice %arg8[%dma_wait3A_1144, %dma_wait3A_1145] : memref<65x1024xf32, #tpu.memory_space<vmem>> -> memref<64x1024xf32, #tpu.memory_space<vmem>>
    tpu.wait_dma2 semaphore(%arg27 : memref<!tpu.dma_semaphore, #tpu.memory_space<semaphore_mem>>) src(%arg9 : memref<64x1024xf32, #tpu.memory_space<vmem_shared>>) dst(%dma_wait3A_1146 : memref<64x1024xf32, #tpu.memory_space<vmem>>)
    %scan3A_1147 = arith.constant 0 : i32
    %scan3A_1148 = arith.constant 0 : i32
    %scan3A_1149 = arith.constant 8 : i32
    %scan3A_1150 = arith.addi %scan3A_1148, %scan3A_1149 : i32
    %scan3A_1151 = arith.constant 1 : i32
    %scan3A_1152 = scf.for %scan3A_1178 = %scan3A_1148 to %scan3A_1150 step %scan3A_1151 iter_args(%scan3A_1179 = %scan3A_1147) -> (i32)  : i32 {
      %mul3A_1180 = arith.constant 32 : i32
      %mul3A_1181 = arith.muli %scan3A_1178, %mul3A_1180 : i32
      %add3A_1182 = arith.constant 0 : i32
      %add3A_1183 = arith.addi %mul3A_1181, %add3A_1182 : i32
      %get3A = arith.index_cast %add3A_1183 : i32 to index
      %get3A_1184 = tpu.vector_load %arg12[%get3A] {strides = array<i32>} : memref<256xi32, #tpu.memory_space<vmem>>, vector<16xi32>,
      %mul3A_1185 = arith.constant 32 : i32
      %mul3A_1186 = arith.muli %scan3A_1178, %mul3A_1185 : i32
      %add3A_1187 = arith.constant 16 : i32
      %add3A_1188 = arith.addi %mul3A_1186, %add3A_1187 : i32
      %get3A_1189 = arith.index_cast %add3A_1188 : i32 to index
      %get3A_1190 = tpu.vector_load %arg12[%get3A_1189] {strides = array<i32>} : memref<256xi32, #tpu.memory_space<vmem>>, vector<16xi32>,
      %slice3A_1191 = vector.extract_strided_slice %get3A_1184 {offsets = [0], sizes = [1], strides = [1]} : vector<16xi32> to vector<1xi32>
      %squeeze3A_1192 = vector.extract %slice3A_1191[0] : i32 from vector<1xi32>
      %slice3A_1193 = vector.extract_strided_slice %get3A_1184 {offsets = [1], sizes = [1], strides = [1]} : vector<16xi32> to vector<1xi32>
      %squeeze3A_1194 = vector.extract %slice3A_1193[0] : i32 from vector<1xi32>
      %slice3A_1195 = vector.extract_strided_slice %get3A_1184 {offsets = [2], sizes = [1], strides = [1]} : vector<16xi32> to vector<1xi32>
      %squeeze3A_1196 = vector.extract %slice3A_1195[0] : i32 from vector<1xi32>
      %slice3A_1197 = vector.extract_strided_slice %get3A_1184 {offsets = [3], sizes = [1], strides = [1]} : vector<16xi32> to vector<1xi32>
      %squeeze3A_1198 = vector.extract %slice3A_1197[0] : i32 from vector<1xi32>
      %slice3A_1199 = vector.extract_strided_slice %get3A_1184 {offsets = [4], sizes = [1], strides = [1]} : vector<16xi32> to vector<1xi32>
      %squeeze3A_1200 = vector.extract %slice3A_1199[0] : i32 from vector<1xi32>
      %slice3A_1201 = vector.extract_strided_slice %get3A_1184 {offsets = [5], sizes = [1], strides = [1]} : vector<16xi32> to vector<1xi32>
      %squeeze3A_1202 = vector.extract %slice3A_1201[0] : i32 from vector<1xi32>
      %slice3A_1203 = vector.extract_strided_slice %get3A_1184 {offsets = [6], sizes = [1], strides = [1]} : vector<16xi32> to vector<1xi32>
      %squeeze3A_1204 = vector.extract %slice3A_1203[0] : i32 from vector<1xi32>
      %slice3A_1205 = vector.extract_strided_slice %get3A_1184 {offsets = [7], sizes = [1], strides = [1]} : vector<16xi32> to vector<1xi32>
      %squeeze3A_1206 = vector.extract %slice3A_1205[0] : i32 from vector<1xi32>
      %slice3A_1207 = vector.extract_strided_slice %get3A_1184 {offsets = [8], sizes = [1], strides = [1]} : vector<16xi32> to vector<1xi32>
      %squeeze3A_1208 = vector.extract %slice3A_1207[0] : i32 from vector<1xi32>
      %slice3A_1209 = vector.extract_strided_slice %get3A_1184 {offsets = [9], sizes = [1], strides = [1]} : vector<16xi32> to vector<1xi32>
      %squeeze3A_1210 = vector.extract %slice3A_1209[0] : i32 from vector<1xi32>
      %slice3A_1211 = vector.extract_strided_slice %get3A_1184 {offsets = [10], sizes = [1], strides = [1]} : vector<16xi32> to vector<1xi32>
      %squeeze3A_1212 = vector.extract %slice3A_1211[0] : i32 from vector<1xi32>
      %slice3A_1213 = vector.extract_strided_slice %get3A_1184 {offsets = [11], sizes = [1], strides = [1]} : vector<16xi32> to vector<1xi32>
      %squeeze3A_1214 = vector.extract %slice3A_1213[0] : i32 from vector<1xi32>
      %slice3A_1215 = vector.extract_strided_slice %get3A_1184 {offsets = [12], sizes = [1], strides = [1]} : vector<16xi32> to vector<1xi32>
      %squeeze3A_1216 = vector.extract %slice3A_1215[0] : i32 from vector<1xi32>
      %slice3A_1217 = vector.extract_strided_slice %get3A_1184 {offsets = [13], sizes = [1], strides = [1]} : vector<16xi32> to vector<1xi32>
      %squeeze3A_1218 = vector.extract %slice3A_1217[0] : i32 from vector<1xi32>
      %slice3A_1219 = vector.extract_strided_slice %get3A_1184 {offsets = [14], sizes = [1], strides = [1]} : vector<16xi32> to vector<1xi32>
      %squeeze3A_1220 = vector.extract %slice3A_1219[0] : i32 from vector<1xi32>
      %slice3A_1221 = vector.extract_strided_slice %get3A_1184 {offsets = [15], sizes = [1], strides = [1]} : vector<16xi32> to vector<1xi32>
      %squeeze3A_1222 = vector.extract %slice3A_1221[0] : i32 from vector<1xi32>
      %slice3A_1223 = vector.extract_strided_slice %get3A_1190 {offsets = [0], sizes = [1], strides = [1]} : vector<16xi32> to vector<1xi32>
      %squeeze3A_1224 = vector.extract %slice3A_1223[0] : i32 from vector<1xi32>
      %slice3A_1225 = vector.extract_strided_slice %get3A_1190 {offsets = [1], sizes = [1], strides = [1]} : vector<16xi32> to vector<1xi32>
      %squeeze3A_1226 = vector.extract %slice3A_1225[0] : i32 from vector<1xi32>
      %slice3A_1227 = vector.extract_strided_slice %get3A_1190 {offsets = [2], sizes = [1], strides = [1]} : vector<16xi32> to vector<1xi32>
      %squeeze3A_1228 = vector.extract %slice3A_1227[0] : i32 from vector<1xi32>
      %slice3A_1229 = vector.extract_strided_slice %get3A_1190 {offsets = [3], sizes = [1], strides = [1]} : vector<16xi32> to vector<1xi32>
      %squeeze3A_1230 = vector.extract %slice3A_1229[0] : i32 from vector<1xi32>
      %slice3A_1231 = vector.extract_strided_slice %get3A_1190 {offsets = [4], sizes = [1], strides = [1]} : vector<16xi32> to vector<1xi32>
      %squeeze3A_1232 = vector.extract %slice3A_1231[0] : i32 from vector<1xi32>
      %slice3A_1233 = vector.extract_strided_slice %get3A_1190 {offsets = [5], sizes = [1], strides = [1]} : vector<16xi32> to vector<1xi32>
      %squeeze3A_1234 = vector.extract %slice3A_1233[0] : i32 from vector<1xi32>
      %slice3A_1235 = vector.extract_strided_slice %get3A_1190 {offsets = [6], sizes = [1], strides = [1]} : vector<16xi32> to vector<1xi32>
      %squeeze3A_1236 = vector.extract %slice3A_1235[0] : i32 from vector<1xi32>
      %slice3A_1237 = vector.extract_strided_slice %get3A_1190 {offsets = [7], sizes = [1], strides = [1]} : vector<16xi32> to vector<1xi32>
      %squeeze3A_1238 = vector.extract %slice3A_1237[0] : i32 from vector<1xi32>
      %slice3A_1239 = vector.extract_strided_slice %get3A_1190 {offsets = [8], sizes = [1], strides = [1]} : vector<16xi32> to vector<1xi32>
      %squeeze3A_1240 = vector.extract %slice3A_1239[0] : i32 from vector<1xi32>
      %slice3A_1241 = vector.extract_strided_slice %get3A_1190 {offsets = [9], sizes = [1], strides = [1]} : vector<16xi32> to vector<1xi32>
      %squeeze3A_1242 = vector.extract %slice3A_1241[0] : i32 from vector<1xi32>
      %slice3A_1243 = vector.extract_strided_slice %get3A_1190 {offsets = [10], sizes = [1], strides = [1]} : vector<16xi32> to vector<1xi32>
      %squeeze3A_1244 = vector.extract %slice3A_1243[0] : i32 from vector<1xi32>
      %slice3A_1245 = vector.extract_strided_slice %get3A_1190 {offsets = [11], sizes = [1], strides = [1]} : vector<16xi32> to vector<1xi32>
      %squeeze3A_1246 = vector.extract %slice3A_1245[0] : i32 from vector<1xi32>
      %slice3A_1247 = vector.extract_strided_slice %get3A_1190 {offsets = [12], sizes = [1], strides = [1]} : vector<16xi32> to vector<1xi32>
      %squeeze3A_1248 = vector.extract %slice3A_1247[0] : i32 from vector<1xi32>
      %slice3A_1249 = vector.extract_strided_slice %get3A_1190 {offsets = [13], sizes = [1], strides = [1]} : vector<16xi32> to vector<1xi32>
      %squeeze3A_1250 = vector.extract %slice3A_1249[0] : i32 from vector<1xi32>
      %slice3A_1251 = vector.extract_strided_slice %get3A_1190 {offsets = [14], sizes = [1], strides = [1]} : vector<16xi32> to vector<1xi32>
      %squeeze3A_1252 = vector.extract %slice3A_1251[0] : i32 from vector<1xi32>
      %slice3A_1253 = vector.extract_strided_slice %get3A_1190 {offsets = [15], sizes = [1], strides = [1]} : vector<16xi32> to vector<1xi32>
      %squeeze3A_1254 = vector.extract %slice3A_1253[0] : i32 from vector<1xi32>
      %mul3A_1255 = arith.constant 4 : i32
      %mul3A_1256 = arith.muli %scan3A_1178, %mul3A_1255 : i32
      %add3A_1257 = arith.constant 0 : i32
      %add3A_1258 = arith.addi %mul3A_1256, %add3A_1257 : i32
      %mul3A_1259 = arith.constant 8 : i32
      %mul3A_1260 = arith.muli %add3A_1258, %mul3A_1259 : i32
      %add3A_1261 = arith.addi %mul3A_2, %mul3A_1260 : i32
      %dma_wait3A_1262 = tpu.memref_slice %arg7[%add3A_1261] : memref<8192xi32, #tpu.memory_space<vmem>> -> memref<8xi32, #tpu.memory_space<vmem>>
      %dma_wait3A_1263 = arith.constant 0 : i32
      %dma_wait3A_1264 = arith.constant 0 : i32
      %dma_wait3A_1265 = tpu.memref_slice %arg2[%dma_wait3A_1263, %dma_wait3A_1264] : memref<50000x1024xf32, #tpu.memory_space<hbm>> -> memref<50000x1024xf32, #tpu.memory_space<hbm>>
      tpu.wait_indirect_dma semaphore(%arg19 : memref<!tpu.dma_semaphore, #tpu.memory_space<semaphore_mem>>) src(%dma_wait3A_1265 : memref<50000x1024xf32, #tpu.memory_space<hbm>>) dst(%arg15 : memref<8x1024xf32, #tpu.memory_space<vmem>>)
      %parallel_loop3A = arith.constant 0 : i32
      %parallel_loop3A_1266 = arith.constant 1024 : i32
      %parallel_loop3A_1267 = arith.constant 16 : i32
      scf.for %parallel_loop3A_1459 = %parallel_loop3A to %parallel_loop3A_1266 step %parallel_loop3A_1267  : i32 {
        %parallel_loop3A_1460 = arith.index_cast %squeeze3A_1192 : i32 to index
        %parallel_loop3A_1461 = arith.index_cast %parallel_loop3A_1459 : i32 to index
        %parallel_loop3A_1462 = tpu.vector_load %arg8[%parallel_loop3A_1460, %parallel_loop3A_1461] {strides = array<i32>} : memref<65x1024xf32, #tpu.memory_space<vmem>>, vector<16xf32>,
        %parallel_loop3A_1463 = arith.constant 0 : i32
        %parallel_loop3A_1464 = arith.index_cast %parallel_loop3A_1463 : i32 to index
        %parallel_loop3A_1465 = arith.index_cast %parallel_loop3A_1459 : i32 to index
        %parallel_loop3A_1466 = tpu.vector_load %arg15[%parallel_loop3A_1464, %parallel_loop3A_1465] {strides = array<i32>} : memref<8x1024xf32, #tpu.memory_space<vmem>>, vector<16xf32>,
        tpu.vector_store %arg15[%parallel_loop3A_1464, %parallel_loop3A_1465], %parallel_loop3A_1462 {add = true, strides = array<i32>} : memref<8x1024xf32, #tpu.memory_space<vmem>>, vector<16xf32>,
      } {sc.loop_unroll_factor = 8 : i64, sc.parallel_access}
      %parallel_loop3A_1268 = arith.constant 0 : i32
      %parallel_loop3A_1269 = arith.constant 1024 : i32
      %parallel_loop3A_1270 = arith.constant 16 : i32
      scf.for %parallel_loop3A_1459 = %parallel_loop3A_1268 to %parallel_loop3A_1269 step %parallel_loop3A_1270  : i32 {
        %parallel_loop3A_1460 = arith.index_cast %squeeze3A_1194 : i32 to index
        %parallel_loop3A_1461 = arith.index_cast %parallel_loop3A_1459 : i32 to index
        %parallel_loop3A_1462 = tpu.vector_load %arg8[%parallel_loop3A_1460, %parallel_loop3A_1461] {strides = array<i32>} : memref<65x1024xf32, #tpu.memory_space<vmem>>, vector<16xf32>,
        %parallel_loop3A_1463 = arith.constant 1 : i32
        %parallel_loop3A_1464 = arith.index_cast %parallel_loop3A_1463 : i32 to index
        %parallel_loop3A_1465 = arith.index_cast %parallel_loop3A_1459 : i32 to index
        %parallel_loop3A_1466 = tpu.vector_load %arg15[%parallel_loop3A_1464, %parallel_loop3A_1465] {strides = array<i32>} : memref<8x1024xf32, #tpu.memory_space<vmem>>, vector<16xf32>,
        tpu.vector_store %arg15[%parallel_loop3A_1464, %parallel_loop3A_1465], %parallel_loop3A_1462 {add = true, strides = array<i32>} : memref<8x1024xf32, #tpu.memory_space<vmem>>, vector<16xf32>,
      } {sc.loop_unroll_factor = 8 : i64, sc.parallel_access}
      %parallel_loop3A_1271 = arith.constant 0 : i32
      %parallel_loop3A_1272 = arith.constant 1024 : i32
      %parallel_loop3A_1273 = arith.constant 16 : i32
      scf.for %parallel_loop3A_1459 = %parallel_loop3A_1271 to %parallel_loop3A_1272 step %parallel_loop3A_1273  : i32 {
        %parallel_loop3A_1460 = arith.index_cast %squeeze3A_1196 : i32 to index
        %parallel_loop3A_1461 = arith.index_cast %parallel_loop3A_1459 : i32 to index
        %parallel_loop3A_1462 = tpu.vector_load %arg8[%parallel_loop3A_1460, %parallel_loop3A_1461] {strides = array<i32>} : memref<65x1024xf32, #tpu.memory_space<vmem>>, vector<16xf32>,
        %parallel_loop3A_1463 = arith.constant 2 : i32
        %parallel_loop3A_1464 = arith.index_cast %parallel_loop3A_1463 : i32 to index
        %parallel_loop3A_1465 = arith.index_cast %parallel_loop3A_1459 : i32 to index
        %parallel_loop3A_1466 = tpu.vector_load %arg15[%parallel_loop3A_1464, %parallel_loop3A_1465] {strides = array<i32>} : memref<8x1024xf32, #tpu.memory_space<vmem>>, vector<16xf32>,
        tpu.vector_store %arg15[%parallel_loop3A_1464, %parallel_loop3A_1465], %parallel_loop3A_1462 {add = true, strides = array<i32>} : memref<8x1024xf32, #tpu.memory_space<vmem>>, vector<16xf32>,
      } {sc.loop_unroll_factor = 8 : i64, sc.parallel_access}
      %parallel_loop3A_1274 = arith.constant 0 : i32
      %parallel_loop3A_1275 = arith.constant 1024 : i32
      %parallel_loop3A_1276 = arith.constant 16 : i32
      scf.for %parallel_loop3A_1459 = %parallel_loop3A_1274 to %parallel_loop3A_1275 step %parallel_loop3A_1276  : i32 {
        %parallel_loop3A_1460 = arith.index_cast %squeeze3A_1198 : i32 to index
        %parallel_loop3A_1461 = arith.index_cast %parallel_loop3A_1459 : i32 to index
        %parallel_loop3A_1462 = tpu.vector_load %arg8[%parallel_loop3A_1460, %parallel_loop3A_1461] {strides = array<i32>} : memref<65x1024xf32, #tpu.memory_space<vmem>>, vector<16xf32>,
        %parallel_loop3A_1463 = arith.constant 3 : i32
        %parallel_loop3A_1464 = arith.index_cast %parallel_loop3A_1463 : i32 to index
        %parallel_loop3A_1465 = arith.index_cast %parallel_loop3A_1459 : i32 to index
        %parallel_loop3A_1466 = tpu.vector_load %arg15[%parallel_loop3A_1464, %parallel_loop3A_1465] {strides = array<i32>} : memref<8x1024xf32, #tpu.memory_space<vmem>>, vector<16xf32>,
        tpu.vector_store %arg15[%parallel_loop3A_1464, %parallel_loop3A_1465], %parallel_loop3A_1462 {add = true, strides = array<i32>} : memref<8x1024xf32, #tpu.memory_space<vmem>>, vector<16xf32>,
      } {sc.loop_unroll_factor = 8 : i64, sc.parallel_access}
      %parallel_loop3A_1277 = arith.constant 0 : i32
      %parallel_loop3A_1278 = arith.constant 1024 : i32
      %parallel_loop3A_1279 = arith.constant 16 : i32
      scf.for %parallel_loop3A_1459 = %parallel_loop3A_1277 to %parallel_loop3A_1278 step %parallel_loop3A_1279  : i32 {
        %parallel_loop3A_1460 = arith.index_cast %squeeze3A_1200 : i32 to index
        %parallel_loop3A_1461 = arith.index_cast %parallel_loop3A_1459 : i32 to index
        %parallel_loop3A_1462 = tpu.vector_load %arg8[%parallel_loop3A_1460, %parallel_loop3A_1461] {strides = array<i32>} : memref<65x1024xf32, #tpu.memory_space<vmem>>, vector<16xf32>,
        %parallel_loop3A_1463 = arith.constant 4 : i32
        %parallel_loop3A_1464 = arith.index_cast %parallel_loop3A_1463 : i32 to index
        %parallel_loop3A_1465 = arith.index_cast %parallel_loop3A_1459 : i32 to index
        %parallel_loop3A_1466 = tpu.vector_load %arg15[%parallel_loop3A_1464, %parallel_loop3A_1465] {strides = array<i32>} : memref<8x1024xf32, #tpu.memory_space<vmem>>, vector<16xf32>,
        tpu.vector_store %arg15[%parallel_loop3A_1464, %parallel_loop3A_1465], %parallel_loop3A_1462 {add = true, strides = array<i32>} : memref<8x1024xf32, #tpu.memory_space<vmem>>, vector<16xf32>,
      } {sc.loop_unroll_factor = 8 : i64, sc.parallel_access}
      %parallel_loop3A_1280 = arith.constant 0 : i32
      %parallel_loop3A_1281 = arith.constant 1024 : i32
      %parallel_loop3A_1282 = arith.constant 16 : i32
      scf.for %parallel_loop3A_1459 = %parallel_loop3A_1280 to %parallel_loop3A_1281 step %parallel_loop3A_1282  : i32 {
        %parallel_loop3A_1460 = arith.index_cast %squeeze3A_1202 : i32 to index
        %parallel_loop3A_1461 = arith.index_cast %parallel_loop3A_1459 : i32 to index
        %parallel_loop3A_1462 = tpu.vector_load %arg8[%parallel_loop3A_1460, %parallel_loop3A_1461] {strides = array<i32>} : memref<65x1024xf32, #tpu.memory_space<vmem>>, vector<16xf32>,
        %parallel_loop3A_1463 = arith.constant 5 : i32
        %parallel_loop3A_1464 = arith.index_cast %parallel_loop3A_1463 : i32 to index
        %parallel_loop3A_1465 = arith.index_cast %parallel_loop3A_1459 : i32 to index
        %parallel_loop3A_1466 = tpu.vector_load %arg15[%parallel_loop3A_1464, %parallel_loop3A_1465] {strides = array<i32>} : memref<8x1024xf32, #tpu.memory_space<vmem>>, vector<16xf32>,
        tpu.vector_store %arg15[%parallel_loop3A_1464, %parallel_loop3A_1465], %parallel_loop3A_1462 {add = true, strides = array<i32>} : memref<8x1024xf32, #tpu.memory_space<vmem>>, vector<16xf32>,
      } {sc.loop_unroll_factor = 8 : i64, sc.parallel_access}
      %parallel_loop3A_1283 = arith.constant 0 : i32
      %parallel_loop3A_1284 = arith.constant 1024 : i32
      %parallel_loop3A_1285 = arith.constant 16 : i32
      scf.for %parallel_loop3A_1459 = %parallel_loop3A_1283 to %parallel_loop3A_1284 step %parallel_loop3A_1285  : i32 {
        %parallel_loop3A_1460 = arith.index_cast %squeeze3A_1204 : i32 to index
        %parallel_loop3A_1461 = arith.index_cast %parallel_loop3A_1459 : i32 to index
        %parallel_loop3A_1462 = tpu.vector_load %arg8[%parallel_loop3A_1460, %parallel_loop3A_1461] {strides = array<i32>} : memref<65x1024xf32, #tpu.memory_space<vmem>>, vector<16xf32>,
        %parallel_loop3A_1463 = arith.constant 6 : i32
        %parallel_loop3A_1464 = arith.index_cast %parallel_loop3A_1463 : i32 to index
        %parallel_loop3A_1465 = arith.index_cast %parallel_loop3A_1459 : i32 to index
        %parallel_loop3A_1466 = tpu.vector_load %arg15[%parallel_loop3A_1464, %parallel_loop3A_1465] {strides = array<i32>} : memref<8x1024xf32, #tpu.memory_space<vmem>>, vector<16xf32>,
        tpu.vector_store %arg15[%parallel_loop3A_1464, %parallel_loop3A_1465], %parallel_loop3A_1462 {add = true, strides = array<i32>} : memref<8x1024xf32, #tpu.memory_space<vmem>>, vector<16xf32>,
      } {sc.loop_unroll_factor = 8 : i64, sc.parallel_access}
      %parallel_loop3A_1286 = arith.constant 0 : i32
      %parallel_loop3A_1287 = arith.constant 1024 : i32
      %parallel_loop3A_1288 = arith.constant 16 : i32
      scf.for %parallel_loop3A_1459 = %parallel_loop3A_1286 to %parallel_loop3A_1287 step %parallel_loop3A_1288  : i32 {
        %parallel_loop3A_1460 = arith.index_cast %squeeze3A_1206 : i32 to index
        %parallel_loop3A_1461 = arith.index_cast %parallel_loop3A_1459 : i32 to index
        %parallel_loop3A_1462 = tpu.vector_load %arg8[%parallel_loop3A_1460, %parallel_loop3A_1461] {strides = array<i32>} : memref<65x1024xf32, #tpu.memory_space<vmem>>, vector<16xf32>,
        %parallel_loop3A_1463 = arith.constant 7 : i32
        %parallel_loop3A_1464 = arith.index_cast %parallel_loop3A_1463 : i32 to index
        %parallel_loop3A_1465 = arith.index_cast %parallel_loop3A_1459 : i32 to index
        %parallel_loop3A_1466 = tpu.vector_load %arg15[%parallel_loop3A_1464, %parallel_loop3A_1465] {strides = array<i32>} : memref<8x1024xf32, #tpu.memory_space<vmem>>, vector<16xf32>,
        tpu.vector_store %arg15[%parallel_loop3A_1464, %parallel_loop3A_1465], %parallel_loop3A_1462 {add = true, strides = array<i32>} : memref<8x1024xf32, #tpu.memory_space<vmem>>, vector<16xf32>,
      } {sc.loop_unroll_factor = 8 : i64, sc.parallel_access}
      %mul3A_1289 = arith.constant 8 : i32
      %mul3A_1290 = arith.muli %add3A_1258, %mul3A_1289 : i32
      %add3A_1291 = arith.addi %mul3A_2, %mul3A_1290 : i32
      %dma_start3A_1292 = arith.constant 0 : i32
      %dma_start3A_1293 = tpu.memref_slice %arg6[%add3A_1291, %dma_start3A_1292] : memref<8192x1024xf32, #tpu.memory_space<hbm>> -> memref<8x1024xf32, #tpu.memory_space<hbm>>
      %dma_start3A_1294 = arith.constant 0 : i32
      %dma_start3A_1295 = tpu.memref_slice %arg6[%add3A_1291, %dma_start3A_1294] : memref<8192x1024xf32, #tpu.memory_space<hbm>> -> memref<8x1024xf32, #tpu.memory_space<hbm>>
      tpu.enqueue_dma source(%arg15 : memref<8x1024xf32, #tpu.memory_space<vmem>>) target(%dma_start3A_1295 : memref<8x1024xf32, #tpu.memory_space<hbm>>) target_semaphore(%arg23 : memref<!tpu.dma_semaphore, #tpu.memory_space<semaphore_mem>>)
      %add3A_1296 = arith.constant 4 : i32
      %add3A_1297 = arith.addi %add3A_1258, %add3A_1296 : i32
      %sub3A_1298 = arith.constant 1 : i32
      %sub3A_1299 = arith.subi %add3A_1297, %sub3A_1298 : i32
      %lt3A_1300 = arith.constant 32 : i32
      %lt3A_1301 = arith.cmpi slt, %sub3A_1299, %lt3A_1300 : i32
      %convert_element_type3A_1302 = arith.extui %lt3A_1301 : i1 to i32
      %cond3A_1303 = arith.constant 0 : i32
      %cond3A_1304 = arith.cmpi ne, %convert_element_type3A_1302, %cond3A_1303 : i32
      scf.if %cond3A_1304 {
        %ge3A = arith.constant 1 : i32
        %ge3A_1459 = arith.cmpi sge, %add3A_1258, %ge3A : i32
        %convert_element_type3A_1460 = arith.extui %ge3A_1459 : i1 to i32
        %cond3A_1461 = arith.constant 0 : i32
        %cond3A_1462 = arith.cmpi ne, %convert_element_type3A_1460, %cond3A_1461 : i32
        scf.if %cond3A_1462 {
          %sub3A_1474 = arith.constant 1 : i32
          %sub3A_1475 = arith.subi %add3A_1258, %sub3A_1474 : i32
          %mul3A_1476 = arith.constant 8 : i32
          %mul3A_1477 = arith.muli %sub3A_1475, %mul3A_1476 : i32
          %add3A_1478 = arith.addi %mul3A_2, %mul3A_1477 : i32
          %dma_wait3A_1479 = arith.constant 0 : i32
          %dma_wait3A_1480 = tpu.memref_slice %arg6[%add3A_1478, %dma_wait3A_1479] : memref<8192x1024xf32, #tpu.memory_space<hbm>> -> memref<8x1024xf32, #tpu.memory_space<hbm>>
          %dma_wait3A_1481 = arith.constant 0 : i32
          %dma_wait3A_1482 = tpu.memref_slice %arg6[%add3A_1478, %dma_wait3A_1481] : memref<8192x1024xf32, #tpu.memory_space<hbm>> -> memref<8x1024xf32, #tpu.memory_space<hbm>>
          tpu.wait_dma2 semaphore(%arg26 : memref<!tpu.dma_semaphore, #tpu.memory_space<semaphore_mem>>) src(%arg18 : memref<8x1024xf32, #tpu.memory_space<vmem>>) dst(%dma_wait3A_1482 : memref<8x1024xf32, #tpu.memory_space<hbm>>)
        } else {
        }
        %add3A_1463 = arith.constant 4 : i32
        %add3A_1464 = arith.addi %add3A_1258, %add3A_1463 : i32
        %sub3A_1465 = arith.constant 1 : i32
        %sub3A_1466 = arith.subi %add3A_1464, %sub3A_1465 : i32
        %mul3A_1467 = arith.constant 8 : i32
        %mul3A_1468 = arith.muli %sub3A_1466, %mul3A_1467 : i32
        %add3A_1469 = arith.addi %mul3A_2, %mul3A_1468 : i32
        %dma_start3A_1470 = tpu.memref_slice %arg7[%add3A_1469] : memref<8192xi32, #tpu.memory_space<vmem>> -> memref<8xi32, #tpu.memory_space<vmem>>
        %dma_start3A_1471 = arith.constant 0 : i32
        %dma_start3A_1472 = arith.constant 0 : i32
        %dma_start3A_1473 = tpu.memref_slice %arg2[%dma_start3A_1471, %dma_start3A_1472] : memref<50000x1024xf32, #tpu.memory_space<hbm>> -> memref<50000x1024xf32, #tpu.memory_space<hbm>>
        tpu.enqueue_indirect_dma source(%dma_start3A_1473 : memref<50000x1024xf32, #tpu.memory_space<hbm>>) target(%arg18 : memref<8x1024xf32, #tpu.memory_space<vmem>>) offsets(%dma_start3A_1470 : memref<8xi32, #tpu.memory_space<vmem>>) semaphore(%arg22 : memref<!tpu.dma_semaphore, #tpu.memory_space<semaphore_mem>>)
      } else {
      }
      %mul3A_1305 = arith.constant 4 : i32
      %mul3A_1306 = arith.muli %scan3A_1178, %mul3A_1305 : i32
      %add3A_1307 = arith.constant 1 : i32
      %add3A_1308 = arith.addi %mul3A_1306, %add3A_1307 : i32
      %mul3A_1309 = arith.constant 8 : i32
      %mul3A_1310 = arith.muli %add3A_1308, %mul3A_1309 : i32
      %add3A_1311 = arith.addi %mul3A_2, %mul3A_1310 : i32
      %dma_wait3A_1312 = tpu.memref_slice %arg7[%add3A_1311] : memref<8192xi32, #tpu.memory_space<vmem>> -> memref<8xi32, #tpu.memory_space<vmem>>
      %dma_wait3A_1313 = arith.constant 0 : i32
      %dma_wait3A_1314 = arith.constant 0 : i32
      %dma_wait3A_1315 = tpu.memref_slice %arg2[%dma_wait3A_1313, %dma_wait3A_1314] : memref<50000x1024xf32, #tpu.memory_space<hbm>> -> memref<50000x1024xf32, #tpu.memory_space<hbm>>
      tpu.wait_indirect_dma semaphore(%arg20 : memref<!tpu.dma_semaphore, #tpu.memory_space<semaphore_mem>>) src(%dma_wait3A_1315 : memref<50000x1024xf32, #tpu.memory_space<hbm>>) dst(%arg16 : memref<8x1024xf32, #tpu.memory_space<vmem>>)
      %parallel_loop3A_1316 = arith.constant 0 : i32
      %parallel_loop3A_1317 = arith.constant 1024 : i32
      %parallel_loop3A_1318 = arith.constant 16 : i32
      scf.for %parallel_loop3A_1459 = %parallel_loop3A_1316 to %parallel_loop3A_1317 step %parallel_loop3A_1318  : i32 {
        %parallel_loop3A_1460 = arith.index_cast %squeeze3A_1208 : i32 to index
        %parallel_loop3A_1461 = arith.index_cast %parallel_loop3A_1459 : i32 to index
        %parallel_loop3A_1462 = tpu.vector_load %arg8[%parallel_loop3A_1460, %parallel_loop3A_1461] {strides = array<i32>} : memref<65x1024xf32, #tpu.memory_space<vmem>>, vector<16xf32>,
        %parallel_loop3A_1463 = arith.constant 0 : i32
        %parallel_loop3A_1464 = arith.index_cast %parallel_loop3A_1463 : i32 to index
        %parallel_loop3A_1465 = arith.index_cast %parallel_loop3A_1459 : i32 to index
        %parallel_loop3A_1466 = tpu.vector_load %arg16[%parallel_loop3A_1464, %parallel_loop3A_1465] {strides = array<i32>} : memref<8x1024xf32, #tpu.memory_space<vmem>>, vector<16xf32>,
        tpu.vector_store %arg16[%parallel_loop3A_1464, %parallel_loop3A_1465], %parallel_loop3A_1462 {add = true, strides = array<i32>} : memref<8x1024xf32, #tpu.memory_space<vmem>>, vector<16xf32>,
      } {sc.loop_unroll_factor = 8 : i64, sc.parallel_access}
      %parallel_loop3A_1319 = arith.constant 0 : i32
      %parallel_loop3A_1320 = arith.constant 1024 : i32
      %parallel_loop3A_1321 = arith.constant 16 : i32
      scf.for %parallel_loop3A_1459 = %parallel_loop3A_1319 to %parallel_loop3A_1320 step %parallel_loop3A_1321  : i32 {
        %parallel_loop3A_1460 = arith.index_cast %squeeze3A_1210 : i32 to index
        %parallel_loop3A_1461 = arith.index_cast %parallel_loop3A_1459 : i32 to index
        %parallel_loop3A_1462 = tpu.vector_load %arg8[%parallel_loop3A_1460, %parallel_loop3A_1461] {strides = array<i32>} : memref<65x1024xf32, #tpu.memory_space<vmem>>, vector<16xf32>,
        %parallel_loop3A_1463 = arith.constant 1 : i32
        %parallel_loop3A_1464 = arith.index_cast %parallel_loop3A_1463 : i32 to index
        %parallel_loop3A_1465 = arith.index_cast %parallel_loop3A_1459 : i32 to index
        %parallel_loop3A_1466 = tpu.vector_load %arg16[%parallel_loop3A_1464, %parallel_loop3A_1465] {strides = array<i32>} : memref<8x1024xf32, #tpu.memory_space<vmem>>, vector<16xf32>,
        tpu.vector_store %arg16[%parallel_loop3A_1464, %parallel_loop3A_1465], %parallel_loop3A_1462 {add = true, strides = array<i32>} : memref<8x1024xf32, #tpu.memory_space<vmem>>, vector<16xf32>,
      } {sc.loop_unroll_factor = 8 : i64, sc.parallel_access}
      %parallel_loop3A_1322 = arith.constant 0 : i32
      %parallel_loop3A_1323 = arith.constant 1024 : i32
      %parallel_loop3A_1324 = arith.constant 16 : i32
      scf.for %parallel_loop3A_1459 = %parallel_loop3A_1322 to %parallel_loop3A_1323 step %parallel_loop3A_1324  : i32 {
        %parallel_loop3A_1460 = arith.index_cast %squeeze3A_1212 : i32 to index
        %parallel_loop3A_1461 = arith.index_cast %parallel_loop3A_1459 : i32 to index
        %parallel_loop3A_1462 = tpu.vector_load %arg8[%parallel_loop3A_1460, %parallel_loop3A_1461] {strides = array<i32>} : memref<65x1024xf32, #tpu.memory_space<vmem>>, vector<16xf32>,
        %parallel_loop3A_1463 = arith.constant 2 : i32
        %parallel_loop3A_1464 = arith.index_cast %parallel_loop3A_1463 : i32 to index
        %parallel_loop3A_1465 = arith.index_cast %parallel_loop3A_1459 : i32 to index
        %parallel_loop3A_1466 = tpu.vector_load %arg16[%parallel_loop3A_1464, %parallel_loop3A_1465] {strides = array<i32>} : memref<8x1024xf32, #tpu.memory_space<vmem>>, vector<16xf32>,
        tpu.vector_store %arg16[%parallel_loop3A_1464, %parallel_loop3A_1465], %parallel_loop3A_1462 {add = true, strides = array<i32>} : memref<8x1024xf32, #tpu.memory_space<vmem>>, vector<16xf32>,
      } {sc.loop_unroll_factor = 8 : i64, sc.parallel_access}
      %parallel_loop3A_1325 = arith.constant 0 : i32
      %parallel_loop3A_1326 = arith.constant 1024 : i32
      %parallel_loop3A_1327 = arith.constant 16 : i32
      scf.for %parallel_loop3A_1459 = %parallel_loop3A_1325 to %parallel_loop3A_1326 step %parallel_loop3A_1327  : i32 {
        %parallel_loop3A_1460 = arith.index_cast %squeeze3A_1214 : i32 to index
        %parallel_loop3A_1461 = arith.index_cast %parallel_loop3A_1459 : i32 to index
        %parallel_loop3A_1462 = tpu.vector_load %arg8[%parallel_loop3A_1460, %parallel_loop3A_1461] {strides = array<i32>} : memref<65x1024xf32, #tpu.memory_space<vmem>>, vector<16xf32>,
        %parallel_loop3A_1463 = arith.constant 3 : i32
        %parallel_loop3A_1464 = arith.index_cast %parallel_loop3A_1463 : i32 to index
        %parallel_loop3A_1465 = arith.index_cast %parallel_loop3A_1459 : i32 to index
        %parallel_loop3A_1466 = tpu.vector_load %arg16[%parallel_loop3A_1464, %parallel_loop3A_1465] {strides = array<i32>} : memref<8x1024xf32, #tpu.memory_space<vmem>>, vector<16xf32>,
        tpu.vector_store %arg16[%parallel_loop3A_1464, %parallel_loop3A_1465], %parallel_loop3A_1462 {add = true, strides = array<i32>} : memref<8x1024xf32, #tpu.memory_space<vmem>>, vector<16xf32>,
      } {sc.loop_unroll_factor = 8 : i64, sc.parallel_access}
      %parallel_loop3A_1328 = arith.constant 0 : i32
      %parallel_loop3A_1329 = arith.constant 1024 : i32
      %parallel_loop3A_1330 = arith.constant 16 : i32
      scf.for %parallel_loop3A_1459 = %parallel_loop3A_1328 to %parallel_loop3A_1329 step %parallel_loop3A_1330  : i32 {
        %parallel_loop3A_1460 = arith.index_cast %squeeze3A_1216 : i32 to index
        %parallel_loop3A_1461 = arith.index_cast %parallel_loop3A_1459 : i32 to index
        %parallel_loop3A_1462 = tpu.vector_load %arg8[%parallel_loop3A_1460, %parallel_loop3A_1461] {strides = array<i32>} : memref<65x1024xf32, #tpu.memory_space<vmem>>, vector<16xf32>,
        %parallel_loop3A_1463 = arith.constant 4 : i32
        %parallel_loop3A_1464 = arith.index_cast %parallel_loop3A_1463 : i32 to index
        %parallel_loop3A_1465 = arith.index_cast %parallel_loop3A_1459 : i32 to index
        %parallel_loop3A_1466 = tpu.vector_load %arg16[%parallel_loop3A_1464, %parallel_loop3A_1465] {strides = array<i32>} : memref<8x1024xf32, #tpu.memory_space<vmem>>, vector<16xf32>,
        tpu.vector_store %arg16[%parallel_loop3A_1464, %parallel_loop3A_1465], %parallel_loop3A_1462 {add = true, strides = array<i32>} : memref<8x1024xf32, #tpu.memory_space<vmem>>, vector<16xf32>,
      } {sc.loop_unroll_factor = 8 : i64, sc.parallel_access}
      %parallel_loop3A_1331 = arith.constant 0 : i32
      %parallel_loop3A_1332 = arith.constant 1024 : i32
      %parallel_loop3A_1333 = arith.constant 16 : i32
      scf.for %parallel_loop3A_1459 = %parallel_loop3A_1331 to %parallel_loop3A_1332 step %parallel_loop3A_1333  : i32 {
        %parallel_loop3A_1460 = arith.index_cast %squeeze3A_1218 : i32 to index
        %parallel_loop3A_1461 = arith.index_cast %parallel_loop3A_1459 : i32 to index
        %parallel_loop3A_1462 = tpu.vector_load %arg8[%parallel_loop3A_1460, %parallel_loop3A_1461] {strides = array<i32>} : memref<65x1024xf32, #tpu.memory_space<vmem>>, vector<16xf32>,
        %parallel_loop3A_1463 = arith.constant 5 : i32
        %parallel_loop3A_1464 = arith.index_cast %parallel_loop3A_1463 : i32 to index
        %parallel_loop3A_1465 = arith.index_cast %parallel_loop3A_1459 : i32 to index
        %parallel_loop3A_1466 = tpu.vector_load %arg16[%parallel_loop3A_1464, %parallel_loop3A_1465] {strides = array<i32>} : memref<8x1024xf32, #tpu.memory_space<vmem>>, vector<16xf32>,
        tpu.vector_store %arg16[%parallel_loop3A_1464, %parallel_loop3A_1465], %parallel_loop3A_1462 {add = true, strides = array<i32>} : memref<8x1024xf32, #tpu.memory_space<vmem>>, vector<16xf32>,
      } {sc.loop_unroll_factor = 8 : i64, sc.parallel_access}
      %parallel_loop3A_1334 = arith.constant 0 : i32
      %parallel_loop3A_1335 = arith.constant 1024 : i32
      %parallel_loop3A_1336 = arith.constant 16 : i32
      scf.for %parallel_loop3A_1459 = %parallel_loop3A_1334 to %parallel_loop3A_1335 step %parallel_loop3A_1336  : i32 {
        %parallel_loop3A_1460 = arith.index_cast %squeeze3A_1220 : i32 to index
        %parallel_loop3A_1461 = arith.index_cast %parallel_loop3A_1459 : i32 to index
        %parallel_loop3A_1462 = tpu.vector_load %arg8[%parallel_loop3A_1460, %parallel_loop3A_1461] {strides = array<i32>} : memref<65x1024xf32, #tpu.memory_space<vmem>>, vector<16xf32>,
        %parallel_loop3A_1463 = arith.constant 6 : i32
        %parallel_loop3A_1464 = arith.index_cast %parallel_loop3A_1463 : i32 to index
        %parallel_loop3A_1465 = arith.index_cast %parallel_loop3A_1459 : i32 to index
        %parallel_loop3A_1466 = tpu.vector_load %arg16[%parallel_loop3A_1464, %parallel_loop3A_1465] {strides = array<i32>} : memref<8x1024xf32, #tpu.memory_space<vmem>>, vector<16xf32>,
        tpu.vector_store %arg16[%parallel_loop3A_1464, %parallel_loop3A_1465], %parallel_loop3A_1462 {add = true, strides = array<i32>} : memref<8x1024xf32, #tpu.memory_space<vmem>>, vector<16xf32>,
      } {sc.loop_unroll_factor = 8 : i64, sc.parallel_access}
      %parallel_loop3A_1337 = arith.constant 0 : i32
      %parallel_loop3A_1338 = arith.constant 1024 : i32
      %parallel_loop3A_1339 = arith.constant 16 : i32
      scf.for %parallel_loop3A_1459 = %parallel_loop3A_1337 to %parallel_loop3A_1338 step %parallel_loop3A_1339  : i32 {
        %parallel_loop3A_1460 = arith.index_cast %squeeze3A_1222 : i32 to index
        %parallel_loop3A_1461 = arith.index_cast %parallel_loop3A_1459 : i32 to index
        %parallel_loop3A_1462 = tpu.vector_load %arg8[%parallel_loop3A_1460, %parallel_loop3A_1461] {strides = array<i32>} : memref<65x1024xf32, #tpu.memory_space<vmem>>, vector<16xf32>,
        %parallel_loop3A_1463 = arith.constant 7 : i32
        %parallel_loop3A_1464 = arith.index_cast %parallel_loop3A_1463 : i32 to index
        %parallel_loop3A_1465 = arith.index_cast %parallel_loop3A_1459 : i32 to index
        %parallel_loop3A_1466 = tpu.vector_load %arg16[%parallel_loop3A_1464, %parallel_loop3A_1465] {strides = array<i32>} : memref<8x1024xf32, #tpu.memory_space<vmem>>, vector<16xf32>,
        tpu.vector_store %arg16[%parallel_loop3A_1464, %parallel_loop3A_1465], %parallel_loop3A_1462 {add = true, strides = array<i32>} : memref<8x1024xf32, #tpu.memory_space<vmem>>, vector<16xf32>,
      } {sc.loop_unroll_factor = 8 : i64, sc.parallel_access}
      %mul3A_1340 = arith.constant 8 : i32
      %mul3A_1341 = arith.muli %add3A_1308, %mul3A_1340 : i32
      %add3A_1342 = arith.addi %mul3A_2, %mul3A_1341 : i32
      %dma_start3A_1343 = arith.constant 0 : i32
      %dma_start3A_1344 = tpu.memref_slice %arg6[%add3A_1342, %dma_start3A_1343] : memref<8192x1024xf32, #tpu.memory_space<hbm>> -> memref<8x1024xf32, #tpu.memory_space<hbm>>
      %dma_start3A_1345 = arith.constant 0 : i32
      %dma_start3A_1346 = tpu.memref_slice %arg6[%add3A_1342, %dma_start3A_1345] : memref<8192x1024xf32, #tpu.memory_space<hbm>> -> memref<8x1024xf32, #tpu.memory_space<hbm>>
      tpu.enqueue_dma source(%arg16 : memref<8x1024xf32, #tpu.memory_space<vmem>>) target(%dma_start3A_1346 : memref<8x1024xf32, #tpu.memory_space<hbm>>) target_semaphore(%arg24 : memref<!tpu.dma_semaphore, #tpu.memory_space<semaphore_mem>>)
      %add3A_1347 = arith.constant 4 : i32
      %add3A_1348 = arith.addi %add3A_1308, %add3A_1347 : i32
      %sub3A_1349 = arith.constant 1 : i32
      %sub3A_1350 = arith.subi %add3A_1348, %sub3A_1349 : i32
      %lt3A_1351 = arith.constant 32 : i32
      %lt3A_1352 = arith.cmpi slt, %sub3A_1350, %lt3A_1351 : i32
      %convert_element_type3A_1353 = arith.extui %lt3A_1352 : i1 to i32
      %cond3A_1354 = arith.constant 0 : i32
      %cond3A_1355 = arith.cmpi ne, %convert_element_type3A_1353, %cond3A_1354 : i32
      scf.if %cond3A_1355 {
        %ge3A = arith.constant 1 : i32
        %ge3A_1459 = arith.cmpi sge, %add3A_1308, %ge3A : i32
        %convert_element_type3A_1460 = arith.extui %ge3A_1459 : i1 to i32
        %cond3A_1461 = arith.constant 0 : i32
        %cond3A_1462 = arith.cmpi ne, %convert_element_type3A_1460, %cond3A_1461 : i32
        scf.if %cond3A_1462 {
          %sub3A_1474 = arith.constant 1 : i32
          %sub3A_1475 = arith.subi %add3A_1308, %sub3A_1474 : i32
          %mul3A_1476 = arith.constant 8 : i32
          %mul3A_1477 = arith.muli %sub3A_1475, %mul3A_1476 : i32
          %add3A_1478 = arith.addi %mul3A_2, %mul3A_1477 : i32
          %dma_wait3A_1479 = arith.constant 0 : i32
          %dma_wait3A_1480 = tpu.memref_slice %arg6[%add3A_1478, %dma_wait3A_1479] : memref<8192x1024xf32, #tpu.memory_space<hbm>> -> memref<8x1024xf32, #tpu.memory_space<hbm>>
          %dma_wait3A_1481 = arith.constant 0 : i32
          %dma_wait3A_1482 = tpu.memref_slice %arg6[%add3A_1478, %dma_wait3A_1481] : memref<8192x1024xf32, #tpu.memory_space<hbm>> -> memref<8x1024xf32, #tpu.memory_space<hbm>>
          tpu.wait_dma2 semaphore(%arg23 : memref<!tpu.dma_semaphore, #tpu.memory_space<semaphore_mem>>) src(%arg15 : memref<8x1024xf32, #tpu.memory_space<vmem>>) dst(%dma_wait3A_1482 : memref<8x1024xf32, #tpu.memory_space<hbm>>)
        } else {
        }
        %add3A_1463 = arith.constant 4 : i32
        %add3A_1464 = arith.addi %add3A_1308, %add3A_1463 : i32
        %sub3A_1465 = arith.constant 1 : i32
        %sub3A_1466 = arith.subi %add3A_1464, %sub3A_1465 : i32
        %mul3A_1467 = arith.constant 8 : i32
        %mul3A_1468 = arith.muli %sub3A_1466, %mul3A_1467 : i32
        %add3A_1469 = arith.addi %mul3A_2, %mul3A_1468 : i32
        %dma_start3A_1470 = tpu.memref_slice %arg7[%add3A_1469] : memref<8192xi32, #tpu.memory_space<vmem>> -> memref<8xi32, #tpu.memory_space<vmem>>
        %dma_start3A_1471 = arith.constant 0 : i32
        %dma_start3A_1472 = arith.constant 0 : i32
        %dma_start3A_1473 = tpu.memref_slice %arg2[%dma_start3A_1471, %dma_start3A_1472] : memref<50000x1024xf32, #tpu.memory_space<hbm>> -> memref<50000x1024xf32, #tpu.memory_space<hbm>>
        tpu.enqueue_indirect_dma source(%dma_start3A_1473 : memref<50000x1024xf32, #tpu.memory_space<hbm>>) target(%arg15 : memref<8x1024xf32, #tpu.memory_space<vmem>>) offsets(%dma_start3A_1470 : memref<8xi32, #tpu.memory_space<vmem>>) semaphore(%arg19 : memref<!tpu.dma_semaphore, #tpu.memory_space<semaphore_mem>>)
      } else {
      }
      %mul3A_1356 = arith.constant 4 : i32
      %mul3A_1357 = arith.muli %scan3A_1178, %mul3A_1356 : i32
      %add3A_1358 = arith.constant 2 : i32
      %add3A_1359 = arith.addi %mul3A_1357, %add3A_1358 : i32
      %mul3A_1360 = arith.constant 8 : i32
      %mul3A_1361 = arith.muli %add3A_1359, %mul3A_1360 : i32
      %add3A_1362 = arith.addi %mul3A_2, %mul3A_1361 : i32
      %dma_wait3A_1363 = tpu.memref_slice %arg7[%add3A_1362] : memref<8192xi32, #tpu.memory_space<vmem>> -> memref<8xi32, #tpu.memory_space<vmem>>
      %dma_wait3A_1364 = arith.constant 0 : i32
      %dma_wait3A_1365 = arith.constant 0 : i32
      %dma_wait3A_1366 = tpu.memref_slice %arg2[%dma_wait3A_1364, %dma_wait3A_1365] : memref<50000x1024xf32, #tpu.memory_space<hbm>> -> memref<50000x1024xf32, #tpu.memory_space<hbm>>
      tpu.wait_indirect_dma semaphore(%arg21 : memref<!tpu.dma_semaphore, #tpu.memory_space<semaphore_mem>>) src(%dma_wait3A_1366 : memref<50000x1024xf32, #tpu.memory_space<hbm>>) dst(%arg17 : memref<8x1024xf32, #tpu.memory_space<vmem>>)
      %parallel_loop3A_1367 = arith.constant 0 : i32
      %parallel_loop3A_1368 = arith.constant 1024 : i32
      %parallel_loop3A_1369 = arith.constant 16 : i32
      scf.for %parallel_loop3A_1459 = %parallel_loop3A_1367 to %parallel_loop3A_1368 step %parallel_loop3A_1369  : i32 {
        %parallel_loop3A_1460 = arith.index_cast %squeeze3A_1224 : i32 to index
        %parallel_loop3A_1461 = arith.index_cast %parallel_loop3A_1459 : i32 to index
        %parallel_loop3A_1462 = tpu.vector_load %arg8[%parallel_loop3A_1460, %parallel_loop3A_1461] {strides = array<i32>} : memref<65x1024xf32, #tpu.memory_space<vmem>>, vector<16xf32>,
        %parallel_loop3A_1463 = arith.constant 0 : i32
        %parallel_loop3A_1464 = arith.index_cast %parallel_loop3A_1463 : i32 to index
        %parallel_loop3A_1465 = arith.index_cast %parallel_loop3A_1459 : i32 to index
        %parallel_loop3A_1466 = tpu.vector_load %arg17[%parallel_loop3A_1464, %parallel_loop3A_1465] {strides = array<i32>} : memref<8x1024xf32, #tpu.memory_space<vmem>>, vector<16xf32>,
        tpu.vector_store %arg17[%parallel_loop3A_1464, %parallel_loop3A_1465], %parallel_loop3A_1462 {add = true, strides = array<i32>} : memref<8x1024xf32, #tpu.memory_space<vmem>>, vector<16xf32>,
      } {sc.loop_unroll_factor = 8 : i64, sc.parallel_access}
      %parallel_loop3A_1370 = arith.constant 0 : i32
      %parallel_loop3A_1371 = arith.constant 1024 : i32
      %parallel_loop3A_1372 = arith.constant 16 : i32
      scf.for %parallel_loop3A_1459 = %parallel_loop3A_1370 to %parallel_loop3A_1371 step %parallel_loop3A_1372  : i32 {
        %parallel_loop3A_1460 = arith.index_cast %squeeze3A_1226 : i32 to index
        %parallel_loop3A_1461 = arith.index_cast %parallel_loop3A_1459 : i32 to index
        %parallel_loop3A_1462 = tpu.vector_load %arg8[%parallel_loop3A_1460, %parallel_loop3A_1461] {strides = array<i32>} : memref<65x1024xf32, #tpu.memory_space<vmem>>, vector<16xf32>,
        %parallel_loop3A_1463 = arith.constant 1 : i32
        %parallel_loop3A_1464 = arith.index_cast %parallel_loop3A_1463 : i32 to index
        %parallel_loop3A_1465 = arith.index_cast %parallel_loop3A_1459 : i32 to index
        %parallel_loop3A_1466 = tpu.vector_load %arg17[%parallel_loop3A_1464, %parallel_loop3A_1465] {strides = array<i32>} : memref<8x1024xf32, #tpu.memory_space<vmem>>, vector<16xf32>,
        tpu.vector_store %arg17[%parallel_loop3A_1464, %parallel_loop3A_1465], %parallel_loop3A_1462 {add = true, strides = array<i32>} : memref<8x1024xf32, #tpu.memory_space<vmem>>, vector<16xf32>,
      } {sc.loop_unroll_factor = 8 : i64, sc.parallel_access}
      %parallel_loop3A_1373 = arith.constant 0 : i32
      %parallel_loop3A_1374 = arith.constant 1024 : i32
      %parallel_loop3A_1375 = arith.constant 16 : i32
      scf.for %parallel_loop3A_1459 = %parallel_loop3A_1373 to %parallel_loop3A_1374 step %parallel_loop3A_1375  : i32 {
        %parallel_loop3A_1460 = arith.index_cast %squeeze3A_1228 : i32 to index
        %parallel_loop3A_1461 = arith.index_cast %parallel_loop3A_1459 : i32 to index
        %parallel_loop3A_1462 = tpu.vector_load %arg8[%parallel_loop3A_1460, %parallel_loop3A_1461] {strides = array<i32>} : memref<65x1024xf32, #tpu.memory_space<vmem>>, vector<16xf32>,
        %parallel_loop3A_1463 = arith.constant 2 : i32
        %parallel_loop3A_1464 = arith.index_cast %parallel_loop3A_1463 : i32 to index
        %parallel_loop3A_1465 = arith.index_cast %parallel_loop3A_1459 : i32 to index
        %parallel_loop3A_1466 = tpu.vector_load %arg17[%parallel_loop3A_1464, %parallel_loop3A_1465] {strides = array<i32>} : memref<8x1024xf32, #tpu.memory_space<vmem>>, vector<16xf32>,
        tpu.vector_store %arg17[%parallel_loop3A_1464, %parallel_loop3A_1465], %parallel_loop3A_1462 {add = true, strides = array<i32>} : memref<8x1024xf32, #tpu.memory_space<vmem>>, vector<16xf32>,
      } {sc.loop_unroll_factor = 8 : i64, sc.parallel_access}
      %parallel_loop3A_1376 = arith.constant 0 : i32
      %parallel_loop3A_1377 = arith.constant 1024 : i32
      %parallel_loop3A_1378 = arith.constant 16 : i32
      scf.for %parallel_loop3A_1459 = %parallel_loop3A_1376 to %parallel_loop3A_1377 step %parallel_loop3A_1378  : i32 {
        %parallel_loop3A_1460 = arith.index_cast %squeeze3A_1230 : i32 to index
        %parallel_loop3A_1461 = arith.index_cast %parallel_loop3A_1459 : i32 to index
        %parallel_loop3A_1462 = tpu.vector_load %arg8[%parallel_loop3A_1460, %parallel_loop3A_1461] {strides = array<i32>} : memref<65x1024xf32, #tpu.memory_space<vmem>>, vector<16xf32>,
        %parallel_loop3A_1463 = arith.constant 3 : i32
        %parallel_loop3A_1464 = arith.index_cast %parallel_loop3A_1463 : i32 to index
        %parallel_loop3A_1465 = arith.index_cast %parallel_loop3A_1459 : i32 to index
        %parallel_loop3A_1466 = tpu.vector_load %arg17[%parallel_loop3A_1464, %parallel_loop3A_1465] {strides = array<i32>} : memref<8x1024xf32, #tpu.memory_space<vmem>>, vector<16xf32>,
        tpu.vector_store %arg17[%parallel_loop3A_1464, %parallel_loop3A_1465], %parallel_loop3A_1462 {add = true, strides = array<i32>} : memref<8x1024xf32, #tpu.memory_space<vmem>>, vector<16xf32>,
      } {sc.loop_unroll_factor = 8 : i64, sc.parallel_access}
      %parallel_loop3A_1379 = arith.constant 0 : i32
      %parallel_loop3A_1380 = arith.constant 1024 : i32
      %parallel_loop3A_1381 = arith.constant 16 : i32
      scf.for %parallel_loop3A_1459 = %parallel_loop3A_1379 to %parallel_loop3A_1380 step %parallel_loop3A_1381  : i32 {
        %parallel_loop3A_1460 = arith.index_cast %squeeze3A_1232 : i32 to index
        %parallel_loop3A_1461 = arith.index_cast %parallel_loop3A_1459 : i32 to index
        %parallel_loop3A_1462 = tpu.vector_load %arg8[%parallel_loop3A_1460, %parallel_loop3A_1461] {strides = array<i32>} : memref<65x1024xf32, #tpu.memory_space<vmem>>, vector<16xf32>,
        %parallel_loop3A_1463 = arith.constant 4 : i32
        %parallel_loop3A_1464 = arith.index_cast %parallel_loop3A_1463 : i32 to index
        %parallel_loop3A_1465 = arith.index_cast %parallel_loop3A_1459 : i32 to index
        %parallel_loop3A_1466 = tpu.vector_load %arg17[%parallel_loop3A_1464, %parallel_loop3A_1465] {strides = array<i32>} : memref<8x1024xf32, #tpu.memory_space<vmem>>, vector<16xf32>,
        tpu.vector_store %arg17[%parallel_loop3A_1464, %parallel_loop3A_1465], %parallel_loop3A_1462 {add = true, strides = array<i32>} : memref<8x1024xf32, #tpu.memory_space<vmem>>, vector<16xf32>,
      } {sc.loop_unroll_factor = 8 : i64, sc.parallel_access}
      %parallel_loop3A_1382 = arith.constant 0 : i32
      %parallel_loop3A_1383 = arith.constant 1024 : i32
      %parallel_loop3A_1384 = arith.constant 16 : i32
      scf.for %parallel_loop3A_1459 = %parallel_loop3A_1382 to %parallel_loop3A_1383 step %parallel_loop3A_1384  : i32 {
        %parallel_loop3A_1460 = arith.index_cast %squeeze3A_1234 : i32 to index
        %parallel_loop3A_1461 = arith.index_cast %parallel_loop3A_1459 : i32 to index
        %parallel_loop3A_1462 = tpu.vector_load %arg8[%parallel_loop3A_1460, %parallel_loop3A_1461] {strides = array<i32>} : memref<65x1024xf32, #tpu.memory_space<vmem>>, vector<16xf32>,
        %parallel_loop3A_1463 = arith.constant 5 : i32
        %parallel_loop3A_1464 = arith.index_cast %parallel_loop3A_1463 : i32 to index
        %parallel_loop3A_1465 = arith.index_cast %parallel_loop3A_1459 : i32 to index
        %parallel_loop3A_1466 = tpu.vector_load %arg17[%parallel_loop3A_1464, %parallel_loop3A_1465] {strides = array<i32>} : memref<8x1024xf32, #tpu.memory_space<vmem>>, vector<16xf32>,
        tpu.vector_store %arg17[%parallel_loop3A_1464, %parallel_loop3A_1465], %parallel_loop3A_1462 {add = true, strides = array<i32>} : memref<8x1024xf32, #tpu.memory_space<vmem>>, vector<16xf32>,
      } {sc.loop_unroll_factor = 8 : i64, sc.parallel_access}
      %parallel_loop3A_1385 = arith.constant 0 : i32
      %parallel_loop3A_1386 = arith.constant 1024 : i32
      %parallel_loop3A_1387 = arith.constant 16 : i32
      scf.for %parallel_loop3A_1459 = %parallel_loop3A_1385 to %parallel_loop3A_1386 step %parallel_loop3A_1387  : i32 {
        %parallel_loop3A_1460 = arith.index_cast %squeeze3A_1236 : i32 to index
        %parallel_loop3A_1461 = arith.index_cast %parallel_loop3A_1459 : i32 to index
        %parallel_loop3A_1462 = tpu.vector_load %arg8[%parallel_loop3A_1460, %parallel_loop3A_1461] {strides = array<i32>} : memref<65x1024xf32, #tpu.memory_space<vmem>>, vector<16xf32>,
        %parallel_loop3A_1463 = arith.constant 6 : i32
        %parallel_loop3A_1464 = arith.index_cast %parallel_loop3A_1463 : i32 to index
        %parallel_loop3A_1465 = arith.index_cast %parallel_loop3A_1459 : i32 to index
        %parallel_loop3A_1466 = tpu.vector_load %arg17[%parallel_loop3A_1464, %parallel_loop3A_1465] {strides = array<i32>} : memref<8x1024xf32, #tpu.memory_space<vmem>>, vector<16xf32>,
        tpu.vector_store %arg17[%parallel_loop3A_1464, %parallel_loop3A_1465], %parallel_loop3A_1462 {add = true, strides = array<i32>} : memref<8x1024xf32, #tpu.memory_space<vmem>>, vector<16xf32>,
      } {sc.loop_unroll_factor = 8 : i64, sc.parallel_access}
      %parallel_loop3A_1388 = arith.constant 0 : i32
      %parallel_loop3A_1389 = arith.constant 1024 : i32
      %parallel_loop3A_1390 = arith.constant 16 : i32
      scf.for %parallel_loop3A_1459 = %parallel_loop3A_1388 to %parallel_loop3A_1389 step %parallel_loop3A_1390  : i32 {
        %parallel_loop3A_1460 = arith.index_cast %squeeze3A_1238 : i32 to index
        %parallel_loop3A_1461 = arith.index_cast %parallel_loop3A_1459 : i32 to index
        %parallel_loop3A_1462 = tpu.vector_load %arg8[%parallel_loop3A_1460, %parallel_loop3A_1461] {strides = array<i32>} : memref<65x1024xf32, #tpu.memory_space<vmem>>, vector<16xf32>,
        %parallel_loop3A_1463 = arith.constant 7 : i32
        %parallel_loop3A_1464 = arith.index_cast %parallel_loop3A_1463 : i32 to index
        %parallel_loop3A_1465 = arith.index_cast %parallel_loop3A_1459 : i32 to index
        %parallel_loop3A_1466 = tpu.vector_load %arg17[%parallel_loop3A_1464, %parallel_loop3A_1465] {strides = array<i32>} : memref<8x1024xf32, #tpu.memory_space<vmem>>, vector<16xf32>,
        tpu.vector_store %arg17[%parallel_loop3A_1464, %parallel_loop3A_1465], %parallel_loop3A_1462 {add = true, strides = array<i32>} : memref<8x1024xf32, #tpu.memory_space<vmem>>, vector<16xf32>,
      } {sc.loop_unroll_factor = 8 : i64, sc.parallel_access}
      %mul3A_1391 = arith.constant 8 : i32
      %mul3A_1392 = arith.muli %add3A_1359, %mul3A_1391 : i32
      %add3A_1393 = arith.addi %mul3A_2, %mul3A_1392 : i32
      %dma_start3A_1394 = arith.constant 0 : i32
      %dma_start3A_1395 = tpu.memref_slice %arg6[%add3A_1393, %dma_start3A_1394] : memref<8192x1024xf32, #tpu.memory_space<hbm>> -> memref<8x1024xf32, #tpu.memory_space<hbm>>
      %dma_start3A_1396 = arith.constant 0 : i32
      %dma_start3A_1397 = tpu.memref_slice %arg6[%add3A_1393, %dma_start3A_1396] : memref<8192x1024xf32, #tpu.memory_space<hbm>> -> memref<8x1024xf32, #tpu.memory_space<hbm>>
      tpu.enqueue_dma source(%arg17 : memref<8x1024xf32, #tpu.memory_space<vmem>>) target(%dma_start3A_1397 : memref<8x1024xf32, #tpu.memory_space<hbm>>) target_semaphore(%arg25 : memref<!tpu.dma_semaphore, #tpu.memory_space<semaphore_mem>>)
      %add3A_1398 = arith.constant 4 : i32
      %add3A_1399 = arith.addi %add3A_1359, %add3A_1398 : i32
      %sub3A_1400 = arith.constant 1 : i32
      %sub3A_1401 = arith.subi %add3A_1399, %sub3A_1400 : i32
      %lt3A_1402 = arith.constant 32 : i32
      %lt3A_1403 = arith.cmpi slt, %sub3A_1401, %lt3A_1402 : i32
      %convert_element_type3A_1404 = arith.extui %lt3A_1403 : i1 to i32
      %cond3A_1405 = arith.constant 0 : i32
      %cond3A_1406 = arith.cmpi ne, %convert_element_type3A_1404, %cond3A_1405 : i32
      scf.if %cond3A_1406 {
        %ge3A = arith.constant 1 : i32
        %ge3A_1459 = arith.cmpi sge, %add3A_1359, %ge3A : i32
        %convert_element_type3A_1460 = arith.extui %ge3A_1459 : i1 to i32
        %cond3A_1461 = arith.constant 0 : i32
        %cond3A_1462 = arith.cmpi ne, %convert_element_type3A_1460, %cond3A_1461 : i32
        scf.if %cond3A_1462 {
          %sub3A_1474 = arith.constant 1 : i32
          %sub3A_1475 = arith.subi %add3A_1359, %sub3A_1474 : i32
          %mul3A_1476 = arith.constant 8 : i32
          %mul3A_1477 = arith.muli %sub3A_1475, %mul3A_1476 : i32
          %add3A_1478 = arith.addi %mul3A_2, %mul3A_1477 : i32
          %dma_wait3A_1479 = arith.constant 0 : i32
          %dma_wait3A_1480 = tpu.memref_slice %arg6[%add3A_1478, %dma_wait3A_1479] : memref<8192x1024xf32, #tpu.memory_space<hbm>> -> memref<8x1024xf32, #tpu.memory_space<hbm>>
          %dma_wait3A_1481 = arith.constant 0 : i32
          %dma_wait3A_1482 = tpu.memref_slice %arg6[%add3A_1478, %dma_wait3A_1481] : memref<8192x1024xf32, #tpu.memory_space<hbm>> -> memref<8x1024xf32, #tpu.memory_space<hbm>>
          tpu.wait_dma2 semaphore(%arg24 : memref<!tpu.dma_semaphore, #tpu.memory_space<semaphore_mem>>) src(%arg16 : memref<8x1024xf32, #tpu.memory_space<vmem>>) dst(%dma_wait3A_1482 : memref<8x1024xf32, #tpu.memory_space<hbm>>)
        } else {
        }
        %add3A_1463 = arith.constant 4 : i32
        %add3A_1464 = arith.addi %add3A_1359, %add3A_1463 : i32
        %sub3A_1465 = arith.constant 1 : i32
        %sub3A_1466 = arith.subi %add3A_1464, %sub3A_1465 : i32
        %mul3A_1467 = arith.constant 8 : i32
        %mul3A_1468 = arith.muli %sub3A_1466, %mul3A_1467 : i32
        %add3A_1469 = arith.addi %mul3A_2, %mul3A_1468 : i32
        %dma_start3A_1470 = tpu.memref_slice %arg7[%add3A_1469] : memref<8192xi32, #tpu.memory_space<vmem>> -> memref<8xi32, #tpu.memory_space<vmem>>
        %dma_start3A_1471 = arith.constant 0 : i32
        %dma_start3A_1472 = arith.constant 0 : i32
        %dma_start3A_1473 = tpu.memref_slice %arg2[%dma_start3A_1471, %dma_start3A_1472] : memref<50000x1024xf32, #tpu.memory_space<hbm>> -> memref<50000x1024xf32, #tpu.memory_space<hbm>>
        tpu.enqueue_indirect_dma source(%dma_start3A_1473 : memref<50000x1024xf32, #tpu.memory_space<hbm>>) target(%arg16 : memref<8x1024xf32, #tpu.memory_space<vmem>>) offsets(%dma_start3A_1470 : memref<8xi32, #tpu.memory_space<vmem>>) semaphore(%arg20 : memref<!tpu.dma_semaphore, #tpu.memory_space<semaphore_mem>>)
      } else {
      }
      %mul3A_1407 = arith.constant 4 : i32
      %mul3A_1408 = arith.muli %scan3A_1178, %mul3A_1407 : i32
      %add3A_1409 = arith.constant 3 : i32
      %add3A_1410 = arith.addi %mul3A_1408, %add3A_1409 : i32
      %mul3A_1411 = arith.constant 8 : i32
      %mul3A_1412 = arith.muli %add3A_1410, %mul3A_1411 : i32
      %add3A_1413 = arith.addi %mul3A_2, %mul3A_1412 : i32
      %dma_wait3A_1414 = tpu.memref_slice %arg7[%add3A_1413] : memref<8192xi32, #tpu.memory_space<vmem>> -> memref<8xi32, #tpu.memory_space<vmem>>
      %dma_wait3A_1415 = arith.constant 0 : i32
      %dma_wait3A_1416 = arith.constant 0 : i32
      %dma_wait3A_1417 = tpu.memref_slice %arg2[%dma_wait3A_1415, %dma_wait3A_1416] : memref<50000x1024xf32, #tpu.memory_space<hbm>> -> memref<50000x1024xf32, #tpu.memory_space<hbm>>
      tpu.wait_indirect_dma semaphore(%arg22 : memref<!tpu.dma_semaphore, #tpu.memory_space<semaphore_mem>>) src(%dma_wait3A_1417 : memref<50000x1024xf32, #tpu.memory_space<hbm>>) dst(%arg18 : memref<8x1024xf32, #tpu.memory_space<vmem>>)
      %parallel_loop3A_1418 = arith.constant 0 : i32
      %parallel_loop3A_1419 = arith.constant 1024 : i32
      %parallel_loop3A_1420 = arith.constant 16 : i32
      scf.for %parallel_loop3A_1459 = %parallel_loop3A_1418 to %parallel_loop3A_1419 step %parallel_loop3A_1420  : i32 {
        %parallel_loop3A_1460 = arith.index_cast %squeeze3A_1240 : i32 to index
        %parallel_loop3A_1461 = arith.index_cast %parallel_loop3A_1459 : i32 to index
        %parallel_loop3A_1462 = tpu.vector_load %arg8[%parallel_loop3A_1460, %parallel_loop3A_1461] {strides = array<i32>} : memref<65x1024xf32, #tpu.memory_space<vmem>>, vector<16xf32>,
        %parallel_loop3A_1463 = arith.constant 0 : i32
        %parallel_loop3A_1464 = arith.index_cast %parallel_loop3A_1463 : i32 to index
        %parallel_loop3A_1465 = arith.index_cast %parallel_loop3A_1459 : i32 to index
        %parallel_loop3A_1466 = tpu.vector_load %arg18[%parallel_loop3A_1464, %parallel_loop3A_1465] {strides = array<i32>} : memref<8x1024xf32, #tpu.memory_space<vmem>>, vector<16xf32>,
        tpu.vector_store %arg18[%parallel_loop3A_1464, %parallel_loop3A_1465], %parallel_loop3A_1462 {add = true, strides = array<i32>} : memref<8x1024xf32, #tpu.memory_space<vmem>>, vector<16xf32>,
      } {sc.loop_unroll_factor = 8 : i64, sc.parallel_access}
      %parallel_loop3A_1421 = arith.constant 0 : i32
      %parallel_loop3A_1422 = arith.constant 1024 : i32
      %parallel_loop3A_1423 = arith.constant 16 : i32
      scf.for %parallel_loop3A_1459 = %parallel_loop3A_1421 to %parallel_loop3A_1422 step %parallel_loop3A_1423  : i32 {
        %parallel_loop3A_1460 = arith.index_cast %squeeze3A_1242 : i32 to index
        %parallel_loop3A_1461 = arith.index_cast %parallel_loop3A_1459 : i32 to index
        %parallel_loop3A_1462 = tpu.vector_load %arg8[%parallel_loop3A_1460, %parallel_loop3A_1461] {strides = array<i32>} : memref<65x1024xf32, #tpu.memory_space<vmem>>, vector<16xf32>,
        %parallel_loop3A_1463 = arith.constant 1 : i32
        %parallel_loop3A_1464 = arith.index_cast %parallel_loop3A_1463 : i32 to index
        %parallel_loop3A_1465 = arith.index_cast %parallel_loop3A_1459 : i32 to index
        %parallel_loop3A_1466 = tpu.vector_load %arg18[%parallel_loop3A_1464, %parallel_loop3A_1465] {strides = array<i32>} : memref<8x1024xf32, #tpu.memory_space<vmem>>, vector<16xf32>,
        tpu.vector_store %arg18[%parallel_loop3A_1464, %parallel_loop3A_1465], %parallel_loop3A_1462 {add = true, strides = array<i32>} : memref<8x1024xf32, #tpu.memory_space<vmem>>, vector<16xf32>,
      } {sc.loop_unroll_factor = 8 : i64, sc.parallel_access}
      %parallel_loop3A_1424 = arith.constant 0 : i32
      %parallel_loop3A_1425 = arith.constant 1024 : i32
      %parallel_loop3A_1426 = arith.constant 16 : i32
      scf.for %parallel_loop3A_1459 = %parallel_loop3A_1424 to %parallel_loop3A_1425 step %parallel_loop3A_1426  : i32 {
        %parallel_loop3A_1460 = arith.index_cast %squeeze3A_1244 : i32 to index
        %parallel_loop3A_1461 = arith.index_cast %parallel_loop3A_1459 : i32 to index
        %parallel_loop3A_1462 = tpu.vector_load %arg8[%parallel_loop3A_1460, %parallel_loop3A_1461] {strides = array<i32>} : memref<65x1024xf32, #tpu.memory_space<vmem>>, vector<16xf32>,
        %parallel_loop3A_1463 = arith.constant 2 : i32
        %parallel_loop3A_1464 = arith.index_cast %parallel_loop3A_1463 : i32 to index
        %parallel_loop3A_1465 = arith.index_cast %parallel_loop3A_1459 : i32 to index
        %parallel_loop3A_1466 = tpu.vector_load %arg18[%parallel_loop3A_1464, %parallel_loop3A_1465] {strides = array<i32>} : memref<8x1024xf32, #tpu.memory_space<vmem>>, vector<16xf32>,
        tpu.vector_store %arg18[%parallel_loop3A_1464, %parallel_loop3A_1465], %parallel_loop3A_1462 {add = true, strides = array<i32>} : memref<8x1024xf32, #tpu.memory_space<vmem>>, vector<16xf32>,
      } {sc.loop_unroll_factor = 8 : i64, sc.parallel_access}
      %parallel_loop3A_1427 = arith.constant 0 : i32
      %parallel_loop3A_1428 = arith.constant 1024 : i32
      %parallel_loop3A_1429 = arith.constant 16 : i32
      scf.for %parallel_loop3A_1459 = %parallel_loop3A_1427 to %parallel_loop3A_1428 step %parallel_loop3A_1429  : i32 {
        %parallel_loop3A_1460 = arith.index_cast %squeeze3A_1246 : i32 to index
        %parallel_loop3A_1461 = arith.index_cast %parallel_loop3A_1459 : i32 to index
        %parallel_loop3A_1462 = tpu.vector_load %arg8[%parallel_loop3A_1460, %parallel_loop3A_1461] {strides = array<i32>} : memref<65x1024xf32, #tpu.memory_space<vmem>>, vector<16xf32>,
        %parallel_loop3A_1463 = arith.constant 3 : i32
        %parallel_loop3A_1464 = arith.index_cast %parallel_loop3A_1463 : i32 to index
        %parallel_loop3A_1465 = arith.index_cast %parallel_loop3A_1459 : i32 to index
        %parallel_loop3A_1466 = tpu.vector_load %arg18[%parallel_loop3A_1464, %parallel_loop3A_1465] {strides = array<i32>} : memref<8x1024xf32, #tpu.memory_space<vmem>>, vector<16xf32>,
        tpu.vector_store %arg18[%parallel_loop3A_1464, %parallel_loop3A_1465], %parallel_loop3A_1462 {add = true, strides = array<i32>} : memref<8x1024xf32, #tpu.memory_space<vmem>>, vector<16xf32>,
      } {sc.loop_unroll_factor = 8 : i64, sc.parallel_access}
      %parallel_loop3A_1430 = arith.constant 0 : i32
      %parallel_loop3A_1431 = arith.constant 1024 : i32
      %parallel_loop3A_1432 = arith.constant 16 : i32
      scf.for %parallel_loop3A_1459 = %parallel_loop3A_1430 to %parallel_loop3A_1431 step %parallel_loop3A_1432  : i32 {
        %parallel_loop3A_1460 = arith.index_cast %squeeze3A_1248 : i32 to index
        %parallel_loop3A_1461 = arith.index_cast %parallel_loop3A_1459 : i32 to index
        %parallel_loop3A_1462 = tpu.vector_load %arg8[%parallel_loop3A_1460, %parallel_loop3A_1461] {strides = array<i32>} : memref<65x1024xf32, #tpu.memory_space<vmem>>, vector<16xf32>,
        %parallel_loop3A_1463 = arith.constant 4 : i32
        %parallel_loop3A_1464 = arith.index_cast %parallel_loop3A_1463 : i32 to index
        %parallel_loop3A_1465 = arith.index_cast %parallel_loop3A_1459 : i32 to index
        %parallel_loop3A_1466 = tpu.vector_load %arg18[%parallel_loop3A_1464, %parallel_loop3A_1465] {strides = array<i32>} : memref<8x1024xf32, #tpu.memory_space<vmem>>, vector<16xf32>,
        tpu.vector_store %arg18[%parallel_loop3A_1464, %parallel_loop3A_1465], %parallel_loop3A_1462 {add = true, strides = array<i32>} : memref<8x1024xf32, #tpu.memory_space<vmem>>, vector<16xf32>,
      } {sc.loop_unroll_factor = 8 : i64, sc.parallel_access}
      %parallel_loop3A_1433 = arith.constant 0 : i32
      %parallel_loop3A_1434 = arith.constant 1024 : i32
      %parallel_loop3A_1435 = arith.constant 16 : i32
      scf.for %parallel_loop3A_1459 = %parallel_loop3A_1433 to %parallel_loop3A_1434 step %parallel_loop3A_1435  : i32 {
        %parallel_loop3A_1460 = arith.index_cast %squeeze3A_1250 : i32 to index
        %parallel_loop3A_1461 = arith.index_cast %parallel_loop3A_1459 : i32 to index
        %parallel_loop3A_1462 = tpu.vector_load %arg8[%parallel_loop3A_1460, %parallel_loop3A_1461] {strides = array<i32>} : memref<65x1024xf32, #tpu.memory_space<vmem>>, vector<16xf32>,
        %parallel_loop3A_1463 = arith.constant 5 : i32
        %parallel_loop3A_1464 = arith.index_cast %parallel_loop3A_1463 : i32 to index
        %parallel_loop3A_1465 = arith.index_cast %parallel_loop3A_1459 : i32 to index
        %parallel_loop3A_1466 = tpu.vector_load %arg18[%parallel_loop3A_1464, %parallel_loop3A_1465] {strides = array<i32>} : memref<8x1024xf32, #tpu.memory_space<vmem>>, vector<16xf32>,
        tpu.vector_store %arg18[%parallel_loop3A_1464, %parallel_loop3A_1465], %parallel_loop3A_1462 {add = true, strides = array<i32>} : memref<8x1024xf32, #tpu.memory_space<vmem>>, vector<16xf32>,
      } {sc.loop_unroll_factor = 8 : i64, sc.parallel_access}
      %parallel_loop3A_1436 = arith.constant 0 : i32
      %parallel_loop3A_1437 = arith.constant 1024 : i32
      %parallel_loop3A_1438 = arith.constant 16 : i32
      scf.for %parallel_loop3A_1459 = %parallel_loop3A_1436 to %parallel_loop3A_1437 step %parallel_loop3A_1438  : i32 {
        %parallel_loop3A_1460 = arith.index_cast %squeeze3A_1252 : i32 to index
        %parallel_loop3A_1461 = arith.index_cast %parallel_loop3A_1459 : i32 to index
        %parallel_loop3A_1462 = tpu.vector_load %arg8[%parallel_loop3A_1460, %parallel_loop3A_1461] {strides = array<i32>} : memref<65x1024xf32, #tpu.memory_space<vmem>>, vector<16xf32>,
        %parallel_loop3A_1463 = arith.constant 6 : i32
        %parallel_loop3A_1464 = arith.index_cast %parallel_loop3A_1463 : i32 to index
        %parallel_loop3A_1465 = arith.index_cast %parallel_loop3A_1459 : i32 to index
        %parallel_loop3A_1466 = tpu.vector_load %arg18[%parallel_loop3A_1464, %parallel_loop3A_1465] {strides = array<i32>} : memref<8x1024xf32, #tpu.memory_space<vmem>>, vector<16xf32>,
        tpu.vector_store %arg18[%parallel_loop3A_1464, %parallel_loop3A_1465], %parallel_loop3A_1462 {add = true, strides = array<i32>} : memref<8x1024xf32, #tpu.memory_space<vmem>>, vector<16xf32>,
      } {sc.loop_unroll_factor = 8 : i64, sc.parallel_access}
      %parallel_loop3A_1439 = arith.constant 0 : i32
      %parallel_loop3A_1440 = arith.constant 1024 : i32
      %parallel_loop3A_1441 = arith.constant 16 : i32
      scf.for %parallel_loop3A_1459 = %parallel_loop3A_1439 to %parallel_loop3A_1440 step %parallel_loop3A_1441  : i32 {
        %parallel_loop3A_1460 = arith.index_cast %squeeze3A_1254 : i32 to index
        %parallel_loop3A_1461 = arith.index_cast %parallel_loop3A_1459 : i32 to index
        %parallel_loop3A_1462 = tpu.vector_load %arg8[%parallel_loop3A_1460, %parallel_loop3A_1461] {strides = array<i32>} : memref<65x1024xf32, #tpu.memory_space<vmem>>, vector<16xf32>,
        %parallel_loop3A_1463 = arith.constant 7 : i32
        %parallel_loop3A_1464 = arith.index_cast %parallel_loop3A_1463 : i32 to index
        %parallel_loop3A_1465 = arith.index_cast %parallel_loop3A_1459 : i32 to index
        %parallel_loop3A_1466 = tpu.vector_load %arg18[%parallel_loop3A_1464, %parallel_loop3A_1465] {strides = array<i32>} : memref<8x1024xf32, #tpu.memory_space<vmem>>, vector<16xf32>,
        tpu.vector_store %arg18[%parallel_loop3A_1464, %parallel_loop3A_1465], %parallel_loop3A_1462 {add = true, strides = array<i32>} : memref<8x1024xf32, #tpu.memory_space<vmem>>, vector<16xf32>,
      } {sc.loop_unroll_factor = 8 : i64, sc.parallel_access}
      %mul3A_1442 = arith.constant 8 : i32
      %mul3A_1443 = arith.muli %add3A_1410, %mul3A_1442 : i32
      %add3A_1444 = arith.addi %mul3A_2, %mul3A_1443 : i32
      %dma_start3A_1445 = arith.constant 0 : i32
      %dma_start3A_1446 = tpu.memref_slice %arg6[%add3A_1444, %dma_start3A_1445] : memref<8192x1024xf32, #tpu.memory_space<hbm>> -> memref<8x1024xf32, #tpu.memory_space<hbm>>
      %dma_start3A_1447 = arith.constant 0 : i32
      %dma_start3A_1448 = tpu.memref_slice %arg6[%add3A_1444, %dma_start3A_1447] : memref<8192x1024xf32, #tpu.memory_space<hbm>> -> memref<8x1024xf32, #tpu.memory_space<hbm>>
      tpu.enqueue_dma source(%arg18 : memref<8x1024xf32, #tpu.memory_space<vmem>>) target(%dma_start3A_1448 : memref<8x1024xf32, #tpu.memory_space<hbm>>) target_semaphore(%arg26 : memref<!tpu.dma_semaphore, #tpu.memory_space<semaphore_mem>>)
      %add3A_1449 = arith.constant 4 : i32
      %add3A_1450 = arith.addi %add3A_1410, %add3A_1449 : i32
      %sub3A_1451 = arith.constant 1 : i32
      %sub3A_1452 = arith.subi %add3A_1450, %sub3A_1451 : i32
      %lt3A_1453 = arith.constant 32 : i32
      %lt3A_1454 = arith.cmpi slt, %sub3A_1452, %lt3A_1453 : i32
      %convert_element_type3A_1455 = arith.extui %lt3A_1454 : i1 to i32
      %cond3A_1456 = arith.constant 0 : i32
      %cond3A_1457 = arith.cmpi ne, %convert_element_type3A_1455, %cond3A_1456 : i32
      scf.if %cond3A_1457 {
        %ge3A = arith.constant 1 : i32
        %ge3A_1459 = arith.cmpi sge, %add3A_1410, %ge3A : i32
        %convert_element_type3A_1460 = arith.extui %ge3A_1459 : i1 to i32
        %cond3A_1461 = arith.constant 0 : i32
        %cond3A_1462 = arith.cmpi ne, %convert_element_type3A_1460, %cond3A_1461 : i32
        scf.if %cond3A_1462 {
          %sub3A_1474 = arith.constant 1 : i32
          %sub3A_1475 = arith.subi %add3A_1410, %sub3A_1474 : i32
          %mul3A_1476 = arith.constant 8 : i32
          %mul3A_1477 = arith.muli %sub3A_1475, %mul3A_1476 : i32
          %add3A_1478 = arith.addi %mul3A_2, %mul3A_1477 : i32
          %dma_wait3A_1479 = arith.constant 0 : i32
          %dma_wait3A_1480 = tpu.memref_slice %arg6[%add3A_1478, %dma_wait3A_1479] : memref<8192x1024xf32, #tpu.memory_space<hbm>> -> memref<8x1024xf32, #tpu.memory_space<hbm>>
          %dma_wait3A_1481 = arith.constant 0 : i32
          %dma_wait3A_1482 = tpu.memref_slice %arg6[%add3A_1478, %dma_wait3A_1481] : memref<8192x1024xf32, #tpu.memory_space<hbm>> -> memref<8x1024xf32, #tpu.memory_space<hbm>>
          tpu.wait_dma2 semaphore(%arg25 : memref<!tpu.dma_semaphore, #tpu.memory_space<semaphore_mem>>) src(%arg17 : memref<8x1024xf32, #tpu.memory_space<vmem>>) dst(%dma_wait3A_1482 : memref<8x1024xf32, #tpu.memory_space<hbm>>)
        } else {
        }
        %add3A_1463 = arith.constant 4 : i32
        %add3A_1464 = arith.addi %add3A_1410, %add3A_1463 : i32
        %sub3A_1465 = arith.constant 1 : i32
        %sub3A_1466 = arith.subi %add3A_1464, %sub3A_1465 : i32
        %mul3A_1467 = arith.constant 8 : i32
        %mul3A_1468 = arith.muli %sub3A_1466, %mul3A_1467 : i32
        %add3A_1469 = arith.addi %mul3A_2, %mul3A_1468 : i32
        %dma_start3A_1470 = tpu.memref_slice %arg7[%add3A_1469] : memref<8192xi32, #tpu.memory_space<vmem>> -> memref<8xi32, #tpu.memory_space<vmem>>
        %dma_start3A_1471 = arith.constant 0 : i32
        %dma_start3A_1472 = arith.constant 0 : i32
        %dma_start3A_1473 = tpu.memref_slice %arg2[%dma_start3A_1471, %dma_start3A_1472] : memref<50000x1024xf32, #tpu.memory_space<hbm>> -> memref<50000x1024xf32, #tpu.memory_space<hbm>>
        tpu.enqueue_indirect_dma source(%dma_start3A_1473 : memref<50000x1024xf32, #tpu.memory_space<hbm>>) target(%arg17 : memref<8x1024xf32, #tpu.memory_space<vmem>>) offsets(%dma_start3A_1470 : memref<8xi32, #tpu.memory_space<vmem>>) semaphore(%arg21 : memref<!tpu.dma_semaphore, #tpu.memory_space<semaphore_mem>>)
      } else {
      }
      %scan3A_1458 = arith.constant 0 : i32
      scf.yield %scan3A_1458 : i32
    }
    %scan3A_1153 = arith.constant 8 : i32
    %add3A_1154 = arith.constant 224 : i32
    %add3A_1155 = arith.addi %mul3A_2, %add3A_1154 : i32
    %dma_wait3A_1156 = arith.constant 0 : i32
    %dma_wait3A_1157 = tpu.memref_slice %arg6[%add3A_1155, %dma_wait3A_1156] : memref<8192x1024xf32, #tpu.memory_space<hbm>> -> memref<8x1024xf32, #tpu.memory_space<hbm>>
    %dma_wait3A_1158 = arith.constant 0 : i32
    %dma_wait3A_1159 = tpu.memref_slice %arg6[%add3A_1155, %dma_wait3A_1158] : memref<8192x1024xf32, #tpu.memory_space<hbm>> -> memref<8x1024xf32, #tpu.memory_space<hbm>>
    tpu.wait_dma2 semaphore(%arg23 : memref<!tpu.dma_semaphore, #tpu.memory_space<semaphore_mem>>) src(%arg15 : memref<8x1024xf32, #tpu.memory_space<vmem>>) dst(%dma_wait3A_1159 : memref<8x1024xf32, #tpu.memory_space<hbm>>)
    %add3A_1160 = arith.constant 232 : i32
    %add3A_1161 = arith.addi %mul3A_2, %add3A_1160 : i32
    %dma_wait3A_1162 = arith.constant 0 : i32
    %dma_wait3A_1163 = tpu.memref_slice %arg6[%add3A_1161, %dma_wait3A_1162] : memref<8192x1024xf32, #tpu.memory_space<hbm>> -> memref<8x1024xf32, #tpu.memory_space<hbm>>
    %dma_wait3A_1164 = arith.constant 0 : i32
    %dma_wait3A_1165 = tpu.memref_slice %arg6[%add3A_1161, %dma_wait3A_1164] : memref<8192x1024xf32, #tpu.memory_space<hbm>> -> memref<8x1024xf32, #tpu.memory_space<hbm>>
    tpu.wait_dma2 semaphore(%arg24 : memref<!tpu.dma_semaphore, #tpu.memory_space<semaphore_mem>>) src(%arg16 : memref<8x1024xf32, #tpu.memory_space<vmem>>) dst(%dma_wait3A_1165 : memref<8x1024xf32, #tpu.memory_space<hbm>>)
    %add3A_1166 = arith.constant 240 : i32
    %add3A_1167 = arith.addi %mul3A_2, %add3A_1166 : i32
    %dma_wait3A_1168 = arith.constant 0 : i32
    %dma_wait3A_1169 = tpu.memref_slice %arg6[%add3A_1167, %dma_wait3A_1168] : memref<8192x1024xf32, #tpu.memory_space<hbm>> -> memref<8x1024xf32, #tpu.memory_space<hbm>>
    %dma_wait3A_1170 = arith.constant 0 : i32
    %dma_wait3A_1171 = tpu.memref_slice %arg6[%add3A_1167, %dma_wait3A_1170] : memref<8192x1024xf32, #tpu.memory_space<hbm>> -> memref<8x1024xf32, #tpu.memory_space<hbm>>
    tpu.wait_dma2 semaphore(%arg25 : memref<!tpu.dma_semaphore, #tpu.memory_space<semaphore_mem>>) src(%arg17 : memref<8x1024xf32, #tpu.memory_space<vmem>>) dst(%dma_wait3A_1171 : memref<8x1024xf32, #tpu.memory_space<hbm>>)
    %add3A_1172 = arith.constant 248 : i32
    %add3A_1173 = arith.addi %mul3A_2, %add3A_1172 : i32
    %dma_wait3A_1174 = arith.constant 0 : i32
    %dma_wait3A_1175 = tpu.memref_slice %arg6[%add3A_1173, %dma_wait3A_1174] : memref<8192x1024xf32, #tpu.memory_space<hbm>> -> memref<8x1024xf32, #tpu.memory_space<hbm>>
    %dma_wait3A_1176 = arith.constant 0 : i32
    %dma_wait3A_1177 = tpu.memref_slice %arg6[%add3A_1173, %dma_wait3A_1176] : memref<8192x1024xf32, #tpu.memory_space<hbm>> -> memref<8x1024xf32, #tpu.memory_space<hbm>>
    tpu.wait_dma2 semaphore(%arg26 : memref<!tpu.dma_semaphore, #tpu.memory_space<semaphore_mem>>) src(%arg18 : memref<8x1024xf32, #tpu.memory_space<vmem>>) dst(%dma_wait3A_1177 : memref<8x1024xf32, #tpu.memory_space<hbm>>)
    return
  }
}

</mosaic_0001>

<sc_bundles>
// kernel: kernel.3.cloned.1.call-start
scs
__scs_entry_jumppad:
0x0: {  	(pc) =	sbr.rel $0x88, $3  }
0x1: {  	(tag) =	ssettag $0x0;
	lr =	simm.s32 $0x1  }
0x2: {  	[smem:$0x3F9D] =	sst lr;
	_ =	strace $0xD0000000  }
0x3: {  	_ = 	snop  }
0x4: {  	_ = 	snop  }
0x5: {  	_ = 	snop  }
0x6: {  	_ = 	snop  }
0x7: {  	_ = 	snop  }
__scs_overlays_trampoline_lowered:
0x8: {  	[smem:$0x3FAC] =	sst s0  }
0x9: {  	[smem:$0x3FAD] =	sst s1  }
0xa: {  	[smem:$0x3FAE] =	sst s2  }
0xb: {  	[smem:$0x3FAF] =	sst s3  }
0xc: {  	[smem:$0x3FB0] =	sst s4  }
0xd: {  	[smem:$0x3FB1] =	sst s5  }
0xe: {  	[smem:$0x3FB2] =	sst s6  }
0xf: {  	[smem:$0x3FB3] =	sst s7  }
0x10: {  	[smem:$0x3FB4] =	sst s8  }
0x11: {  	[smem:$0x3FB5] =	sst s9;
	s0 =	simm.s32 @!p0 $0x0  }
0x12: {  	s1 =	sld [smem:$0x3F9B];
	s0 =	simm.s32 @p0 $0x1  }
0x13: {  	[smem:$0x3FB6] =	sst s0;
	s0 =	simm.s32 @!p1 $0x0  }
0x14: {  	s2 =	sld [smem:$0x3F9A];
	s0 =	simm.s32 @p1 $0x1  }
0x15: {  	[smem:$0x3FB7] =	sst s0;
	s0 =	simm.s32 @!p2 $0x0  }
0x16: {  	s3 =	sld [smem:$0x3FDB];
	s0 =	simm.s32 @p2 $0x1  }
0x17: {  	s4 =	simm.s32 $0x1BF5;
	[smem:$0x3FB9] =	sst s0  }
0x18: {  	s0 =	sld [smem:$0x3F9C];
	_ =	swait.ge [sflag:s4], $0x0  }
0x19: {  	s7 =	sld [smem:$0x3F9D]  }
0x1a: {  	s8 =	sadd.s32 $0xFFFFE003, lr  }
0x1b: {  	s9 =	sadd.s32 $0xFFFFFEF7, lr;
	s5 =	simm.s32 $0xFFFFFFFF;
	p2 =	slt.u32 s8, $0xFFFFF086  }
0x1c: {  	p1 =	slt.u32 s9, $0xF7A;
	s5 =	simm.s32 @!p2 $0x0  }
0x1d: {  	s5 =	simm.s32 @p1 $0x1;
	p0 =	seq.s32 s7, s2  }
0x1e: {  	s7 =	smul.u32 @!p0 $0xF7A, s2;
	p2 =	seq.s32 @!p0 s5, $0x0  }
0x1f: {  	s9 =	smul.u32 $0xF7A, s1;
	s8 =	simm.s32 @!p0 $0x1BF5;
	p2 =	por !p2, p0  }
0x20: {  	[sflag:s8] =	ssyncset.s32 @!p0 $0xFFFFF086;
	s6 =	sadd.s32 @!p0 s3, s7;
	s7 =	simm.s32 @!p0 $0x108  }
0x21: {  	s3 =	sadd.s32 s3, s9;
	s6 =	sadd.s32 @!p0 $0x88, s6;
	s7 =	simm.s32 @p2 $0x1082  }
0x22: {  	[simem:s7], [sflag:s8] =	dma.local @!p0 [hbm:s6], $0xF7A  }
0x23: {  	s9 =	sor.u32 $0xD0000000, s2;
	s6 =	simm.s32 $0x108;
	_ =	swait.ge @!p0 [sflag:s8], $0x0  }
0x24: {  	s3 =	sadd.s32 $0x88, s3;
	s6 =	simm.s32 @!p1 $0x1082;
	[sflag:s4] =	ssyncset.s32 $0xFFFFF086  }
0x25: {  	[simem:s6], [sflag:s4] =	dma.local [hbm:s3], $0xF7A  }
0x26: {  	[smem:$0x3F9D] =	sst s1;
	(tag) =	ssettag s2;
	_ =	strace s9  }
0x27: {  	s1 =	sld [smem:$0x3FAD]  }
0x28: {  	s2 =	sld [smem:$0x3FAE]  }
0x29: {  	s4 =	sld [smem:$0x3FB0]  }
0x2a: {  	p0 =	seq.s32 s5, $0x0;
	s5 =	sld [smem:$0x3FB1]  }
0x2b: {  	s6 =	sld [smem:$0x3FB2]  }
0x2c: {  	s7 =	sld [smem:$0x3FB3]  }
0x2d: {  	s3 =	simm.s32 $0x108;
	s8 =	sld [smem:$0x3FB4]  }
0x2e: {  	s3 =	simm.s32 @!p0 $0x1082;
	s9 =	sld [smem:$0x3FB5]  }
0x2f: {  	lr =	sadd.s32 s0, s3;
	s0 =	sld [smem:$0x3FAC]  }
0x30: {  	s3 =	sld [smem:$0x3FAF]  }
0x31: {  	[smem:$0x3FB8] =	sst s10  }
0x32: {  	s10 =	sld [smem:$0x3FB6];
	_ =	sdelay $0x3  }
0x33: {  	p0 =	seq.s32 s10, $0x1;
	s10 =	sld [smem:$0x3FB8];
	_ =	sdelay $0x3  }
0x34: {  	[smem:$0x3FB8] =	sst s10  }
0x35: {  	s10 =	sld [smem:$0x3FB7];
	_ =	sdelay $0x3  }
0x36: {  	p1 =	seq.s32 s10, $0x1;
	s10 =	sld [smem:$0x3FB8];
	_ =	sdelay $0x3  }
0x37: {  	[smem:$0x3FB8] =	sst s10  }
0x38: {  	s10 =	sld [smem:$0x3FB9]  }
0x39: {  	_ = 	snop;
	(pc) =	sbr.ind lr, $3  }
0x3a: {  	_ = 	snop  }
0x3b: {  	_ = 	snop  }
0x3c: {  	p2 =	seq.s32 s10, $0x1;
	s10 =	sld [smem:$0x3FB8]  }
0x3d: {  	_ =	shalt  }
0x3e: {  	_ =	shalt  }
0x3f: {  	_ =	shalt  }
0x40: {  	_ =	shalt  }
0x41: {  	_ =	shalt  }
0x42: {  	_ =	shalt  }
0x43: {  	_ =	shalt  }
0x44: {  	_ =	shalt  }
0x45: {  	_ =	shalt  }
0x46: {  	_ =	shalt  }
0x47: {  	_ =	shalt  }
0x48: {  	_ =	shalt  }
0x49: {  	_ =	shalt  }
0x4a: {  	_ =	shalt  }
0x4b: {  	_ =	shalt  }
0x4c: {  	_ =	shalt  }
0x4d: {  	_ =	shalt  }
0x4e: {  	_ =	shalt  }
0x4f: {  	_ =	shalt  }
0x50: {  	_ =	shalt  }
0x51: {  	_ =	shalt  }
0x52: {  	_ =	shalt  }
0x53: {  	_ =	shalt  }
0x54: {  	_ =	shalt  }
0x55: {  	_ =	shalt  }
0x56: {  	_ =	shalt  }
0x57: {  	_ =	shalt  }
0x58: {  	_ =	shalt  }
0x59: {  	_ =	shalt  }
0x5a: {  	_ =	shalt  }
0x5b: {  	_ =	shalt  }
0x5c: {  	_ =	shalt  }
0x5d: {  	_ =	shalt  }
0x5e: {  	_ =	shalt  }
0x5f: {  	_ =	shalt  }
0x60: {  	_ =	shalt  }
0x61: {  	_ =	shalt  }
0x62: {  	_ =	shalt  }
0x63: {  	_ =	shalt  }
0x64: {  	_ =	shalt  }
0x65: {  	_ =	shalt  }
0x66: {  	_ =	shalt  }
0x67: {  	_ =	shalt  }
0x68: {  	_ =	shalt  }
0x69: {  	_ =	shalt  }
0x6a: {  	_ =	shalt  }
0x6b: {  	_ =	shalt  }
0x6c: {  	_ =	shalt  }
0x6d: {  	_ =	shalt  }
0x6e: {  	_ =	shalt  }
0x6f: {  	_ =	shalt  }
0x70: {  	_ =	shalt  }
0x71: {  	_ =	shalt  }
0x72: {  	_ =	shalt  }
0x73: {  	_ =	shalt  }
0x74: {  	_ =	shalt  }
0x75: {  	_ =	shalt  }
0x76: {  	_ =	shalt  }
0x77: {  	_ =	shalt  }
0x78: {  	_ =	shalt  }
0x79: {  	_ =	shalt  }
0x7a: {  	_ =	shalt  }
0x7b: {  	_ =	shalt  }
0x7c: {  	_ =	shalt  }
0x7d: {  	_ =	shalt  }
0x7e: {  	_ =	shalt  }
0x7f: {  	_ =	shalt  }
0x80: {  	_ =	shalt  }
0x81: {  	_ =	shalt  }
0x82: {  	_ =	shalt  }
0x83: {  	_ =	shalt  }
0x84: {  	_ =	shalt  }
0x85: {  	_ =	shalt  }
0x86: {  	_ =	shalt  }
0x87: {  	_ =	shalt  }
.Lfunc_end0:
.L_simem_size_0:
called_computation_lowered:
.L_overlay_start_0:
0x88: {  	s2 =	sld [smem:$0x3FD9]  }
0x89: {  	s3 =	sld [smem:$0x3FFE];
	_ =	sdelay $0x1  }
0x8a: {  	s1 =	srdreg.scid  }
0x8b: {  	s0 =	sand.u32 $0x1, s1  }
0x8c: {  	s18 =	sshll.u32 s0, $0xA;
	s2 =	sadd.s32 s3, s2  }
0x8d: {  	s2 =	sadd.s32 s2, s18  }
0x8e: {  	[smem:$0x3FC4] =	sst s2  }
0x8f: {  	_ = 	snop  }
0x90: {  	s2 =	sld [smem:$0x3FC9]  }
0x91: {  	s19 =	sld [smem:$0x3FC8]  }
0x92: {  	s4 =	sld [smem:$0x3FC7]  }
0x93: {  	s5 =	sld [smem:$0x3FC6]  }
0x94: {  	s6 =	sld [smem:$0x3FD0];
	(tm) =	ssettm $0x1  }
0x95: {  	s7 =	sld [smem:$0x3FFB];
	_ =	sdelay $0x3  }
0x96: {  	_ =	strace s7  }
0x97: {  	s7 =	sld [smem:$0x3FFC];
	_ =	sdelay $0x3  }
0x98: {  	_ =	strace s7  }
0x99: {  	s7 =	sld [smem:$0x3FFD];
	_ =	sdelay $0x3  }
0x9a: {  	_ =	strace s7  }
0x9b: {  	_ =	strace $0x8FFFFFFF  }
0x9c: {  	s20 =	sld [smem:$0x3FDB];
	_ =	sdelay $0x1  }
0x9d: {  	s8 =	simm.s32 $_scs_section_size  }
0x9e: {  	s9 =	simm.s32 $_size__tile_overlayer_lowered;
	s10 =	simm.s32 $_tile_overlayer_lowered  }
0x9f: {  	s23 =	simm.s32 $0x1BFF;
	s22 =	sshll.u32 s10, $0x1;
	s7 =	sadd.s32 s8, s20  }
0xa0: {  	s11 =	simm.s32 $0x0;
	s21 =	sshll.u32 s9, $0x1;
	s9 =	sadd.s32 s22, s7  }
0xa1: {  	[timem:s11], [sflag:s23] =	dma.local [hbm:s9], s21  }
0xa2: {  	_ =	swait.ge [sflag:s23], s21  }
0xa3: {  	s8 =	ssub.s32 $0x0, s21;
	[sflag:s23] =	ssyncset.done $0x0  }
0xa4: {  	[sflag:s23] =	ssyncadd.s32 s8;
	_ =	sdelay $0x1  }
0xa5: {  	s24 =	simm.s32 $0x1B8B  }
0xa6: {  	_ =	swait.ge [sflag:s24], $0x1  }
0xa7: {  	[sflag:s24] =	ssyncset.done $0x0  }
0xa8: {  	s25 =	simm.s32 $0x1B8E;
	[sflag:s24] =	ssyncadd.s32 $0xFFFFFFFF  }
0xa9: {  	s26 =	simm.s32 $execute0_lowered;
	[smem:$0x3FD2] =	sst s25  }
0xaa: {  	s8 =	sshll.u32 s26, $0x1;
	_ =	strace $0x80000046;
	[dreg:$0x1] =	wrdreg $0xFFFFFFFF  }
0xab: {  	s28 =	simm.s32 $_size_execute0_lowered;
	s7 =	sadd.s32 s7, s8;
	[dreg:$0x0] =	wrdreg $0x0  }
0xac: {  	s8 =	sshll.u32 s28, $0x1;
	[dreg:$0x2] =	wrdreg s7  }
0xad: {  	[dreg:$0x3] =	wrdreg s8  }
0xae: {  	[dreg:$0x4] =	wrdreg $0xC0  }
0xaf: {  	_ =	task [dreg:s11], $0x5FFFF  }
0xb0: {  	[dreg:$0x1] =	wrdreg $0xFFFFFFFF  }
0xb1: {  	[dreg:$0x0] =	wrdreg $0x60  }
0xb2: {  	[dreg:$0x2] =	wrdreg s4  }
0xb3: {  	[dreg:$0x3] =	wrdreg s5  }
0xb4: {  	[dreg:$0x4] =	wrdreg s2  }
0xb5: {  	[dreg:$0x5] =	wrdreg s19  }
0xb6: {  	[dreg:$0x6] =	wrdreg s6  }
0xb7: {  	[dreg:$0x7] =	wrdreg $0x140000  }
0xb8: {  	[dreg:$0x8] =	wrdreg $0x9  }
0xb9: {  	_ =	task.clear_ibuf [dreg:s11], $0x9FFFF;
	_ =	strace $0x90000046  }
0xba: {  	s29 =	simm.s32 $0x9;
	_ =	strace $0x80000048  }
0xbb: {  	_ =	swait.ge [sflag:s29], $0x1  }
0xbc: {  	[sflag:s29] =	ssyncadd.s32 $0xFFFFFFFF  }
0xbd: {  	_ =	strace $0x90000048  }
0xbe: {  	_ =	sfence  }
0xbf: {  	s30 =	sld [smem:$0x0];
	_ =	sdelay $0x2  }
0xc0: {  	s31 =	sshll.u32 s1, $0xD;
	s1 =	sshrl.u32 s1, $0x2  }
0xc1: {  	s3 =	sand.u32 $0x4000, s31;
	s1 =	sadd.s32 s1, s30  }
0xc2: {  	s0 =	sor.u32 s3, s0;
	s1 =	sshll.u32 s1, $0x11  }
0xc3: {  	s0 =	sor.u32 s1, s0  }
0xc4: {  	s0 =	sadd.s32 $0x8F2B, s0  }
0xc5: {  	[sflag:s0] =	ssyncadd.remote.s32 $0x1  }
0xc6: {  	_ =	sfence.sel $0xFFFF  }
0xc7: {  	[dreg:$0x0] =	wrdreg $0xFFFFFFFF;
	(pc) =	sbr.abs _section_cstart, $3  }
0xc8: {  	[dreg:$0x1] =	wrdreg $0xFFFFFFFF  }
0xc9: {  	_ =	task.clear_ibuf [dreg:s11], $0x2FFFF;
	_ =	strace $0x9FFFFFFF  }
0xca: {  	(tm) =	ssettm $0x7FFFFFFF  }
0xcb: {  	_ =	shalt  }
tec
execute0_lowered:
.L_overlay_start_1:
0x0: {  	(tag) =	ssettag $0x1  }
0x1: {  	v0 =	vlaneseq.u32;
	vm1 =	vmmov $0xffff;
	vm2 =	vmmov $0x1  }
0x2: {  	vm3 =	vmmov $0x3;
	v3 =	vimm.s32 $0x76543210;
	vm4 =	vmmov $0x7  }
0x3: {  	vm5 =	vmmov $0xf;
	vm6 =	vmmov $0x1f;
	vm0 =	vmmov $0x3f  }
0x4: {  	s9 =	rddreg [dreg:$0x0];
	v4 =	vimm.s32 $0x0;
	vm7 =	vmmov $0x7f;
	vm8 =	vmmov $0xff  }
0x5: {  	s5 =	rddreg [dreg:$0x4];
	vm9 =	vmmov $0x1ff;
	vm10 =	vmmov $0x3ff;
	vm11 =	vmmov $0x7ff  }
0x6: {  	s7 =	rddreg [dreg:$0x5];
	s0 =	srdreg.scid;
	vm12 =	vmmov $0xfff;
	vm13 =	vmmov $0x1fff;
	vm14 =	vmmov $0x3fff  }
0x7: {  	s10 =	simm.s32 $0x0;
	s1 =	stileid.u32;
	vm15 =	vmmov $0x7fff;
	v5 =	vimm.s32 $0x3;
	v7 =	vimm.s32 $0x0;
	s0 =	sand.u32 $0x1, s0  }
0x8: {  	v8 =	vimm.s32 $0x1;
	v9 =	vimm.s32 $0x2;
	v10 =	vimm.s32 $0x4;
	[smem:$0x7FF] =	sst s10;
	s3 =	sshll.u32 s1, $0x1;
	s13 =	sadd.s32 $0x100, s9  }
0x9: {  	v11 =	vimm.s32 $0x5;
	v12 =	vimm.s32 $0x6;
	v27 =	vimm.s32 $0x0;
	s14 =	sadd.s32 $0x200, s9;
	s16 =	sadd.s32 $0x300, s9;
	s25 =	sshll.u32 s1, $0xB  }
0xa: {  	v13 =	vimm.s32 $0x7;
	v14 =	vimm.s32 $0x8;
	s28 =	sshll.u32 s1, $0x9;
	s31 =	sshll.u32 s1, $0x5;
	p0 =	sne.s32 s1, $0x0;
	v27 =	vsel vm1, $0xFFFFFFFF, v27  }
0xb: {  	v16 =	vimm.s32 $0x1FF;
	v17 =	vimm.s32 $0x9;
	s2 =	ssub.s32 $0x2, s0;
	_ =	strace $0x80000047;
	s3 =	sor.u32 s0, s3;
	[tilespmem:$0x1FFA0] =	vst v27;
	v27 =	vimm.s32 $0x0  }
0xc: {  	v18 =	vimm.s32 $0xA;
	v19 =	vimm.s32 $0xB;
	s26 =	sshll.u32 s0, $0xA;
	s29 =	sshll.u32 s0, $0x8;
	s0 =	sshll.u32 s0, $0x4;
	v27 =	vsel vm2, $0xFFFFFFFF, v27  }
0xd: {  	v20 =	vimm.s32 $0xC;
	v21 =	vimm.s32 $0xD;
	s11 =	sshll.u32 s3, $0x8;
	s23 =	sshll.u32 s3, $0xF;
	s3 =	sadd.s32 $0x1, s3;
	[tilespmem:$0x1FFB0] =	vst v27;
	v27 =	vimm.s32 $0x0  }
0xe: {  	v22 =	vimm.s32 $0xE;
	v23 =	vimm.s32 $0xF;
	s4 =	sshrl.u32 s2, $0x1;
	s30 =	sor.u32 s29, s28;
	[dreg:$0xa] =	wrdreg s3;
	v27 =	vsel vm3, $0xFFFFFFFF, v27  }
0xf: {  	v24 =	vimm.s32 $0xFFFFFFFF;
	v25 =	vimm.f32 $NaN;
	s0 =	sor.u32 s0, s31;
	s2 =	ssub.s32 s2, s4;
	[dreg:$0xb] =	wrdreg s30;
	[tilespmem:$0x1FFC0] =	vst v27;
	v27 =	vimm.s32 $0x0  }
0x10: {  	v2 =	vshrl.u32 v0, $0x3;
	v3 =	vunpack.c.l.s4.s8 v3;
	s6 =	sor.u32 $0x8, s11;
	s24 =	sor.u32 $0x10, s11;
	[dreg:$0xc] =	wrdreg s0;
	v27 =	vsel vm4, $0xFFFFFFFF, v27  }
.Ltmp0:
0x11: {  	v1 =	vand.u32 $0x7, v0;
	v4 =	vsel vm0, $0xFFFFFFFF, v4;
	s18 =	sadd.s32 s5, s23;
	[dreg:$0x7] =	wrdreg s6;
	[tilespmem:$0x1FFD0] =	vst v27;
	v27 =	vimm.s32 $0x0;
	(pc) =	sbr.rel .LBB2_1-.Ltmp0, $4  }
0x12: {  	vm0 =	vcmask $0x1F00;
	v3 =	vunpack.c.0.s8.s32 v3;
	s0 =	sshrl.u32 @!p0 s7, $0x3;
	[dreg:$0x8] =	wrdreg s24;
	s2 =	smax.u32 s2, $0x1;
	v27 =	vsel vm5, $0xFFFFFFFF, v27  }
0x13: {  	v6 =	vadd.s32 $0xFFFFFFFF, v0;
	v15 =	vor.u32 $0x1FF0, v0;
	s7 =	simm.s32 $0x15500;
	[dreg:$0x9] =	wrdreg s2;
	s2 =	sor.u32 s26, s25;
	[tilespmem:$0x1FFE0] =	vst v27;
	v27 =	vimm.s32 $0x0  }
0x14: {  	v2 =	vmul.u32 $0x8, v2;
	[tilespmem:$0x1FF90] =	vst v4;
	s5 =	simm.s32 $0x19600;
	[dreg:$0xd] =	wrdreg s0;
	v4 =	vand.u32 $0xF, v3;
	s2 =	sshrl.u32 s2, $0x2;
	v27 =	vsel vm6, $0xFFFFFFFF, v27  }
0x15: {  	v26 =	vmov s11;
	s24 =	simm.s32 $0x15200;
	v4 =	vnsel vm0, $0x8, v4;
	s25 =	simm.s32 $0x15580;
	v3 =	vmov s2;
	s2 =	simm.s32 $0x0;
	[tilespmem:$0x1FFF0] =	vst v27  }
.LBB2_85:
0x16: {  	s0 =	simm.s32 $0x5  }
0x17: {  	_ =	swait.ge [sflag:s0], $0x2000  }
0x18: {  	[sflag:s0] =	ssyncset.done $0x0  }
0x19: {  	s29 =	simm.s32 $0x6;
	[sflag:s0] =	ssyncadd.s32 $0xFFFFE000  }
0x1a: {  	_ =	swait.ge [sflag:s29], $0x2000  }
0x1b: {  	[sflag:s29] =	ssyncset.done $0x0  }
0x1c: {  	s30 =	simm.s32 $0x7;
	[sflag:s29] =	ssyncadd.s32 $0xFFFFE000  }
0x1d: {  	_ =	swait.ge [sflag:s30], $0x2000  }
0x1e: {  	[sflag:s30] =	ssyncset.done $0x0  }
0x1f: {  	s1 =	simm.s32 $0x8;
	[sflag:s30] =	ssyncadd.s32 $0xFFFFE000  }
0x20: {  	_ =	swait.ge [sflag:s1], $0x2000  }
0x21: {  	s2 =	rddreg [dreg:$0xe]  }
0x22: {  	s31 =	rddreg [dreg:$0x9];
	s2 =	sadd.s32 $0x1, s2  }
0x23: {  	p1 =	sne.s32 s2, s31  }
.Ltmp1:
0x24: {  	_ = 	snop;
	(pc) =	sbr.rel @!p1 .LBB2_86-.Ltmp1, $3  }
0x25: {  	_ =	sdelay $0x1  }
0x26: {  	[sflag:s1] =	ssyncset.done $0x0  }
0x27: {  	s7 =	simm.s32 $0x15500;
	[sflag:s1] =	ssyncadd.s32 $0xFFFFE000  }
.LBB2_1:
0x28: {  	[dreg:$0xe] =	wrdreg s2  }
0x29: {  	s1 =	rddreg [dreg:$0x1]  }
0x2a: {  	s0 =	simm.s32 @!p0 $0x1C0A;
	s2 =	rddreg [dreg:$0xd]  }
0x2b: {  	[spmem:s2], [sflag:s0] =	dma.local @!p0 [hbm:s1], $0x2000  }
0x2c: {  	s0 =	simm.s32 @!p0 $0xA  }
0x2d: {  	_ =	swait.ge @!p0 [sflag:s0], $0x2000  }
0x2e: {  	[sflag:s0] =	ssyncset.done @!p0 $0x0  }
0x2f: {  	[sflag:s0] =	ssyncadd.s32 @!p0 $0xFFFFE000  }
0x30: {  	[bflag:$0x0] =	sbarrier.arrive $0xFFFF  }
0x31: {  	s2 =	simm.s32 $0x2000;
	s1 =	rddreg [dreg:$0x5]  }
0x32: {  	[tilespmem:s2], [sflag:$0x9] =	stream.linear.gather [spmem:s1], $0x10000, $0x38;
	[tilespmem:$0x1D600] =	vst v63  }
0x33: {  	s4 =	simm.s32 $0xA;
	s3 =	rddreg [dreg:$0x2]  }
0x34: {  	[tilespmem:s10], [sflag:$0xA] =	stream.linear.gather [hbm4b:s3+s10], $0x2000, $0x38;
	[tilespmem:$0x1D600] =	vst v63  }
0x35: {  	_ =	swait.ge [sflag:s4], $0x2000  }
0x36: {  	[sflag:s4] =	ssyncset.done $0x0  }
0x37: {  	[sflag:s4] =	ssyncadd.s32 $0xFFFFE000  }
0x38: {  	s6 =	rddreg [dreg:$0x3]  }
0x39: {  	[tilespmem:s7], [sflag:$0xA] =	stream.linear.gather [hbm4b:s6+s10], $0x80, $0x38;
	[tilespmem:$0x1D600] =	vst v63  }
0x3a: {  	_ =	swait.ge [sflag:s4], $0x80  }
0x3b: {  	[sflag:s4] =	ssyncset.done $0x0  }
0x3c: {  	[sflag:s4] =	ssyncadd.s32 $0xFFFFFF80  }
0x3d: {  	v27 =	vld.msk [tilespmem:s11+$0x0], $0xff;
	_ =	sdelay $0x4  }
0x3e: {  	v28 =	vshll.u32 v27, $0x3  }
0x3f: {  	v27 =	vand.u32 $0x7, v27;
	v28 =	vand.u32 $0xFFFFFFC0, v28  }
0x40: {  	v27 =	vor.u32 v27, v28  }
0x41: {  	v27 =	vperm.xlane v27, v1;
	_ =	sdelay $0x1  }
0x42: {  	v27 =	vadd.s32 v2, v27;
	_ =	sdelay $0x3  }
0x43: {  	s8 =	simm.s32 $0x15600  }
0x44: {  	[tilespmem:s8], [sflag:$0x1] =	stream.indirect_vreg.gather [hbm4b:s9+s10], $0x80, v27, vm1, $0xb8;
	[tilespmem:$0x1D600] =	vst v63  }
0x45: {  	s12 =	simm.s32 $0x15E00  }
0x46: {  	[tilespmem:s12], [sflag:$0x1] =	stream.indirect_vreg.gather [hbm4b:s13+s10], $0x80, v27, vm1, $0xb8;
	[tilespmem:$0x1D600] =	vst v63  }
0x47: {  	s15 =	simm.s32 $0x16600  }
0x48: {  	[tilespmem:s15], [sflag:$0x1] =	stream.indirect_vreg.gather [hbm4b:s14+s10], $0x80, v27, vm1, $0xb8;
	[tilespmem:$0x1D600] =	vst v63  }
0x49: {  	s17 =	simm.s32 $0x16E00;
	s19 =	rddreg [dreg:$0x7]  }
0x4a: {  	[tilespmem:s17], [sflag:$0x1] =	stream.indirect_vreg.gather [hbm4b:s16+s10], $0x80, v27, vm1, $0xb8;
	[tilespmem:$0x1D600] =	vst v63  }
0x4b: {  	v27 =	vld.msk [tilespmem:s19+$0x0], $0xff;
	_ =	sdelay $0x4  }
0x4c: {  	v28 =	vshll.u32 v27, $0x3  }
0x4d: {  	v27 =	vand.u32 $0x7, v27;
	v28 =	vand.u32 $0xFFFFFFC0, v28  }
0x4e: {  	v27 =	vor.u32 v27, v28  }
0x4f: {  	v27 =	vperm.xlane v27, v1;
	_ =	sdelay $0x1  }
0x50: {  	v27 =	vadd.s32 v2, v27;
	_ =	sdelay $0x3  }
0x51: {  	s20 =	simm.s32 $0x17600  }
0x52: {  	[tilespmem:s20], [sflag:$0x2] =	stream.indirect_vreg.gather [hbm4b:s9+s10], $0x80, v27, vm1, $0xb8;
	[tilespmem:$0x1D600] =	vst v63  }
0x53: {  	s21 =	simm.s32 $0x17E00  }
0x54: {  	[tilespmem:s21], [sflag:$0x2] =	stream.indirect_vreg.gather [hbm4b:s13+s10], $0x80, v27, vm1, $0xb8;
	[tilespmem:$0x1D600] =	vst v63  }
0x55: {  	s22 =	simm.s32 $0x18600  }
0x56: {  	[tilespmem:s22], [sflag:$0x2] =	stream.indirect_vreg.gather [hbm4b:s14+s10], $0x80, v27, vm1, $0xb8;
	[tilespmem:$0x1D600] =	vst v63  }
0x57: {  	s23 =	simm.s32 $0x18E00;
	s26 =	rddreg [dreg:$0x8]  }
0x58: {  	[tilespmem:s23], [sflag:$0x2] =	stream.indirect_vreg.gather [hbm4b:s16+s10], $0x80, v27, vm1, $0xb8;
	[tilespmem:$0x1D600] =	vst v63  }
0x59: {  	v27 =	vld.msk [tilespmem:s26+$0x0], $0xff;
	_ =	sdelay $0x4  }
0x5a: {  	v28 =	vshll.u32 v27, $0x3  }
0x5b: {  	v27 =	vand.u32 $0x7, v27;
	v28 =	vand.u32 $0xFFFFFFC0, v28  }
0x5c: {  	v27 =	vor.u32 v27, v28  }
0x5d: {  	v27 =	vperm.xlane v27, v1;
	_ =	sdelay $0x1  }
0x5e: {  	v27 =	vadd.s32 v2, v27;
	_ =	sdelay $0x4  }
0x5f: {  	[tilespmem:s5], [sflag:$0x3] =	stream.indirect_vreg.gather [hbm4b:s9+s10], $0x80, v27, vm1, $0xb8;
	[tilespmem:$0x1D600] =	vst v63  }
0x60: {  	s28 =	simm.s32 $0x19E00;
	s31 =	rddreg [dreg:$0xa]  }
0x61: {  	[tilespmem:s28], [sflag:$0x3] =	stream.indirect_vreg.gather [hbm4b:s13+s10], $0x80, v27, vm1, $0xb8;
	[tilespmem:$0x1D600] =	vst v63  }
0x62: {  	s29 =	simm.s32 $0x1A600;
	p2 =	sne.s32 s31, $0x1  }
0x63: {  	[tilespmem:s29], [sflag:$0x3] =	stream.indirect_vreg.gather [hbm4b:s14+s10], $0x80, v27, vm1, $0xb8;
	[tilespmem:$0x1D600] =	vst v63  }
.Ltmp2:
0x64: {  	_ = 	snop;
	(pc) =	sbr.rel @!p2 .LBB2_2-.Ltmp2, $4  }
0x65: {  	s30 =	simm.s32 $0x1AE00;
	s1 =	simm.s32 $0x80  }
0x66: {  	[tilespmem:s30], [sflag:$0x3] =	stream.indirect_vreg.gather [hbm4b:s16+s10], $0x80, v27, vm1, $0xb8;
	[tilespmem:$0x1D600] =	vst v63  }
0x67: {  	v27 =	vld [tilespmem:s1+$0xFFFFFF80]  }
0x68: {  	p1 =	por $0x0, $0x0;
	s2 =	simm.s32 $0x15000;
	s0 =	sadd.s32 $0xFFFFFFFF, s31;
	v28 =	vld [tilespmem:s1+$0xFFFFFF90]  }
0x69: {  	v29 =	vld [tilespmem:s1+$0xFFFFFFA0]  }
0x6a: {  	v30 =	vld [tilespmem:s1+$0xFFFFFFB0];
	_ =	sdelay $0x1  }
0x6b: {  	v31 =	vld [tilespmem:s1+$0xFFFFFFC0]  }
0x6c: {  	v32 =	vld [tilespmem:s1+$0xFFFFFFD0];
	vm0 =	veq.s32 v27, $0x3;
	vm1 =	veq.s32 v28, $0x3  }
0x6d: {  	v27 =	vld [tilespmem:s1+$0xFFFFFFE0];
	v28 =	vmpcnt.ones.xlane vm0;
	v33 =	vmpcnt.ones.xlane vm1;
	vm0 =	veq.s32 v29, $0x3  }
0x6e: {  	v29 =	vld [tilespmem:s1+$0xFFFFFFF0];
	v34 =	vmpcnt.ones.xlane vm0;
	vm0 =	veq.s32 v30, $0x3  }
0x6f: {  	v30 =	vld [tilespmem:s1+$0x0];
	v28 =	vsel vm2, v28, v33;
	v54 =	vmpcnt.ones.xlane vm0  }
0x70: {  	vm0 =	veq.s32 v31, $0x3;
	vm2 =	vmmov vm4;
	v28 =	vsel vm3, v28, v34  }
0x71: {  	v55 =	vmpcnt.ones.xlane vm0;
	vm0 =	veq.s32 v32, $0x3;
	v28 =	vsel vm4, v28, v54  }
0x72: {  	v57 =	vmpcnt.ones.xlane vm0;
	vm0 =	veq.s32 v27, $0x3;
	vm4 =	vmmov vm6  }
0x73: {  	v35 =	vld [tilespmem:$0x1FF90];
	v28 =	vsel vm5, v28, v55;
	v58 =	vmpcnt.ones.xlane vm0;
	vm0 =	veq.s32 v29, $0x3  }
0x74: {  	v31 =	vld [tilespmem:s1+$0x10];
	v28 =	vsel vm6, v28, v57;
	v59 =	vmpcnt.ones.xlane vm0;
	vm0 =	veq.s32 v30, $0x3  }
0x75: {  	v56 =	vld [tilespmem:s1+$0x20];
	vm6 =	vmmov vm3;
	vm3 =	vmmov vm5;
	vm5 =	vmmov vm15  }
0x76: {  	v27 =	vld [tilespmem:s1+$0x30];
	vm15 =	vmmov vm14;
	vm14 =	vmmov vm13;
	vm13 =	vmmov vm12  }
0x77: {  	v29 =	vld [tilespmem:s1+$0x40];
	vm12 =	vmmov vm11;
	vm11 =	vmmov vm10;
	vm10 =	vmmov vm9  }
0x78: {  	v30 =	vld [tilespmem:s1+$0x50];
	vm9 =	vmmov vm8;
	vm8 =	vmmov vm7;
	vm7 =	vnez.u8 v35  }
0x79: {  	v28 =	vsel vm7, v28, v58;
	v60 =	vmpcnt.ones.xlane vm0;
	vm0 =	veq.s32 v31, $0x3;
	v31 =	vld [tilespmem:s1+$0x60]  }
0x7a: {  	v62 =	vld [tilespmem:s1+$0x70];
	v28 =	vsel vm8, v28, v59;
	v61 =	vmpcnt.ones.xlane vm0;
	vm0 =	veq.s32 v56, $0x3  }
0x7b: {  	v28 =	vsel vm9, v28, v60;
	v63 =	vmpcnt.ones.xlane vm0;
	vm0 =	veq.s32 v27, $0x3  }
0x7c: {  	v27 =	vsel vm10, v28, v61;
	v28 =	vmpcnt.ones.xlane vm0;
	vm0 =	veq.s32 v29, $0x3  }
0x7d: {  	v27 =	vsel vm11, v27, v63;
	v29 =	vmpcnt.ones.xlane vm0;
	vm0 =	veq.s32 v30, $0x3  }
0x7e: {  	v27 =	vsel vm12, v27, v28;
	v28 =	vmpcnt.ones.xlane vm0;
	vm0 =	veq.s32 v31, $0x3  }
0x7f: {  	v27 =	vsel vm13, v27, v29;
	v29 =	vmpcnt.ones.xlane vm0;
	vm0 =	veq.s32 v62, $0x3  }
0x80: {  	p4 =	sne.s32 s0, $0x1;
	v30 =	vmpcnt.ones.xlane vm0;
	v27 =	vsel vm14, v27, v28  }
.Ltmp3:
0x81: {  	v27 =	vsel vm15, v27, v29;
	(pc) =	sbr.rel @!p4 .LBB2_4-.Ltmp3, $4  }
0x82: {  	v27 =	vsel vm5, v27, v30  }
0x83: {  	s1 =	simm.s32 $0x180;
	[tilespmem:s2+$0x0] =	vst v27  }
0x84: {  	v27 =	vld [tilespmem:s1+$0xFFFFFF80]  }
0x85: {  	s4 =	sadd.s32 $0xFFFFFFFF, s0;
	p3 =	por $0x1, $0x1;
	s3 =	simm.s32 $0x15000;
	v28 =	vld [tilespmem:s1+$0xFFFFFF90]  }
.LBB2_5:
0x86: {  	v29 =	vld [tilespmem:s1+$0xFFFFFFA0]  }
0x87: {  	v30 =	vld [tilespmem:s1+$0xFFFFFFB0]  }
0x88: {  	v35 =	vld [tilespmem:$0x1FFB0]  }
0x89: {  	v31 =	vld [tilespmem:s1+$0xFFFFFFC0]  }
0x8a: {  	v32 =	vld [tilespmem:s1+$0xFFFFFFD0]  }
0x8b: {  	vm0 =	veq.s32 v27, $0x3;
	vm1 =	veq.s32 v28, $0x3;
	v27 =	vld [tilespmem:s1+$0xFFFFFFE0]  }
0x8c: {  	v28 =	vmpcnt.ones.xlane vm0;
	v33 =	vmpcnt.ones.xlane vm1;
	vm0 =	veq.s32 v29, $0x3;
	v29 =	vld [tilespmem:s1+$0xFFFFFFF0]  }
0x8d: {  	vm1 =	vnez.u8 v35;
	v34 =	vmpcnt.ones.xlane vm0;
	vm0 =	veq.s32 v30, $0x3;
	v30 =	vld [tilespmem:s1+$0x0]  }
0x8e: {  	v28 =	vsel vm1, v28, v33;
	v54 =	vmpcnt.ones.xlane vm0;
	vm0 =	veq.s32 v31, $0x3;
	v31 =	vld [tilespmem:s1+$0x10]  }
0x8f: {  	v56 =	vld [tilespmem:s1+$0x20];
	v28 =	vsel vm6, v28, v34;
	v55 =	vmpcnt.ones.xlane vm0;
	vm0 =	veq.s32 v32, $0x3  }
0x90: {  	v28 =	vsel vm2, v28, v54;
	v57 =	vmpcnt.ones.xlane vm0;
	vm0 =	veq.s32 v27, $0x3;
	v27 =	vld [tilespmem:s1+$0x30]  }
0x91: {  	v28 =	vsel vm3, v28, v55;
	v58 =	vmpcnt.ones.xlane vm0;
	vm0 =	veq.s32 v29, $0x3;
	v29 =	vld [tilespmem:s1+$0x40]  }
0x92: {  	v28 =	vsel vm4, v28, v57;
	v59 =	vmpcnt.ones.xlane vm0;
	vm0 =	veq.s32 v30, $0x3;
	v30 =	vld [tilespmem:s1+$0x50]  }
0x93: {  	v28 =	vsel vm7, v28, v58;
	v60 =	vmpcnt.ones.xlane vm0;
	vm0 =	veq.s32 v31, $0x3;
	v31 =	vld [tilespmem:s1+$0x60]  }
0x94: {  	v62 =	vld [tilespmem:s1+$0x70];
	v28 =	vsel vm8, v28, v59;
	v61 =	vmpcnt.ones.xlane vm0;
	vm0 =	veq.s32 v56, $0x3  }
0x95: {  	v28 =	vsel vm9, v28, v60;
	v63 =	vmpcnt.ones.xlane vm0;
	vm0 =	veq.s32 v27, $0x3  }
0x96: {  	v27 =	vsel vm10, v28, v61;
	v28 =	vmpcnt.ones.xlane vm0;
	vm0 =	veq.s32 v29, $0x3  }
0x97: {  	v27 =	vsel vm11, v27, v63;
	v29 =	vmpcnt.ones.xlane vm0;
	vm0 =	veq.s32 v30, $0x3  }
0x98: {  	v27 =	vsel vm12, v27, v28;
	v28 =	vmpcnt.ones.xlane vm0;
	vm0 =	veq.s32 v31, $0x3  }
0x99: {  	v27 =	vsel vm13, v27, v29;
	v29 =	vmpcnt.ones.xlane vm0;
	vm0 =	veq.s32 v62, $0x3  }
0x9a: {  	p4 =	sne.s32 s4, $0x1;
	v27 =	vsel vm14, v27, v28;
	v28 =	vmpcnt.ones.xlane vm0  }
.Ltmp4:
0x9b: {  	v27 =	vsel vm15, v27, v29;
	(pc) =	sbr.rel @p4 .LBB2_5-.Ltmp4, $4  }
0x9c: {  	s3 =	sadd.s32 $0x10, s3;
	v27 =	vsel vm5, v27, v28  }
0x9d: {  	s1 =	sadd.s32 $0x100, s1;
	[tilespmem:s3+$0x0] =	vst v27  }
0x9e: {  	v27 =	vld [tilespmem:s1+$0xFFFFFF80]  }
0x9f: {  	s4 =	sadd.s32 $0xFFFFFFFF, s4;
	v28 =	vld [tilespmem:s1+$0xFFFFFF90]  }
0xa0: {  	v29 =	vld [tilespmem:$0x1FFB0]  }
0xa1: {  	vm7 =	vmmov vm8;
	vm8 =	vmmov vm9  }
0xa2: {  	vm9 =	vmmov vm10;
	vm10 =	vmmov vm11;
	vm11 =	vmmov vm12  }
0xa3: {  	vm12 =	vmmov vm13;
	vm13 =	vmmov vm14;
	vm14 =	vmmov vm15  }
0xa4: {  	vm15 =	vmmov vm5;
	vm5 =	vmmov vm3;
	vm3 =	vmmov vm6  }
0xa5: {  	vm6 =	vmmov vm4;
	vm4 =	vmmov vm2;
	vm2 =	vnez.u8 v29  }
.LBB2_7:
0xa6: {  	v29 =	vld [tilespmem:s1+$0xFFFFFFA0]  }
0xa7: {  	v30 =	vld [tilespmem:s1+$0xFFFFFFB0]  }
0xa8: {  	v31 =	vld [tilespmem:s1+$0xFFFFFFC0]  }
0xa9: {  	v35 =	vld [tilespmem:$0x1FF90]  }
0xaa: {  	v32 =	vld [tilespmem:s1+$0xFFFFFFD0];
	vm0 =	veq.s32 v27, $0x3;
	vm1 =	veq.s32 v28, $0x3  }
0xab: {  	v27 =	vld [tilespmem:s1+$0xFFFFFFE0];
	v43 =	vmpcnt.ones.xlane vm0;
	v33 =	vmpcnt.ones.xlane vm1  }
0xac: {  	v44 =	vld [tilespmem:s1+$0xFFFFFFF0];
	vm0 =	veq.s32 v29, $0x3  }
0xad: {  	v45 =	vld [tilespmem:s1+$0x0];
	v28 =	vsel vm2, v43, v33;
	v34 =	vmpcnt.ones.xlane vm0;
	vm0 =	veq.s32 v30, $0x3  }
0xae: {  	v47 =	vld [tilespmem:s1+$0x10];
	vm1 =	vnez.u8 v35;
	v46 =	vmpcnt.ones.xlane vm0;
	vm0 =	veq.s32 v31, $0x3  }
0xaf: {  	v49 =	vld [tilespmem:s1+$0x20];
	v28 =	vsel vm3, v28, v34;
	v48 =	vmpcnt.ones.xlane vm0;
	vm0 =	veq.s32 v32, $0x3  }
0xb0: {  	v28 =	vsel vm4, v28, v46;
	v50 =	vmpcnt.ones.xlane vm0;
	vm0 =	veq.s32 v27, $0x3;
	v27 =	vld [tilespmem:s1+$0x30]  }
0xb1: {  	v52 =	vld [tilespmem:s1+$0x40];
	v28 =	vsel vm5, v28, v48;
	v51 =	vmpcnt.ones.xlane vm0;
	vm0 =	veq.s32 v44, $0x3  }
0xb2: {  	v54 =	vld [tilespmem:s1+$0x50];
	v28 =	vsel vm6, v28, v50;
	v53 =	vmpcnt.ones.xlane vm0;
	vm0 =	veq.s32 v45, $0x3  }
0xb3: {  	v56 =	vld [tilespmem:s1+$0x60];
	v28 =	vsel vm1, v28, v51;
	v55 =	vmpcnt.ones.xlane vm0;
	vm0 =	veq.s32 v47, $0x3  }
0xb4: {  	v58 =	vld [tilespmem:s1+$0x70];
	v28 =	vsel vm7, v28, v53;
	v57 =	vmpcnt.ones.xlane vm0;
	vm0 =	veq.s32 v49, $0x3  }
0xb5: {  	v28 =	vsel vm8, v28, v55;
	v59 =	vmpcnt.ones.xlane vm0;
	vm0 =	veq.s32 v27, $0x3  }
0xb6: {  	v27 =	vsel vm9, v28, v57;
	v60 =	vmpcnt.ones.xlane vm0;
	vm0 =	veq.s32 v52, $0x3  }
0xb7: {  	v27 =	vsel vm10, v27, v59;
	v29 =	vmpcnt.ones.xlane vm0;
	vm0 =	veq.s32 v54, $0x3  }
0xb8: {  	v27 =	vsel vm11, v27, v60;
	v61 =	vmpcnt.ones.xlane vm0;
	vm0 =	veq.s32 v56, $0x3  }
.Ltmp5:
0xb9: {  	v27 =	vsel vm12, v27, v29;
	v62 =	vmpcnt.ones.xlane vm0;
	vm0 =	veq.s32 v58, $0x3;
	(pc) =	sbr.rel @!p2 .LBB2_8-.Ltmp5, $4  }
0xba: {  	v63 =	vmpcnt.ones.xlane vm0;
	v27 =	vsel vm13, v27, v61  }
0xbb: {  	s1 =	sadd.s32 @p3 $0x10, s3;
	s3 =	simm.s32 $0x15000;
	v27 =	vsel vm14, v27, v62  }
0xbc: {  	s3 =	smov.u32 @p3 s1;
	v27 =	vsel vm15, v27, v63  }
0xbd: {  	s1 =	simm.s32 $0x0;
	[tilespmem:s3+$0x0] =	vst v27;
	s3 =	simm.s32 $0x15200  }
0xbe: {  	p3 =	sne.s32 s0, $0x1  }
.Ltmp6:
0xbf: {  	_ = 	snop;
	(pc) =	sbr.rel @!p3 .LBB2_10-.Ltmp6, $2  }
0xc0: {  	_ =	sdelay $0x2  }
0xc1: {  	v27 =	vld [tilespmem:s2+$0x0];
	s4 =	sadd.s32 $0xFFFFFFFF, s0;
	p2 =	por $0x1, $0x1  }
0xc2: {  	_ =	sdelay $0x3  }
0xc3: {  	(xrf0) =	vadd.scan.msk.s32 $0xffff, v27;
	_ =	sdelay $0x5  }
0xc4: {  	v28, _, _ =	vpop (xrf0)  }
0xc5: {  	v28 =	vadd.s32 s1, v28  }
0xc6: {  	v29 =	vxor.u32 $0x80000000, v28  }
0xc7: {  	(xrf0) =	vmax.scan.msk.u32 $0xffff, v29;
	_ =	sdelay $0x2  }
0xc8: {  	v27 =	vsub.s32 v28, v27;
	_ =	sdelay $0x2  }
0xc9: {  	[tilespmem:s3+$0x0] =	vst v27;
	v27, _, _ =	vpop (xrf0)  }
0xca: {  	(v2sf) =	vpush v27, $0xF;
	_ =	sdelay $0x2  }
0xcb: {  	p3 =	sne.s32 s4, $0x1  }
.Ltmp7:
0xcc: {  	s0 =	simm.s32 $0x15010;
	(pc) =	sbr.rel @!p3 .LBB2_12-.Ltmp7, $2  }
0xcd: {  	v27 =	vld [tilespmem:s0+$0x0];
	_ =	sdelay $0x2  }
0xce: {  	s5 =	sadd.s32 $0xFFFFFFFF, s4;
	p1 =	por $0x1, $0x1;
	s4 =	simm.s32 $0x15200  }
.LBB2_13:
0xcf: {  	p3 =	sne.s32 s5, $0x1  }
0xd0: {  	(xrf0) =	vadd.scan.msk.s32 $0xffff, v27;
	_ =	sdelay $0x4  }
0xd1: {  	s6 =	spop (v2sf)  }
0xd2: {  	v28, _, _ =	vpop (xrf0);
	s6 =	sxor.u32 $0x80000000, s6  }
0xd3: {  	v28 =	vadd.s32 s6, v28  }
0xd4: {  	s4 =	sadd.s32 $0x10, s4;
	v27 =	vsub.s32 v28, v27;
	v28 =	vxor.u32 $0x80000000, v28  }
0xd5: {  	[tilespmem:s4+$0x0] =	vst v27;
	(xrf0) =	vmax.scan.msk.u32 $0xffff, v28;
	_ =	sdelay $0x5  }
0xd6: {  	v27, _, _ =	vpop (xrf0)  }
0xd7: {  	(v2sf) =	vpush v27, $0xF;
	_ =	sdelay $0x3  }
.Ltmp8:
0xd8: {  	s0 =	sadd.s32 $0x10, s0;
	(pc) =	sbr.rel @p3 .LBB2_13-.Ltmp8, $2  }
0xd9: {  	v27 =	vld [tilespmem:s0+$0x0];
	_ =	sdelay $0x2  }
0xda: {  	s5 =	sadd.s32 $0xFFFFFFFF, s5  }
.LBB2_14:
0xdb: {  	_ =	sdelay $0x1  }
0xdc: {  	(xrf0) =	vadd.scan.msk.s32 @p2 $0xffff, v27;
	_ =	sdelay $0x3  }
0xdd: {  	s5 =	spop @p1 (v2sf)  }
0xde: {  	s6 =	simm.s32 $0x0;
	s5 =	sxor.u32 @p1 $0x80000000, s5  }
0xdf: {  	v28, _, _ =	vpop @p2 (xrf0);
	s6 =	smov.u32 @p1 s5  }
0xe0: {  	v28 =	vadd.s32 @p2 s6, v28  }
0xe1: {  	v29 =	vxor.u32 @p2 $0x80000000, v28  }
0xe2: {  	(xrf0) =	vmax.scan.msk.u32 @p2 $0xffff, v29;
	_ =	sdelay $0x5  }
0xe3: {  	v29, _, _ =	vpop @p2 (xrf0)  }
0xe4: {  	(v2sf) =	vpush @p2 v29, $0xF;
	_ =	sdelay $0x2  }
0xe5: {  	s4 =	sadd.s32 @p1 $0x10, s4;
	s5 =	simm.s32 $0x15200  }
0xe6: {  	s0 =	sadd.s32 @p2 $0x10, s0;
	s5 =	smov.u32 @p1 s4;
	v27 =	vsub.s32 @p2 v28, v27  }
0xe7: {  	s2 =	smov.u32 @p2 s0;
	[tilespmem:s5+$0x0] =	vst @p2 v27  }
0xe8: {  	v27 =	vld [tilespmem:s2+$0x0];
	_ =	sdelay $0x4  }
0xe9: {  	(xrf0) =	vadd.scan.msk.s32 $0xffff, v27;
	_ =	sdelay $0x3  }
0xea: {  	s0 =	spop @p2 (v2sf)  }
0xeb: {  	s2 =	simm.s32 $0x0;
	s0 =	sxor.u32 @p2 $0x80000000, s0  }
0xec: {  	v28, _, _ =	vpop (xrf0);
	s2 =	smov.u32 @p2 s0  }
0xed: {  	v28 =	vadd.s32 s2, v28  }
0xee: {  	s0 =	sadd.s32 @p2 $0x10, s5;
	v29 =	vxor.u32 $0x80000000, v28  }
0xef: {  	s3 =	smov.u32 @p2 s0;
	v27 =	vsub.s32 v28, v27;
	(xrf0) =	vmax.scan.msk.u32 $0xffff, v29  }
0xf0: {  	[tilespmem:s3+$0x0] =	vst v27  }
0xf1: {  	v32 =	vld.idx.msk [tilespmem:v4+s7+$0x0], $0xffff;
	_ =	sdelay $0x3  }
0xf2: {  	v27, _, _ =	vpop (xrf0)  }
0xf3: {  	v33 =	vadd.s32 $0xFFFFFFFF, v32;
	(v2sf) =	vpush v27, $0xF  }
0xf4: {  	(v2sf) =	vpush v33, $0x0;
	_ =	sdelay $0xb  }
0xf5: {  	(v2sf) =	vpush v33, $0x1;
	_ =	sdelay $0x1  }
0xf6: {  	s20 =	spop (v2sf)  }
0xf7: {  	s0 =	spop (v2sf)  }
0xf8: {  	p1 =	sgt.s32 s0, $0x0  }
0xf9: {  	p5 =	slt.s32 s0, $0x1;
	s0 =	simm.s32 @!p1 $0x0  }
0xfa: {  	s21 =	sand.u32 $0xF, s0  }
0xfb: {  	p6 =	sne.s32 s21, $0x0  }
0xfc: {  	p1 =	por !p5, !p6  }
0xfd: {  	s3 =	simm.s32 $0x1;
	p1 =	por !p1, !p1  }
0xfe: {  	s0 =	sshrl.u32 s0, $0x4;
	s3 =	simm.s32 @!p1 $0x0  }
0xff: {  	s0 =	ssub.s32 s0, s3  }
0x100: {  	(v2sf) =	vpush v33, $0x2;
	s3 =	sshll.u32 s0, $0x4  }
0x101: {  	v27 =	vor.u32 s3, v0;
	_ =	sdelay $0x1  }
0x102: {  	s3 =	spop (v2sf)  }
0x103: {  	p1 =	sgt.s32 s3, $0x0  }
0x104: {  	v28 =	vmov s0;
	p3 =	slt.s32 s3, $0x1;
	s3 =	simm.s32 @!p1 $0x0  }
0x105: {  	s22 =	sand.u32 $0xF, s3;
	v27 =	vld.idx.msk [tilespmem:v27+s1+$0x0], $0xffff  }
0x106: {  	p4 =	sne.s32 s22, $0x0  }
0x107: {  	p1 =	por !p3, !p4  }
0x108: {  	s4 =	simm.s32 $0x1;
	p1 =	por !p1, !p1  }
0x109: {  	v29 =	vmov s21;
	s23 =	sshrl.u32 s3, $0x4;
	v28 =	vld.idx.msk [tilespmem:v28+s24+$0x0], $0xffff;
	s4 =	simm.s32 @!p1 $0x0  }
0x10a: {  	vm3 =	vcmask $0x3F3C;
	vm1 =	vgt.s32 v29, v6;
	s2 =	ssub.s32 s23, s4;
	vm0 =	veq.s32 v27, $0x3  }
0x10b: {  	(v2sf) =	vpush v33, $0x3;
	s26 =	sshll.u32 s2, $0x4;
	vm0 =	vmand vm0, vm1  }
0x10c: {  	v27 =	vbroadcast v32, $0x0;
	v30 =	vor.u32 s26, v0;
	v29 =	vmpcnt.ones.xlane vm0;
	_ =	sdelay $0x1  }
0x10d: {  	s3 =	spop (v2sf);
	vm0 =	veq.s32 v27, $0x0;
	v28 =	vadd.s32 v29, v28  }
0x10e: {  	p1 =	sgt.s32 s3, $0x0;
	v28 =	vsel vm0, $0x0, v28  }
0x10f: {  	p5 =	slt.s32 s3, $0x1;
	s3 =	simm.s32 @!p1 $0x0;
	[tilespmem:v7+s25+$0x0] =	vst.idx.msk vm3, v28;
	v28 =	vmov s2  }
0x110: {  	s28 =	sand.u32 $0xF, s3;
	v29 =	vld.idx.msk [tilespmem:v30+s1+$0x0], $0xffff  }
0x111: {  	p6 =	sne.s32 s28, $0x0  }
0x112: {  	p1 =	por !p5, !p6  }
0x113: {  	s4 =	simm.s32 $0x1;
	p1 =	por !p1, !p1  }
0x114: {  	s29 =	sshrl.u32 s3, $0x4;
	s4 =	simm.s32 @!p1 $0x0;
	v30 =	vmov s22;
	v31 =	vld.idx.msk [tilespmem:v28+s24+$0x0], $0xffff  }
0x115: {  	s0 =	ssub.s32 s29, s4;
	vm1 =	vgt.s32 v30, v6;
	vm0 =	veq.s32 v29, $0x3  }
0x116: {  	(v2sf) =	vpush v33, $0x4;
	s30 =	sshll.u32 s0, $0x4;
	vm0 =	vmand vm0, vm1  }
0x117: {  	v30 =	vor.u32 s30, v0;
	v28 =	vbroadcast v32, $0x1;
	v29 =	vmpcnt.ones.xlane vm0;
	_ =	sdelay $0x1  }
0x118: {  	s3 =	spop (v2sf);
	vm0 =	veq.s32 v28, $0x0;
	v29 =	vadd.s32 v29, v31  }
0x119: {  	p1 =	sgt.s32 s3, $0x0;
	v29 =	vsel vm0, $0x0, v29  }
0x11a: {  	p3 =	slt.s32 s3, $0x1;
	s3 =	simm.s32 @!p1 $0x0;
	[tilespmem:v8+s25+$0x0] =	vst.idx.msk vm3, v29;
	v29 =	vmov s0  }
0x11b: {  	s31 =	sand.u32 $0xF, s3;
	v30 =	vld.idx.msk [tilespmem:v30+s1+$0x0], $0xffff  }
0x11c: {  	p4 =	sne.s32 s31, $0x0  }
0x11d: {  	p1 =	por !p3, !p4  }
0x11e: {  	s4 =	simm.s32 $0x1;
	p1 =	por !p1, !p1  }
0x11f: {  	s3 =	sshrl.u32 s3, $0x4;
	s4 =	simm.s32 @!p1 $0x0;
	v31 =	vmov s28;
	v34 =	vld.idx.msk [tilespmem:v29+s24+$0x0], $0xffff  }
0x120: {  	s2 =	ssub.s32 s3, s4;
	vm1 =	vgt.s32 v31, v6;
	vm0 =	veq.s32 v30, $0x3  }
0x121: {  	(v2sf) =	vpush v33, $0x5;
	s5 =	sshll.u32 s2, $0x4;
	vm0 =	vmand vm1, vm0  }
0x122: {  	v31 =	vor.u32 s5, v0;
	v29 =	vbroadcast v32, $0x2;
	v30 =	vmpcnt.ones.xlane vm0;
	_ =	sdelay $0x1  }
0x123: {  	s3 =	spop (v2sf);
	vm0 =	veq.s32 v29, $0x0;
	v30 =	vadd.s32 v30, v34  }
0x124: {  	p1 =	sgt.s32 s3, $0x0;
	v30 =	vsel vm0, $0x0, v30  }
0x125: {  	p5 =	slt.s32 s3, $0x1;
	s3 =	simm.s32 @!p1 $0x0;
	[tilespmem:v9+s25+$0x0] =	vst.idx.msk vm3, v30;
	v30 =	vmov s2  }
0x126: {  	s6 =	sand.u32 $0xF, s3;
	v31 =	vld.idx.msk [tilespmem:v31+s1+$0x0], $0xffff  }
0x127: {  	p6 =	sne.s32 s6, $0x0  }
0x128: {  	p1 =	por !p5, !p6  }
0x129: {  	s4 =	simm.s32 $0x1;
	p1 =	por !p1, !p1  }
0x12a: {  	v48 =	vmov s31;
	s7 =	sshrl.u32 s3, $0x4;
	s4 =	simm.s32 @!p1 $0x0;
	v35 =	vld.idx.msk [tilespmem:v30+s24+$0x0], $0xffff  }
0x12b: {  	s0 =	ssub.s32 s7, s4;
	vm1 =	vgt.s32 v48, v6;
	vm0 =	veq.s32 v31, $0x3  }
0x12c: {  	(v2sf) =	vpush v33, $0x6;
	s8 =	sshll.u32 s0, $0x4;
	vm0 =	vmand vm1, vm0  }
0x12d: {  	v49 =	vor.u32 s8, v0;
	v30 =	vbroadcast v32, $0x3;
	v31 =	vmpcnt.ones.xlane vm0;
	_ =	sdelay $0x1  }
0x12e: {  	s3 =	spop (v2sf);
	vm0 =	veq.s32 v30, $0x0;
	v31 =	vadd.s32 v31, v35  }
0x12f: {  	p1 =	sgt.s32 s3, $0x0;
	v31 =	vsel vm0, $0x0, v31  }
0x130: {  	p3 =	slt.s32 s3, $0x1;
	s3 =	simm.s32 @!p1 $0x0;
	[tilespmem:v5+s25+$0x0] =	vst.idx.msk vm3, v31;
	v31 =	vmov s0  }
0x131: {  	s10 =	sand.u32 $0xF, s3;
	v34 =	vld.idx.msk [tilespmem:v49+s1+$0x0], $0xffff  }
0x132: {  	p4 =	sne.s32 s10, $0x0  }
0x133: {  	p1 =	por !p3, !p4  }
0x134: {  	s4 =	simm.s32 $0x1;
	p1 =	por !p1, !p1  }
0x135: {  	v50 =	vmov s6;
	s12 =	sshrl.u32 s3, $0x4;
	s4 =	simm.s32 @!p1 $0x0;
	v36 =	vld.idx.msk [tilespmem:v31+s24+$0x0], $0xffff  }
0x136: {  	s2 =	ssub.s32 s12, s4;
	vm1 =	vgt.s32 v50, v6;
	vm0 =	veq.s32 v34, $0x3  }
0x137: {  	(v2sf) =	vpush v33, $0x7;
	s15 =	sshll.u32 s2, $0x4;
	vm0 =	vmand vm1, vm0  }
0x138: {  	v52 =	vor.u32 s15, v0;
	v31 =	vbroadcast v32, $0x4;
	v51 =	vmpcnt.ones.xlane vm0;
	_ =	sdelay $0x1  }
0x139: {  	s3 =	spop (v2sf);
	vm0 =	veq.s32 v31, $0x0;
	v34 =	vadd.s32 v51, v36  }
0x13a: {  	p1 =	sgt.s32 s3, $0x0;
	v34 =	vsel vm0, $0x0, v34  }
0x13b: {  	p5 =	slt.s32 s3, $0x1;
	s3 =	simm.s32 @!p1 $0x0;
	v53 =	vmov s2;
	[tilespmem:v10+s25+$0x0] =	vst.idx.msk vm3, v34  }
0x13c: {  	s17 =	sand.u32 $0xF, s3;
	v35 =	vld.idx.msk [tilespmem:v52+s1+$0x0], $0xffff  }
0x13d: {  	p6 =	sne.s32 s17, $0x0  }
0x13e: {  	p1 =	por !p5, !p6  }
0x13f: {  	s4 =	simm.s32 $0x1;
	p1 =	por !p1, !p1  }
0x140: {  	v54 =	vmov s10;
	s19 =	sshrl.u32 s3, $0x4;
	s4 =	simm.s32 @!p1 $0x0;
	v34 =	vld.idx.msk [tilespmem:v53+s24+$0x0], $0xffff  }
0x141: {  	s0 =	ssub.s32 s19, s4;
	vm1 =	vgt.s32 v54, v6;
	vm0 =	veq.s32 v35, $0x3  }
0x142: {  	(v2sf) =	vpush v33, $0x8;
	s20 =	sshll.u32 s0, $0x4;
	vm0 =	vmand vm1, vm0  }
0x143: {  	v33 =	vbroadcast v32, $0x5;
	v56 =	vor.u32 s20, v0;
	v55 =	vmpcnt.ones.xlane vm0;
	_ =	sdelay $0x1  }
0x144: {  	s3 =	spop (v2sf);
	vm0 =	veq.s32 v33, $0x0;
	v34 =	vadd.s32 v55, v34  }
0x145: {  	p1 =	sgt.s32 s3, $0x0;
	v34 =	vsel vm0, $0x0, v34  }
0x146: {  	p3 =	slt.s32 s3, $0x1;
	s3 =	simm.s32 @!p1 $0x0;
	v57 =	vmov s0;
	[tilespmem:v11+s25+$0x0] =	vst.idx.msk vm3, v34  }
0x147: {  	s21 =	sand.u32 $0xF, s3;
	v58 =	vld.idx.msk [tilespmem:v56+s1+$0x0], $0xffff  }
0x148: {  	p4 =	sne.s32 s21, $0x0  }
0x149: {  	p1 =	por !p3, !p4  }
0x14a: {  	p1 =	por !p1, !p1;
	s4 =	simm.s32 $0x1  }
0x14b: {  	v59 =	vmov s17;
	s22 =	sshrl.u32 s3, $0x4;
	s4 =	simm.s32 @!p1 $0x0;
	v37 =	vld.idx.msk [tilespmem:v57+s24+$0x0], $0xffff  }
0x14c: {  	s2 =	ssub.s32 s22, s4;
	vm1 =	vgt.s32 v59, v6;
	vm0 =	veq.s32 v58, $0x3  }
0x14d: {  	s23 =	sshll.u32 s2, $0x4;
	vm0 =	vmand vm1, vm0  }
0x14e: {  	v61 =	vor.u32 s23, v0;
	v34 =	vbroadcast v32, $0x6;
	v60 =	vmpcnt.ones.xlane vm0;
	_ =	sdelay $0x1  }
0x14f: {  	s3 =	spop (v2sf);
	vm0 =	veq.s32 v34, $0x0;
	v35 =	vadd.s32 v60, v37  }
0x150: {  	p1 =	sgt.s32 s3, $0x0;
	v35 =	vsel vm0, $0x0, v35  }
0x151: {  	p5 =	slt.s32 s3, $0x1;
	s3 =	simm.s32 @!p1 $0x0;
	v62 =	vmov s2;
	[tilespmem:v12+s25+$0x0] =	vst.idx.msk vm3, v35  }
0x152: {  	s26 =	sand.u32 $0xF, s3;
	v36 =	vld.idx.msk [tilespmem:v61+s1+$0x0], $0xffff  }
0x153: {  	p6 =	sne.s32 s26, $0x0  }
0x154: {  	p1 =	por !p5, !p6  }
0x155: {  	s4 =	simm.s32 $0x1;
	p1 =	por !p1, !p1  }
0x156: {  	v63 =	vmov s21;
	s28 =	sshrl.u32 s3, $0x4;
	s4 =	simm.s32 @!p1 $0x0;
	v38 =	vld.idx.msk [tilespmem:v62+s24+$0x0], $0xffff  }
0x157: {  	s0 =	ssub.s32 s28, s4;
	vm1 =	vgt.s32 v63, v6;
	vm0 =	veq.s32 v36, $0x3  }
0x158: {  	s29 =	sshll.u32 s0, $0x4;
	vm0 =	vmand vm1, vm0  }
0x159: {  	v41 =	vor.u32 s29, v0;
	v35 =	vbroadcast v32, $0x7;
	v40 =	vmpcnt.ones.xlane vm0;
	_ =	sdelay $0x1  }
0x15a: {  	vm0 =	veq.s32 v35, $0x0;
	v36 =	vadd.s32 v40, v38  }
0x15b: {  	v36 =	vsel vm0, $0x0, v36  }
0x15c: {  	v42 =	vmov s0;
	[tilespmem:v13+s25+$0x0] =	vst.idx.msk vm3, v36  }
0x15d: {  	v37 =	vld.idx.msk [tilespmem:v41+s1+$0x0], $0xffff;
	_ =	sdelay $0x3  }
0x15e: {  	v43 =	vmov s26;
	v36 =	vld.idx.msk [tilespmem:v42+s24+$0x0], $0xffff  }
0x15f: {  	vm1 =	vgt.s32 v43, v6;
	vm0 =	veq.s32 v37, $0x3  }
0x160: {  	vm0 =	vmand vm1, vm0  }
0x161: {  	v32 =	vbroadcast v32, $0x8;
	v44 =	vmpcnt.ones.xlane vm0;
	_ =	sdelay $0x1  }
0x162: {  	vm0 =	veq.s32 v32, $0x0;
	v36 =	vadd.s32 v44, v36  }
0x163: {  	v36 =	vsel vm0, $0x0, v36  }
0x164: {  	[tilespmem:v14+s25+$0x0] =	vst.idx.msk vm3, v36  }
0x165: {  	v36 =	vld.idx.msk [tilespmem:v15+s1+$0x0], $0xffff;
	_ =	sdelay $0x2  }
0x166: {  	v45 =	vld.idx.msk [tilespmem:v16+s24+$0x0], $0xffff;
	_ =	sdelay $0x1  }
0x167: {  	vm0 =	veq.s32 v36, $0x3  }
0x168: {  	v36 =	vmpcnt.ones.xlane vm0;
	_ =	sdelay $0x1  }
0x169: {  	v36 =	vadd.s32 v36, v45  }
0x16a: {  	[tilespmem:v17+s25+$0x0] =	vst.idx.msk vm3, v36  }
0x16b: {  	v36 =	vld.idx.msk [tilespmem:v15+s1+$0x0], $0xffff;
	_ =	sdelay $0x2  }
0x16c: {  	v46 =	vld.idx.msk [tilespmem:v16+s24+$0x0], $0xffff;
	_ =	sdelay $0x1  }
0x16d: {  	vm0 =	veq.s32 v36, $0x3  }
0x16e: {  	v36 =	vmpcnt.ones.xlane vm0;
	_ =	sdelay $0x1  }
0x16f: {  	v36 =	vadd.s32 v36, v46  }
0x170: {  	[tilespmem:v18+s25+$0x0] =	vst.idx.msk vm3, v36  }
0x171: {  	v36 =	vld.idx.msk [tilespmem:v15+s1+$0x0], $0xffff;
	_ =	sdelay $0x2  }
0x172: {  	v47 =	vld.idx.msk [tilespmem:v16+s24+$0x0], $0xffff;
	_ =	sdelay $0x1  }
0x173: {  	vm0 =	veq.s32 v36, $0x3  }
0x174: {  	v36 =	vmpcnt.ones.xlane vm0;
	_ =	sdelay $0x1  }
0x175: {  	v36 =	vadd.s32 v36, v47  }
0x176: {  	[tilespmem:v19+s25+$0x0] =	vst.idx.msk vm3, v36  }
0x177: {  	v36 =	vld.idx.msk [tilespmem:v15+s1+$0x0], $0xffff;
	_ =	sdelay $0x2  }
0x178: {  	v48 =	vld.idx.msk [tilespmem:v16+s24+$0x0], $0xffff;
	_ =	sdelay $0x1  }
0x179: {  	vm0 =	veq.s32 v36, $0x3  }
0x17a: {  	v36 =	vmpcnt.ones.xlane vm0;
	_ =	sdelay $0x1  }
0x17b: {  	v36 =	vadd.s32 v36, v48  }
0x17c: {  	[tilespmem:v20+s25+$0x0] =	vst.idx.msk vm3, v36  }
0x17d: {  	v36 =	vld.idx.msk [tilespmem:v15+s1+$0x0], $0xffff;
	_ =	sdelay $0x2  }
0x17e: {  	v49 =	vld.idx.msk [tilespmem:v16+s24+$0x0], $0xffff;
	_ =	sdelay $0x1  }
0x17f: {  	vm0 =	veq.s32 v36, $0x3  }
0x180: {  	v36 =	vmpcnt.ones.xlane vm0;
	_ =	sdelay $0x1  }
0x181: {  	v36 =	vadd.s32 v36, v49  }
0x182: {  	[tilespmem:v21+s25+$0x0] =	vst.idx.msk vm3, v36  }
0x183: {  	v36 =	vld.idx.msk [tilespmem:v15+s1+$0x0], $0xffff;
	_ =	sdelay $0x2  }
0x184: {  	v50 =	vld.idx.msk [tilespmem:v16+s24+$0x0], $0xffff;
	_ =	sdelay $0x1  }
0x185: {  	vm0 =	veq.s32 v36, $0x3  }
0x186: {  	v36 =	vmpcnt.ones.xlane vm0;
	_ =	sdelay $0x1  }
0x187: {  	v36 =	vadd.s32 v36, v50  }
0x188: {  	[tilespmem:v22+s25+$0x0] =	vst.idx.msk vm3, v36  }
0x189: {  	v36 =	vld.idx.msk [tilespmem:v15+s1+$0x0], $0xffff;
	_ =	sdelay $0x2  }
0x18a: {  	s30 =	rddreg [dreg:$0xb]  }
0x18b: {  	v39 =	vor.u32 s30, v0  }
0x18c: {  	vm2 =	vge.s32 v39, v27;
	v52 =	vmov s30;
	vm0 =	veq.s32 v36, $0x3  }
0x18d: {  	vm1 =	vgt.u32 v52, $0x1FFF;
	v51 =	vld.idx.msk [tilespmem:v16+s24+$0x0], $0xffff;
	v36 =	vmpcnt.ones.xlane vm0;
	vm0 =	vge.s32 v39, v28  }
0x18e: {  	v40 =	vsel vm2, $0x1, v7;
	v38 =	vsel vm1, $0x6, v24;
	v53 =	vsel vm0, $0x1, v7  }
0x18f: {  	vm1 =	vge.s32 v39, v30;
	vm0 =	vge.s32 v39, v29;
	v37 =	vadd.s32 v53, v38  }
0x190: {  	v55 =	vsel vm1, $0x1, v7;
	v54 =	vsel vm0, $0x1, v7;
	v37 =	vadd.s32 v40, v37  }
0x191: {  	vm1 =	vge.s32 v39, v33;
	vm0 =	vge.s32 v39, v31;
	v37 =	vadd.s32 v54, v37  }
0x192: {  	v36 =	vadd.s32 v36, v51;
	v56 =	vsel vm0, $0x1, v7;
	v37 =	vadd.s32 v55, v37  }
0x193: {  	s0 =	simm.s32 $0x0;
	v57 =	vsel vm1, $0x1, v7;
	vm0 =	vge.s32 v39, v34;
	[tilespmem:v23+s25+$0x0] =	vst.idx.msk vm3, v36;
	v37 =	vadd.s32 v56, v37  }
0x194: {  	v58 =	vsel vm0, $0x1, v7;
	vm0 =	vge.s32 v39, v35;
	v60 =	vld.idx.msk [tilespmem:v3+s0+$0x0 ss:$0x1], $0xffff;
	v37 =	vadd.s32 v57, v37  }
0x195: {  	s31 =	rddreg [dreg:$0xc];
	v59 =	vsel vm0, $0x1, v7;
	vm0 =	vge.s32 v39, v32;
	v37 =	vadd.s32 v58, v37  }
0x196: {  	v61 =	vmov s31;
	v62 =	vsel vm0, $0x1, v7;
	v36 =	vadd.s32 v59, v37  }
0x197: {  	v36 =	vadd.s32 v62, v36;
	_ =	sdelay $0x1  }
0x198: {  	vm0 =	veq.s32 v60, $0x3  }
0x199: {  	v63 =	vsel vm0, $0x1, v7  }
0x19a: {  	v37 =	vld.idx.msk [tilespmem:v61+s24+$0x0], $0xffff;
	(xrf0) =	vadd.scan.msk.s32 $0xffff, v63  }
0x19b: {  	s4 =	sadd.s32 $0x10, s30;
	v38 =	vld.idx.msk [tilespmem:v36+s25+$0x0], $0xffff  }
0x19c: {  	v39 =	vmov s4;
	v36 =	vor.u32 s4, v0  }
0x19d: {  	s5 =	simm.s32 $0x80;
	s3 =	simm.s32 $0x40;
	s2 =	smov.u32 s31;
	vm2 =	vge.s32 v36, v30;
	vm1 =	vge.s32 v36, v31;
	vm0 =	vge.s32 v36, v33  }
.LBB2_15:
0x19e: {  	p1 =	sne.s32 s5, $0x3C0;
	vm3 =	vge.s32 v36, v28;
	vm4 =	vge.s32 v36, v29;
	vm5 =	vgt.u32 v39, $0x1FFF  }
0x19f: {  	vm6 =	vge.s32 v36, v27;
	v39 =	vsel vm3, $0x1, v7;
	v40 =	vsel vm5, $0x6, v24  }
0x1a0: {  	v41 =	vsel vm6, $0x1, v7;
	v37 =	vsub.s32 v37, v38;
	v39 =	vadd.s32 v39, v40;
	v38, _, _ =	vpop (xrf0)  }
0x1a1: {  	v40 =	vsel vm4, $0x1, v7;
	v39 =	vadd.s32 v41, v39;
	v37 =	vadd.s32 v38, v37  }
0x1a2: {  	v38 =	vsel vm2, $0x1, v7;
	v39 =	vadd.s32 v40, v39;
	vm2 =	vlt.s32 v37, $0x40  }
0x1a3: {  	v40 =	vsel vm1, $0x1, v7;
	v38 =	vadd.s32 v38, v39;
	v37 =	vnsel vm2, $0x40, v37  }
0x1a4: {  	v39 =	vsel vm0, $0x1, v7;
	vm0 =	vge.s32 v36, v34;
	v38 =	vadd.s32 v40, v38;
	[tilespmem:s0+$0x15400] =	vst v37;
	s0 =	sshra.s32 s3, $0x2;
	s3 =	smov.u32 s5  }
0x1a5: {  	v40 =	vsel vm0, $0x1, v7;
	vm0 =	vge.s32 v36, v35;
	v37 =	vld.idx.msk [tilespmem:v3+s0+$0x0 ss:$0x1], $0xffff;
	v38 =	vadd.s32 v39, v38  }
0x1a6: {  	s2 =	sadd.s32 $0x1, s2;
	v39 =	vsel vm0, $0x1, v7;
	vm0 =	vge.s32 v36, v32;
	v36 =	vadd.s32 v40, v38  }
0x1a7: {  	v38 =	vmov s2;
	v40 =	vsel vm0, $0x1, v7;
	v36 =	vadd.s32 v39, v36  }
0x1a8: {  	v36 =	vadd.s32 v40, v36;
	_ =	sdelay $0x2  }
0x1a9: {  	vm0 =	veq.s32 v37, $0x3  }
.Ltmp9:
0x1aa: {  	v39 =	vsel vm0, $0x1, v7;
	v37 =	vld.idx.msk [tilespmem:v38+s24+$0x0], $0xffff;
	(pc) =	sbr.rel @p1 .LBB2_15-.Ltmp9, $4  }
0x1ab: {  	v38 =	vld.idx.msk [tilespmem:v36+s25+$0x0], $0xffff;
	(xrf0) =	vadd.scan.msk.s32 $0xffff, v39  }
0x1ac: {  	s4 =	sadd.s32 $0x10, s4  }
0x1ad: {  	v39 =	vmov s4;
	v36 =	vor.u32 s4, v0  }
0x1ae: {  	s5 =	sadd.s32 $0x40, s5;
	vm2 =	vge.s32 v36, v30;
	vm1 =	vge.s32 v36, v31;
	vm0 =	vge.s32 v36, v33  }
0x1af: {  	vm3 =	vge.s32 v36, v28;
	vm4 =	vge.s32 v36, v29;
	vm5 =	vgt.u32 v39, $0x1FFF  }
0x1b0: {  	vm6 =	vge.s32 v36, v27;
	v27 =	vsel vm3, $0x1, v7;
	v53 =	vsel vm5, $0x6, v24  }
0x1b1: {  	v54 =	vsel vm6, $0x1, v7;
	v55 =	vsub.s32 v37, v38;
	v27 =	vadd.s32 v27, v53;
	v30, _, _ =	vpop (xrf0)  }
0x1b2: {  	v31 =	vsel vm4, $0x1, v7;
	v27 =	vadd.s32 v54, v27;
	v28 =	vadd.s32 v30, v55  }
0x1b3: {  	v56 =	vsel vm2, $0x1, v7;
	v27 =	vadd.s32 v31, v27;
	vm2 =	vlt.s32 v28, $0x40  }
0x1b4: {  	v57 =	vsel vm1, $0x1, v7;
	v27 =	vadd.s32 v56, v27;
	v28 =	vnsel vm2, $0x40, v28  }
0x1b5: {  	s3 =	sshra.s32 s3, $0x2;
	v58 =	vsel vm0, $0x1, v7;
	vm0 =	vge.s32 v36, v34;
	v27 =	vadd.s32 v57, v27;
	[tilespmem:s0+$0x15400] =	vst v28  }
0x1b6: {  	v59 =	vsel vm0, $0x1, v7;
	vm0 =	vge.s32 v36, v35;
	v28 =	vld.idx.msk [tilespmem:v3+s3+$0x0 ss:$0x1], $0xffff;
	v27 =	vadd.s32 v58, v27  }
0x1b7: {  	s29 =	sadd.s32 $0x1, s2;
	v60 =	vsel vm0, $0x1, v7;
	vm0 =	vge.s32 v36, v32;
	v27 =	vadd.s32 v59, v27  }
0x1b8: {  	v61 =	vmov s29;
	v62 =	vsel vm0, $0x1, v7;
	v27 =	vadd.s32 v60, v27  }
0x1b9: {  	v27 =	vadd.s32 v62, v27;
	_ =	sdelay $0x1  }
0x1ba: {  	vm0 =	veq.s32 v28, $0x3  }
0x1bb: {  	v28 =	vsel vm0, $0x1, v7  }
0x1bc: {  	v63 =	vld.idx.msk [tilespmem:v61+s24+$0x0], $0xffff;
	(xrf0) =	vadd.scan.msk.s32 $0xffff, v28  }
0x1bd: {  	v27 =	vld.idx.msk [tilespmem:v27+s25+$0x0], $0xffff;
	_ =	sdelay $0x4  }
0x1be: {  	v27 =	vsub.s32 v63, v27;
	v28, _, _ =	vpop (xrf0)  }
0x1bf: {  	v27 =	vadd.s32 v28, v27  }
0x1c0: {  	vm0 =	vlt.s32 v27, $0x40  }
0x1c1: {  	s30 =	sand.u32 $0x70, s1;
	s31 =	sand.u32 $0x1C00, s1;
	v27 =	vnsel vm0, $0x40, v27  }
0x1c2: {  	s2 =	sor.u32 s30, s31;
	[tilespmem:s3+$0x15400] =	vst v27  }
0x1c3: {  	s0 =	simm.s32 $0x10;
	[tilespmem:s2+$0x12000] =	vst v25  }
.LBB2_17:
0x1c4: {  	p1 =	sne.s32 s0, $0x3F0  }
.Ltmp10:
0x1c5: {  	_ = 	snop;
	(pc) =	sbr.rel @p1 .LBB2_17-.Ltmp10, $4  }
0x1c6: {  	s1 =	sadd.s32 $0x80, s1  }
0x1c7: {  	s2 =	sand.u32 $0x70, s0;
	s3 =	sand.u32 $0x1C00, s1  }
0x1c8: {  	s2 =	sor.u32 s2, s3  }
0x1c9: {  	s0 =	sadd.s32 $0x10, s0;
	[tilespmem:s2+$0x12000] =	vst v25  }
0x1ca: {  	s0 =	simm.s32 $0x9  }
0x1cb: {  	_ =	swait.ge [sflag:s0], $0x10000  }
0x1cc: {  	v27 =	vld [tilespmem:$0x1FFA0];
	_ =	sdelay $0x4  }
0x1cd: {  	vm1 =	vnez.u8 v27;
	v27 =	vld [tilespmem:$0x1FFB0];
	_ =	sdelay $0x4  }
0x1ce: {  	vm2 =	vnez.u8 v27;
	v27 =	vld [tilespmem:$0x1FFC0];
	_ =	sdelay $0x4  }
0x1cf: {  	vm3 =	vnez.u8 v27;
	v27 =	vld [tilespmem:$0x1FFD0];
	_ =	sdelay $0x4  }
0x1d0: {  	vm4 =	vnez.u8 v27;
	v27 =	vld [tilespmem:$0x1FFE0];
	_ =	sdelay $0x4  }
0x1d1: {  	vm5 =	vnez.u8 v27;
	v27 =	vld [tilespmem:$0x1FFF0];
	_ =	sdelay $0x3  }
0x1d2: {  	[sflag:s0] =	ssyncset.done $0x0  }
0x1d3: {  	s15 =	simm.s32 $0x0;
	[sflag:s0] =	ssyncadd.s32 $0xFFFF0000;
	vm6 =	vnez.u8 v27  }
.LBB2_19:
0x1d4: {  	s10 =	sshll.u32 s15, $0x5  }
0x1d5: {  	v28 =	vld [tilespmem:s10+$0x15400];
	_ =	sdelay $0x4  }
0x1d6: {  	(v2sf) =	vpush v28, $0x0;
	_ =	sdelay $0xe  }
0x1d7: {  	s0 =	spop (v2sf)  }
0x1d8: {  	s1 =	sshll.u32 s0, $0xC;
	s0 =	sand.u32 $0x7, s0  }
0x1d9: {  	s1 =	sand.u32 $0xFFFF8000, s1;
	s0 =	sshll.u32 s0, $0x9  }
0x1da: {  	s0 =	sor.u32 s0, s1  }
0x1db: {  	s0 =	sshra.s32 s0, $0x2  }
0x1dc: {  	s0 =	sadd.s32 $0x2070, s0  }
0x1dd: {  	v29 =	vmov s0  }
0x1de: {  	s31 =	simm.s32 $0x1  }
0x1df: {  	v27 =	vld [tilespmem:s10+$0x15410];
	_ =	swait.ge [sflag:s31], $0x2000  }
0x1e0: {  	[sflag:s31] =	ssyncset.done $0x0  }
0x1e1: {  	[sflag:s31] =	ssyncadd.s32 $0xFFFFE000;
	s0 =	simm.s32 $0x0  }
0x1e2: {  	v30 =	vld.idx.msk [tilespmem:v29+s0+$0x0 ss:$0x1], $0xffff  }
0x1e3: {  	v31 =	vld.idx.msk [tilespmem:v29+s0+$0xFFFFFF90 ss:$0x1], $0xffff  }
0x1e4: {  	v32 =	vld.idx.msk [tilespmem:v29+s0+$0xFFFFFFA0 ss:$0x1], $0xffff  }
0x1e5: {  	v33 =	vld.idx.msk [tilespmem:v29+s0+$0xFFFFFFB0 ss:$0x1], $0xffff  }
0x1e6: {  	v34 =	vld.idx.msk [tilespmem:v29+s0+$0xFFFFFFC0 ss:$0x1], $0xffff  }
0x1e7: {  	v35 =	vld.idx.msk [tilespmem:v29+s0+$0xFFFFFFD0 ss:$0x1], $0xffff  }
0x1e8: {  	v36 =	vld.idx.msk [tilespmem:v29+s0+$0xFFFFFFE0 ss:$0x1], $0xffff  }
0x1e9: {  	[tilespmem:s0+$0x15670] =	vst.add.f32.msk $0xffff, v30  }
0x1ea: {  	v30 =	vld.idx.msk [tilespmem:v29+s0+$0xFFFFFFF0 ss:$0x1], $0xffff  }
0x1eb: {  	[tilespmem:s0+$0x15600] =	vst.add.f32.msk $0xffff, v31  }
0x1ec: {  	[tilespmem:s0+$0x15610] =	vst.add.f32.msk $0xffff, v32  }
0x1ed: {  	[tilespmem:s0+$0x15620] =	vst.add.f32.msk $0xffff, v33  }
0x1ee: {  	[tilespmem:s0+$0x15630] =	vst.add.f32.msk $0xffff, v34  }
0x1ef: {  	[tilespmem:s0+$0x15640] =	vst.add.f32.msk $0xffff, v35  }
0x1f0: {  	s2 =	simm.s32 $0x1000;
	s1 =	simm.s32 $0x0;
	[tilespmem:s0+$0x15650] =	vst.add.f32.msk $0xffff, v36  }
.LBB2_20:
0x1f1: {  	s1 =	sadd.s32 $0x80, s1;
	[tilespmem:s0+$0x15660] =	vst.add.f32.msk $0xffff, v30;
	s0 =	sshra.s32 s2, $0x2  }
0x1f2: {  	v30 =	vld.idx.msk [tilespmem:v29+s0+$0x0 ss:$0x1], $0xffff;
	p1 =	slt.u32 s1, $0x380  }
0x1f3: {  	v31 =	vld.idx.msk [tilespmem:v29+s0+$0xFFFFFF90 ss:$0x1], $0xffff  }
0x1f4: {  	v32 =	vld.idx.msk [tilespmem:v29+s0+$0xFFFFFFA0 ss:$0x1], $0xffff  }
0x1f5: {  	v33 =	vld.idx.msk [tilespmem:v29+s0+$0xFFFFFFB0 ss:$0x1], $0xffff  }
0x1f6: {  	v34 =	vld.idx.msk [tilespmem:v29+s0+$0xFFFFFFC0 ss:$0x1], $0xffff  }
0x1f7: {  	v35 =	vld.idx.msk [tilespmem:v29+s0+$0xFFFFFFD0 ss:$0x1], $0xffff  }
0x1f8: {  	[tilespmem:s0+$0x15670] =	vst.add.f32.msk $0xffff, v30  }
0x1f9: {  	v36 =	vld.idx.msk [tilespmem:v29+s0+$0xFFFFFFE0 ss:$0x1], $0xffff  }
0x1fa: {  	v30 =	vld.idx.msk [tilespmem:v29+s0+$0xFFFFFFF0 ss:$0x1], $0xffff  }
0x1fb: {  	[tilespmem:s0+$0x15600] =	vst.add.f32.msk $0xffff, v31  }
.Ltmp11:
0x1fc: {  	[tilespmem:s0+$0x15610] =	vst.add.f32.msk $0xffff, v32;
	(pc) =	sbr.rel @p1 .LBB2_20-.Ltmp11, $4  }
0x1fd: {  	[tilespmem:s0+$0x15620] =	vst.add.f32.msk $0xffff, v33  }
0x1fe: {  	[tilespmem:s0+$0x15630] =	vst.add.f32.msk $0xffff, v34  }
0x1ff: {  	[tilespmem:s0+$0x15640] =	vst.add.f32.msk $0xffff, v35  }
0x200: {  	s2 =	sadd.s32 $0x1000, s2;
	[tilespmem:s0+$0x15650] =	vst.add.f32.msk $0xffff, v36  }
0x201: {  	(v2sf) =	vpush v28, $0x1;
	_ =	sdelay $0xe  }
0x202: {  	s31 =	spop (v2sf)  }
0x203: {  	[tilespmem:s0+$0x15660] =	vst.add.f32.msk $0xffff, v30;
	s1 =	sshll.u32 s31, $0xC;
	s0 =	sand.u32 $0x7, s31  }
0x204: {  	s1 =	sand.u32 $0xFFFF8000, s1;
	s0 =	sshll.u32 s0, $0x9  }
0x205: {  	s0 =	sor.u32 s0, s1  }
0x206: {  	s0 =	sshra.s32 s0, $0x2  }
0x207: {  	s0 =	sadd.s32 $0x2070, s0  }
0x208: {  	v29 =	vmov s0;
	_ =	sdelay $0x3  }
0x209: {  	s0 =	simm.s32 $0x0  }
0x20a: {  	v30 =	vld.idx.msk [tilespmem:v29+s0+$0x0 ss:$0x1], $0xffff  }
0x20b: {  	v31 =	vld.idx.msk [tilespmem:v29+s0+$0xFFFFFF90 ss:$0x1], $0xffff  }
0x20c: {  	v32 =	vld.idx.msk [tilespmem:v29+s0+$0xFFFFFFA0 ss:$0x1], $0xffff  }
0x20d: {  	v33 =	vld.idx.msk [tilespmem:v29+s0+$0xFFFFFFB0 ss:$0x1], $0xffff  }
0x20e: {  	v34 =	vld.idx.msk [tilespmem:v29+s0+$0xFFFFFFC0 ss:$0x1], $0xffff  }
0x20f: {  	v35 =	vld.idx.msk [tilespmem:v29+s0+$0xFFFFFFD0 ss:$0x1], $0xffff  }
0x210: {  	v36 =	vld.idx.msk [tilespmem:v29+s0+$0xFFFFFFE0 ss:$0x1], $0xffff  }
0x211: {  	[tilespmem:s0+$0x156F0] =	vst.add.f32.msk $0xffff, v30  }
0x212: {  	v30 =	vld.idx.msk [tilespmem:v29+s0+$0xFFFFFFF0 ss:$0x1], $0xffff  }
0x213: {  	[tilespmem:s0+$0x15680] =	vst.add.f32.msk $0xffff, v31  }
0x214: {  	[tilespmem:s0+$0x15690] =	vst.add.f32.msk $0xffff, v32  }
0x215: {  	[tilespmem:s0+$0x156A0] =	vst.add.f32.msk $0xffff, v33  }
0x216: {  	[tilespmem:s0+$0x156B0] =	vst.add.f32.msk $0xffff, v34  }
0x217: {  	[tilespmem:s0+$0x156C0] =	vst.add.f32.msk $0xffff, v35  }
0x218: {  	s2 =	simm.s32 $0x1000;
	s1 =	simm.s32 $0x0;
	[tilespmem:s0+$0x156D0] =	vst.add.f32.msk $0xffff, v36  }
.LBB2_22:
0x219: {  	s1 =	sadd.s32 $0x80, s1;
	[tilespmem:s0+$0x156E0] =	vst.add.f32.msk $0xffff, v30;
	s0 =	sshra.s32 s2, $0x2  }
0x21a: {  	v30 =	vld.idx.msk [tilespmem:v29+s0+$0x0 ss:$0x1], $0xffff;
	p1 =	slt.u32 s1, $0x380  }
0x21b: {  	v31 =	vld.idx.msk [tilespmem:v29+s0+$0xFFFFFF90 ss:$0x1], $0xffff  }
0x21c: {  	v32 =	vld.idx.msk [tilespmem:v29+s0+$0xFFFFFFA0 ss:$0x1], $0xffff  }
0x21d: {  	v33 =	vld.idx.msk [tilespmem:v29+s0+$0xFFFFFFB0 ss:$0x1], $0xffff  }
0x21e: {  	v34 =	vld.idx.msk [tilespmem:v29+s0+$0xFFFFFFC0 ss:$0x1], $0xffff  }
0x21f: {  	v35 =	vld.idx.msk [tilespmem:v29+s0+$0xFFFFFFD0 ss:$0x1], $0xffff  }
0x220: {  	[tilespmem:s0+$0x156F0] =	vst.add.f32.msk $0xffff, v30  }
0x221: {  	v36 =	vld.idx.msk [tilespmem:v29+s0+$0xFFFFFFE0 ss:$0x1], $0xffff  }
0x222: {  	v30 =	vld.idx.msk [tilespmem:v29+s0+$0xFFFFFFF0 ss:$0x1], $0xffff  }
0x223: {  	[tilespmem:s0+$0x15680] =	vst.add.f32.msk $0xffff, v31  }
.Ltmp12:
0x224: {  	[tilespmem:s0+$0x15690] =	vst.add.f32.msk $0xffff, v32;
	(pc) =	sbr.rel @p1 .LBB2_22-.Ltmp12, $4  }
0x225: {  	[tilespmem:s0+$0x156A0] =	vst.add.f32.msk $0xffff, v33  }
0x226: {  	[tilespmem:s0+$0x156B0] =	vst.add.f32.msk $0xffff, v34  }
0x227: {  	[tilespmem:s0+$0x156C0] =	vst.add.f32.msk $0xffff, v35  }
0x228: {  	s2 =	sadd.s32 $0x1000, s2;
	[tilespmem:s0+$0x156D0] =	vst.add.f32.msk $0xffff, v36  }
0x229: {  	(v2sf) =	vpush v28, $0x2;
	_ =	sdelay $0xe  }
0x22a: {  	s31 =	spop (v2sf)  }
0x22b: {  	[tilespmem:s0+$0x156E0] =	vst.add.f32.msk $0xffff, v30;
	s1 =	sshll.u32 s31, $0xC;
	s0 =	sand.u32 $0x7, s31  }
0x22c: {  	s1 =	sand.u32 $0xFFFF8000, s1;
	s0 =	sshll.u32 s0, $0x9  }
0x22d: {  	s0 =	sor.u32 s0, s1  }
0x22e: {  	s0 =	sshra.s32 s0, $0x2  }
0x22f: {  	s0 =	sadd.s32 $0x2070, s0  }
0x230: {  	v29 =	vmov s0;
	_ =	sdelay $0x3  }
0x231: {  	s0 =	simm.s32 $0x0  }
0x232: {  	v30 =	vld.idx.msk [tilespmem:v29+s0+$0x0 ss:$0x1], $0xffff  }
0x233: {  	v31 =	vld.idx.msk [tilespmem:v29+s0+$0xFFFFFF90 ss:$0x1], $0xffff  }
0x234: {  	v32 =	vld.idx.msk [tilespmem:v29+s0+$0xFFFFFFA0 ss:$0x1], $0xffff  }
0x235: {  	v33 =	vld.idx.msk [tilespmem:v29+s0+$0xFFFFFFB0 ss:$0x1], $0xffff  }
0x236: {  	v34 =	vld.idx.msk [tilespmem:v29+s0+$0xFFFFFFC0 ss:$0x1], $0xffff  }
0x237: {  	v35 =	vld.idx.msk [tilespmem:v29+s0+$0xFFFFFFD0 ss:$0x1], $0xffff  }
0x238: {  	v36 =	vld.idx.msk [tilespmem:v29+s0+$0xFFFFFFE0 ss:$0x1], $0xffff  }
0x239: {  	[tilespmem:s0+$0x15770] =	vst.add.f32.msk $0xffff, v30  }
0x23a: {  	v30 =	vld.idx.msk [tilespmem:v29+s0+$0xFFFFFFF0 ss:$0x1], $0xffff  }
0x23b: {  	[tilespmem:s0+$0x15700] =	vst.add.f32.msk $0xffff, v31  }
0x23c: {  	[tilespmem:s0+$0x15710] =	vst.add.f32.msk $0xffff, v32  }
0x23d: {  	[tilespmem:s0+$0x15720] =	vst.add.f32.msk $0xffff, v33  }
0x23e: {  	[tilespmem:s0+$0x15730] =	vst.add.f32.msk $0xffff, v34  }
0x23f: {  	[tilespmem:s0+$0x15740] =	vst.add.f32.msk $0xffff, v35  }
0x240: {  	s2 =	simm.s32 $0x1000;
	s1 =	simm.s32 $0x0;
	[tilespmem:s0+$0x15750] =	vst.add.f32.msk $0xffff, v36  }
.LBB2_24:
0x241: {  	s1 =	sadd.s32 $0x80, s1;
	[tilespmem:s0+$0x15760] =	vst.add.f32.msk $0xffff, v30;
	s0 =	sshra.s32 s2, $0x2  }
0x242: {  	v30 =	vld.idx.msk [tilespmem:v29+s0+$0x0 ss:$0x1], $0xffff;
	p1 =	slt.u32 s1, $0x380  }
0x243: {  	v31 =	vld.idx.msk [tilespmem:v29+s0+$0xFFFFFF90 ss:$0x1], $0xffff  }
0x244: {  	v32 =	vld.idx.msk [tilespmem:v29+s0+$0xFFFFFFA0 ss:$0x1], $0xffff  }
0x245: {  	v33 =	vld.idx.msk [tilespmem:v29+s0+$0xFFFFFFB0 ss:$0x1], $0xffff  }
0x246: {  	v34 =	vld.idx.msk [tilespmem:v29+s0+$0xFFFFFFC0 ss:$0x1], $0xffff  }
0x247: {  	v35 =	vld.idx.msk [tilespmem:v29+s0+$0xFFFFFFD0 ss:$0x1], $0xffff  }
0x248: {  	[tilespmem:s0+$0x15770] =	vst.add.f32.msk $0xffff, v30  }
0x249: {  	v36 =	vld.idx.msk [tilespmem:v29+s0+$0xFFFFFFE0 ss:$0x1], $0xffff  }
0x24a: {  	v30 =	vld.idx.msk [tilespmem:v29+s0+$0xFFFFFFF0 ss:$0x1], $0xffff  }
0x24b: {  	[tilespmem:s0+$0x15700] =	vst.add.f32.msk $0xffff, v31  }
.Ltmp13:
0x24c: {  	[tilespmem:s0+$0x15710] =	vst.add.f32.msk $0xffff, v32;
	(pc) =	sbr.rel @p1 .LBB2_24-.Ltmp13, $4  }
0x24d: {  	[tilespmem:s0+$0x15720] =	vst.add.f32.msk $0xffff, v33  }
0x24e: {  	[tilespmem:s0+$0x15730] =	vst.add.f32.msk $0xffff, v34  }
0x24f: {  	[tilespmem:s0+$0x15740] =	vst.add.f32.msk $0xffff, v35  }
0x250: {  	s2 =	sadd.s32 $0x1000, s2;
	[tilespmem:s0+$0x15750] =	vst.add.f32.msk $0xffff, v36  }
0x251: {  	(v2sf) =	vpush v28, $0x3;
	_ =	sdelay $0xe  }
0x252: {  	s31 =	spop (v2sf)  }
0x253: {  	[tilespmem:s0+$0x15760] =	vst.add.f32.msk $0xffff, v30;
	s1 =	sshll.u32 s31, $0xC;
	s0 =	sand.u32 $0x7, s31  }
0x254: {  	s1 =	sand.u32 $0xFFFF8000, s1;
	s0 =	sshll.u32 s0, $0x9  }
0x255: {  	s0 =	sor.u32 s0, s1  }
0x256: {  	s0 =	sshra.s32 s0, $0x2  }
0x257: {  	s0 =	sadd.s32 $0x2070, s0  }
0x258: {  	v29 =	vmov s0;
	_ =	sdelay $0x3  }
0x259: {  	s0 =	simm.s32 $0x0  }
0x25a: {  	v30 =	vld.idx.msk [tilespmem:v29+s0+$0x0 ss:$0x1], $0xffff  }
0x25b: {  	v31 =	vld.idx.msk [tilespmem:v29+s0+$0xFFFFFF90 ss:$0x1], $0xffff  }
0x25c: {  	v32 =	vld.idx.msk [tilespmem:v29+s0+$0xFFFFFFA0 ss:$0x1], $0xffff  }
0x25d: {  	v33 =	vld.idx.msk [tilespmem:v29+s0+$0xFFFFFFB0 ss:$0x1], $0xffff  }
0x25e: {  	v34 =	vld.idx.msk [tilespmem:v29+s0+$0xFFFFFFC0 ss:$0x1], $0xffff  }
0x25f: {  	v35 =	vld.idx.msk [tilespmem:v29+s0+$0xFFFFFFD0 ss:$0x1], $0xffff  }
0x260: {  	v36 =	vld.idx.msk [tilespmem:v29+s0+$0xFFFFFFE0 ss:$0x1], $0xffff  }
0x261: {  	[tilespmem:s0+$0x157F0] =	vst.add.f32.msk $0xffff, v30  }
0x262: {  	v30 =	vld.idx.msk [tilespmem:v29+s0+$0xFFFFFFF0 ss:$0x1], $0xffff  }
0x263: {  	[tilespmem:s0+$0x15780] =	vst.add.f32.msk $0xffff, v31  }
0x264: {  	[tilespmem:s0+$0x15790] =	vst.add.f32.msk $0xffff, v32  }
0x265: {  	[tilespmem:s0+$0x157A0] =	vst.add.f32.msk $0xffff, v33  }
0x266: {  	[tilespmem:s0+$0x157B0] =	vst.add.f32.msk $0xffff, v34  }
0x267: {  	[tilespmem:s0+$0x157C0] =	vst.add.f32.msk $0xffff, v35  }
0x268: {  	s2 =	simm.s32 $0x1000;
	s1 =	simm.s32 $0x0;
	[tilespmem:s0+$0x157D0] =	vst.add.f32.msk $0xffff, v36  }
.LBB2_26:
0x269: {  	s1 =	sadd.s32 $0x80, s1;
	[tilespmem:s0+$0x157E0] =	vst.add.f32.msk $0xffff, v30;
	s0 =	sshra.s32 s2, $0x2  }
0x26a: {  	v30 =	vld.idx.msk [tilespmem:v29+s0+$0x0 ss:$0x1], $0xffff;
	p1 =	slt.u32 s1, $0x380  }
0x26b: {  	v31 =	vld.idx.msk [tilespmem:v29+s0+$0xFFFFFF90 ss:$0x1], $0xffff  }
0x26c: {  	v32 =	vld.idx.msk [tilespmem:v29+s0+$0xFFFFFFA0 ss:$0x1], $0xffff  }
0x26d: {  	v33 =	vld.idx.msk [tilespmem:v29+s0+$0xFFFFFFB0 ss:$0x1], $0xffff  }
0x26e: {  	v34 =	vld.idx.msk [tilespmem:v29+s0+$0xFFFFFFC0 ss:$0x1], $0xffff  }
0x26f: {  	v35 =	vld.idx.msk [tilespmem:v29+s0+$0xFFFFFFD0 ss:$0x1], $0xffff  }
0x270: {  	[tilespmem:s0+$0x157F0] =	vst.add.f32.msk $0xffff, v30  }
0x271: {  	v36 =	vld.idx.msk [tilespmem:v29+s0+$0xFFFFFFE0 ss:$0x1], $0xffff  }
0x272: {  	v30 =	vld.idx.msk [tilespmem:v29+s0+$0xFFFFFFF0 ss:$0x1], $0xffff  }
0x273: {  	[tilespmem:s0+$0x15780] =	vst.add.f32.msk $0xffff, v31  }
.Ltmp14:
0x274: {  	[tilespmem:s0+$0x15790] =	vst.add.f32.msk $0xffff, v32;
	(pc) =	sbr.rel @p1 .LBB2_26-.Ltmp14, $4  }
0x275: {  	[tilespmem:s0+$0x157A0] =	vst.add.f32.msk $0xffff, v33  }
0x276: {  	[tilespmem:s0+$0x157B0] =	vst.add.f32.msk $0xffff, v34  }
0x277: {  	[tilespmem:s0+$0x157C0] =	vst.add.f32.msk $0xffff, v35  }
0x278: {  	s2 =	sadd.s32 $0x1000, s2;
	[tilespmem:s0+$0x157D0] =	vst.add.f32.msk $0xffff, v36  }
0x279: {  	(v2sf) =	vpush v28, $0x4;
	_ =	sdelay $0xe  }
0x27a: {  	s31 =	spop (v2sf)  }
0x27b: {  	[tilespmem:s0+$0x157E0] =	vst.add.f32.msk $0xffff, v30;
	s1 =	sshll.u32 s31, $0xC;
	s0 =	sand.u32 $0x7, s31  }
0x27c: {  	s1 =	sand.u32 $0xFFFF8000, s1;
	s0 =	sshll.u32 s0, $0x9  }
0x27d: {  	s0 =	sor.u32 s0, s1  }
0x27e: {  	s0 =	sshra.s32 s0, $0x2  }
0x27f: {  	s0 =	sadd.s32 $0x2070, s0  }
0x280: {  	v29 =	vmov s0;
	_ =	sdelay $0x3  }
0x281: {  	s0 =	simm.s32 $0x0  }
0x282: {  	v30 =	vld.idx.msk [tilespmem:v29+s0+$0x0 ss:$0x1], $0xffff  }
0x283: {  	v31 =	vld.idx.msk [tilespmem:v29+s0+$0xFFFFFF90 ss:$0x1], $0xffff  }
0x284: {  	v32 =	vld.idx.msk [tilespmem:v29+s0+$0xFFFFFFA0 ss:$0x1], $0xffff  }
0x285: {  	v33 =	vld.idx.msk [tilespmem:v29+s0+$0xFFFFFFB0 ss:$0x1], $0xffff  }
0x286: {  	v34 =	vld.idx.msk [tilespmem:v29+s0+$0xFFFFFFC0 ss:$0x1], $0xffff  }
0x287: {  	v35 =	vld.idx.msk [tilespmem:v29+s0+$0xFFFFFFD0 ss:$0x1], $0xffff  }
0x288: {  	v36 =	vld.idx.msk [tilespmem:v29+s0+$0xFFFFFFE0 ss:$0x1], $0xffff  }
0x289: {  	[tilespmem:s0+$0x15870] =	vst.add.f32.msk $0xffff, v30  }
0x28a: {  	v30 =	vld.idx.msk [tilespmem:v29+s0+$0xFFFFFFF0 ss:$0x1], $0xffff  }
0x28b: {  	[tilespmem:s0+$0x15800] =	vst.add.f32.msk $0xffff, v31  }
0x28c: {  	[tilespmem:s0+$0x15810] =	vst.add.f32.msk $0xffff, v32  }
0x28d: {  	[tilespmem:s0+$0x15820] =	vst.add.f32.msk $0xffff, v33  }
0x28e: {  	[tilespmem:s0+$0x15830] =	vst.add.f32.msk $0xffff, v34  }
0x28f: {  	[tilespmem:s0+$0x15840] =	vst.add.f32.msk $0xffff, v35  }
0x290: {  	s2 =	simm.s32 $0x1000;
	s1 =	simm.s32 $0x0;
	[tilespmem:s0+$0x15850] =	vst.add.f32.msk $0xffff, v36  }
.LBB2_28:
0x291: {  	s1 =	sadd.s32 $0x80, s1;
	[tilespmem:s0+$0x15860] =	vst.add.f32.msk $0xffff, v30;
	s0 =	sshra.s32 s2, $0x2  }
0x292: {  	v30 =	vld.idx.msk [tilespmem:v29+s0+$0x0 ss:$0x1], $0xffff;
	p1 =	slt.u32 s1, $0x380  }
0x293: {  	v31 =	vld.idx.msk [tilespmem:v29+s0+$0xFFFFFF90 ss:$0x1], $0xffff  }
0x294: {  	v32 =	vld.idx.msk [tilespmem:v29+s0+$0xFFFFFFA0 ss:$0x1], $0xffff  }
0x295: {  	v33 =	vld.idx.msk [tilespmem:v29+s0+$0xFFFFFFB0 ss:$0x1], $0xffff  }
0x296: {  	v34 =	vld.idx.msk [tilespmem:v29+s0+$0xFFFFFFC0 ss:$0x1], $0xffff  }
0x297: {  	v35 =	vld.idx.msk [tilespmem:v29+s0+$0xFFFFFFD0 ss:$0x1], $0xffff  }
0x298: {  	[tilespmem:s0+$0x15870] =	vst.add.f32.msk $0xffff, v30  }
0x299: {  	v36 =	vld.idx.msk [tilespmem:v29+s0+$0xFFFFFFE0 ss:$0x1], $0xffff  }
0x29a: {  	v30 =	vld.idx.msk [tilespmem:v29+s0+$0xFFFFFFF0 ss:$0x1], $0xffff  }
0x29b: {  	[tilespmem:s0+$0x15800] =	vst.add.f32.msk $0xffff, v31  }
.Ltmp15:
0x29c: {  	[tilespmem:s0+$0x15810] =	vst.add.f32.msk $0xffff, v32;
	(pc) =	sbr.rel @p1 .LBB2_28-.Ltmp15, $4  }
0x29d: {  	[tilespmem:s0+$0x15820] =	vst.add.f32.msk $0xffff, v33  }
0x29e: {  	[tilespmem:s0+$0x15830] =	vst.add.f32.msk $0xffff, v34  }
0x29f: {  	[tilespmem:s0+$0x15840] =	vst.add.f32.msk $0xffff, v35  }
0x2a0: {  	s2 =	sadd.s32 $0x1000, s2;
	[tilespmem:s0+$0x15850] =	vst.add.f32.msk $0xffff, v36  }
0x2a1: {  	(v2sf) =	vpush v28, $0x5;
	_ =	sdelay $0xe  }
0x2a2: {  	s31 =	spop (v2sf)  }
0x2a3: {  	[tilespmem:s0+$0x15860] =	vst.add.f32.msk $0xffff, v30;
	s1 =	sshll.u32 s31, $0xC;
	s0 =	sand.u32 $0x7, s31  }
0x2a4: {  	s1 =	sand.u32 $0xFFFF8000, s1;
	s0 =	sshll.u32 s0, $0x9  }
0x2a5: {  	s0 =	sor.u32 s0, s1  }
0x2a6: {  	s0 =	sshra.s32 s0, $0x2  }
0x2a7: {  	s0 =	sadd.s32 $0x2070, s0  }
0x2a8: {  	v29 =	vmov s0;
	_ =	sdelay $0x3  }
0x2a9: {  	s0 =	simm.s32 $0x0  }
0x2aa: {  	v30 =	vld.idx.msk [tilespmem:v29+s0+$0x0 ss:$0x1], $0xffff  }
0x2ab: {  	v31 =	vld.idx.msk [tilespmem:v29+s0+$0xFFFFFF90 ss:$0x1], $0xffff  }
0x2ac: {  	v32 =	vld.idx.msk [tilespmem:v29+s0+$0xFFFFFFA0 ss:$0x1], $0xffff  }
0x2ad: {  	v33 =	vld.idx.msk [tilespmem:v29+s0+$0xFFFFFFB0 ss:$0x1], $0xffff  }
0x2ae: {  	v34 =	vld.idx.msk [tilespmem:v29+s0+$0xFFFFFFC0 ss:$0x1], $0xffff  }
0x2af: {  	v35 =	vld.idx.msk [tilespmem:v29+s0+$0xFFFFFFD0 ss:$0x1], $0xffff  }
0x2b0: {  	v36 =	vld.idx.msk [tilespmem:v29+s0+$0xFFFFFFE0 ss:$0x1], $0xffff  }
0x2b1: {  	[tilespmem:s0+$0x158F0] =	vst.add.f32.msk $0xffff, v30  }
0x2b2: {  	v30 =	vld.idx.msk [tilespmem:v29+s0+$0xFFFFFFF0 ss:$0x1], $0xffff  }
0x2b3: {  	[tilespmem:s0+$0x15880] =	vst.add.f32.msk $0xffff, v31  }
0x2b4: {  	[tilespmem:s0+$0x15890] =	vst.add.f32.msk $0xffff, v32  }
0x2b5: {  	[tilespmem:s0+$0x158A0] =	vst.add.f32.msk $0xffff, v33  }
0x2b6: {  	[tilespmem:s0+$0x158B0] =	vst.add.f32.msk $0xffff, v34  }
0x2b7: {  	[tilespmem:s0+$0x158C0] =	vst.add.f32.msk $0xffff, v35  }
0x2b8: {  	s2 =	simm.s32 $0x1000;
	s1 =	simm.s32 $0x0;
	[tilespmem:s0+$0x158D0] =	vst.add.f32.msk $0xffff, v36  }
.LBB2_30:
0x2b9: {  	s1 =	sadd.s32 $0x80, s1;
	[tilespmem:s0+$0x158E0] =	vst.add.f32.msk $0xffff, v30;
	s0 =	sshra.s32 s2, $0x2  }
0x2ba: {  	v30 =	vld.idx.msk [tilespmem:v29+s0+$0x0 ss:$0x1], $0xffff;
	p1 =	slt.u32 s1, $0x380  }
0x2bb: {  	v31 =	vld.idx.msk [tilespmem:v29+s0+$0xFFFFFF90 ss:$0x1], $0xffff  }
0x2bc: {  	v32 =	vld.idx.msk [tilespmem:v29+s0+$0xFFFFFFA0 ss:$0x1], $0xffff  }
0x2bd: {  	v33 =	vld.idx.msk [tilespmem:v29+s0+$0xFFFFFFB0 ss:$0x1], $0xffff  }
0x2be: {  	v34 =	vld.idx.msk [tilespmem:v29+s0+$0xFFFFFFC0 ss:$0x1], $0xffff  }
0x2bf: {  	v35 =	vld.idx.msk [tilespmem:v29+s0+$0xFFFFFFD0 ss:$0x1], $0xffff  }
0x2c0: {  	[tilespmem:s0+$0x158F0] =	vst.add.f32.msk $0xffff, v30  }
0x2c1: {  	v36 =	vld.idx.msk [tilespmem:v29+s0+$0xFFFFFFE0 ss:$0x1], $0xffff  }
0x2c2: {  	v30 =	vld.idx.msk [tilespmem:v29+s0+$0xFFFFFFF0 ss:$0x1], $0xffff  }
0x2c3: {  	[tilespmem:s0+$0x15880] =	vst.add.f32.msk $0xffff, v31  }
.Ltmp16:
0x2c4: {  	[tilespmem:s0+$0x15890] =	vst.add.f32.msk $0xffff, v32;
	(pc) =	sbr.rel @p1 .LBB2_30-.Ltmp16, $4  }
0x2c5: {  	[tilespmem:s0+$0x158A0] =	vst.add.f32.msk $0xffff, v33  }
0x2c6: {  	[tilespmem:s0+$0x158B0] =	vst.add.f32.msk $0xffff, v34  }
0x2c7: {  	[tilespmem:s0+$0x158C0] =	vst.add.f32.msk $0xffff, v35  }
0x2c8: {  	s2 =	sadd.s32 $0x1000, s2;
	[tilespmem:s0+$0x158D0] =	vst.add.f32.msk $0xffff, v36  }
0x2c9: {  	(v2sf) =	vpush v28, $0x6;
	_ =	sdelay $0xe  }
0x2ca: {  	s31 =	spop (v2sf)  }
0x2cb: {  	[tilespmem:s0+$0x158E0] =	vst.add.f32.msk $0xffff, v30;
	s1 =	sshll.u32 s31, $0xC;
	s0 =	sand.u32 $0x7, s31  }
0x2cc: {  	s1 =	sand.u32 $0xFFFF8000, s1;
	s0 =	sshll.u32 s0, $0x9  }
0x2cd: {  	s0 =	sor.u32 s0, s1  }
0x2ce: {  	s0 =	sshra.s32 s0, $0x2  }
0x2cf: {  	s0 =	sadd.s32 $0x2070, s0  }
0x2d0: {  	v29 =	vmov s0;
	_ =	sdelay $0x3  }
0x2d1: {  	s0 =	simm.s32 $0x0  }
0x2d2: {  	v30 =	vld.idx.msk [tilespmem:v29+s0+$0x0 ss:$0x1], $0xffff  }
0x2d3: {  	v31 =	vld.idx.msk [tilespmem:v29+s0+$0xFFFFFF90 ss:$0x1], $0xffff  }
0x2d4: {  	v32 =	vld.idx.msk [tilespmem:v29+s0+$0xFFFFFFA0 ss:$0x1], $0xffff  }
0x2d5: {  	v33 =	vld.idx.msk [tilespmem:v29+s0+$0xFFFFFFB0 ss:$0x1], $0xffff  }
0x2d6: {  	v34 =	vld.idx.msk [tilespmem:v29+s0+$0xFFFFFFC0 ss:$0x1], $0xffff  }
0x2d7: {  	v35 =	vld.idx.msk [tilespmem:v29+s0+$0xFFFFFFD0 ss:$0x1], $0xffff  }
0x2d8: {  	v36 =	vld.idx.msk [tilespmem:v29+s0+$0xFFFFFFE0 ss:$0x1], $0xffff  }
0x2d9: {  	[tilespmem:s0+$0x15970] =	vst.add.f32.msk $0xffff, v30  }
0x2da: {  	v30 =	vld.idx.msk [tilespmem:v29+s0+$0xFFFFFFF0 ss:$0x1], $0xffff  }
0x2db: {  	[tilespmem:s0+$0x15900] =	vst.add.f32.msk $0xffff, v31  }
0x2dc: {  	[tilespmem:s0+$0x15910] =	vst.add.f32.msk $0xffff, v32  }
0x2dd: {  	[tilespmem:s0+$0x15920] =	vst.add.f32.msk $0xffff, v33  }
0x2de: {  	[tilespmem:s0+$0x15930] =	vst.add.f32.msk $0xffff, v34  }
0x2df: {  	[tilespmem:s0+$0x15940] =	vst.add.f32.msk $0xffff, v35  }
0x2e0: {  	s2 =	simm.s32 $0x1000;
	s1 =	simm.s32 $0x0;
	[tilespmem:s0+$0x15950] =	vst.add.f32.msk $0xffff, v36  }
.LBB2_32:
0x2e1: {  	s1 =	sadd.s32 $0x80, s1;
	[tilespmem:s0+$0x15960] =	vst.add.f32.msk $0xffff, v30;
	s0 =	sshra.s32 s2, $0x2  }
0x2e2: {  	v30 =	vld.idx.msk [tilespmem:v29+s0+$0x0 ss:$0x1], $0xffff;
	p1 =	slt.u32 s1, $0x380  }
0x2e3: {  	v31 =	vld.idx.msk [tilespmem:v29+s0+$0xFFFFFF90 ss:$0x1], $0xffff  }
0x2e4: {  	v32 =	vld.idx.msk [tilespmem:v29+s0+$0xFFFFFFA0 ss:$0x1], $0xffff  }
0x2e5: {  	v33 =	vld.idx.msk [tilespmem:v29+s0+$0xFFFFFFB0 ss:$0x1], $0xffff  }
0x2e6: {  	v34 =	vld.idx.msk [tilespmem:v29+s0+$0xFFFFFFC0 ss:$0x1], $0xffff  }
0x2e7: {  	v35 =	vld.idx.msk [tilespmem:v29+s0+$0xFFFFFFD0 ss:$0x1], $0xffff  }
0x2e8: {  	[tilespmem:s0+$0x15970] =	vst.add.f32.msk $0xffff, v30  }
0x2e9: {  	v36 =	vld.idx.msk [tilespmem:v29+s0+$0xFFFFFFE0 ss:$0x1], $0xffff  }
0x2ea: {  	v30 =	vld.idx.msk [tilespmem:v29+s0+$0xFFFFFFF0 ss:$0x1], $0xffff  }
0x2eb: {  	[tilespmem:s0+$0x15900] =	vst.add.f32.msk $0xffff, v31  }
.Ltmp17:
0x2ec: {  	[tilespmem:s0+$0x15910] =	vst.add.f32.msk $0xffff, v32;
	(pc) =	sbr.rel @p1 .LBB2_32-.Ltmp17, $4  }
0x2ed: {  	[tilespmem:s0+$0x15920] =	vst.add.f32.msk $0xffff, v33  }
0x2ee: {  	[tilespmem:s0+$0x15930] =	vst.add.f32.msk $0xffff, v34  }
0x2ef: {  	[tilespmem:s0+$0x15940] =	vst.add.f32.msk $0xffff, v35  }
0x2f0: {  	s2 =	sadd.s32 $0x1000, s2;
	[tilespmem:s0+$0x15950] =	vst.add.f32.msk $0xffff, v36  }
0x2f1: {  	(v2sf) =	vpush v28, $0x7;
	_ =	sdelay $0xe  }
0x2f2: {  	s31 =	spop (v2sf)  }
0x2f3: {  	[tilespmem:s0+$0x15960] =	vst.add.f32.msk $0xffff, v30;
	s1 =	sshll.u32 s31, $0xC;
	s0 =	sand.u32 $0x7, s31  }
0x2f4: {  	s1 =	sand.u32 $0xFFFF8000, s1;
	s0 =	sshll.u32 s0, $0x9  }
0x2f5: {  	s0 =	sor.u32 s0, s1  }
0x2f6: {  	s0 =	sshra.s32 s0, $0x2  }
0x2f7: {  	s0 =	sadd.s32 $0x2070, s0  }
0x2f8: {  	v30 =	vmov s0;
	_ =	sdelay $0x3  }
0x2f9: {  	s17 =	simm.s32 $0x0  }
0x2fa: {  	v29 =	vld.idx.msk [tilespmem:v30+s17+$0x0 ss:$0x1], $0xffff  }
0x2fb: {  	v31 =	vld.idx.msk [tilespmem:v30+s17+$0xFFFFFF90 ss:$0x1], $0xffff  }
0x2fc: {  	v32 =	vld.idx.msk [tilespmem:v30+s17+$0xFFFFFFA0 ss:$0x1], $0xffff  }
0x2fd: {  	v33 =	vld.idx.msk [tilespmem:v30+s17+$0xFFFFFFB0 ss:$0x1], $0xffff  }
0x2fe: {  	v34 =	vld.idx.msk [tilespmem:v30+s17+$0xFFFFFFC0 ss:$0x1], $0xffff  }
0x2ff: {  	v35 =	vld.idx.msk [tilespmem:v30+s17+$0xFFFFFFD0 ss:$0x1], $0xffff  }
0x300: {  	v36 =	vld.idx.msk [tilespmem:v30+s17+$0xFFFFFFE0 ss:$0x1], $0xffff  }
0x301: {  	[tilespmem:s17+$0x159F0] =	vst.add.f32.msk $0xffff, v29  }
0x302: {  	v29 =	vld.idx.msk [tilespmem:v30+s17+$0xFFFFFFF0 ss:$0x1], $0xffff  }
0x303: {  	[tilespmem:s17+$0x15980] =	vst.add.f32.msk $0xffff, v31  }
0x304: {  	[tilespmem:s17+$0x15990] =	vst.add.f32.msk $0xffff, v32  }
0x305: {  	[tilespmem:s17+$0x159A0] =	vst.add.f32.msk $0xffff, v33  }
0x306: {  	s3 =	smov.u32 s18;
	s2 =	smov.u32 s16;
	[tilespmem:s17+$0x159B0] =	vst.add.f32.msk $0xffff, v34  }
0x307: {  	s16 =	smov.u32 s14;
	s5 =	smov.u32 s13;
	s21 =	simm.s32 $0x0;
	[tilespmem:s17+$0x159C0] =	vst.add.f32.msk $0xffff, v35  }
0x308: {  	s18 =	smov.u32 s9;
	s1 =	simm.s32 $0x1000;
	s0 =	simm.s32 $0x0;
	[tilespmem:s17+$0x159D0] =	vst.add.f32.msk $0xffff, v36  }
.LBB2_34:
0x309: {  	s0 =	sadd.s32 $0x80, s0;
	[tilespmem:s17+$0x159E0] =	vst.add.f32.msk $0xffff, v29;
	s17 =	sshra.s32 s1, $0x2  }
0x30a: {  	v29 =	vld.idx.msk [tilespmem:v30+s17+$0x0 ss:$0x1], $0xffff;
	p1 =	slt.u32 s0, $0x380  }
0x30b: {  	v31 =	vld.idx.msk [tilespmem:v30+s17+$0xFFFFFF90 ss:$0x1], $0xffff  }
0x30c: {  	v32 =	vld.idx.msk [tilespmem:v30+s17+$0xFFFFFFA0 ss:$0x1], $0xffff  }
0x30d: {  	v33 =	vld.idx.msk [tilespmem:v30+s17+$0xFFFFFFB0 ss:$0x1], $0xffff  }
0x30e: {  	v34 =	vld.idx.msk [tilespmem:v30+s17+$0xFFFFFFC0 ss:$0x1], $0xffff  }
0x30f: {  	v35 =	vld.idx.msk [tilespmem:v30+s17+$0xFFFFFFD0 ss:$0x1], $0xffff  }
0x310: {  	[tilespmem:s17+$0x159F0] =	vst.add.f32.msk $0xffff, v29  }
0x311: {  	v36 =	vld.idx.msk [tilespmem:v30+s17+$0xFFFFFFE0 ss:$0x1], $0xffff  }
0x312: {  	v29 =	vld.idx.msk [tilespmem:v30+s17+$0xFFFFFFF0 ss:$0x1], $0xffff  }
0x313: {  	[tilespmem:s17+$0x15980] =	vst.add.f32.msk $0xffff, v31  }
.Ltmp18:
0x314: {  	[tilespmem:s17+$0x15990] =	vst.add.f32.msk $0xffff, v32;
	(pc) =	sbr.rel @p1 .LBB2_34-.Ltmp18, $4  }
0x315: {  	[tilespmem:s17+$0x159A0] =	vst.add.f32.msk $0xffff, v33  }
0x316: {  	[tilespmem:s17+$0x159B0] =	vst.add.f32.msk $0xffff, v34  }
0x317: {  	[tilespmem:s17+$0x159C0] =	vst.add.f32.msk $0xffff, v35  }
0x318: {  	s1 =	sadd.s32 $0x1000, s1;
	[tilespmem:s17+$0x159D0] =	vst.add.f32.msk $0xffff, v36  }
0x319: {  	(v2sf) =	vpush v28, $0x8  }
0x31a: {  	(v2sf) =	vpush v28, $0x9  }
0x31b: {  	(v2sf) =	vpush v28, $0xA  }
0x31c: {  	(v2sf) =	vpush v28, $0xB  }
0x31d: {  	(v2sf) =	vpush v28, $0xC  }
0x31e: {  	(v2sf) =	vpush v28, $0xD  }
0x31f: {  	(v2sf) =	vpush v28, $0xE  }
0x320: {  	(v2sf) =	vpush v28, $0xF  }
0x321: {  	(v2sf) =	vpush v27, $0x0  }
0x322: {  	(v2sf) =	vpush v27, $0x1  }
0x323: {  	(v2sf) =	vpush v27, $0x2  }
0x324: {  	(v2sf) =	vpush v27, $0x3  }
0x325: {  	(v2sf) =	vpush v27, $0x4  }
0x326: {  	(v2sf) =	vpush v27, $0x5  }
0x327: {  	(v2sf) =	vpush v27, $0x6  }
0x328: {  	s7 =	spop (v2sf);
	(v2sf) =	vpush v27, $0x7  }
0x329: {  	s9 =	spop (v2sf);
	(v2sf) =	vpush v27, $0x8  }
0x32a: {  	s8 =	spop (v2sf);
	(v2sf) =	vpush v27, $0x9  }
0x32b: {  	s0 =	spop (v2sf);
	(v2sf) =	vpush v27, $0xA  }
0x32c: {  	s14 =	spop (v2sf);
	(v2sf) =	vpush v27, $0xB  }
0x32d: {  	s26 =	spop (v2sf);
	(v2sf) =	vpush v27, $0xC  }
0x32e: {  	s13 =	spop (v2sf);
	(v2sf) =	vpush v27, $0xD  }
0x32f: {  	s12 =	spop (v2sf)  }
0x330: {  	s22 =	spop (v2sf)  }
0x331: {  	s20 =	spop (v2sf)  }
0x332: {  	s29 =	spop (v2sf)  }
0x333: {  	(v2sf) =	vpush v27, $0xE;
	s1 =	spop (v2sf)  }
0x334: {  	(v2sf) =	vpush v27, $0xF;
	s28 =	spop (v2sf)  }
0x335: {  	s23 =	spop (v2sf)  }
0x336: {  	s6 =	spop (v2sf)  }
0x337: {  	s31 =	spop (v2sf)  }
0x338: {  	s30 =	spop (v2sf)  }
0x339: {  	s4 =	spop (v2sf)  }
0x33a: {  	[dreg:$0xf] =	wrdreg s10;
	s19 =	spop (v2sf)  }
0x33b: {  	s10 =	sadd.s32 s11, s10;
	[dreg:$0x14] =	wrdreg s19;
	s19 =	spop (v2sf)  }
0x33c: {  	[dreg:$0x13] =	wrdreg s19;
	s19 =	smov.u32 s11;
	s11 =	spop (v2sf)  }
0x33d: {  	[dreg:$0x12] =	wrdreg s11;
	s11 =	spop (v2sf)  }
0x33e: {  	[dreg:$0x11] =	wrdreg s11  }
0x33f: {  	s10 =	sshll.u32 s10, $0x7;
	[tilespmem:s17+$0x159E0] =	vst.add.f32.msk $0xffff, v29;
	s17 =	rddreg [dreg:$0x4]  }
0x340: {  	s10 =	sadd.s32 s17, s10;
	s17 =	simm.s32 $0x15600  }
0x341: {  	[hbm4b:s10+s21] =	stream.linear.scatter [tilespmem:s17], [sflag:$0x5], $0x2000, $0x38;
	[tilespmem:$0x1D600] =	vst v63  }
0x342: {  	p1 =	seq.s32 s15, $0x0;
	s17 =	spop (v2sf)  }
0x343: {  	s10 =	simm.s32 @!p1 $0x8;
	s21 =	spop (v2sf)  }
0x344: {  	s11 =	sshllo.u32 s15, $0x2;
	_ =	swait.ge @!p1 [sflag:s10], $0x2000  }
0x345: {  	[dreg:$0x10] =	wrdreg s11;
	s11 =	sshll.u32 s11, $0x3;
	[sflag:s10] =	ssyncset.done @!p1 $0x0  }
0x346: {  	s11 =	sand.u32 $0x3FFFFFF8, s11;
	[sflag:s10] =	ssyncadd.s32 @!p1 $0xFFFFE000  }
0x347: {  	v27 =	vld.idx.msk [tilespmem:v26+s11+$0x0 ss:$0x1], $0xff;
	_ =	sdelay $0x4  }
0x348: {  	v28 =	vshll.u32 v27, $0x3  }
0x349: {  	v27 =	vand.u32 $0x7, v27;
	v28 =	vand.u32 $0xFFFFFFC0, v28  }
0x34a: {  	v27 =	vor.u32 v27, v28  }
0x34b: {  	v27 =	vperm.xlane v27, v1;
	_ =	sdelay $0x1  }
0x34c: {  	v27 =	vadd.s32 v2, v27;
	_ =	sdelay $0x3  }
0x34d: {  	s10 =	simm.s32 $0x0;
	s11 =	simm.s32 $0x1B600  }
0x34e: {  	[tilespmem:s11], [sflag:$0x4] =	stream.indirect_vreg.gather [hbm4b:s18+s10], $0x80, v27, vm1, $0xb8;
	[tilespmem:$0x1D600] =	vst v63  }
0x34f: {  	s11 =	simm.s32 $0x1BE00  }
0x350: {  	[tilespmem:s11], [sflag:$0x4] =	stream.indirect_vreg.gather [hbm4b:s5+s10], $0x80, v27, vm1, $0xb8;
	[tilespmem:$0x1D600] =	vst v63  }
0x351: {  	s11 =	simm.s32 $0x1C600  }
0x352: {  	[tilespmem:s11], [sflag:$0x4] =	stream.indirect_vreg.gather [hbm4b:s16+s10], $0x80, v27, vm1, $0xb8;
	[tilespmem:$0x1D600] =	vst v63  }
0x353: {  	s11 =	simm.s32 $0x1CE00  }
0x354: {  	[tilespmem:s11], [sflag:$0x4] =	stream.indirect_vreg.gather [hbm4b:s2+s10], $0x80, v27, vm1, $0xb8;
	[tilespmem:$0x1D600] =	vst v63  }
0x355: {  	s11 =	sshll.u32 s7, $0xC;
	s7 =	sand.u32 $0x7, s7  }
0x356: {  	s10 =	sand.u32 $0xFFFF8000, s11;
	s7 =	sshll.u32 s7, $0x9  }
0x357: {  	s7 =	sor.u32 s7, s10  }
0x358: {  	s7 =	sshra.s32 s7, $0x2  }
0x359: {  	s7 =	sadd.s32 $0x2070, s7  }
0x35a: {  	v27 =	vmov s7  }
0x35b: {  	s11 =	simm.s32 $0x2  }
0x35c: {  	_ =	swait.ge [sflag:s11], $0x2000  }
0x35d: {  	[sflag:s11] =	ssyncset.done $0x0  }
0x35e: {  	s10 =	simm.s32 $0x0;
	[sflag:s11] =	ssyncadd.s32 $0xFFFFE000  }
0x35f: {  	v28 =	vld.idx.msk [tilespmem:v27+s10+$0x0 ss:$0x1], $0xffff  }
0x360: {  	v29 =	vld.idx.msk [tilespmem:v27+s10+$0xFFFFFF90 ss:$0x1], $0xffff  }
0x361: {  	v30 =	vld.idx.msk [tilespmem:v27+s10+$0xFFFFFFA0 ss:$0x1], $0xffff  }
0x362: {  	v31 =	vld.idx.msk [tilespmem:v27+s10+$0xFFFFFFB0 ss:$0x1], $0xffff  }
0x363: {  	v32 =	vld.idx.msk [tilespmem:v27+s10+$0xFFFFFFC0 ss:$0x1], $0xffff  }
0x364: {  	v33 =	vld.idx.msk [tilespmem:v27+s10+$0xFFFFFFD0 ss:$0x1], $0xffff  }
0x365: {  	v34 =	vld.idx.msk [tilespmem:v27+s10+$0xFFFFFFE0 ss:$0x1], $0xffff  }
0x366: {  	[tilespmem:s10+$0x17670] =	vst.add.f32.msk $0xffff, v28  }
0x367: {  	v28 =	vld.idx.msk [tilespmem:v27+s10+$0xFFFFFFF0 ss:$0x1], $0xffff  }
0x368: {  	[tilespmem:s10+$0x17600] =	vst.add.f32.msk $0xffff, v29  }
0x369: {  	[tilespmem:s10+$0x17610] =	vst.add.f32.msk $0xffff, v30  }
0x36a: {  	[tilespmem:s10+$0x17620] =	vst.add.f32.msk $0xffff, v31  }
0x36b: {  	[tilespmem:s10+$0x17630] =	vst.add.f32.msk $0xffff, v32  }
0x36c: {  	[tilespmem:s10+$0x17640] =	vst.add.f32.msk $0xffff, v33  }
0x36d: {  	s11 =	simm.s32 $0x0;
	s7 =	simm.s32 $0x1000;
	[tilespmem:s10+$0x17650] =	vst.add.f32.msk $0xffff, v34  }
.LBB2_36:
0x36e: {  	s11 =	sadd.s32 $0x80, s11;
	[tilespmem:s10+$0x17660] =	vst.add.f32.msk $0xffff, v28;
	s10 =	sshra.s32 s7, $0x2  }
0x36f: {  	v28 =	vld.idx.msk [tilespmem:v27+s10+$0x0 ss:$0x1], $0xffff;
	p1 =	slt.u32 s11, $0x380  }
0x370: {  	v29 =	vld.idx.msk [tilespmem:v27+s10+$0xFFFFFF90 ss:$0x1], $0xffff  }
0x371: {  	v30 =	vld.idx.msk [tilespmem:v27+s10+$0xFFFFFFA0 ss:$0x1], $0xffff  }
0x372: {  	v31 =	vld.idx.msk [tilespmem:v27+s10+$0xFFFFFFB0 ss:$0x1], $0xffff  }
0x373: {  	v32 =	vld.idx.msk [tilespmem:v27+s10+$0xFFFFFFC0 ss:$0x1], $0xffff  }
0x374: {  	v33 =	vld.idx.msk [tilespmem:v27+s10+$0xFFFFFFD0 ss:$0x1], $0xffff  }
0x375: {  	[tilespmem:s10+$0x17670] =	vst.add.f32.msk $0xffff, v28  }
0x376: {  	v34 =	vld.idx.msk [tilespmem:v27+s10+$0xFFFFFFE0 ss:$0x1], $0xffff  }
0x377: {  	v28 =	vld.idx.msk [tilespmem:v27+s10+$0xFFFFFFF0 ss:$0x1], $0xffff  }
0x378: {  	[tilespmem:s10+$0x17600] =	vst.add.f32.msk $0xffff, v29  }
.Ltmp19:
0x379: {  	[tilespmem:s10+$0x17610] =	vst.add.f32.msk $0xffff, v30;
	(pc) =	sbr.rel @p1 .LBB2_36-.Ltmp19, $4  }
0x37a: {  	[tilespmem:s10+$0x17620] =	vst.add.f32.msk $0xffff, v31  }
0x37b: {  	[tilespmem:s10+$0x17630] =	vst.add.f32.msk $0xffff, v32  }
0x37c: {  	[tilespmem:s10+$0x17640] =	vst.add.f32.msk $0xffff, v33  }
0x37d: {  	s7 =	sadd.s32 $0x1000, s7;
	[tilespmem:s10+$0x17650] =	vst.add.f32.msk $0xffff, v34  }
0x37e: {  	s7 =	sshll.u32 s9, $0xC;
	s11 =	sand.u32 $0x7, s9  }
0x37f: {  	s7 =	sand.u32 $0xFFFF8000, s7;
	s9 =	sshll.u32 s11, $0x9  }
0x380: {  	s7 =	sor.u32 s9, s7  }
0x381: {  	s7 =	sshra.s32 s7, $0x2  }
0x382: {  	s7 =	sadd.s32 $0x2070, s7  }
0x383: {  	v27 =	vmov s7;
	_ =	sdelay $0x3  }
0x384: {  	[tilespmem:s10+$0x17660] =	vst.add.f32.msk $0xffff, v28;
	s9 =	simm.s32 $0x0  }
0x385: {  	v28 =	vld.idx.msk [tilespmem:v27+s9+$0x0 ss:$0x1], $0xffff  }
0x386: {  	v29 =	vld.idx.msk [tilespmem:v27+s9+$0xFFFFFF90 ss:$0x1], $0xffff  }
0x387: {  	v30 =	vld.idx.msk [tilespmem:v27+s9+$0xFFFFFFA0 ss:$0x1], $0xffff  }
0x388: {  	v31 =	vld.idx.msk [tilespmem:v27+s9+$0xFFFFFFB0 ss:$0x1], $0xffff  }
0x389: {  	v32 =	vld.idx.msk [tilespmem:v27+s9+$0xFFFFFFC0 ss:$0x1], $0xffff  }
0x38a: {  	v33 =	vld.idx.msk [tilespmem:v27+s9+$0xFFFFFFD0 ss:$0x1], $0xffff  }
0x38b: {  	v34 =	vld.idx.msk [tilespmem:v27+s9+$0xFFFFFFE0 ss:$0x1], $0xffff  }
0x38c: {  	[tilespmem:s9+$0x176F0] =	vst.add.f32.msk $0xffff, v28  }
0x38d: {  	v28 =	vld.idx.msk [tilespmem:v27+s9+$0xFFFFFFF0 ss:$0x1], $0xffff  }
0x38e: {  	[tilespmem:s9+$0x17680] =	vst.add.f32.msk $0xffff, v29  }
0x38f: {  	[tilespmem:s9+$0x17690] =	vst.add.f32.msk $0xffff, v30  }
0x390: {  	[tilespmem:s9+$0x176A0] =	vst.add.f32.msk $0xffff, v31  }
0x391: {  	[tilespmem:s9+$0x176B0] =	vst.add.f32.msk $0xffff, v32  }
0x392: {  	[tilespmem:s9+$0x176C0] =	vst.add.f32.msk $0xffff, v33  }
0x393: {  	s10 =	simm.s32 $0x0;
	s11 =	smov.u32 s19;
	s7 =	simm.s32 $0x1000;
	[tilespmem:s9+$0x176D0] =	vst.add.f32.msk $0xffff, v34  }
.LBB2_38:
0x394: {  	s10 =	sadd.s32 $0x80, s10;
	[tilespmem:s9+$0x176E0] =	vst.add.f32.msk $0xffff, v28;
	s9 =	sshra.s32 s7, $0x2  }
0x395: {  	v28 =	vld.idx.msk [tilespmem:v27+s9+$0x0 ss:$0x1], $0xffff;
	p1 =	slt.u32 s10, $0x380  }
0x396: {  	v29 =	vld.idx.msk [tilespmem:v27+s9+$0xFFFFFF90 ss:$0x1], $0xffff  }
0x397: {  	v30 =	vld.idx.msk [tilespmem:v27+s9+$0xFFFFFFA0 ss:$0x1], $0xffff  }
0x398: {  	v31 =	vld.idx.msk [tilespmem:v27+s9+$0xFFFFFFB0 ss:$0x1], $0xffff  }
0x399: {  	v32 =	vld.idx.msk [tilespmem:v27+s9+$0xFFFFFFC0 ss:$0x1], $0xffff  }
0x39a: {  	v33 =	vld.idx.msk [tilespmem:v27+s9+$0xFFFFFFD0 ss:$0x1], $0xffff  }
0x39b: {  	[tilespmem:s9+$0x176F0] =	vst.add.f32.msk $0xffff, v28  }
0x39c: {  	v34 =	vld.idx.msk [tilespmem:v27+s9+$0xFFFFFFE0 ss:$0x1], $0xffff  }
0x39d: {  	v28 =	vld.idx.msk [tilespmem:v27+s9+$0xFFFFFFF0 ss:$0x1], $0xffff  }
0x39e: {  	[tilespmem:s9+$0x17680] =	vst.add.f32.msk $0xffff, v29  }
.Ltmp20:
0x39f: {  	[tilespmem:s9+$0x17690] =	vst.add.f32.msk $0xffff, v30;
	(pc) =	sbr.rel @p1 .LBB2_38-.Ltmp20, $4  }
0x3a0: {  	[tilespmem:s9+$0x176A0] =	vst.add.f32.msk $0xffff, v31  }
0x3a1: {  	[tilespmem:s9+$0x176B0] =	vst.add.f32.msk $0xffff, v32  }
0x3a2: {  	[tilespmem:s9+$0x176C0] =	vst.add.f32.msk $0xffff, v33  }
0x3a3: {  	s7 =	sadd.s32 $0x1000, s7;
	[tilespmem:s9+$0x176D0] =	vst.add.f32.msk $0xffff, v34  }
0x3a4: {  	s7 =	sshll.u32 s8, $0xC;
	s19 =	sand.u32 $0x7, s8  }
0x3a5: {  	s7 =	sand.u32 $0xFFFF8000, s7;
	s8 =	sshll.u32 s19, $0x9  }
0x3a6: {  	s7 =	sor.u32 s8, s7  }
0x3a7: {  	s7 =	sshra.s32 s7, $0x2  }
0x3a8: {  	s7 =	sadd.s32 $0x2070, s7  }
0x3a9: {  	v27 =	vmov s7;
	_ =	sdelay $0x3  }
0x3aa: {  	[tilespmem:s9+$0x176E0] =	vst.add.f32.msk $0xffff, v28;
	s8 =	simm.s32 $0x0  }
0x3ab: {  	v28 =	vld.idx.msk [tilespmem:v27+s8+$0x0 ss:$0x1], $0xffff  }
0x3ac: {  	v29 =	vld.idx.msk [tilespmem:v27+s8+$0xFFFFFF90 ss:$0x1], $0xffff  }
0x3ad: {  	v30 =	vld.idx.msk [tilespmem:v27+s8+$0xFFFFFFA0 ss:$0x1], $0xffff  }
0x3ae: {  	v31 =	vld.idx.msk [tilespmem:v27+s8+$0xFFFFFFB0 ss:$0x1], $0xffff  }
0x3af: {  	v32 =	vld.idx.msk [tilespmem:v27+s8+$0xFFFFFFC0 ss:$0x1], $0xffff  }
0x3b0: {  	v33 =	vld.idx.msk [tilespmem:v27+s8+$0xFFFFFFD0 ss:$0x1], $0xffff  }
0x3b1: {  	v34 =	vld.idx.msk [tilespmem:v27+s8+$0xFFFFFFE0 ss:$0x1], $0xffff  }
0x3b2: {  	[tilespmem:s8+$0x17770] =	vst.add.f32.msk $0xffff, v28  }
0x3b3: {  	v28 =	vld.idx.msk [tilespmem:v27+s8+$0xFFFFFFF0 ss:$0x1], $0xffff  }
0x3b4: {  	[tilespmem:s8+$0x17700] =	vst.add.f32.msk $0xffff, v29  }
0x3b5: {  	[tilespmem:s8+$0x17710] =	vst.add.f32.msk $0xffff, v30  }
0x3b6: {  	[tilespmem:s8+$0x17720] =	vst.add.f32.msk $0xffff, v31  }
0x3b7: {  	[tilespmem:s8+$0x17730] =	vst.add.f32.msk $0xffff, v32  }
0x3b8: {  	[tilespmem:s8+$0x17740] =	vst.add.f32.msk $0xffff, v33  }
0x3b9: {  	s10 =	simm.s32 $0x0;
	s9 =	simm.s32 $0x0;
	s7 =	simm.s32 $0x1000;
	[tilespmem:s8+$0x17750] =	vst.add.f32.msk $0xffff, v34  }
.LBB2_40:
0x3ba: {  	s9 =	sadd.s32 $0x80, s9;
	[tilespmem:s8+$0x17760] =	vst.add.f32.msk $0xffff, v28;
	s8 =	sshra.s32 s7, $0x2  }
0x3bb: {  	v28 =	vld.idx.msk [tilespmem:v27+s8+$0x0 ss:$0x1], $0xffff;
	p1 =	slt.u32 s9, $0x380  }
0x3bc: {  	v29 =	vld.idx.msk [tilespmem:v27+s8+$0xFFFFFF90 ss:$0x1], $0xffff  }
0x3bd: {  	v30 =	vld.idx.msk [tilespmem:v27+s8+$0xFFFFFFA0 ss:$0x1], $0xffff  }
0x3be: {  	v31 =	vld.idx.msk [tilespmem:v27+s8+$0xFFFFFFB0 ss:$0x1], $0xffff  }
0x3bf: {  	v32 =	vld.idx.msk [tilespmem:v27+s8+$0xFFFFFFC0 ss:$0x1], $0xffff  }
0x3c0: {  	v33 =	vld.idx.msk [tilespmem:v27+s8+$0xFFFFFFD0 ss:$0x1], $0xffff  }
0x3c1: {  	[tilespmem:s8+$0x17770] =	vst.add.f32.msk $0xffff, v28  }
0x3c2: {  	v34 =	vld.idx.msk [tilespmem:v27+s8+$0xFFFFFFE0 ss:$0x1], $0xffff  }
0x3c3: {  	v28 =	vld.idx.msk [tilespmem:v27+s8+$0xFFFFFFF0 ss:$0x1], $0xffff  }
0x3c4: {  	[tilespmem:s8+$0x17700] =	vst.add.f32.msk $0xffff, v29  }
.Ltmp21:
0x3c5: {  	[tilespmem:s8+$0x17710] =	vst.add.f32.msk $0xffff, v30;
	(pc) =	sbr.rel @p1 .LBB2_40-.Ltmp21, $4  }
0x3c6: {  	[tilespmem:s8+$0x17720] =	vst.add.f32.msk $0xffff, v31  }
0x3c7: {  	[tilespmem:s8+$0x17730] =	vst.add.f32.msk $0xffff, v32  }
0x3c8: {  	[tilespmem:s8+$0x17740] =	vst.add.f32.msk $0xffff, v33  }
0x3c9: {  	s7 =	sadd.s32 $0x1000, s7;
	[tilespmem:s8+$0x17750] =	vst.add.f32.msk $0xffff, v34  }
0x3ca: {  	s7 =	sshll.u32 s0, $0xC;
	s19 =	sand.u32 $0x7, s0  }
0x3cb: {  	s7 =	sand.u32 $0xFFFF8000, s7;
	s0 =	sshll.u32 s19, $0x9  }
0x3cc: {  	s0 =	sor.u32 s0, s7  }
0x3cd: {  	s0 =	sshra.s32 s0, $0x2  }
0x3ce: {  	s0 =	sadd.s32 $0x2070, s0  }
0x3cf: {  	v27 =	vmov s0;
	_ =	sdelay $0x3  }
0x3d0: {  	[tilespmem:s8+$0x17760] =	vst.add.f32.msk $0xffff, v28;
	s0 =	simm.s32 $0x0  }
0x3d1: {  	v28 =	vld.idx.msk [tilespmem:v27+s0+$0x0 ss:$0x1], $0xffff  }
0x3d2: {  	v29 =	vld.idx.msk [tilespmem:v27+s0+$0xFFFFFF90 ss:$0x1], $0xffff  }
0x3d3: {  	v30 =	vld.idx.msk [tilespmem:v27+s0+$0xFFFFFFA0 ss:$0x1], $0xffff  }
0x3d4: {  	v31 =	vld.idx.msk [tilespmem:v27+s0+$0xFFFFFFB0 ss:$0x1], $0xffff  }
0x3d5: {  	v32 =	vld.idx.msk [tilespmem:v27+s0+$0xFFFFFFC0 ss:$0x1], $0xffff  }
0x3d6: {  	v33 =	vld.idx.msk [tilespmem:v27+s0+$0xFFFFFFD0 ss:$0x1], $0xffff  }
0x3d7: {  	v34 =	vld.idx.msk [tilespmem:v27+s0+$0xFFFFFFE0 ss:$0x1], $0xffff  }
0x3d8: {  	[tilespmem:s0+$0x177F0] =	vst.add.f32.msk $0xffff, v28  }
0x3d9: {  	v28 =	vld.idx.msk [tilespmem:v27+s0+$0xFFFFFFF0 ss:$0x1], $0xffff  }
0x3da: {  	[tilespmem:s0+$0x17780] =	vst.add.f32.msk $0xffff, v29  }
0x3db: {  	[tilespmem:s0+$0x17790] =	vst.add.f32.msk $0xffff, v30  }
0x3dc: {  	[tilespmem:s0+$0x177A0] =	vst.add.f32.msk $0xffff, v31  }
0x3dd: {  	[tilespmem:s0+$0x177B0] =	vst.add.f32.msk $0xffff, v32  }
0x3de: {  	s9 =	smov.u32 s18;
	[tilespmem:s0+$0x177C0] =	vst.add.f32.msk $0xffff, v33  }
0x3df: {  	s8 =	simm.s32 $0x0;
	s18 =	smov.u32 s3;
	s7 =	simm.s32 $0x1000;
	[tilespmem:s0+$0x177D0] =	vst.add.f32.msk $0xffff, v34  }
.LBB2_42:
0x3e0: {  	s8 =	sadd.s32 $0x80, s8;
	[tilespmem:s0+$0x177E0] =	vst.add.f32.msk $0xffff, v28;
	s0 =	sshra.s32 s7, $0x2  }
0x3e1: {  	v28 =	vld.idx.msk [tilespmem:v27+s0+$0x0 ss:$0x1], $0xffff;
	p1 =	slt.u32 s8, $0x380  }
0x3e2: {  	v29 =	vld.idx.msk [tilespmem:v27+s0+$0xFFFFFF90 ss:$0x1], $0xffff  }
0x3e3: {  	v30 =	vld.idx.msk [tilespmem:v27+s0+$0xFFFFFFA0 ss:$0x1], $0xffff  }
0x3e4: {  	v31 =	vld.idx.msk [tilespmem:v27+s0+$0xFFFFFFB0 ss:$0x1], $0xffff  }
0x3e5: {  	v32 =	vld.idx.msk [tilespmem:v27+s0+$0xFFFFFFC0 ss:$0x1], $0xffff  }
0x3e6: {  	v33 =	vld.idx.msk [tilespmem:v27+s0+$0xFFFFFFD0 ss:$0x1], $0xffff  }
0x3e7: {  	[tilespmem:s0+$0x177F0] =	vst.add.f32.msk $0xffff, v28  }
0x3e8: {  	v34 =	vld.idx.msk [tilespmem:v27+s0+$0xFFFFFFE0 ss:$0x1], $0xffff  }
0x3e9: {  	v28 =	vld.idx.msk [tilespmem:v27+s0+$0xFFFFFFF0 ss:$0x1], $0xffff  }
0x3ea: {  	[tilespmem:s0+$0x17780] =	vst.add.f32.msk $0xffff, v29  }
.Ltmp22:
0x3eb: {  	[tilespmem:s0+$0x17790] =	vst.add.f32.msk $0xffff, v30;
	(pc) =	sbr.rel @p1 .LBB2_42-.Ltmp22, $4  }
0x3ec: {  	[tilespmem:s0+$0x177A0] =	vst.add.f32.msk $0xffff, v31  }
0x3ed: {  	[tilespmem:s0+$0x177B0] =	vst.add.f32.msk $0xffff, v32  }
0x3ee: {  	[tilespmem:s0+$0x177C0] =	vst.add.f32.msk $0xffff, v33  }
0x3ef: {  	s7 =	sadd.s32 $0x1000, s7;
	[tilespmem:s0+$0x177D0] =	vst.add.f32.msk $0xffff, v34  }
0x3f0: {  	s19 =	sshll.u32 s14, $0xC;
	s7 =	sand.u32 $0x7, s14  }
0x3f1: {  	[tilespmem:s0+$0x177E0] =	vst.add.f32.msk $0xffff, v28;
	s0 =	sand.u32 $0xFFFF8000, s19;
	s7 =	sshll.u32 s7, $0x9  }
0x3f2: {  	s0 =	sor.u32 s7, s0  }
0x3f3: {  	s0 =	sshra.s32 s0, $0x2  }
0x3f4: {  	s0 =	sadd.s32 $0x2070, s0  }
0x3f5: {  	v27 =	vmov s0;
	_ =	sdelay $0x3  }
0x3f6: {  	s0 =	simm.s32 $0x0  }
0x3f7: {  	v28 =	vld.idx.msk [tilespmem:v27+s0+$0x0 ss:$0x1], $0xffff  }
0x3f8: {  	v29 =	vld.idx.msk [tilespmem:v27+s0+$0xFFFFFF90 ss:$0x1], $0xffff  }
0x3f9: {  	v30 =	vld.idx.msk [tilespmem:v27+s0+$0xFFFFFFA0 ss:$0x1], $0xffff  }
0x3fa: {  	v31 =	vld.idx.msk [tilespmem:v27+s0+$0xFFFFFFB0 ss:$0x1], $0xffff  }
0x3fb: {  	v32 =	vld.idx.msk [tilespmem:v27+s0+$0xFFFFFFC0 ss:$0x1], $0xffff  }
0x3fc: {  	v33 =	vld.idx.msk [tilespmem:v27+s0+$0xFFFFFFD0 ss:$0x1], $0xffff  }
0x3fd: {  	v34 =	vld.idx.msk [tilespmem:v27+s0+$0xFFFFFFE0 ss:$0x1], $0xffff  }
0x3fe: {  	[tilespmem:s0+$0x17870] =	vst.add.f32.msk $0xffff, v28  }
0x3ff: {  	v28 =	vld.idx.msk [tilespmem:v27+s0+$0xFFFFFFF0 ss:$0x1], $0xffff  }
0x400: {  	[tilespmem:s0+$0x17800] =	vst.add.f32.msk $0xffff, v29  }
0x401: {  	[tilespmem:s0+$0x17810] =	vst.add.f32.msk $0xffff, v30  }
0x402: {  	[tilespmem:s0+$0x17820] =	vst.add.f32.msk $0xffff, v31  }
0x403: {  	[tilespmem:s0+$0x17830] =	vst.add.f32.msk $0xffff, v32  }
0x404: {  	[tilespmem:s0+$0x17840] =	vst.add.f32.msk $0xffff, v33  }
0x405: {  	s8 =	simm.s32 $0x0;
	s14 =	smov.u32 s16;
	s7 =	simm.s32 $0x1000;
	[tilespmem:s0+$0x17850] =	vst.add.f32.msk $0xffff, v34  }
.LBB2_44:
0x406: {  	s8 =	sadd.s32 $0x80, s8;
	[tilespmem:s0+$0x17860] =	vst.add.f32.msk $0xffff, v28;
	s0 =	sshra.s32 s7, $0x2  }
0x407: {  	v28 =	vld.idx.msk [tilespmem:v27+s0+$0x0 ss:$0x1], $0xffff;
	p1 =	slt.u32 s8, $0x380  }
0x408: {  	v29 =	vld.idx.msk [tilespmem:v27+s0+$0xFFFFFF90 ss:$0x1], $0xffff  }
0x409: {  	v30 =	vld.idx.msk [tilespmem:v27+s0+$0xFFFFFFA0 ss:$0x1], $0xffff  }
0x40a: {  	v31 =	vld.idx.msk [tilespmem:v27+s0+$0xFFFFFFB0 ss:$0x1], $0xffff  }
0x40b: {  	v32 =	vld.idx.msk [tilespmem:v27+s0+$0xFFFFFFC0 ss:$0x1], $0xffff  }
0x40c: {  	v33 =	vld.idx.msk [tilespmem:v27+s0+$0xFFFFFFD0 ss:$0x1], $0xffff  }
0x40d: {  	[tilespmem:s0+$0x17870] =	vst.add.f32.msk $0xffff, v28  }
0x40e: {  	v34 =	vld.idx.msk [tilespmem:v27+s0+$0xFFFFFFE0 ss:$0x1], $0xffff  }
0x40f: {  	v28 =	vld.idx.msk [tilespmem:v27+s0+$0xFFFFFFF0 ss:$0x1], $0xffff  }
0x410: {  	[tilespmem:s0+$0x17800] =	vst.add.f32.msk $0xffff, v29  }
.Ltmp23:
0x411: {  	[tilespmem:s0+$0x17810] =	vst.add.f32.msk $0xffff, v30;
	(pc) =	sbr.rel @p1 .LBB2_44-.Ltmp23, $4  }
0x412: {  	[tilespmem:s0+$0x17820] =	vst.add.f32.msk $0xffff, v31  }
0x413: {  	[tilespmem:s0+$0x17830] =	vst.add.f32.msk $0xffff, v32  }
0x414: {  	[tilespmem:s0+$0x17840] =	vst.add.f32.msk $0xffff, v33  }
0x415: {  	s7 =	sadd.s32 $0x1000, s7;
	[tilespmem:s0+$0x17850] =	vst.add.f32.msk $0xffff, v34  }
0x416: {  	s19 =	sshll.u32 s26, $0xC;
	s7 =	sand.u32 $0x7, s26  }
0x417: {  	[tilespmem:s0+$0x17860] =	vst.add.f32.msk $0xffff, v28;
	s0 =	sand.u32 $0xFFFF8000, s19;
	s7 =	sshll.u32 s7, $0x9  }
0x418: {  	s0 =	sor.u32 s7, s0  }
0x419: {  	s0 =	sshra.s32 s0, $0x2  }
0x41a: {  	s0 =	sadd.s32 $0x2070, s0  }
0x41b: {  	v27 =	vmov s0;
	_ =	sdelay $0x3  }
0x41c: {  	s0 =	simm.s32 $0x0  }
0x41d: {  	v28 =	vld.idx.msk [tilespmem:v27+s0+$0x0 ss:$0x1], $0xffff  }
0x41e: {  	v29 =	vld.idx.msk [tilespmem:v27+s0+$0xFFFFFF90 ss:$0x1], $0xffff  }
0x41f: {  	v30 =	vld.idx.msk [tilespmem:v27+s0+$0xFFFFFFA0 ss:$0x1], $0xffff  }
0x420: {  	v31 =	vld.idx.msk [tilespmem:v27+s0+$0xFFFFFFB0 ss:$0x1], $0xffff  }
0x421: {  	v32 =	vld.idx.msk [tilespmem:v27+s0+$0xFFFFFFC0 ss:$0x1], $0xffff  }
0x422: {  	v33 =	vld.idx.msk [tilespmem:v27+s0+$0xFFFFFFD0 ss:$0x1], $0xffff  }
0x423: {  	v34 =	vld.idx.msk [tilespmem:v27+s0+$0xFFFFFFE0 ss:$0x1], $0xffff  }
0x424: {  	[tilespmem:s0+$0x178F0] =	vst.add.f32.msk $0xffff, v28  }
0x425: {  	v28 =	vld.idx.msk [tilespmem:v27+s0+$0xFFFFFFF0 ss:$0x1], $0xffff  }
0x426: {  	[tilespmem:s0+$0x17880] =	vst.add.f32.msk $0xffff, v29  }
0x427: {  	[tilespmem:s0+$0x17890] =	vst.add.f32.msk $0xffff, v30  }
0x428: {  	[tilespmem:s0+$0x178A0] =	vst.add.f32.msk $0xffff, v31  }
0x429: {  	[tilespmem:s0+$0x178B0] =	vst.add.f32.msk $0xffff, v32  }
0x42a: {  	[tilespmem:s0+$0x178C0] =	vst.add.f32.msk $0xffff, v33  }
0x42b: {  	s16 =	smov.u32 s2;
	s8 =	simm.s32 $0x0;
	s7 =	simm.s32 $0x1000;
	[tilespmem:s0+$0x178D0] =	vst.add.f32.msk $0xffff, v34  }
.LBB2_46:
0x42c: {  	s8 =	sadd.s32 $0x80, s8;
	[tilespmem:s0+$0x178E0] =	vst.add.f32.msk $0xffff, v28;
	s0 =	sshra.s32 s7, $0x2  }
0x42d: {  	v28 =	vld.idx.msk [tilespmem:v27+s0+$0x0 ss:$0x1], $0xffff;
	p1 =	slt.u32 s8, $0x380  }
0x42e: {  	v29 =	vld.idx.msk [tilespmem:v27+s0+$0xFFFFFF90 ss:$0x1], $0xffff  }
0x42f: {  	v30 =	vld.idx.msk [tilespmem:v27+s0+$0xFFFFFFA0 ss:$0x1], $0xffff  }
0x430: {  	v31 =	vld.idx.msk [tilespmem:v27+s0+$0xFFFFFFB0 ss:$0x1], $0xffff  }
0x431: {  	v32 =	vld.idx.msk [tilespmem:v27+s0+$0xFFFFFFC0 ss:$0x1], $0xffff  }
0x432: {  	v33 =	vld.idx.msk [tilespmem:v27+s0+$0xFFFFFFD0 ss:$0x1], $0xffff  }
0x433: {  	[tilespmem:s0+$0x178F0] =	vst.add.f32.msk $0xffff, v28  }
0x434: {  	v34 =	vld.idx.msk [tilespmem:v27+s0+$0xFFFFFFE0 ss:$0x1], $0xffff  }
0x435: {  	v28 =	vld.idx.msk [tilespmem:v27+s0+$0xFFFFFFF0 ss:$0x1], $0xffff  }
0x436: {  	[tilespmem:s0+$0x17880] =	vst.add.f32.msk $0xffff, v29  }
.Ltmp24:
0x437: {  	[tilespmem:s0+$0x17890] =	vst.add.f32.msk $0xffff, v30;
	(pc) =	sbr.rel @p1 .LBB2_46-.Ltmp24, $4  }
0x438: {  	[tilespmem:s0+$0x178A0] =	vst.add.f32.msk $0xffff, v31  }
0x439: {  	[tilespmem:s0+$0x178B0] =	vst.add.f32.msk $0xffff, v32  }
0x43a: {  	[tilespmem:s0+$0x178C0] =	vst.add.f32.msk $0xffff, v33  }
0x43b: {  	s7 =	sadd.s32 $0x1000, s7;
	[tilespmem:s0+$0x178D0] =	vst.add.f32.msk $0xffff, v34  }
0x43c: {  	s26 =	sshll.u32 s13, $0xC;
	s7 =	sand.u32 $0x7, s13  }
0x43d: {  	[tilespmem:s0+$0x178E0] =	vst.add.f32.msk $0xffff, v28;
	s0 =	sand.u32 $0xFFFF8000, s26;
	s7 =	sshll.u32 s7, $0x9  }
0x43e: {  	s0 =	sor.u32 s7, s0  }
0x43f: {  	s0 =	sshra.s32 s0, $0x2  }
0x440: {  	s0 =	sadd.s32 $0x2070, s0  }
0x441: {  	v27 =	vmov s0;
	_ =	sdelay $0x3  }
0x442: {  	s0 =	simm.s32 $0x0  }
0x443: {  	v28 =	vld.idx.msk [tilespmem:v27+s0+$0x0 ss:$0x1], $0xffff  }
0x444: {  	v29 =	vld.idx.msk [tilespmem:v27+s0+$0xFFFFFF90 ss:$0x1], $0xffff  }
0x445: {  	v30 =	vld.idx.msk [tilespmem:v27+s0+$0xFFFFFFA0 ss:$0x1], $0xffff  }
0x446: {  	v31 =	vld.idx.msk [tilespmem:v27+s0+$0xFFFFFFB0 ss:$0x1], $0xffff  }
0x447: {  	v32 =	vld.idx.msk [tilespmem:v27+s0+$0xFFFFFFC0 ss:$0x1], $0xffff  }
0x448: {  	v33 =	vld.idx.msk [tilespmem:v27+s0+$0xFFFFFFD0 ss:$0x1], $0xffff  }
0x449: {  	v34 =	vld.idx.msk [tilespmem:v27+s0+$0xFFFFFFE0 ss:$0x1], $0xffff  }
0x44a: {  	[tilespmem:s0+$0x17970] =	vst.add.f32.msk $0xffff, v28  }
0x44b: {  	v28 =	vld.idx.msk [tilespmem:v27+s0+$0xFFFFFFF0 ss:$0x1], $0xffff  }
0x44c: {  	[tilespmem:s0+$0x17900] =	vst.add.f32.msk $0xffff, v29  }
0x44d: {  	[tilespmem:s0+$0x17910] =	vst.add.f32.msk $0xffff, v30  }
0x44e: {  	[tilespmem:s0+$0x17920] =	vst.add.f32.msk $0xffff, v31  }
0x44f: {  	[tilespmem:s0+$0x17930] =	vst.add.f32.msk $0xffff, v32  }
0x450: {  	[tilespmem:s0+$0x17940] =	vst.add.f32.msk $0xffff, v33  }
0x451: {  	s8 =	simm.s32 $0x0;
	s13 =	smov.u32 s5;
	s7 =	simm.s32 $0x1000;
	[tilespmem:s0+$0x17950] =	vst.add.f32.msk $0xffff, v34  }
.LBB2_48:
0x452: {  	s8 =	sadd.s32 $0x80, s8;
	[tilespmem:s0+$0x17960] =	vst.add.f32.msk $0xffff, v28;
	s0 =	sshra.s32 s7, $0x2  }
0x453: {  	v28 =	vld.idx.msk [tilespmem:v27+s0+$0x0 ss:$0x1], $0xffff;
	p1 =	slt.u32 s8, $0x380  }
0x454: {  	v29 =	vld.idx.msk [tilespmem:v27+s0+$0xFFFFFF90 ss:$0x1], $0xffff  }
0x455: {  	v30 =	vld.idx.msk [tilespmem:v27+s0+$0xFFFFFFA0 ss:$0x1], $0xffff  }
0x456: {  	v31 =	vld.idx.msk [tilespmem:v27+s0+$0xFFFFFFB0 ss:$0x1], $0xffff  }
0x457: {  	v32 =	vld.idx.msk [tilespmem:v27+s0+$0xFFFFFFC0 ss:$0x1], $0xffff  }
0x458: {  	v33 =	vld.idx.msk [tilespmem:v27+s0+$0xFFFFFFD0 ss:$0x1], $0xffff  }
0x459: {  	[tilespmem:s0+$0x17970] =	vst.add.f32.msk $0xffff, v28  }
0x45a: {  	v34 =	vld.idx.msk [tilespmem:v27+s0+$0xFFFFFFE0 ss:$0x1], $0xffff  }
0x45b: {  	v28 =	vld.idx.msk [tilespmem:v27+s0+$0xFFFFFFF0 ss:$0x1], $0xffff  }
0x45c: {  	[tilespmem:s0+$0x17900] =	vst.add.f32.msk $0xffff, v29  }
.Ltmp25:
0x45d: {  	[tilespmem:s0+$0x17910] =	vst.add.f32.msk $0xffff, v30;
	(pc) =	sbr.rel @p1 .LBB2_48-.Ltmp25, $4  }
0x45e: {  	[tilespmem:s0+$0x17920] =	vst.add.f32.msk $0xffff, v31  }
0x45f: {  	[tilespmem:s0+$0x17930] =	vst.add.f32.msk $0xffff, v32  }
0x460: {  	[tilespmem:s0+$0x17940] =	vst.add.f32.msk $0xffff, v33  }
0x461: {  	s7 =	sadd.s32 $0x1000, s7;
	[tilespmem:s0+$0x17950] =	vst.add.f32.msk $0xffff, v34  }
0x462: {  	s26 =	sshll.u32 s12, $0xC;
	s7 =	sand.u32 $0x7, s12  }
0x463: {  	[tilespmem:s0+$0x17960] =	vst.add.f32.msk $0xffff, v28;
	s0 =	sand.u32 $0xFFFF8000, s26;
	s7 =	sshll.u32 s7, $0x9  }
0x464: {  	s0 =	sor.u32 s7, s0  }
0x465: {  	s0 =	sshra.s32 s0, $0x2  }
0x466: {  	s0 =	sadd.s32 $0x2070, s0  }
0x467: {  	v27 =	vmov s0;
	_ =	sdelay $0x3  }
0x468: {  	s0 =	simm.s32 $0x0  }
0x469: {  	v28 =	vld.idx.msk [tilespmem:v27+s0+$0x0 ss:$0x1], $0xffff  }
0x46a: {  	v29 =	vld.idx.msk [tilespmem:v27+s0+$0xFFFFFF90 ss:$0x1], $0xffff  }
0x46b: {  	v30 =	vld.idx.msk [tilespmem:v27+s0+$0xFFFFFFA0 ss:$0x1], $0xffff  }
0x46c: {  	v31 =	vld.idx.msk [tilespmem:v27+s0+$0xFFFFFFB0 ss:$0x1], $0xffff  }
0x46d: {  	v32 =	vld.idx.msk [tilespmem:v27+s0+$0xFFFFFFC0 ss:$0x1], $0xffff  }
0x46e: {  	v33 =	vld.idx.msk [tilespmem:v27+s0+$0xFFFFFFD0 ss:$0x1], $0xffff  }
0x46f: {  	v34 =	vld.idx.msk [tilespmem:v27+s0+$0xFFFFFFE0 ss:$0x1], $0xffff  }
0x470: {  	[tilespmem:s0+$0x179F0] =	vst.add.f32.msk $0xffff, v28  }
0x471: {  	v28 =	vld.idx.msk [tilespmem:v27+s0+$0xFFFFFFF0 ss:$0x1], $0xffff  }
0x472: {  	[tilespmem:s0+$0x17980] =	vst.add.f32.msk $0xffff, v29  }
0x473: {  	[tilespmem:s0+$0x17990] =	vst.add.f32.msk $0xffff, v30  }
0x474: {  	[tilespmem:s0+$0x179A0] =	vst.add.f32.msk $0xffff, v31  }
0x475: {  	[tilespmem:s0+$0x179B0] =	vst.add.f32.msk $0xffff, v32  }
0x476: {  	[tilespmem:s0+$0x179C0] =	vst.add.f32.msk $0xffff, v33  }
0x477: {  	s8 =	simm.s32 $0x0;
	s7 =	simm.s32 $0x1000;
	[tilespmem:s0+$0x179D0] =	vst.add.f32.msk $0xffff, v34  }
.LBB2_50:
0x478: {  	s8 =	sadd.s32 $0x80, s8;
	[tilespmem:s0+$0x179E0] =	vst.add.f32.msk $0xffff, v28;
	s0 =	sshra.s32 s7, $0x2  }
0x479: {  	v28 =	vld.idx.msk [tilespmem:v27+s0+$0x0 ss:$0x1], $0xffff;
	p1 =	slt.u32 s8, $0x380  }
0x47a: {  	v29 =	vld.idx.msk [tilespmem:v27+s0+$0xFFFFFF90 ss:$0x1], $0xffff  }
0x47b: {  	v30 =	vld.idx.msk [tilespmem:v27+s0+$0xFFFFFFA0 ss:$0x1], $0xffff  }
0x47c: {  	v31 =	vld.idx.msk [tilespmem:v27+s0+$0xFFFFFFB0 ss:$0x1], $0xffff  }
0x47d: {  	v32 =	vld.idx.msk [tilespmem:v27+s0+$0xFFFFFFC0 ss:$0x1], $0xffff  }
0x47e: {  	v33 =	vld.idx.msk [tilespmem:v27+s0+$0xFFFFFFD0 ss:$0x1], $0xffff  }
0x47f: {  	[tilespmem:s0+$0x179F0] =	vst.add.f32.msk $0xffff, v28  }
0x480: {  	v34 =	vld.idx.msk [tilespmem:v27+s0+$0xFFFFFFE0 ss:$0x1], $0xffff  }
0x481: {  	v28 =	vld.idx.msk [tilespmem:v27+s0+$0xFFFFFFF0 ss:$0x1], $0xffff  }
0x482: {  	[tilespmem:s0+$0x17980] =	vst.add.f32.msk $0xffff, v29  }
.Ltmp26:
0x483: {  	[tilespmem:s0+$0x17990] =	vst.add.f32.msk $0xffff, v30;
	(pc) =	sbr.rel @p1 .LBB2_50-.Ltmp26, $4  }
0x484: {  	[tilespmem:s0+$0x179A0] =	vst.add.f32.msk $0xffff, v31  }
0x485: {  	[tilespmem:s0+$0x179B0] =	vst.add.f32.msk $0xffff, v32  }
0x486: {  	[tilespmem:s0+$0x179C0] =	vst.add.f32.msk $0xffff, v33  }
0x487: {  	s7 =	sadd.s32 $0x1000, s7;
	[tilespmem:s0+$0x179D0] =	vst.add.f32.msk $0xffff, v34  }
0x488: {  	s7 =	sshll.u32 s15, $0xC  }
0x489: {  	p1 =	seq.s32 s15, $0x7;
	s12 =	sadd.s32 s7, s18  }
0x48a: {  	[tilespmem:s0+$0x179E0] =	vst.add.f32.msk $0xffff, v28;
	s2 =	simm.s32 $0x17600;
	s0 =	simm.s32 @!p1 $0x5;
	s8 =	sadd.s32 $0x400, s12  }
0x48b: {  	[hbm4b:s8+s10] =	stream.linear.scatter [tilespmem:s2], [sflag:$0x6], $0x2000, $0x38;
	[tilespmem:$0x1D600] =	vst v63  }
0x48c: {  	_ =	swait.ge @!p1 [sflag:s0], $0x2000  }
0x48d: {  	s7 =	sshll.u32 @!p1 s15, $0x5;
	[sflag:s0] =	ssyncset.done @!p1 $0x0  }
0x48e: {  	[sflag:s0] =	ssyncadd.s32 @!p1 $0xFFFFE000;
	s0 =	sand.u32 @!p1 $0x3FFFFFE0, s7  }
0x48f: {  	v27 =	vld.idx.msk @!p1 [tilespmem:v26+s0+$0x20 ss:$0x1], $0xff;
	_ =	sdelay $0x4  }
0x490: {  	v28 =	vshll.u32 @!p1 v27, $0x3  }
0x491: {  	v29 =	vlaneseq.u32 @!p1;
	v27 =	vand.u32 @!p1 $0x7, v27;
	v28 =	vand.u32 @!p1 $0xFFFFFFC0, v28  }
0x492: {  	v27 =	vor.u32 @!p1 v27, v28;
	v28 =	vand.u32 @!p1 $0x7, v29;
	v29 =	vshrl.u32 @!p1 v29, $0x3  }
0x493: {  	v27 =	vperm.xlane @!p1 v27, v28;
	v28 =	vmul.u32 @!p1 $0x8, v29;
	_ =	sdelay $0x1  }
0x494: {  	v27 =	vadd.s32 @!p1 v28, v27;
	_ =	sdelay $0x3  }
0x495: {  	vm0 =	vmmov @!p1 $0xffff;
	s8 =	simm.s32 @!p1 $0x15600;
	s7 =	simm.s32 @!p1 $0x0  }
0x496: {  	[tilespmem:s8], [sflag:$0x1] =	stream.indirect_vreg.gather @!p1 [hbm4b:s9+s7], $0x80, v27, vm0, $0xb8;
	[tilespmem:$0x1D600] =	vst v63  }
0x497: {  	s8 =	simm.s32 @!p1 $0x15E00  }
0x498: {  	[tilespmem:s8], [sflag:$0x1] =	stream.indirect_vreg.gather @!p1 [hbm4b:s13+s7], $0x80, v27, vm0, $0xb8;
	[tilespmem:$0x1D600] =	vst v63  }
0x499: {  	s8 =	simm.s32 @!p1 $0x16600  }
0x49a: {  	[tilespmem:s8], [sflag:$0x1] =	stream.indirect_vreg.gather @!p1 [hbm4b:s14+s7], $0x80, v27, vm0, $0xb8;
	[tilespmem:$0x1D600] =	vst v63  }
0x49b: {  	s19 =	sshll.u32 s22, $0xC;
	s22 =	sand.u32 $0x7, s22;
	s8 =	simm.s32 @!p1 $0x16E00  }
0x49c: {  	[tilespmem:s8], [sflag:$0x1] =	stream.indirect_vreg.gather @!p1 [hbm4b:s16+s7], $0x80, v27, vm0, $0xb8;
	[tilespmem:$0x1D600] =	vst v63  }
0x49d: {  	s7 =	sand.u32 $0xFFFF8000, s19;
	s8 =	sshll.u32 s22, $0x9  }
0x49e: {  	s7 =	sor.u32 s8, s7  }
0x49f: {  	s7 =	sshra.s32 s7, $0x2  }
0x4a0: {  	s7 =	sadd.s32 $0x2070, s7  }
0x4a1: {  	v27 =	vmov s7  }
0x4a2: {  	s26 =	simm.s32 $0x3  }
0x4a3: {  	_ =	swait.ge [sflag:s26], $0x2000  }
0x4a4: {  	[sflag:s26] =	ssyncset.done $0x0  }
0x4a5: {  	s22 =	sadd.s32 @!p1 s0, s11;
	s0 =	simm.s32 $0x0;
	[sflag:s26] =	ssyncadd.s32 $0xFFFFE000  }
0x4a6: {  	v28 =	vld.idx.msk [tilespmem:v27+s0+$0x0 ss:$0x1], $0xffff  }
0x4a7: {  	v29 =	vld.idx.msk [tilespmem:v27+s0+$0xFFFFFF90 ss:$0x1], $0xffff  }
0x4a8: {  	v30 =	vld.idx.msk [tilespmem:v27+s0+$0xFFFFFFA0 ss:$0x1], $0xffff  }
0x4a9: {  	v31 =	vld.idx.msk [tilespmem:v27+s0+$0xFFFFFFB0 ss:$0x1], $0xffff  }
0x4aa: {  	v32 =	vld.idx.msk [tilespmem:v27+s0+$0xFFFFFFC0 ss:$0x1], $0xffff  }
0x4ab: {  	v33 =	vld.idx.msk [tilespmem:v27+s0+$0xFFFFFFD0 ss:$0x1], $0xffff  }
0x4ac: {  	v34 =	vld.idx.msk [tilespmem:v27+s0+$0xFFFFFFE0 ss:$0x1], $0xffff  }
0x4ad: {  	[tilespmem:s0+$0x19670] =	vst.add.f32.msk $0xffff, v28  }
0x4ae: {  	v28 =	vld.idx.msk [tilespmem:v27+s0+$0xFFFFFFF0 ss:$0x1], $0xffff  }
0x4af: {  	[tilespmem:s0+$0x19600] =	vst.add.f32.msk $0xffff, v29  }
0x4b0: {  	[tilespmem:s0+$0x19610] =	vst.add.f32.msk $0xffff, v30  }
0x4b1: {  	[tilespmem:s0+$0x19620] =	vst.add.f32.msk $0xffff, v31  }
0x4b2: {  	[tilespmem:s0+$0x19630] =	vst.add.f32.msk $0xffff, v32  }
0x4b3: {  	[tilespmem:s0+$0x19640] =	vst.add.f32.msk $0xffff, v33  }
0x4b4: {  	s8 =	simm.s32 $0x0;
	s7 =	simm.s32 $0x1000;
	[tilespmem:s0+$0x19650] =	vst.add.f32.msk $0xffff, v34  }
.LBB2_52:
0x4b5: {  	s8 =	sadd.s32 $0x80, s8;
	[tilespmem:s0+$0x19660] =	vst.add.f32.msk $0xffff, v28;
	s0 =	sshra.s32 s7, $0x2  }
0x4b6: {  	v28 =	vld.idx.msk [tilespmem:v27+s0+$0x0 ss:$0x1], $0xffff;
	p2 =	slt.u32 s8, $0x380  }
0x4b7: {  	v29 =	vld.idx.msk [tilespmem:v27+s0+$0xFFFFFF90 ss:$0x1], $0xffff  }
0x4b8: {  	v30 =	vld.idx.msk [tilespmem:v27+s0+$0xFFFFFFA0 ss:$0x1], $0xffff  }
0x4b9: {  	v31 =	vld.idx.msk [tilespmem:v27+s0+$0xFFFFFFB0 ss:$0x1], $0xffff  }
0x4ba: {  	v32 =	vld.idx.msk [tilespmem:v27+s0+$0xFFFFFFC0 ss:$0x1], $0xffff  }
0x4bb: {  	v33 =	vld.idx.msk [tilespmem:v27+s0+$0xFFFFFFD0 ss:$0x1], $0xffff  }
0x4bc: {  	[tilespmem:s0+$0x19670] =	vst.add.f32.msk $0xffff, v28  }
0x4bd: {  	v34 =	vld.idx.msk [tilespmem:v27+s0+$0xFFFFFFE0 ss:$0x1], $0xffff  }
0x4be: {  	v28 =	vld.idx.msk [tilespmem:v27+s0+$0xFFFFFFF0 ss:$0x1], $0xffff  }
0x4bf: {  	[tilespmem:s0+$0x19600] =	vst.add.f32.msk $0xffff, v29  }
.Ltmp27:
0x4c0: {  	[tilespmem:s0+$0x19610] =	vst.add.f32.msk $0xffff, v30;
	(pc) =	sbr.rel @p2 .LBB2_52-.Ltmp27, $4  }
0x4c1: {  	[tilespmem:s0+$0x19620] =	vst.add.f32.msk $0xffff, v31  }
0x4c2: {  	[tilespmem:s0+$0x19630] =	vst.add.f32.msk $0xffff, v32  }
0x4c3: {  	[tilespmem:s0+$0x19640] =	vst.add.f32.msk $0xffff, v33  }
0x4c4: {  	s7 =	sadd.s32 $0x1000, s7;
	[tilespmem:s0+$0x19650] =	vst.add.f32.msk $0xffff, v34  }
0x4c5: {  	s26 =	sshll.u32 s20, $0xC;
	s7 =	sand.u32 $0x7, s20  }
0x4c6: {  	[tilespmem:s0+$0x19660] =	vst.add.f32.msk $0xffff, v28;
	s0 =	sand.u32 $0xFFFF8000, s26;
	s7 =	sshll.u32 s7, $0x9  }
0x4c7: {  	s0 =	sor.u32 s7, s0  }
0x4c8: {  	s0 =	sshra.s32 s0, $0x2  }
0x4c9: {  	s0 =	sadd.s32 $0x2070, s0  }
0x4ca: {  	v27 =	vmov s0;
	_ =	sdelay $0x3  }
0x4cb: {  	s0 =	simm.s32 $0x0  }
0x4cc: {  	v28 =	vld.idx.msk [tilespmem:v27+s0+$0x0 ss:$0x1], $0xffff  }
0x4cd: {  	v29 =	vld.idx.msk [tilespmem:v27+s0+$0xFFFFFF90 ss:$0x1], $0xffff  }
0x4ce: {  	v30 =	vld.idx.msk [tilespmem:v27+s0+$0xFFFFFFA0 ss:$0x1], $0xffff  }
0x4cf: {  	v31 =	vld.idx.msk [tilespmem:v27+s0+$0xFFFFFFB0 ss:$0x1], $0xffff  }
0x4d0: {  	v32 =	vld.idx.msk [tilespmem:v27+s0+$0xFFFFFFC0 ss:$0x1], $0xffff  }
0x4d1: {  	v33 =	vld.idx.msk [tilespmem:v27+s0+$0xFFFFFFD0 ss:$0x1], $0xffff  }
0x4d2: {  	v34 =	vld.idx.msk [tilespmem:v27+s0+$0xFFFFFFE0 ss:$0x1], $0xffff  }
0x4d3: {  	[tilespmem:s0+$0x196F0] =	vst.add.f32.msk $0xffff, v28  }
0x4d4: {  	v28 =	vld.idx.msk [tilespmem:v27+s0+$0xFFFFFFF0 ss:$0x1], $0xffff  }
0x4d5: {  	[tilespmem:s0+$0x19680] =	vst.add.f32.msk $0xffff, v29  }
0x4d6: {  	[tilespmem:s0+$0x19690] =	vst.add.f32.msk $0xffff, v30  }
0x4d7: {  	[tilespmem:s0+$0x196A0] =	vst.add.f32.msk $0xffff, v31  }
0x4d8: {  	[tilespmem:s0+$0x196B0] =	vst.add.f32.msk $0xffff, v32  }
0x4d9: {  	[tilespmem:s0+$0x196C0] =	vst.add.f32.msk $0xffff, v33  }
0x4da: {  	s8 =	simm.s32 $0x0;
	s7 =	simm.s32 $0x1000;
	[tilespmem:s0+$0x196D0] =	vst.add.f32.msk $0xffff, v34  }
.LBB2_54:
0x4db: {  	s8 =	sadd.s32 $0x80, s8;
	[tilespmem:s0+$0x196E0] =	vst.add.f32.msk $0xffff, v28;
	s0 =	sshra.s32 s7, $0x2  }
0x4dc: {  	v28 =	vld.idx.msk [tilespmem:v27+s0+$0x0 ss:$0x1], $0xffff;
	p2 =	slt.u32 s8, $0x380  }
0x4dd: {  	v29 =	vld.idx.msk [tilespmem:v27+s0+$0xFFFFFF90 ss:$0x1], $0xffff  }
0x4de: {  	v30 =	vld.idx.msk [tilespmem:v27+s0+$0xFFFFFFA0 ss:$0x1], $0xffff  }
0x4df: {  	v31 =	vld.idx.msk [tilespmem:v27+s0+$0xFFFFFFB0 ss:$0x1], $0xffff  }
0x4e0: {  	v32 =	vld.idx.msk [tilespmem:v27+s0+$0xFFFFFFC0 ss:$0x1], $0xffff  }
0x4e1: {  	v33 =	vld.idx.msk [tilespmem:v27+s0+$0xFFFFFFD0 ss:$0x1], $0xffff  }
0x4e2: {  	[tilespmem:s0+$0x196F0] =	vst.add.f32.msk $0xffff, v28  }
0x4e3: {  	v34 =	vld.idx.msk [tilespmem:v27+s0+$0xFFFFFFE0 ss:$0x1], $0xffff  }
0x4e4: {  	v28 =	vld.idx.msk [tilespmem:v27+s0+$0xFFFFFFF0 ss:$0x1], $0xffff  }
0x4e5: {  	[tilespmem:s0+$0x19680] =	vst.add.f32.msk $0xffff, v29  }
.Ltmp28:
0x4e6: {  	[tilespmem:s0+$0x19690] =	vst.add.f32.msk $0xffff, v30;
	(pc) =	sbr.rel @p2 .LBB2_54-.Ltmp28, $4  }
0x4e7: {  	[tilespmem:s0+$0x196A0] =	vst.add.f32.msk $0xffff, v31  }
0x4e8: {  	[tilespmem:s0+$0x196B0] =	vst.add.f32.msk $0xffff, v32  }
0x4e9: {  	[tilespmem:s0+$0x196C0] =	vst.add.f32.msk $0xffff, v33  }
0x4ea: {  	s7 =	sadd.s32 $0x1000, s7;
	[tilespmem:s0+$0x196D0] =	vst.add.f32.msk $0xffff, v34  }
0x4eb: {  	s26 =	sshll.u32 s29, $0xC;
	s7 =	sand.u32 $0x7, s29  }
0x4ec: {  	[tilespmem:s0+$0x196E0] =	vst.add.f32.msk $0xffff, v28;
	s0 =	sand.u32 $0xFFFF8000, s26;
	s7 =	sshll.u32 s7, $0x9  }
0x4ed: {  	s0 =	sor.u32 s7, s0  }
0x4ee: {  	s0 =	sshra.s32 s0, $0x2  }
0x4ef: {  	s0 =	sadd.s32 $0x2070, s0  }
0x4f0: {  	v27 =	vmov s0;
	_ =	sdelay $0x3  }
0x4f1: {  	s0 =	simm.s32 $0x0  }
0x4f2: {  	v28 =	vld.idx.msk [tilespmem:v27+s0+$0x0 ss:$0x1], $0xffff  }
0x4f3: {  	v29 =	vld.idx.msk [tilespmem:v27+s0+$0xFFFFFF90 ss:$0x1], $0xffff  }
0x4f4: {  	v30 =	vld.idx.msk [tilespmem:v27+s0+$0xFFFFFFA0 ss:$0x1], $0xffff  }
0x4f5: {  	v31 =	vld.idx.msk [tilespmem:v27+s0+$0xFFFFFFB0 ss:$0x1], $0xffff  }
0x4f6: {  	v32 =	vld.idx.msk [tilespmem:v27+s0+$0xFFFFFFC0 ss:$0x1], $0xffff  }
0x4f7: {  	v33 =	vld.idx.msk [tilespmem:v27+s0+$0xFFFFFFD0 ss:$0x1], $0xffff  }
0x4f8: {  	v34 =	vld.idx.msk [tilespmem:v27+s0+$0xFFFFFFE0 ss:$0x1], $0xffff  }
0x4f9: {  	[tilespmem:s0+$0x19770] =	vst.add.f32.msk $0xffff, v28  }
0x4fa: {  	v28 =	vld.idx.msk [tilespmem:v27+s0+$0xFFFFFFF0 ss:$0x1], $0xffff  }
0x4fb: {  	[tilespmem:s0+$0x19700] =	vst.add.f32.msk $0xffff, v29  }
0x4fc: {  	[tilespmem:s0+$0x19710] =	vst.add.f32.msk $0xffff, v30  }
0x4fd: {  	[tilespmem:s0+$0x19720] =	vst.add.f32.msk $0xffff, v31  }
0x4fe: {  	[tilespmem:s0+$0x19730] =	vst.add.f32.msk $0xffff, v32  }
0x4ff: {  	[tilespmem:s0+$0x19740] =	vst.add.f32.msk $0xffff, v33  }
0x500: {  	s8 =	simm.s32 $0x0;
	s7 =	simm.s32 $0x1000;
	[tilespmem:s0+$0x19750] =	vst.add.f32.msk $0xffff, v34  }
.LBB2_56:
0x501: {  	s8 =	sadd.s32 $0x80, s8;
	[tilespmem:s0+$0x19760] =	vst.add.f32.msk $0xffff, v28;
	s0 =	sshra.s32 s7, $0x2  }
0x502: {  	v28 =	vld.idx.msk [tilespmem:v27+s0+$0x0 ss:$0x1], $0xffff;
	p2 =	slt.u32 s8, $0x380  }
0x503: {  	v29 =	vld.idx.msk [tilespmem:v27+s0+$0xFFFFFF90 ss:$0x1], $0xffff  }
0x504: {  	v30 =	vld.idx.msk [tilespmem:v27+s0+$0xFFFFFFA0 ss:$0x1], $0xffff  }
0x505: {  	v31 =	vld.idx.msk [tilespmem:v27+s0+$0xFFFFFFB0 ss:$0x1], $0xffff  }
0x506: {  	v32 =	vld.idx.msk [tilespmem:v27+s0+$0xFFFFFFC0 ss:$0x1], $0xffff  }
0x507: {  	v33 =	vld.idx.msk [tilespmem:v27+s0+$0xFFFFFFD0 ss:$0x1], $0xffff  }
0x508: {  	[tilespmem:s0+$0x19770] =	vst.add.f32.msk $0xffff, v28  }
0x509: {  	v34 =	vld.idx.msk [tilespmem:v27+s0+$0xFFFFFFE0 ss:$0x1], $0xffff  }
0x50a: {  	v28 =	vld.idx.msk [tilespmem:v27+s0+$0xFFFFFFF0 ss:$0x1], $0xffff  }
0x50b: {  	[tilespmem:s0+$0x19700] =	vst.add.f32.msk $0xffff, v29  }
.Ltmp29:
0x50c: {  	[tilespmem:s0+$0x19710] =	vst.add.f32.msk $0xffff, v30;
	(pc) =	sbr.rel @p2 .LBB2_56-.Ltmp29, $4  }
0x50d: {  	[tilespmem:s0+$0x19720] =	vst.add.f32.msk $0xffff, v31  }
0x50e: {  	[tilespmem:s0+$0x19730] =	vst.add.f32.msk $0xffff, v32  }
0x50f: {  	[tilespmem:s0+$0x19740] =	vst.add.f32.msk $0xffff, v33  }
0x510: {  	s7 =	sadd.s32 $0x1000, s7;
	[tilespmem:s0+$0x19750] =	vst.add.f32.msk $0xffff, v34  }
0x511: {  	s26 =	sshll.u32 s1, $0xC;
	s29 =	sand.u32 $0x7, s1  }
0x512: {  	[tilespmem:s0+$0x19760] =	vst.add.f32.msk $0xffff, v28;
	s0 =	sand.u32 $0xFFFF8000, s26;
	s1 =	sshll.u32 s29, $0x9  }
0x513: {  	s0 =	sor.u32 s1, s0  }
0x514: {  	s0 =	sshra.s32 s0, $0x2  }
0x515: {  	s0 =	sadd.s32 $0x2070, s0  }
0x516: {  	v27 =	vmov s0;
	_ =	sdelay $0x3  }
0x517: {  	s0 =	simm.s32 $0x0  }
0x518: {  	v28 =	vld.idx.msk [tilespmem:v27+s0+$0x0 ss:$0x1], $0xffff  }
0x519: {  	v29 =	vld.idx.msk [tilespmem:v27+s0+$0xFFFFFF90 ss:$0x1], $0xffff  }
0x51a: {  	v30 =	vld.idx.msk [tilespmem:v27+s0+$0xFFFFFFA0 ss:$0x1], $0xffff  }
0x51b: {  	v31 =	vld.idx.msk [tilespmem:v27+s0+$0xFFFFFFB0 ss:$0x1], $0xffff  }
0x51c: {  	v32 =	vld.idx.msk [tilespmem:v27+s0+$0xFFFFFFC0 ss:$0x1], $0xffff  }
0x51d: {  	v33 =	vld.idx.msk [tilespmem:v27+s0+$0xFFFFFFD0 ss:$0x1], $0xffff  }
0x51e: {  	v34 =	vld.idx.msk [tilespmem:v27+s0+$0xFFFFFFE0 ss:$0x1], $0xffff  }
0x51f: {  	[tilespmem:s0+$0x197F0] =	vst.add.f32.msk $0xffff, v28  }
0x520: {  	v28 =	vld.idx.msk [tilespmem:v27+s0+$0xFFFFFFF0 ss:$0x1], $0xffff  }
0x521: {  	[tilespmem:s0+$0x19780] =	vst.add.f32.msk $0xffff, v29  }
0x522: {  	[tilespmem:s0+$0x19790] =	vst.add.f32.msk $0xffff, v30  }
0x523: {  	[tilespmem:s0+$0x197A0] =	vst.add.f32.msk $0xffff, v31  }
0x524: {  	[tilespmem:s0+$0x197B0] =	vst.add.f32.msk $0xffff, v32  }
0x525: {  	[tilespmem:s0+$0x197C0] =	vst.add.f32.msk $0xffff, v33  }
0x526: {  	s5 =	simm.s32 $0x19600;
	s7 =	simm.s32 $0x1000;
	s1 =	simm.s32 $0x0;
	[tilespmem:s0+$0x197D0] =	vst.add.f32.msk $0xffff, v34  }
.LBB2_58:
0x527: {  	s1 =	sadd.s32 $0x80, s1;
	[tilespmem:s0+$0x197E0] =	vst.add.f32.msk $0xffff, v28;
	s0 =	sshra.s32 s7, $0x2  }
0x528: {  	v28 =	vld.idx.msk [tilespmem:v27+s0+$0x0 ss:$0x1], $0xffff;
	p2 =	slt.u32 s1, $0x380  }
0x529: {  	v29 =	vld.idx.msk [tilespmem:v27+s0+$0xFFFFFF90 ss:$0x1], $0xffff  }
0x52a: {  	v30 =	vld.idx.msk [tilespmem:v27+s0+$0xFFFFFFA0 ss:$0x1], $0xffff  }
0x52b: {  	v31 =	vld.idx.msk [tilespmem:v27+s0+$0xFFFFFFB0 ss:$0x1], $0xffff  }
0x52c: {  	v32 =	vld.idx.msk [tilespmem:v27+s0+$0xFFFFFFC0 ss:$0x1], $0xffff  }
0x52d: {  	v33 =	vld.idx.msk [tilespmem:v27+s0+$0xFFFFFFD0 ss:$0x1], $0xffff  }
0x52e: {  	[tilespmem:s0+$0x197F0] =	vst.add.f32.msk $0xffff, v28  }
0x52f: {  	v34 =	vld.idx.msk [tilespmem:v27+s0+$0xFFFFFFE0 ss:$0x1], $0xffff  }
0x530: {  	v28 =	vld.idx.msk [tilespmem:v27+s0+$0xFFFFFFF0 ss:$0x1], $0xffff  }
0x531: {  	[tilespmem:s0+$0x19780] =	vst.add.f32.msk $0xffff, v29  }
.Ltmp30:
0x532: {  	[tilespmem:s0+$0x19790] =	vst.add.f32.msk $0xffff, v30;
	(pc) =	sbr.rel @p2 .LBB2_58-.Ltmp30, $4  }
0x533: {  	[tilespmem:s0+$0x197A0] =	vst.add.f32.msk $0xffff, v31  }
0x534: {  	[tilespmem:s0+$0x197B0] =	vst.add.f32.msk $0xffff, v32  }
0x535: {  	[tilespmem:s0+$0x197C0] =	vst.add.f32.msk $0xffff, v33  }
0x536: {  	s7 =	sadd.s32 $0x1000, s7;
	[tilespmem:s0+$0x197D0] =	vst.add.f32.msk $0xffff, v34  }
0x537: {  	s29 =	sshll.u32 s28, $0xC;
	s1 =	sand.u32 $0x7, s28  }
0x538: {  	[tilespmem:s0+$0x197E0] =	vst.add.f32.msk $0xffff, v28;
	s0 =	sand.u32 $0xFFFF8000, s29;
	s1 =	sshll.u32 s1, $0x9  }
0x539: {  	s0 =	sor.u32 s1, s0  }
0x53a: {  	s0 =	sshra.s32 s0, $0x2  }
0x53b: {  	s0 =	sadd.s32 $0x2070, s0  }
0x53c: {  	v27 =	vmov s0;
	_ =	sdelay $0x3  }
0x53d: {  	s0 =	simm.s32 $0x0  }
0x53e: {  	v28 =	vld.idx.msk [tilespmem:v27+s0+$0x0 ss:$0x1], $0xffff  }
0x53f: {  	v29 =	vld.idx.msk [tilespmem:v27+s0+$0xFFFFFF90 ss:$0x1], $0xffff  }
0x540: {  	v30 =	vld.idx.msk [tilespmem:v27+s0+$0xFFFFFFA0 ss:$0x1], $0xffff  }
0x541: {  	v31 =	vld.idx.msk [tilespmem:v27+s0+$0xFFFFFFB0 ss:$0x1], $0xffff  }
0x542: {  	v32 =	vld.idx.msk [tilespmem:v27+s0+$0xFFFFFFC0 ss:$0x1], $0xffff  }
0x543: {  	v33 =	vld.idx.msk [tilespmem:v27+s0+$0xFFFFFFD0 ss:$0x1], $0xffff  }
0x544: {  	v34 =	vld.idx.msk [tilespmem:v27+s0+$0xFFFFFFE0 ss:$0x1], $0xffff  }
0x545: {  	[tilespmem:s0+$0x19870] =	vst.add.f32.msk $0xffff, v28  }
0x546: {  	v28 =	vld.idx.msk [tilespmem:v27+s0+$0xFFFFFFF0 ss:$0x1], $0xffff  }
0x547: {  	[tilespmem:s0+$0x19800] =	vst.add.f32.msk $0xffff, v29  }
0x548: {  	[tilespmem:s0+$0x19810] =	vst.add.f32.msk $0xffff, v30  }
0x549: {  	[tilespmem:s0+$0x19820] =	vst.add.f32.msk $0xffff, v31  }
0x54a: {  	[tilespmem:s0+$0x19830] =	vst.add.f32.msk $0xffff, v32  }
0x54b: {  	[tilespmem:s0+$0x19840] =	vst.add.f32.msk $0xffff, v33  }
0x54c: {  	s7 =	simm.s32 $0x1000;
	s1 =	simm.s32 $0x0;
	[tilespmem:s0+$0x19850] =	vst.add.f32.msk $0xffff, v34  }
.LBB2_60:
0x54d: {  	s1 =	sadd.s32 $0x80, s1;
	[tilespmem:s0+$0x19860] =	vst.add.f32.msk $0xffff, v28;
	s0 =	sshra.s32 s7, $0x2  }
0x54e: {  	v28 =	vld.idx.msk [tilespmem:v27+s0+$0x0 ss:$0x1], $0xffff;
	p2 =	slt.u32 s1, $0x380  }
0x54f: {  	v29 =	vld.idx.msk [tilespmem:v27+s0+$0xFFFFFF90 ss:$0x1], $0xffff  }
0x550: {  	v30 =	vld.idx.msk [tilespmem:v27+s0+$0xFFFFFFA0 ss:$0x1], $0xffff  }
0x551: {  	v31 =	vld.idx.msk [tilespmem:v27+s0+$0xFFFFFFB0 ss:$0x1], $0xffff  }
0x552: {  	v32 =	vld.idx.msk [tilespmem:v27+s0+$0xFFFFFFC0 ss:$0x1], $0xffff  }
0x553: {  	v33 =	vld.idx.msk [tilespmem:v27+s0+$0xFFFFFFD0 ss:$0x1], $0xffff  }
0x554: {  	[tilespmem:s0+$0x19870] =	vst.add.f32.msk $0xffff, v28  }
0x555: {  	v34 =	vld.idx.msk [tilespmem:v27+s0+$0xFFFFFFE0 ss:$0x1], $0xffff  }
0x556: {  	v28 =	vld.idx.msk [tilespmem:v27+s0+$0xFFFFFFF0 ss:$0x1], $0xffff  }
0x557: {  	[tilespmem:s0+$0x19800] =	vst.add.f32.msk $0xffff, v29  }
.Ltmp31:
0x558: {  	[tilespmem:s0+$0x19810] =	vst.add.f32.msk $0xffff, v30;
	(pc) =	sbr.rel @p2 .LBB2_60-.Ltmp31, $4  }
0x559: {  	[tilespmem:s0+$0x19820] =	vst.add.f32.msk $0xffff, v31  }
0x55a: {  	[tilespmem:s0+$0x19830] =	vst.add.f32.msk $0xffff, v32  }
0x55b: {  	[tilespmem:s0+$0x19840] =	vst.add.f32.msk $0xffff, v33  }
0x55c: {  	s7 =	sadd.s32 $0x1000, s7;
	[tilespmem:s0+$0x19850] =	vst.add.f32.msk $0xffff, v34  }
0x55d: {  	s29 =	sshll.u32 s23, $0xC;
	s1 =	sand.u32 $0x7, s23  }
0x55e: {  	[tilespmem:s0+$0x19860] =	vst.add.f32.msk $0xffff, v28;
	s0 =	sand.u32 $0xFFFF8000, s29;
	s1 =	sshll.u32 s1, $0x9  }
0x55f: {  	s0 =	sor.u32 s1, s0  }
0x560: {  	s0 =	sshra.s32 s0, $0x2  }
0x561: {  	s0 =	sadd.s32 $0x2070, s0  }
0x562: {  	v27 =	vmov s0;
	_ =	sdelay $0x3  }
0x563: {  	s0 =	simm.s32 $0x0  }
0x564: {  	v28 =	vld.idx.msk [tilespmem:v27+s0+$0x0 ss:$0x1], $0xffff  }
0x565: {  	v29 =	vld.idx.msk [tilespmem:v27+s0+$0xFFFFFF90 ss:$0x1], $0xffff  }
0x566: {  	v30 =	vld.idx.msk [tilespmem:v27+s0+$0xFFFFFFA0 ss:$0x1], $0xffff  }
0x567: {  	v31 =	vld.idx.msk [tilespmem:v27+s0+$0xFFFFFFB0 ss:$0x1], $0xffff  }
0x568: {  	v32 =	vld.idx.msk [tilespmem:v27+s0+$0xFFFFFFC0 ss:$0x1], $0xffff  }
0x569: {  	v33 =	vld.idx.msk [tilespmem:v27+s0+$0xFFFFFFD0 ss:$0x1], $0xffff  }
0x56a: {  	v34 =	vld.idx.msk [tilespmem:v27+s0+$0xFFFFFFE0 ss:$0x1], $0xffff  }
0x56b: {  	[tilespmem:s0+$0x198F0] =	vst.add.f32.msk $0xffff, v28  }
0x56c: {  	v28 =	vld.idx.msk [tilespmem:v27+s0+$0xFFFFFFF0 ss:$0x1], $0xffff  }
0x56d: {  	[tilespmem:s0+$0x19880] =	vst.add.f32.msk $0xffff, v29  }
0x56e: {  	[tilespmem:s0+$0x19890] =	vst.add.f32.msk $0xffff, v30  }
0x56f: {  	[tilespmem:s0+$0x198A0] =	vst.add.f32.msk $0xffff, v31  }
0x570: {  	[tilespmem:s0+$0x198B0] =	vst.add.f32.msk $0xffff, v32  }
0x571: {  	[tilespmem:s0+$0x198C0] =	vst.add.f32.msk $0xffff, v33  }
0x572: {  	s7 =	simm.s32 $0x1000;
	s1 =	simm.s32 $0x0;
	[tilespmem:s0+$0x198D0] =	vst.add.f32.msk $0xffff, v34  }
.LBB2_62:
0x573: {  	s1 =	sadd.s32 $0x80, s1;
	[tilespmem:s0+$0x198E0] =	vst.add.f32.msk $0xffff, v28;
	s0 =	sshra.s32 s7, $0x2  }
0x574: {  	v28 =	vld.idx.msk [tilespmem:v27+s0+$0x0 ss:$0x1], $0xffff;
	p2 =	slt.u32 s1, $0x380  }
0x575: {  	v29 =	vld.idx.msk [tilespmem:v27+s0+$0xFFFFFF90 ss:$0x1], $0xffff  }
0x576: {  	v30 =	vld.idx.msk [tilespmem:v27+s0+$0xFFFFFFA0 ss:$0x1], $0xffff  }
0x577: {  	v31 =	vld.idx.msk [tilespmem:v27+s0+$0xFFFFFFB0 ss:$0x1], $0xffff  }
0x578: {  	v32 =	vld.idx.msk [tilespmem:v27+s0+$0xFFFFFFC0 ss:$0x1], $0xffff  }
0x579: {  	v33 =	vld.idx.msk [tilespmem:v27+s0+$0xFFFFFFD0 ss:$0x1], $0xffff  }
0x57a: {  	[tilespmem:s0+$0x198F0] =	vst.add.f32.msk $0xffff, v28  }
0x57b: {  	v34 =	vld.idx.msk [tilespmem:v27+s0+$0xFFFFFFE0 ss:$0x1], $0xffff  }
0x57c: {  	v28 =	vld.idx.msk [tilespmem:v27+s0+$0xFFFFFFF0 ss:$0x1], $0xffff  }
0x57d: {  	[tilespmem:s0+$0x19880] =	vst.add.f32.msk $0xffff, v29  }
.Ltmp32:
0x57e: {  	[tilespmem:s0+$0x19890] =	vst.add.f32.msk $0xffff, v30;
	(pc) =	sbr.rel @p2 .LBB2_62-.Ltmp32, $4  }
0x57f: {  	[tilespmem:s0+$0x198A0] =	vst.add.f32.msk $0xffff, v31  }
0x580: {  	[tilespmem:s0+$0x198B0] =	vst.add.f32.msk $0xffff, v32  }
0x581: {  	[tilespmem:s0+$0x198C0] =	vst.add.f32.msk $0xffff, v33  }
0x582: {  	s7 =	sadd.s32 $0x1000, s7;
	[tilespmem:s0+$0x198D0] =	vst.add.f32.msk $0xffff, v34  }
0x583: {  	s29 =	sshll.u32 s6, $0xC;
	s1 =	sand.u32 $0x7, s6  }
0x584: {  	[tilespmem:s0+$0x198E0] =	vst.add.f32.msk $0xffff, v28;
	s0 =	sand.u32 $0xFFFF8000, s29;
	s1 =	sshll.u32 s1, $0x9  }
0x585: {  	s0 =	sor.u32 s1, s0  }
0x586: {  	s0 =	sshra.s32 s0, $0x2  }
0x587: {  	s0 =	sadd.s32 $0x2070, s0  }
0x588: {  	v27 =	vmov s0;
	_ =	sdelay $0x3  }
0x589: {  	s0 =	simm.s32 $0x0  }
0x58a: {  	v28 =	vld.idx.msk [tilespmem:v27+s0+$0x0 ss:$0x1], $0xffff  }
0x58b: {  	v29 =	vld.idx.msk [tilespmem:v27+s0+$0xFFFFFF90 ss:$0x1], $0xffff  }
0x58c: {  	v30 =	vld.idx.msk [tilespmem:v27+s0+$0xFFFFFFA0 ss:$0x1], $0xffff  }
0x58d: {  	v31 =	vld.idx.msk [tilespmem:v27+s0+$0xFFFFFFB0 ss:$0x1], $0xffff  }
0x58e: {  	v32 =	vld.idx.msk [tilespmem:v27+s0+$0xFFFFFFC0 ss:$0x1], $0xffff  }
0x58f: {  	v33 =	vld.idx.msk [tilespmem:v27+s0+$0xFFFFFFD0 ss:$0x1], $0xffff  }
0x590: {  	v34 =	vld.idx.msk [tilespmem:v27+s0+$0xFFFFFFE0 ss:$0x1], $0xffff  }
0x591: {  	[tilespmem:s0+$0x19970] =	vst.add.f32.msk $0xffff, v28  }
0x592: {  	v28 =	vld.idx.msk [tilespmem:v27+s0+$0xFFFFFFF0 ss:$0x1], $0xffff  }
0x593: {  	[tilespmem:s0+$0x19900] =	vst.add.f32.msk $0xffff, v29  }
0x594: {  	[tilespmem:s0+$0x19910] =	vst.add.f32.msk $0xffff, v30  }
0x595: {  	[tilespmem:s0+$0x19920] =	vst.add.f32.msk $0xffff, v31  }
0x596: {  	[tilespmem:s0+$0x19930] =	vst.add.f32.msk $0xffff, v32  }
0x597: {  	[tilespmem:s0+$0x19940] =	vst.add.f32.msk $0xffff, v33  }
0x598: {  	s6 =	simm.s32 $0x1000;
	s1 =	simm.s32 $0x0;
	[tilespmem:s0+$0x19950] =	vst.add.f32.msk $0xffff, v34  }
.LBB2_64:
0x599: {  	s1 =	sadd.s32 $0x80, s1;
	[tilespmem:s0+$0x19960] =	vst.add.f32.msk $0xffff, v28;
	s0 =	sshra.s32 s6, $0x2  }
0x59a: {  	v28 =	vld.idx.msk [tilespmem:v27+s0+$0x0 ss:$0x1], $0xffff;
	p2 =	slt.u32 s1, $0x380  }
0x59b: {  	v29 =	vld.idx.msk [tilespmem:v27+s0+$0xFFFFFF90 ss:$0x1], $0xffff  }
0x59c: {  	v30 =	vld.idx.msk [tilespmem:v27+s0+$0xFFFFFFA0 ss:$0x1], $0xffff  }
0x59d: {  	v31 =	vld.idx.msk [tilespmem:v27+s0+$0xFFFFFFB0 ss:$0x1], $0xffff  }
0x59e: {  	v32 =	vld.idx.msk [tilespmem:v27+s0+$0xFFFFFFC0 ss:$0x1], $0xffff  }
0x59f: {  	v33 =	vld.idx.msk [tilespmem:v27+s0+$0xFFFFFFD0 ss:$0x1], $0xffff  }
0x5a0: {  	[tilespmem:s0+$0x19970] =	vst.add.f32.msk $0xffff, v28  }
0x5a1: {  	v34 =	vld.idx.msk [tilespmem:v27+s0+$0xFFFFFFE0 ss:$0x1], $0xffff  }
0x5a2: {  	v28 =	vld.idx.msk [tilespmem:v27+s0+$0xFFFFFFF0 ss:$0x1], $0xffff  }
0x5a3: {  	[tilespmem:s0+$0x19900] =	vst.add.f32.msk $0xffff, v29  }
.Ltmp33:
0x5a4: {  	[tilespmem:s0+$0x19910] =	vst.add.f32.msk $0xffff, v30;
	(pc) =	sbr.rel @p2 .LBB2_64-.Ltmp33, $4  }
0x5a5: {  	[tilespmem:s0+$0x19920] =	vst.add.f32.msk $0xffff, v31  }
0x5a6: {  	[tilespmem:s0+$0x19930] =	vst.add.f32.msk $0xffff, v32  }
0x5a7: {  	[tilespmem:s0+$0x19940] =	vst.add.f32.msk $0xffff, v33  }
0x5a8: {  	s6 =	sadd.s32 $0x1000, s6;
	[tilespmem:s0+$0x19950] =	vst.add.f32.msk $0xffff, v34  }
0x5a9: {  	s29 =	sshll.u32 s31, $0xC;
	s1 =	sand.u32 $0x7, s31  }
0x5aa: {  	[tilespmem:s0+$0x19960] =	vst.add.f32.msk $0xffff, v28;
	s0 =	sand.u32 $0xFFFF8000, s29;
	s1 =	sshll.u32 s1, $0x9  }
0x5ab: {  	s0 =	sor.u32 s1, s0  }
0x5ac: {  	s0 =	sshra.s32 s0, $0x2  }
0x5ad: {  	s0 =	sadd.s32 $0x2070, s0  }
0x5ae: {  	v27 =	vmov s0;
	_ =	sdelay $0x3  }
0x5af: {  	s0 =	simm.s32 $0x0  }
0x5b0: {  	v28 =	vld.idx.msk [tilespmem:v27+s0+$0x0 ss:$0x1], $0xffff  }
0x5b1: {  	v29 =	vld.idx.msk [tilespmem:v27+s0+$0xFFFFFF90 ss:$0x1], $0xffff  }
0x5b2: {  	v30 =	vld.idx.msk [tilespmem:v27+s0+$0xFFFFFFA0 ss:$0x1], $0xffff  }
0x5b3: {  	v31 =	vld.idx.msk [tilespmem:v27+s0+$0xFFFFFFB0 ss:$0x1], $0xffff  }
0x5b4: {  	v32 =	vld.idx.msk [tilespmem:v27+s0+$0xFFFFFFC0 ss:$0x1], $0xffff  }
0x5b5: {  	v33 =	vld.idx.msk [tilespmem:v27+s0+$0xFFFFFFD0 ss:$0x1], $0xffff  }
0x5b6: {  	v34 =	vld.idx.msk [tilespmem:v27+s0+$0xFFFFFFE0 ss:$0x1], $0xffff  }
0x5b7: {  	[tilespmem:s0+$0x199F0] =	vst.add.f32.msk $0xffff, v28  }
0x5b8: {  	v28 =	vld.idx.msk [tilespmem:v27+s0+$0xFFFFFFF0 ss:$0x1], $0xffff  }
0x5b9: {  	[tilespmem:s0+$0x19980] =	vst.add.f32.msk $0xffff, v29  }
0x5ba: {  	[tilespmem:s0+$0x19990] =	vst.add.f32.msk $0xffff, v30  }
0x5bb: {  	[tilespmem:s0+$0x199A0] =	vst.add.f32.msk $0xffff, v31  }
0x5bc: {  	[tilespmem:s0+$0x199B0] =	vst.add.f32.msk $0xffff, v32  }
0x5bd: {  	[tilespmem:s0+$0x199C0] =	vst.add.f32.msk $0xffff, v33  }
0x5be: {  	s6 =	simm.s32 $0x1000;
	s1 =	simm.s32 $0x0;
	[tilespmem:s0+$0x199D0] =	vst.add.f32.msk $0xffff, v34  }
.LBB2_66:
0x5bf: {  	s1 =	sadd.s32 $0x80, s1;
	[tilespmem:s0+$0x199E0] =	vst.add.f32.msk $0xffff, v28;
	s0 =	sshra.s32 s6, $0x2  }
0x5c0: {  	v28 =	vld.idx.msk [tilespmem:v27+s0+$0x0 ss:$0x1], $0xffff;
	p2 =	slt.u32 s1, $0x380  }
0x5c1: {  	v29 =	vld.idx.msk [tilespmem:v27+s0+$0xFFFFFF90 ss:$0x1], $0xffff  }
0x5c2: {  	v30 =	vld.idx.msk [tilespmem:v27+s0+$0xFFFFFFA0 ss:$0x1], $0xffff  }
0x5c3: {  	v31 =	vld.idx.msk [tilespmem:v27+s0+$0xFFFFFFB0 ss:$0x1], $0xffff  }
0x5c4: {  	v32 =	vld.idx.msk [tilespmem:v27+s0+$0xFFFFFFC0 ss:$0x1], $0xffff  }
0x5c5: {  	v33 =	vld.idx.msk [tilespmem:v27+s0+$0xFFFFFFD0 ss:$0x1], $0xffff  }
0x5c6: {  	[tilespmem:s0+$0x199F0] =	vst.add.f32.msk $0xffff, v28  }
0x5c7: {  	v34 =	vld.idx.msk [tilespmem:v27+s0+$0xFFFFFFE0 ss:$0x1], $0xffff  }
0x5c8: {  	v28 =	vld.idx.msk [tilespmem:v27+s0+$0xFFFFFFF0 ss:$0x1], $0xffff  }
0x5c9: {  	[tilespmem:s0+$0x19980] =	vst.add.f32.msk $0xffff, v29  }
.Ltmp34:
0x5ca: {  	[tilespmem:s0+$0x19990] =	vst.add.f32.msk $0xffff, v30;
	(pc) =	sbr.rel @p2 .LBB2_66-.Ltmp34, $4  }
0x5cb: {  	[tilespmem:s0+$0x199A0] =	vst.add.f32.msk $0xffff, v31  }
0x5cc: {  	[tilespmem:s0+$0x199B0] =	vst.add.f32.msk $0xffff, v32  }
0x5cd: {  	[tilespmem:s0+$0x199C0] =	vst.add.f32.msk $0xffff, v33  }
0x5ce: {  	s6 =	sadd.s32 $0x1000, s6;
	[tilespmem:s0+$0x199D0] =	vst.add.f32.msk $0xffff, v34  }
0x5cf: {  	[tilespmem:s0+$0x199E0] =	vst.add.f32.msk $0xffff, v28;
	s28 =	sadd.s32 $0x800, s12;
	s0 =	simm.s32 @!p1 $0x6  }
0x5d0: {  	[hbm4b:s28+s10] =	stream.linear.scatter [tilespmem:s5], [sflag:$0x7], $0x2000, $0x38;
	[tilespmem:$0x1D600] =	vst v63  }
0x5d1: {  	_ =	swait.ge @!p1 [sflag:s0], $0x2000  }
0x5d2: {  	[sflag:s0] =	ssyncset.done @!p1 $0x0  }
0x5d3: {  	[sflag:s0] =	ssyncadd.s32 @!p1 $0xFFFFE000  }
0x5d4: {  	v27 =	vld.msk @!p1 [tilespmem:s22+$0x28], $0xff;
	_ =	sdelay $0x4  }
0x5d5: {  	v28 =	vshll.u32 @!p1 v27, $0x3  }
0x5d6: {  	v29 =	vlaneseq.u32 @!p1;
	v27 =	vand.u32 @!p1 $0x7, v27;
	v28 =	vand.u32 @!p1 $0xFFFFFFC0, v28  }
0x5d7: {  	v27 =	vor.u32 @!p1 v27, v28;
	v28 =	vand.u32 @!p1 $0x7, v29;
	v29 =	vshrl.u32 @!p1 v29, $0x3  }
0x5d8: {  	v27 =	vperm.xlane @!p1 v27, v28;
	v28 =	vmul.u32 @!p1 $0x8, v29;
	_ =	sdelay $0x1  }
0x5d9: {  	v27 =	vadd.s32 @!p1 v28, v27;
	_ =	sdelay $0x3  }
0x5da: {  	s1 =	simm.s32 @!p1 $0x17600;
	s0 =	simm.s32 @!p1 $0x0  }
0x5db: {  	[tilespmem:s1], [sflag:$0x2] =	stream.indirect_vreg.gather @!p1 [hbm4b:s9+s0], $0x80, v27, vm0, $0xb8;
	[tilespmem:$0x1D600] =	vst v63  }
0x5dc: {  	s1 =	simm.s32 @!p1 $0x17E00  }
0x5dd: {  	[tilespmem:s1], [sflag:$0x2] =	stream.indirect_vreg.gather @!p1 [hbm4b:s13+s0], $0x80, v27, vm0, $0xb8;
	[tilespmem:$0x1D600] =	vst v63  }
0x5de: {  	s1 =	simm.s32 @!p1 $0x18600  }
0x5df: {  	[tilespmem:s1], [sflag:$0x2] =	stream.indirect_vreg.gather @!p1 [hbm4b:s14+s0], $0x80, v27, vm0, $0xb8;
	[tilespmem:$0x1D600] =	vst v63  }
0x5e0: {  	s29 =	sshll.u32 s30, $0xC;
	s30 =	sand.u32 $0x7, s30;
	s1 =	simm.s32 @!p1 $0x18E00  }
0x5e1: {  	[tilespmem:s1], [sflag:$0x2] =	stream.indirect_vreg.gather @!p1 [hbm4b:s16+s0], $0x80, v27, vm0, $0xb8;
	[tilespmem:$0x1D600] =	vst v63  }
0x5e2: {  	s0 =	sand.u32 $0xFFFF8000, s29;
	s1 =	sshll.u32 s30, $0x9  }
0x5e3: {  	s0 =	sor.u32 s1, s0  }
0x5e4: {  	s0 =	sshra.s32 s0, $0x2  }
0x5e5: {  	s0 =	sadd.s32 $0x2070, s0  }
0x5e6: {  	v27 =	vmov s0  }
0x5e7: {  	s31 =	simm.s32 $0x4  }
0x5e8: {  	_ =	swait.ge [sflag:s31], $0x2000  }
0x5e9: {  	[sflag:s31] =	ssyncset.done $0x0  }
0x5ea: {  	[sflag:s31] =	ssyncadd.s32 $0xFFFFE000;
	s0 =	simm.s32 $0x0  }
0x5eb: {  	v28 =	vld.idx.msk [tilespmem:v27+s0+$0x0 ss:$0x1], $0xffff  }
0x5ec: {  	v29 =	vld.idx.msk [tilespmem:v27+s0+$0xFFFFFF90 ss:$0x1], $0xffff  }
0x5ed: {  	v30 =	vld.idx.msk [tilespmem:v27+s0+$0xFFFFFFA0 ss:$0x1], $0xffff  }
0x5ee: {  	v31 =	vld.idx.msk [tilespmem:v27+s0+$0xFFFFFFB0 ss:$0x1], $0xffff  }
0x5ef: {  	v32 =	vld.idx.msk [tilespmem:v27+s0+$0xFFFFFFC0 ss:$0x1], $0xffff  }
0x5f0: {  	v33 =	vld.idx.msk [tilespmem:v27+s0+$0xFFFFFFD0 ss:$0x1], $0xffff  }
0x5f1: {  	v34 =	vld.idx.msk [tilespmem:v27+s0+$0xFFFFFFE0 ss:$0x1], $0xffff  }
0x5f2: {  	[tilespmem:s0+$0x1B670] =	vst.add.f32.msk $0xffff, v28  }
0x5f3: {  	v28 =	vld.idx.msk [tilespmem:v27+s0+$0xFFFFFFF0 ss:$0x1], $0xffff  }
0x5f4: {  	[tilespmem:s0+$0x1B600] =	vst.add.f32.msk $0xffff, v29  }
0x5f5: {  	[tilespmem:s0+$0x1B610] =	vst.add.f32.msk $0xffff, v30  }
0x5f6: {  	[tilespmem:s0+$0x1B620] =	vst.add.f32.msk $0xffff, v31  }
0x5f7: {  	[tilespmem:s0+$0x1B630] =	vst.add.f32.msk $0xffff, v32  }
0x5f8: {  	[tilespmem:s0+$0x1B640] =	vst.add.f32.msk $0xffff, v33  }
0x5f9: {  	s6 =	simm.s32 $0x1000;
	s1 =	simm.s32 $0x0;
	[tilespmem:s0+$0x1B650] =	vst.add.f32.msk $0xffff, v34  }
.LBB2_68:
0x5fa: {  	s1 =	sadd.s32 $0x80, s1;
	[tilespmem:s0+$0x1B660] =	vst.add.f32.msk $0xffff, v28;
	s0 =	sshra.s32 s6, $0x2  }
0x5fb: {  	v28 =	vld.idx.msk [tilespmem:v27+s0+$0x0 ss:$0x1], $0xffff;
	p2 =	slt.u32 s1, $0x380  }
0x5fc: {  	v29 =	vld.idx.msk [tilespmem:v27+s0+$0xFFFFFF90 ss:$0x1], $0xffff  }
0x5fd: {  	v30 =	vld.idx.msk [tilespmem:v27+s0+$0xFFFFFFA0 ss:$0x1], $0xffff  }
0x5fe: {  	v31 =	vld.idx.msk [tilespmem:v27+s0+$0xFFFFFFB0 ss:$0x1], $0xffff  }
0x5ff: {  	v32 =	vld.idx.msk [tilespmem:v27+s0+$0xFFFFFFC0 ss:$0x1], $0xffff  }
0x600: {  	v33 =	vld.idx.msk [tilespmem:v27+s0+$0xFFFFFFD0 ss:$0x1], $0xffff  }
0x601: {  	[tilespmem:s0+$0x1B670] =	vst.add.f32.msk $0xffff, v28  }
0x602: {  	v34 =	vld.idx.msk [tilespmem:v27+s0+$0xFFFFFFE0 ss:$0x1], $0xffff  }
0x603: {  	v28 =	vld.idx.msk [tilespmem:v27+s0+$0xFFFFFFF0 ss:$0x1], $0xffff  }
0x604: {  	[tilespmem:s0+$0x1B600] =	vst.add.f32.msk $0xffff, v29  }
.Ltmp35:
0x605: {  	[tilespmem:s0+$0x1B610] =	vst.add.f32.msk $0xffff, v30;
	(pc) =	sbr.rel @p2 .LBB2_68-.Ltmp35, $4  }
0x606: {  	[tilespmem:s0+$0x1B620] =	vst.add.f32.msk $0xffff, v31  }
0x607: {  	[tilespmem:s0+$0x1B630] =	vst.add.f32.msk $0xffff, v32  }
0x608: {  	[tilespmem:s0+$0x1B640] =	vst.add.f32.msk $0xffff, v33  }
0x609: {  	s6 =	sadd.s32 $0x1000, s6;
	[tilespmem:s0+$0x1B650] =	vst.add.f32.msk $0xffff, v34  }
0x60a: {  	s31 =	sshll.u32 s4, $0xC;
	s1 =	sand.u32 $0x7, s4  }
0x60b: {  	[tilespmem:s0+$0x1B660] =	vst.add.f32.msk $0xffff, v28;
	s0 =	sand.u32 $0xFFFF8000, s31;
	s1 =	sshll.u32 s1, $0x9  }
0x60c: {  	s0 =	sor.u32 s1, s0  }
0x60d: {  	s0 =	sshra.s32 s0, $0x2  }
0x60e: {  	s0 =	sadd.s32 $0x2070, s0  }
0x60f: {  	v27 =	vmov s0;
	_ =	sdelay $0x3  }
0x610: {  	s0 =	simm.s32 $0x0  }
0x611: {  	v28 =	vld.idx.msk [tilespmem:v27+s0+$0x0 ss:$0x1], $0xffff  }
0x612: {  	v29 =	vld.idx.msk [tilespmem:v27+s0+$0xFFFFFF90 ss:$0x1], $0xffff  }
0x613: {  	v30 =	vld.idx.msk [tilespmem:v27+s0+$0xFFFFFFA0 ss:$0x1], $0xffff  }
0x614: {  	v31 =	vld.idx.msk [tilespmem:v27+s0+$0xFFFFFFB0 ss:$0x1], $0xffff  }
0x615: {  	v32 =	vld.idx.msk [tilespmem:v27+s0+$0xFFFFFFC0 ss:$0x1], $0xffff  }
0x616: {  	v33 =	vld.idx.msk [tilespmem:v27+s0+$0xFFFFFFD0 ss:$0x1], $0xffff  }
0x617: {  	v34 =	vld.idx.msk [tilespmem:v27+s0+$0xFFFFFFE0 ss:$0x1], $0xffff  }
0x618: {  	[tilespmem:s0+$0x1B6F0] =	vst.add.f32.msk $0xffff, v28  }
0x619: {  	v28 =	vld.idx.msk [tilespmem:v27+s0+$0xFFFFFFF0 ss:$0x1], $0xffff  }
0x61a: {  	[tilespmem:s0+$0x1B680] =	vst.add.f32.msk $0xffff, v29  }
0x61b: {  	[tilespmem:s0+$0x1B690] =	vst.add.f32.msk $0xffff, v30  }
0x61c: {  	[tilespmem:s0+$0x1B6A0] =	vst.add.f32.msk $0xffff, v31  }
0x61d: {  	[tilespmem:s0+$0x1B6B0] =	vst.add.f32.msk $0xffff, v32  }
0x61e: {  	[tilespmem:s0+$0x1B6C0] =	vst.add.f32.msk $0xffff, v33  }
0x61f: {  	s4 =	simm.s32 $0x1000;
	s1 =	simm.s32 $0x0;
	[tilespmem:s0+$0x1B6D0] =	vst.add.f32.msk $0xffff, v34  }
.LBB2_70:
0x620: {  	s1 =	sadd.s32 $0x80, s1;
	[tilespmem:s0+$0x1B6E0] =	vst.add.f32.msk $0xffff, v28;
	s0 =	sshra.s32 s4, $0x2  }
0x621: {  	v28 =	vld.idx.msk [tilespmem:v27+s0+$0x0 ss:$0x1], $0xffff;
	p2 =	slt.u32 s1, $0x380  }
0x622: {  	v29 =	vld.idx.msk [tilespmem:v27+s0+$0xFFFFFF90 ss:$0x1], $0xffff  }
0x623: {  	v30 =	vld.idx.msk [tilespmem:v27+s0+$0xFFFFFFA0 ss:$0x1], $0xffff  }
0x624: {  	v31 =	vld.idx.msk [tilespmem:v27+s0+$0xFFFFFFB0 ss:$0x1], $0xffff  }
0x625: {  	v32 =	vld.idx.msk [tilespmem:v27+s0+$0xFFFFFFC0 ss:$0x1], $0xffff  }
0x626: {  	v33 =	vld.idx.msk [tilespmem:v27+s0+$0xFFFFFFD0 ss:$0x1], $0xffff  }
0x627: {  	[tilespmem:s0+$0x1B6F0] =	vst.add.f32.msk $0xffff, v28  }
0x628: {  	v34 =	vld.idx.msk [tilespmem:v27+s0+$0xFFFFFFE0 ss:$0x1], $0xffff  }
0x629: {  	v28 =	vld.idx.msk [tilespmem:v27+s0+$0xFFFFFFF0 ss:$0x1], $0xffff  }
0x62a: {  	[tilespmem:s0+$0x1B680] =	vst.add.f32.msk $0xffff, v29  }
.Ltmp36:
0x62b: {  	[tilespmem:s0+$0x1B690] =	vst.add.f32.msk $0xffff, v30;
	(pc) =	sbr.rel @p2 .LBB2_70-.Ltmp36, $4  }
0x62c: {  	[tilespmem:s0+$0x1B6A0] =	vst.add.f32.msk $0xffff, v31  }
0x62d: {  	[tilespmem:s0+$0x1B6B0] =	vst.add.f32.msk $0xffff, v32  }
0x62e: {  	[tilespmem:s0+$0x1B6C0] =	vst.add.f32.msk $0xffff, v33  }
0x62f: {  	s4 =	sadd.s32 $0x1000, s4;
	[tilespmem:s0+$0x1B6D0] =	vst.add.f32.msk $0xffff, v34  }
0x630: {  	[tilespmem:s0+$0x1B6E0] =	vst.add.f32.msk $0xffff, v28  }
0x631: {  	s1 =	rddreg [dreg:$0x14]  }
0x632: {  	s31 =	sshll.u32 s1, $0xC;
	s1 =	sand.u32 $0x7, s1  }
0x633: {  	s0 =	sand.u32 $0xFFFF8000, s31;
	s1 =	sshll.u32 s1, $0x9  }
0x634: {  	s0 =	sor.u32 s1, s0  }
0x635: {  	s0 =	sshra.s32 s0, $0x2  }
0x636: {  	s0 =	sadd.s32 $0x2070, s0  }
0x637: {  	v27 =	vmov s0;
	_ =	sdelay $0x3  }
0x638: {  	s0 =	simm.s32 $0x0  }
0x639: {  	v28 =	vld.idx.msk [tilespmem:v27+s0+$0x0 ss:$0x1], $0xffff  }
0x63a: {  	v29 =	vld.idx.msk [tilespmem:v27+s0+$0xFFFFFF90 ss:$0x1], $0xffff  }
0x63b: {  	v30 =	vld.idx.msk [tilespmem:v27+s0+$0xFFFFFFA0 ss:$0x1], $0xffff  }
0x63c: {  	v31 =	vld.idx.msk [tilespmem:v27+s0+$0xFFFFFFB0 ss:$0x1], $0xffff  }
0x63d: {  	v32 =	vld.idx.msk [tilespmem:v27+s0+$0xFFFFFFC0 ss:$0x1], $0xffff  }
0x63e: {  	v33 =	vld.idx.msk [tilespmem:v27+s0+$0xFFFFFFD0 ss:$0x1], $0xffff  }
0x63f: {  	v34 =	vld.idx.msk [tilespmem:v27+s0+$0xFFFFFFE0 ss:$0x1], $0xffff  }
0x640: {  	[tilespmem:s0+$0x1B770] =	vst.add.f32.msk $0xffff, v28  }
0x641: {  	v28 =	vld.idx.msk [tilespmem:v27+s0+$0xFFFFFFF0 ss:$0x1], $0xffff  }
0x642: {  	[tilespmem:s0+$0x1B700] =	vst.add.f32.msk $0xffff, v29  }
0x643: {  	[tilespmem:s0+$0x1B710] =	vst.add.f32.msk $0xffff, v30  }
0x644: {  	[tilespmem:s0+$0x1B720] =	vst.add.f32.msk $0xffff, v31  }
0x645: {  	[tilespmem:s0+$0x1B730] =	vst.add.f32.msk $0xffff, v32  }
0x646: {  	[tilespmem:s0+$0x1B740] =	vst.add.f32.msk $0xffff, v33  }
0x647: {  	s3 =	simm.s32 $0x1000;
	s1 =	simm.s32 $0x0;
	[tilespmem:s0+$0x1B750] =	vst.add.f32.msk $0xffff, v34  }
.LBB2_72:
0x648: {  	s1 =	sadd.s32 $0x80, s1;
	[tilespmem:s0+$0x1B760] =	vst.add.f32.msk $0xffff, v28;
	s0 =	sshra.s32 s3, $0x2  }
0x649: {  	v28 =	vld.idx.msk [tilespmem:v27+s0+$0x0 ss:$0x1], $0xffff;
	p2 =	slt.u32 s1, $0x380  }
0x64a: {  	v29 =	vld.idx.msk [tilespmem:v27+s0+$0xFFFFFF90 ss:$0x1], $0xffff  }
0x64b: {  	v30 =	vld.idx.msk [tilespmem:v27+s0+$0xFFFFFFA0 ss:$0x1], $0xffff  }
0x64c: {  	v31 =	vld.idx.msk [tilespmem:v27+s0+$0xFFFFFFB0 ss:$0x1], $0xffff  }
0x64d: {  	v32 =	vld.idx.msk [tilespmem:v27+s0+$0xFFFFFFC0 ss:$0x1], $0xffff  }
0x64e: {  	v33 =	vld.idx.msk [tilespmem:v27+s0+$0xFFFFFFD0 ss:$0x1], $0xffff  }
0x64f: {  	[tilespmem:s0+$0x1B770] =	vst.add.f32.msk $0xffff, v28  }
0x650: {  	v34 =	vld.idx.msk [tilespmem:v27+s0+$0xFFFFFFE0 ss:$0x1], $0xffff  }
0x651: {  	v28 =	vld.idx.msk [tilespmem:v27+s0+$0xFFFFFFF0 ss:$0x1], $0xffff  }
0x652: {  	[tilespmem:s0+$0x1B700] =	vst.add.f32.msk $0xffff, v29  }
.Ltmp37:
0x653: {  	[tilespmem:s0+$0x1B710] =	vst.add.f32.msk $0xffff, v30;
	(pc) =	sbr.rel @p2 .LBB2_72-.Ltmp37, $4  }
0x654: {  	[tilespmem:s0+$0x1B720] =	vst.add.f32.msk $0xffff, v31  }
0x655: {  	[tilespmem:s0+$0x1B730] =	vst.add.f32.msk $0xffff, v32  }
0x656: {  	[tilespmem:s0+$0x1B740] =	vst.add.f32.msk $0xffff, v33  }
0x657: {  	s3 =	sadd.s32 $0x1000, s3;
	[tilespmem:s0+$0x1B750] =	vst.add.f32.msk $0xffff, v34  }
0x658: {  	[tilespmem:s0+$0x1B760] =	vst.add.f32.msk $0xffff, v28  }
0x659: {  	s1 =	rddreg [dreg:$0x13]  }
0x65a: {  	s31 =	sshll.u32 s1, $0xC;
	s1 =	sand.u32 $0x7, s1  }
0x65b: {  	s0 =	sand.u32 $0xFFFF8000, s31;
	s1 =	sshll.u32 s1, $0x9  }
0x65c: {  	s0 =	sor.u32 s1, s0  }
0x65d: {  	s0 =	sshra.s32 s0, $0x2  }
0x65e: {  	s0 =	sadd.s32 $0x2070, s0  }
0x65f: {  	v27 =	vmov s0;
	_ =	sdelay $0x3  }
0x660: {  	s0 =	simm.s32 $0x0  }
0x661: {  	v28 =	vld.idx.msk [tilespmem:v27+s0+$0x0 ss:$0x1], $0xffff  }
0x662: {  	v29 =	vld.idx.msk [tilespmem:v27+s0+$0xFFFFFF90 ss:$0x1], $0xffff  }
0x663: {  	v30 =	vld.idx.msk [tilespmem:v27+s0+$0xFFFFFFA0 ss:$0x1], $0xffff  }
0x664: {  	v31 =	vld.idx.msk [tilespmem:v27+s0+$0xFFFFFFB0 ss:$0x1], $0xffff  }
0x665: {  	v32 =	vld.idx.msk [tilespmem:v27+s0+$0xFFFFFFC0 ss:$0x1], $0xffff  }
0x666: {  	v33 =	vld.idx.msk [tilespmem:v27+s0+$0xFFFFFFD0 ss:$0x1], $0xffff  }
0x667: {  	v34 =	vld.idx.msk [tilespmem:v27+s0+$0xFFFFFFE0 ss:$0x1], $0xffff  }
0x668: {  	[tilespmem:s0+$0x1B7F0] =	vst.add.f32.msk $0xffff, v28  }
0x669: {  	v28 =	vld.idx.msk [tilespmem:v27+s0+$0xFFFFFFF0 ss:$0x1], $0xffff  }
0x66a: {  	[tilespmem:s0+$0x1B780] =	vst.add.f32.msk $0xffff, v29  }
0x66b: {  	[tilespmem:s0+$0x1B790] =	vst.add.f32.msk $0xffff, v30  }
0x66c: {  	[tilespmem:s0+$0x1B7A0] =	vst.add.f32.msk $0xffff, v31  }
0x66d: {  	[tilespmem:s0+$0x1B7B0] =	vst.add.f32.msk $0xffff, v32  }
0x66e: {  	[tilespmem:s0+$0x1B7C0] =	vst.add.f32.msk $0xffff, v33  }
0x66f: {  	s2 =	simm.s32 $0x1000;
	s1 =	simm.s32 $0x0;
	[tilespmem:s0+$0x1B7D0] =	vst.add.f32.msk $0xffff, v34  }
.LBB2_74:
0x670: {  	s1 =	sadd.s32 $0x80, s1;
	[tilespmem:s0+$0x1B7E0] =	vst.add.f32.msk $0xffff, v28;
	s0 =	sshra.s32 s2, $0x2  }
0x671: {  	v28 =	vld.idx.msk [tilespmem:v27+s0+$0x0 ss:$0x1], $0xffff;
	p2 =	slt.u32 s1, $0x380  }
0x672: {  	v29 =	vld.idx.msk [tilespmem:v27+s0+$0xFFFFFF90 ss:$0x1], $0xffff  }
0x673: {  	v30 =	vld.idx.msk [tilespmem:v27+s0+$0xFFFFFFA0 ss:$0x1], $0xffff  }
0x674: {  	v31 =	vld.idx.msk [tilespmem:v27+s0+$0xFFFFFFB0 ss:$0x1], $0xffff  }
0x675: {  	v32 =	vld.idx.msk [tilespmem:v27+s0+$0xFFFFFFC0 ss:$0x1], $0xffff  }
0x676: {  	v33 =	vld.idx.msk [tilespmem:v27+s0+$0xFFFFFFD0 ss:$0x1], $0xffff  }
0x677: {  	[tilespmem:s0+$0x1B7F0] =	vst.add.f32.msk $0xffff, v28  }
0x678: {  	v34 =	vld.idx.msk [tilespmem:v27+s0+$0xFFFFFFE0 ss:$0x1], $0xffff  }
0x679: {  	v28 =	vld.idx.msk [tilespmem:v27+s0+$0xFFFFFFF0 ss:$0x1], $0xffff  }
0x67a: {  	[tilespmem:s0+$0x1B780] =	vst.add.f32.msk $0xffff, v29  }
.Ltmp38:
0x67b: {  	[tilespmem:s0+$0x1B790] =	vst.add.f32.msk $0xffff, v30;
	(pc) =	sbr.rel @p2 .LBB2_74-.Ltmp38, $4  }
0x67c: {  	[tilespmem:s0+$0x1B7A0] =	vst.add.f32.msk $0xffff, v31  }
0x67d: {  	[tilespmem:s0+$0x1B7B0] =	vst.add.f32.msk $0xffff, v32  }
0x67e: {  	[tilespmem:s0+$0x1B7C0] =	vst.add.f32.msk $0xffff, v33  }
0x67f: {  	s2 =	sadd.s32 $0x1000, s2;
	[tilespmem:s0+$0x1B7D0] =	vst.add.f32.msk $0xffff, v34  }
0x680: {  	[tilespmem:s0+$0x1B7E0] =	vst.add.f32.msk $0xffff, v28  }
0x681: {  	s1 =	rddreg [dreg:$0x12]  }
0x682: {  	s31 =	sshll.u32 s1, $0xC;
	s1 =	sand.u32 $0x7, s1  }
0x683: {  	s0 =	sand.u32 $0xFFFF8000, s31;
	s1 =	sshll.u32 s1, $0x9  }
0x684: {  	s0 =	sor.u32 s1, s0  }
0x685: {  	s0 =	sshra.s32 s0, $0x2  }
0x686: {  	s0 =	sadd.s32 $0x2070, s0  }
0x687: {  	v27 =	vmov s0;
	_ =	sdelay $0x3  }
0x688: {  	s0 =	simm.s32 $0x0  }
0x689: {  	v28 =	vld.idx.msk [tilespmem:v27+s0+$0x0 ss:$0x1], $0xffff  }
0x68a: {  	v29 =	vld.idx.msk [tilespmem:v27+s0+$0xFFFFFF90 ss:$0x1], $0xffff  }
0x68b: {  	v30 =	vld.idx.msk [tilespmem:v27+s0+$0xFFFFFFA0 ss:$0x1], $0xffff  }
0x68c: {  	v31 =	vld.idx.msk [tilespmem:v27+s0+$0xFFFFFFB0 ss:$0x1], $0xffff  }
0x68d: {  	v32 =	vld.idx.msk [tilespmem:v27+s0+$0xFFFFFFC0 ss:$0x1], $0xffff  }
0x68e: {  	v33 =	vld.idx.msk [tilespmem:v27+s0+$0xFFFFFFD0 ss:$0x1], $0xffff  }
0x68f: {  	v34 =	vld.idx.msk [tilespmem:v27+s0+$0xFFFFFFE0 ss:$0x1], $0xffff  }
0x690: {  	[tilespmem:s0+$0x1B870] =	vst.add.f32.msk $0xffff, v28  }
0x691: {  	v28 =	vld.idx.msk [tilespmem:v27+s0+$0xFFFFFFF0 ss:$0x1], $0xffff  }
0x692: {  	[tilespmem:s0+$0x1B800] =	vst.add.f32.msk $0xffff, v29  }
0x693: {  	[tilespmem:s0+$0x1B810] =	vst.add.f32.msk $0xffff, v30  }
0x694: {  	[tilespmem:s0+$0x1B820] =	vst.add.f32.msk $0xffff, v31  }
0x695: {  	[tilespmem:s0+$0x1B830] =	vst.add.f32.msk $0xffff, v32  }
0x696: {  	[tilespmem:s0+$0x1B840] =	vst.add.f32.msk $0xffff, v33  }
0x697: {  	s2 =	simm.s32 $0x1000;
	s1 =	simm.s32 $0x0;
	[tilespmem:s0+$0x1B850] =	vst.add.f32.msk $0xffff, v34  }
.LBB2_76:
0x698: {  	s1 =	sadd.s32 $0x80, s1;
	[tilespmem:s0+$0x1B860] =	vst.add.f32.msk $0xffff, v28;
	s0 =	sshra.s32 s2, $0x2  }
0x699: {  	v28 =	vld.idx.msk [tilespmem:v27+s0+$0x0 ss:$0x1], $0xffff;
	p2 =	slt.u32 s1, $0x380  }
0x69a: {  	v29 =	vld.idx.msk [tilespmem:v27+s0+$0xFFFFFF90 ss:$0x1], $0xffff  }
0x69b: {  	v30 =	vld.idx.msk [tilespmem:v27+s0+$0xFFFFFFA0 ss:$0x1], $0xffff  }
0x69c: {  	v31 =	vld.idx.msk [tilespmem:v27+s0+$0xFFFFFFB0 ss:$0x1], $0xffff  }
0x69d: {  	v32 =	vld.idx.msk [tilespmem:v27+s0+$0xFFFFFFC0 ss:$0x1], $0xffff  }
0x69e: {  	v33 =	vld.idx.msk [tilespmem:v27+s0+$0xFFFFFFD0 ss:$0x1], $0xffff  }
0x69f: {  	[tilespmem:s0+$0x1B870] =	vst.add.f32.msk $0xffff, v28  }
0x6a0: {  	v34 =	vld.idx.msk [tilespmem:v27+s0+$0xFFFFFFE0 ss:$0x1], $0xffff  }
0x6a1: {  	v28 =	vld.idx.msk [tilespmem:v27+s0+$0xFFFFFFF0 ss:$0x1], $0xffff  }
0x6a2: {  	[tilespmem:s0+$0x1B800] =	vst.add.f32.msk $0xffff, v29  }
.Ltmp39:
0x6a3: {  	[tilespmem:s0+$0x1B810] =	vst.add.f32.msk $0xffff, v30;
	(pc) =	sbr.rel @p2 .LBB2_76-.Ltmp39, $4  }
0x6a4: {  	[tilespmem:s0+$0x1B820] =	vst.add.f32.msk $0xffff, v31  }
0x6a5: {  	[tilespmem:s0+$0x1B830] =	vst.add.f32.msk $0xffff, v32  }
0x6a6: {  	[tilespmem:s0+$0x1B840] =	vst.add.f32.msk $0xffff, v33  }
0x6a7: {  	s2 =	sadd.s32 $0x1000, s2;
	[tilespmem:s0+$0x1B850] =	vst.add.f32.msk $0xffff, v34  }
0x6a8: {  	[tilespmem:s0+$0x1B860] =	vst.add.f32.msk $0xffff, v28  }
0x6a9: {  	s1 =	rddreg [dreg:$0x11]  }
0x6aa: {  	s31 =	sshll.u32 s1, $0xC;
	s1 =	sand.u32 $0x7, s1  }
0x6ab: {  	s0 =	sand.u32 $0xFFFF8000, s31;
	s1 =	sshll.u32 s1, $0x9  }
0x6ac: {  	s0 =	sor.u32 s1, s0  }
0x6ad: {  	s0 =	sshra.s32 s0, $0x2  }
0x6ae: {  	s0 =	sadd.s32 $0x2070, s0  }
0x6af: {  	v27 =	vmov s0;
	_ =	sdelay $0x3  }
0x6b0: {  	s0 =	simm.s32 $0x0  }
0x6b1: {  	v28 =	vld.idx.msk [tilespmem:v27+s0+$0x0 ss:$0x1], $0xffff  }
0x6b2: {  	v29 =	vld.idx.msk [tilespmem:v27+s0+$0xFFFFFF90 ss:$0x1], $0xffff  }
0x6b3: {  	v30 =	vld.idx.msk [tilespmem:v27+s0+$0xFFFFFFA0 ss:$0x1], $0xffff  }
0x6b4: {  	v31 =	vld.idx.msk [tilespmem:v27+s0+$0xFFFFFFB0 ss:$0x1], $0xffff  }
0x6b5: {  	v32 =	vld.idx.msk [tilespmem:v27+s0+$0xFFFFFFC0 ss:$0x1], $0xffff  }
0x6b6: {  	v33 =	vld.idx.msk [tilespmem:v27+s0+$0xFFFFFFD0 ss:$0x1], $0xffff  }
0x6b7: {  	v34 =	vld.idx.msk [tilespmem:v27+s0+$0xFFFFFFE0 ss:$0x1], $0xffff  }
0x6b8: {  	[tilespmem:s0+$0x1B8F0] =	vst.add.f32.msk $0xffff, v28  }
0x6b9: {  	v28 =	vld.idx.msk [tilespmem:v27+s0+$0xFFFFFFF0 ss:$0x1], $0xffff  }
0x6ba: {  	[tilespmem:s0+$0x1B880] =	vst.add.f32.msk $0xffff, v29  }
0x6bb: {  	[tilespmem:s0+$0x1B890] =	vst.add.f32.msk $0xffff, v30  }
0x6bc: {  	[tilespmem:s0+$0x1B8A0] =	vst.add.f32.msk $0xffff, v31  }
0x6bd: {  	[tilespmem:s0+$0x1B8B0] =	vst.add.f32.msk $0xffff, v32  }
0x6be: {  	[tilespmem:s0+$0x1B8C0] =	vst.add.f32.msk $0xffff, v33  }
0x6bf: {  	s2 =	simm.s32 $0x1000;
	s1 =	simm.s32 $0x0;
	[tilespmem:s0+$0x1B8D0] =	vst.add.f32.msk $0xffff, v34  }
.LBB2_78:
0x6c0: {  	s1 =	sadd.s32 $0x80, s1;
	[tilespmem:s0+$0x1B8E0] =	vst.add.f32.msk $0xffff, v28;
	s0 =	sshra.s32 s2, $0x2  }
0x6c1: {  	v28 =	vld.idx.msk [tilespmem:v27+s0+$0x0 ss:$0x1], $0xffff;
	p2 =	slt.u32 s1, $0x380  }
0x6c2: {  	v29 =	vld.idx.msk [tilespmem:v27+s0+$0xFFFFFF90 ss:$0x1], $0xffff  }
0x6c3: {  	v30 =	vld.idx.msk [tilespmem:v27+s0+$0xFFFFFFA0 ss:$0x1], $0xffff  }
0x6c4: {  	v31 =	vld.idx.msk [tilespmem:v27+s0+$0xFFFFFFB0 ss:$0x1], $0xffff  }
0x6c5: {  	v32 =	vld.idx.msk [tilespmem:v27+s0+$0xFFFFFFC0 ss:$0x1], $0xffff  }
0x6c6: {  	v33 =	vld.idx.msk [tilespmem:v27+s0+$0xFFFFFFD0 ss:$0x1], $0xffff  }
0x6c7: {  	[tilespmem:s0+$0x1B8F0] =	vst.add.f32.msk $0xffff, v28  }
0x6c8: {  	v34 =	vld.idx.msk [tilespmem:v27+s0+$0xFFFFFFE0 ss:$0x1], $0xffff  }
0x6c9: {  	v28 =	vld.idx.msk [tilespmem:v27+s0+$0xFFFFFFF0 ss:$0x1], $0xffff  }
0x6ca: {  	[tilespmem:s0+$0x1B880] =	vst.add.f32.msk $0xffff, v29  }
.Ltmp40:
0x6cb: {  	[tilespmem:s0+$0x1B890] =	vst.add.f32.msk $0xffff, v30;
	(pc) =	sbr.rel @p2 .LBB2_78-.Ltmp40, $4  }
0x6cc: {  	[tilespmem:s0+$0x1B8A0] =	vst.add.f32.msk $0xffff, v31  }
0x6cd: {  	[tilespmem:s0+$0x1B8B0] =	vst.add.f32.msk $0xffff, v32  }
0x6ce: {  	[tilespmem:s0+$0x1B8C0] =	vst.add.f32.msk $0xffff, v33  }
0x6cf: {  	s2 =	sadd.s32 $0x1000, s2;
	[tilespmem:s0+$0x1B8D0] =	vst.add.f32.msk $0xffff, v34  }
0x6d0: {  	s31 =	sshll.u32 s17, $0xC;
	s1 =	sand.u32 $0x7, s17  }
0x6d1: {  	[tilespmem:s0+$0x1B8E0] =	vst.add.f32.msk $0xffff, v28;
	s0 =	sand.u32 $0xFFFF8000, s31;
	s1 =	sshll.u32 s1, $0x9  }
0x6d2: {  	s0 =	sor.u32 s1, s0  }
0x6d3: {  	s0 =	sshra.s32 s0, $0x2  }
0x6d4: {  	s0 =	sadd.s32 $0x2070, s0  }
0x6d5: {  	v27 =	vmov s0;
	_ =	sdelay $0x3  }
0x6d6: {  	s0 =	simm.s32 $0x0  }
0x6d7: {  	v28 =	vld.idx.msk [tilespmem:v27+s0+$0x0 ss:$0x1], $0xffff  }
0x6d8: {  	v29 =	vld.idx.msk [tilespmem:v27+s0+$0xFFFFFF90 ss:$0x1], $0xffff  }
0x6d9: {  	v30 =	vld.idx.msk [tilespmem:v27+s0+$0xFFFFFFA0 ss:$0x1], $0xffff  }
0x6da: {  	v31 =	vld.idx.msk [tilespmem:v27+s0+$0xFFFFFFB0 ss:$0x1], $0xffff  }
0x6db: {  	v32 =	vld.idx.msk [tilespmem:v27+s0+$0xFFFFFFC0 ss:$0x1], $0xffff  }
0x6dc: {  	v33 =	vld.idx.msk [tilespmem:v27+s0+$0xFFFFFFD0 ss:$0x1], $0xffff  }
0x6dd: {  	v34 =	vld.idx.msk [tilespmem:v27+s0+$0xFFFFFFE0 ss:$0x1], $0xffff  }
0x6de: {  	[tilespmem:s0+$0x1B970] =	vst.add.f32.msk $0xffff, v28  }
0x6df: {  	v28 =	vld.idx.msk [tilespmem:v27+s0+$0xFFFFFFF0 ss:$0x1], $0xffff  }
0x6e0: {  	[tilespmem:s0+$0x1B900] =	vst.add.f32.msk $0xffff, v29  }
0x6e1: {  	[tilespmem:s0+$0x1B910] =	vst.add.f32.msk $0xffff, v30  }
0x6e2: {  	[tilespmem:s0+$0x1B920] =	vst.add.f32.msk $0xffff, v31  }
0x6e3: {  	[tilespmem:s0+$0x1B930] =	vst.add.f32.msk $0xffff, v32  }
0x6e4: {  	[tilespmem:s0+$0x1B940] =	vst.add.f32.msk $0xffff, v33  }
0x6e5: {  	s2 =	simm.s32 $0x1000;
	s1 =	simm.s32 $0x0;
	[tilespmem:s0+$0x1B950] =	vst.add.f32.msk $0xffff, v34  }
.LBB2_80:
0x6e6: {  	s1 =	sadd.s32 $0x80, s1;
	[tilespmem:s0+$0x1B960] =	vst.add.f32.msk $0xffff, v28;
	s0 =	sshra.s32 s2, $0x2  }
0x6e7: {  	v28 =	vld.idx.msk [tilespmem:v27+s0+$0x0 ss:$0x1], $0xffff;
	p2 =	slt.u32 s1, $0x380  }
0x6e8: {  	v29 =	vld.idx.msk [tilespmem:v27+s0+$0xFFFFFF90 ss:$0x1], $0xffff  }
0x6e9: {  	v30 =	vld.idx.msk [tilespmem:v27+s0+$0xFFFFFFA0 ss:$0x1], $0xffff  }
0x6ea: {  	v31 =	vld.idx.msk [tilespmem:v27+s0+$0xFFFFFFB0 ss:$0x1], $0xffff  }
0x6eb: {  	v32 =	vld.idx.msk [tilespmem:v27+s0+$0xFFFFFFC0 ss:$0x1], $0xffff  }
0x6ec: {  	v33 =	vld.idx.msk [tilespmem:v27+s0+$0xFFFFFFD0 ss:$0x1], $0xffff  }
0x6ed: {  	[tilespmem:s0+$0x1B970] =	vst.add.f32.msk $0xffff, v28  }
0x6ee: {  	v34 =	vld.idx.msk [tilespmem:v27+s0+$0xFFFFFFE0 ss:$0x1], $0xffff  }
0x6ef: {  	v28 =	vld.idx.msk [tilespmem:v27+s0+$0xFFFFFFF0 ss:$0x1], $0xffff  }
0x6f0: {  	[tilespmem:s0+$0x1B900] =	vst.add.f32.msk $0xffff, v29  }
.Ltmp41:
0x6f1: {  	[tilespmem:s0+$0x1B910] =	vst.add.f32.msk $0xffff, v30;
	(pc) =	sbr.rel @p2 .LBB2_80-.Ltmp41, $4  }
0x6f2: {  	[tilespmem:s0+$0x1B920] =	vst.add.f32.msk $0xffff, v31  }
0x6f3: {  	[tilespmem:s0+$0x1B930] =	vst.add.f32.msk $0xffff, v32  }
0x6f4: {  	[tilespmem:s0+$0x1B940] =	vst.add.f32.msk $0xffff, v33  }
0x6f5: {  	s2 =	sadd.s32 $0x1000, s2;
	[tilespmem:s0+$0x1B950] =	vst.add.f32.msk $0xffff, v34  }
0x6f6: {  	s31 =	sshll.u32 s21, $0xC;
	s1 =	sand.u32 $0x7, s21  }
0x6f7: {  	[tilespmem:s0+$0x1B960] =	vst.add.f32.msk $0xffff, v28;
	s0 =	sand.u32 $0xFFFF8000, s31;
	s1 =	sshll.u32 s1, $0x9  }
0x6f8: {  	s0 =	sor.u32 s1, s0  }
0x6f9: {  	s0 =	sshra.s32 s0, $0x2  }
0x6fa: {  	s0 =	sadd.s32 $0x2070, s0  }
0x6fb: {  	v27 =	vmov s0;
	_ =	sdelay $0x3  }
0x6fc: {  	s0 =	simm.s32 $0x0  }
0x6fd: {  	v28 =	vld.idx.msk [tilespmem:v27+s0+$0x0 ss:$0x1], $0xffff  }
0x6fe: {  	v29 =	vld.idx.msk [tilespmem:v27+s0+$0xFFFFFF90 ss:$0x1], $0xffff  }
0x6ff: {  	v30 =	vld.idx.msk [tilespmem:v27+s0+$0xFFFFFFA0 ss:$0x1], $0xffff  }
0x700: {  	v31 =	vld.idx.msk [tilespmem:v27+s0+$0xFFFFFFB0 ss:$0x1], $0xffff  }
0x701: {  	v32 =	vld.idx.msk [tilespmem:v27+s0+$0xFFFFFFC0 ss:$0x1], $0xffff  }
0x702: {  	v33 =	vld.idx.msk [tilespmem:v27+s0+$0xFFFFFFD0 ss:$0x1], $0xffff  }
0x703: {  	v34 =	vld.idx.msk [tilespmem:v27+s0+$0xFFFFFFE0 ss:$0x1], $0xffff  }
0x704: {  	[tilespmem:s0+$0x1B9F0] =	vst.add.f32.msk $0xffff, v28  }
0x705: {  	v28 =	vld.idx.msk [tilespmem:v27+s0+$0xFFFFFFF0 ss:$0x1], $0xffff  }
0x706: {  	[tilespmem:s0+$0x1B980] =	vst.add.f32.msk $0xffff, v29  }
0x707: {  	[tilespmem:s0+$0x1B990] =	vst.add.f32.msk $0xffff, v30  }
0x708: {  	[tilespmem:s0+$0x1B9A0] =	vst.add.f32.msk $0xffff, v31  }
0x709: {  	[tilespmem:s0+$0x1B9B0] =	vst.add.f32.msk $0xffff, v32  }
0x70a: {  	[tilespmem:s0+$0x1B9C0] =	vst.add.f32.msk $0xffff, v33  }
0x70b: {  	s2 =	simm.s32 $0x1000;
	s1 =	simm.s32 $0x0;
	[tilespmem:s0+$0x1B9D0] =	vst.add.f32.msk $0xffff, v34  }
.LBB2_82:
0x70c: {  	s1 =	sadd.s32 $0x80, s1;
	[tilespmem:s0+$0x1B9E0] =	vst.add.f32.msk $0xffff, v28;
	s0 =	sshra.s32 s2, $0x2  }
0x70d: {  	v28 =	vld.idx.msk [tilespmem:v27+s0+$0x0 ss:$0x1], $0xffff;
	p2 =	slt.u32 s1, $0x380  }
0x70e: {  	v29 =	vld.idx.msk [tilespmem:v27+s0+$0xFFFFFF90 ss:$0x1], $0xffff  }
0x70f: {  	v30 =	vld.idx.msk [tilespmem:v27+s0+$0xFFFFFFA0 ss:$0x1], $0xffff  }
0x710: {  	v31 =	vld.idx.msk [tilespmem:v27+s0+$0xFFFFFFB0 ss:$0x1], $0xffff  }
0x711: {  	v32 =	vld.idx.msk [tilespmem:v27+s0+$0xFFFFFFC0 ss:$0x1], $0xffff  }
0x712: {  	v33 =	vld.idx.msk [tilespmem:v27+s0+$0xFFFFFFD0 ss:$0x1], $0xffff  }
0x713: {  	[tilespmem:s0+$0x1B9F0] =	vst.add.f32.msk $0xffff, v28  }
0x714: {  	v34 =	vld.idx.msk [tilespmem:v27+s0+$0xFFFFFFE0 ss:$0x1], $0xffff  }
0x715: {  	v28 =	vld.idx.msk [tilespmem:v27+s0+$0xFFFFFFF0 ss:$0x1], $0xffff  }
0x716: {  	[tilespmem:s0+$0x1B980] =	vst.add.f32.msk $0xffff, v29  }
.Ltmp42:
0x717: {  	[tilespmem:s0+$0x1B990] =	vst.add.f32.msk $0xffff, v30;
	(pc) =	sbr.rel @p2 .LBB2_82-.Ltmp42, $4  }
0x718: {  	[tilespmem:s0+$0x1B9A0] =	vst.add.f32.msk $0xffff, v31  }
0x719: {  	[tilespmem:s0+$0x1B9B0] =	vst.add.f32.msk $0xffff, v32  }
0x71a: {  	[tilespmem:s0+$0x1B9C0] =	vst.add.f32.msk $0xffff, v33  }
0x71b: {  	s2 =	sadd.s32 $0x1000, s2;
	[tilespmem:s0+$0x1B9D0] =	vst.add.f32.msk $0xffff, v34  }
.Ltmp43:
0x71c: {  	(pc) =	sbr.rel @p1 .LBB2_85-.Ltmp43, $4  }
0x71d: {  	s1 =	rddreg [dreg:$0x10]  }
0x71e: {  	s1 =	sshll.u32 s1, $0xA  }
0x71f: {  	[tilespmem:s0+$0x1B9E0] =	vst.add.f32.msk $0xffff, v28;
	s31 =	simm.s32 $0x1B600;
	s30 =	sadd.s32 s1, s18  }
0x720: {  	[hbm4b:s30+s10] =	stream.linear.scatter [tilespmem:s31], [sflag:$0x8], $0x2000, $0x38;
	[tilespmem:$0x1D600] =	vst v63  }
0x721: {  	s0 =	simm.s32 $0x7  }
0x722: {  	_ =	swait.ge [sflag:s0], $0x2000  }
0x723: {  	[sflag:s0] =	ssyncset.done $0x0;
	s28 =	rddreg [dreg:$0xf]  }
0x724: {  	[sflag:s0] =	ssyncadd.s32 $0xFFFFE000;
	s0 =	sand.u32 $0x3FFFFFE0, s28  }
0x725: {  	v27 =	vld.idx.msk [tilespmem:v26+s0+$0x30 ss:$0x1], $0xff;
	_ =	sdelay $0x4  }
0x726: {  	v28 =	vshll.u32 v27, $0x3  }
0x727: {  	v27 =	vand.u32 $0x7, v27;
	v28 =	vand.u32 $0xFFFFFFC0, v28  }
0x728: {  	v27 =	vor.u32 v27, v28  }
0x729: {  	v27 =	vperm.xlane v27, v1;
	_ =	sdelay $0x1  }
0x72a: {  	v27 =	vadd.s32 v2, v27;
	_ =	sdelay $0x4  }
0x72b: {  	[tilespmem:s5], [sflag:$0x3] =	stream.indirect_vreg.gather [hbm4b:s9+s10], $0x80, v27, vm1, $0xb8;
	[tilespmem:$0x1D600] =	vst v63  }
0x72c: {  	s29 =	simm.s32 $0x19E00  }
0x72d: {  	[tilespmem:s29], [sflag:$0x3] =	stream.indirect_vreg.gather [hbm4b:s13+s10], $0x80, v27, vm1, $0xb8;
	[tilespmem:$0x1D600] =	vst v63  }
.Ltmp44:
0x72e: {  	_ = 	snop;
	(pc) =	sbr.rel .LBB2_19-.Ltmp44, $4  }
0x72f: {  	s30 =	simm.s32 $0x1A600  }
0x730: {  	[tilespmem:s30], [sflag:$0x3] =	stream.indirect_vreg.gather [hbm4b:s14+s10], $0x80, v27, vm1, $0xb8;
	[tilespmem:$0x1D600] =	vst v63  }
0x731: {  	s31 =	simm.s32 $0x1AE00;
	s15 =	sadd.s32 $0x1, s15  }
0x732: {  	[tilespmem:s31], [sflag:$0x3] =	stream.indirect_vreg.gather [hbm4b:s16+s10], $0x80, v27, vm1, $0xb8;
	[tilespmem:$0x1D600] =	vst v63  }
.LBB2_2:
.Ltmp45:
0x733: {  	(pc) =	sbr.rel .LBB2_7-.Ltmp45, $2  }
0x734: {  	_ =	sdelay $0x2  }
0x735: {  	s3 =	simm.s32 $0x15000;
	p3 =	por $0x0, $0x0  }
.LBB2_8:
.Ltmp46:
0x736: {  	(pc) =	sbr.rel .LBB2_14-.Ltmp46, $2  }
0x737: {  	_ =	sdelay $0x2  }
0x738: {  	s4 =	simm.s32 $0x15200;
	s0 =	simm.s32 $0x15000;
	p2 =	por $0x0, $0x0  }
.LBB2_4:
0x739: {  	v29 =	vld [tilespmem:$0x1FFB0]  }
.Ltmp47:
0x73a: {  	vm7 =	vmmov vm8;
	vm8 =	vmmov vm9;
	(pc) =	sbr.rel .LBB2_7-.Ltmp47, $4  }
0x73b: {  	vm9 =	vmmov vm10;
	vm10 =	vmmov vm11;
	vm11 =	vmmov vm12  }
0x73c: {  	vm12 =	vmmov vm13;
	vm13 =	vmmov vm14;
	vm14 =	vmmov vm15  }
0x73d: {  	vm15 =	vmmov vm5;
	vm5 =	vmmov vm3;
	vm3 =	vmmov vm6  }
0x73e: {  	s3 =	simm.s32 $0x15000;
	vm6 =	vmmov vm4;
	vm4 =	vmmov vm2;
	vm2 =	vnez.u8 v29  }
.LBB2_10:
.Ltmp48:
0x73f: {  	(pc) =	sbr.rel .LBB2_14-.Ltmp48, $2  }
0x740: {  	_ =	sdelay $0x2  }
0x741: {  	s4 =	simm.s32 $0x15200;
	s0 =	simm.s32 $0x15000  }
.LBB2_12:
.Ltmp49:
0x742: {  	(pc) =	sbr.rel .LBB2_14-.Ltmp49, $2  }
0x743: {  	_ =	sdelay $0x2  }
0x744: {  	s4 =	simm.s32 $0x15200  }
.LBB2_86:
0x745: {  	_ =	sfence.sel $0x180000  }
0x746: {  	[bflag:$0x0] =	sbarrier.arrive $0xFFFF  }
0x747: {  	_ =	strace $0x90000047  }
0x748: {  	[bflag:$0x2] =	sbarrier.arrive $0xFFFF  }
0x749: {  	s0 =	rddreg [dreg:$0x6]  }
0x74a: {  	s0 =	sadd.s32 @!p0 $0x100000, s0  }
0x74b: {  	[sflag:s0] =	ssyncadd.tile.s32 @!p0 $0x1;
	_ =	shalt  }
.Lfunc_end2:
_tile_overlayer_lowered:
.L_overlay_start_2:
0x74c: {  	(tag) =	ssettag $0x2  }
0x74d: {  	s0 =	rddreg [dreg:$0x0];
	s2 =	stileid.u32  }
0x74e: {  	s1 =	rddreg [dreg:$0x1];
	p0 =	sne.s32 s2, $0x0  }
0x74f: {  	s3 =	rddreg [dreg:$0x2];
	[bflag:$0x3] =	sbarrier.arrive $0xFFFF;
	s2 =	simm.s32 @!p0 $0x1C0A  }
0x750: {  	[timem:s3], [sflag:s2] =	dma.local @!p0 [hbm:s0], s1  }
0x751: {  	s0 =	simm.s32 @!p0 $0xA  }
0x752: {  	_ =	swait.ge @!p0 [sflag:s0], s1  }
0x753: {  	s1 =	ssub.s32 @!p0 $0x0, s1;
	[sflag:s0] =	ssyncset.done @!p0 $0x0  }
0x754: {  	[sflag:s0] =	ssyncadd.s32 @!p0 s1  }
0x755: {  	[bflag:$0x3] =	sbarrier.arrive $0xFFFF  }
0x756: {  	_ =	shalt  }

</sc_bundles>
